<compile_context>
chip_gen: v7x
topology: tpu7x:2x2x1
jax: 0.10.2.dev20260603
libtpu: 0.0.44.dev20260713+nightly
codegen_flags: <defaults>
</compile_context>

<pallas_src>
import functools

import jax
import jax.numpy as jnp
from jax import lax
from jax.experimental import pallas as pl
from jax.experimental.pallas import tpu as pltpu
from jax.experimental.pallas import tpu_sc as plsc

H = 128
LANES = 16
NC = 2
NS = 16
NW = NC * NS
NBUF = 4


def _sc_embed(idx_flat, word_table, pos_table):
    n_rows = idx_flat.shape[0]
    lseq = pos_table.shape[0]
    rows_per_w = n_rows // NW
    nb = rows_per_w // lseq
    n0, n1 = 128, lseq - 128

    mesh = plsc.VectorSubcoreMesh(
        core_axis_name="c", subcore_axis_name="s",
        num_cores=NC, num_subcores=NS)

    @functools.partial(
        pl.kernel,
        out_type=jax.ShapeDtypeStruct((n_rows, H), jnp.float32),
        mesh=mesh,
        scratch_types=[
            pltpu.VMEM((lseq, H), jnp.float32),
            [pltpu.VMEM((lseq, H), jnp.float32) for _ in range(NBUF)],
            [pltpu.VMEM((lseq,), jnp.int32) for _ in range(NBUF)],
            [pltpu.SemaphoreType.DMA for _ in range(NBUF)],
            [pltpu.SemaphoreType.DMA for _ in range(NBUF)],
            [pltpu.SemaphoreType.DMA for _ in range(NBUF)],
            pltpu.SemaphoreType.DMA,
        ],
    )
    def k(idx_hbm, word_hbm, pos_hbm, out_hbm,
          pos_v, wbufs, ibufs, gsems, wsems, isems, psem):
        wid = lax.axis_index("s") * NC + lax.axis_index("c")
        base = wid * rows_per_w
        pos_copy = pltpu.async_copy(pos_hbm, pos_v, psem)

        def start_idx(g, b):
            off = pl.multiple_of(base + g * lseq, 8)
            pltpu.async_copy(idx_hbm.at[pl.ds(off, lseq)], ibufs[b], isems[b])

        def drain_idx(b):
            pltpu.make_async_copy(
                idx_hbm.at[pl.ds(base, lseq)], ibufs[b], isems[b]).wait()

        def start_gather(b):
            pltpu.async_copy(
                word_hbm.at[ibufs[b].at[pl.ds(0, n0)]],
                wbufs[b].at[pl.ds(0, n0)], gsems[b])
            pltpu.async_copy(
                word_hbm.at[ibufs[b].at[pl.ds(n0, n1)]],
                wbufs[b].at[pl.ds(n0, n1)], gsems[b])

        def drain_gather(b):
            pltpu.make_async_copy(
                word_hbm.at[ibufs[b].at[pl.ds(0, n0)]],
                wbufs[b].at[pl.ds(0, n0)], gsems[b]).wait()
            pltpu.make_async_copy(
                word_hbm.at[ibufs[b].at[pl.ds(n0, n1)]],
                wbufs[b].at[pl.ds(n0, n1)], gsems[b]).wait()

        def compute(b):
            buf = wbufs[b]

            @plsc.parallel_loop(0, lseq, 1, unroll=4)
            def _(r):
                for h0 in range(0, H, LANES):
                    sl = pl.ds(h0, LANES)
                    buf[r, sl] = jnp.maximum(buf[r, sl] + pos_v[r, sl], 0.0)

        def start_write(g, b):
            off = pl.multiple_of(base + g * lseq, 8)
            pltpu.async_copy(wbufs[b], out_hbm.at[pl.ds(off, lseq)], wsems[b])

        def drain_write(b):
            pltpu.make_async_copy(
                wbufs[b], out_hbm.at[pl.ds(base, lseq)], wsems[b]).wait()

        def steady(i, t, prefetch_gather, prefetch_idx):
            tg = (t + 2) % NBUF
            drain_gather(t)
            if prefetch_idx:
                start_idx(i + 4, t)
            if prefetch_gather:
                drain_write(tg)
                drain_idx(tg)
                start_gather(tg)
            compute(t)
            start_write(i, t)

        for g in range(NBUF):
            start_idx(g, g)
        drain_idx(0)
        start_gather(0)
        drain_idx(1)
        start_gather(1)
        pos_copy.wait()
        drain_gather(0)
        drain_idx(2)
        start_gather(2)
        start_idx(NBUF, 0)
        compute(0)
        start_write(0, 0)
        drain_gather(1)
        drain_idx(3)
        start_gather(3)
        start_idx(NBUF + 1, 1)
        compute(1)
        start_write(1, 1)
        nj4 = (nb - 8) // NBUF

        def body(j, _):
            a = j * NBUF + 2
            steady(a, 2, True, True)
            steady(a + 1, 3, True, True)
            steady(a + 2, 0, True, True)
            steady(a + 3, 1, True, True)
            return 0

        lax.fori_loop(0, nj4, body, 0)
        steady(nb - 6, (nb - 6) % NBUF, True, True)
        steady(nb - 5, (nb - 5) % NBUF, True, True)
        steady(nb - 4, (nb - 4) % NBUF, True, False)
        steady(nb - 3, (nb - 3) % NBUF, True, False)
        steady(nb - 2, (nb - 2) % NBUF, False, False)
        steady(nb - 1, (nb - 1) % NBUF, False, False)
        for g in range(nb - NBUF, nb):
            drain_write(g % NBUF)

    return k(idx_flat, word_table, pos_table)


def kernel(input_seq, word_table, pos_table):
    B, L = input_seq.shape
    idx_flat = input_seq.reshape(-1).astype(jnp.int32)
    out = _sc_embed(idx_flat, word_table, pos_table)
    return out.reshape(B, L, word_table.shape[1])

# --- scband reference (transcript-rebuilt; emitter-appended) ---
"""Pipeline reference for scband-positional-embedding-26104811225161 (READ-ONLY COPY).

The authoritative reference and input builder live on the scoring server;
editing this copy changes nothing except your own understanding.
"""

import jax, jax.numpy as jnp
import numpy as np

VOCAB = 100000
HIDDEN = 128
MAX_SEQ = 200
B, L = 1024, 200

def setup_inputs(seed: int = 0) -> dict:
    key = jax.random.key(seed)
    k1, k2, k3 = jax.random.split(key, 3)
    input_seq = jax.random.randint(k1, (B, L), 0, VOCAB, dtype=jnp.int64) if jax.config.jax_enable_x64 else jax.random.randint(k1, (B, L), 0, VOCAB, dtype=jnp.int32)
    word_table = jax.random.normal(k2, (VOCAB, HIDDEN), dtype=jnp.float32) * 0.02
    pos_table = jax.random.normal(k3, (MAX_SEQ, HIDDEN), dtype=jnp.float32) * 0.02
    return {"input_seq": input_seq, "word_table": word_table, "pos_table": pos_table}

def reference(input_seq, word_table, pos_table):
    # position indices 0..L-1, broadcast over batch
    L_ = input_seq.shape[-1]
    position = jnp.arange(L_, dtype=jnp.int32)[None, :]  # [1, L]
    w_embedding = jnp.take(word_table, input_seq, axis=0)          # [B, L, H] gather
    p_embedding = jnp.take(pos_table, position, axis=0)            # [1, L, H]
    embedding = w_embedding + p_embedding
    # dropout is identity in eval mode
    return jax.nn.relu(embedding)

if __name__ == "__main__":
    import jax
    _d = setup_inputs()
    print(jax.jit(kernel)(*tuple(_d.values())))

</pallas_src>

<mosaic_0001>
#map = affine_map<(d0, d1) -> (0)>
#map1 = affine_map<(d0, d1) -> (0, 0)>
module attributes {stable_mosaic.version = 14 : i64} {
  func.func @k(%arg0: i32, %arg1: i32, %arg2: memref<204800xi32, #tpu.memory_space<hbm>>, %arg3: memref<100000x128xf32, #tpu.memory_space<hbm>>, %arg4: memref<200x128xf32, #tpu.memory_space<hbm>>, %arg5: memref<204800x128xf32, #tpu.memory_space<hbm>>, %arg6: memref<200x128xf32, #tpu.memory_space<vmem>>, %arg7: memref<200x128xf32, #tpu.memory_space<vmem>>, %arg8: memref<200x128xf32, #tpu.memory_space<vmem>>, %arg9: memref<200x128xf32, #tpu.memory_space<vmem>>, %arg10: memref<200x128xf32, #tpu.memory_space<vmem>>, %arg11: memref<200xi32, #tpu.memory_space<vmem>>, %arg12: memref<200xi32, #tpu.memory_space<vmem>>, %arg13: memref<200xi32, #tpu.memory_space<vmem>>, %arg14: memref<200xi32, #tpu.memory_space<vmem>>, %arg15: memref<!tpu.dma_semaphore, #tpu.memory_space<semaphore_mem>>, %arg16: memref<!tpu.dma_semaphore, #tpu.memory_space<semaphore_mem>>, %arg17: memref<!tpu.dma_semaphore, #tpu.memory_space<semaphore_mem>>, %arg18: memref<!tpu.dma_semaphore, #tpu.memory_space<semaphore_mem>>, %arg19: memref<!tpu.dma_semaphore, #tpu.memory_space<semaphore_mem>>, %arg20: memref<!tpu.dma_semaphore, #tpu.memory_space<semaphore_mem>>, %arg21: memref<!tpu.dma_semaphore, #tpu.memory_space<semaphore_mem>>, %arg22: memref<!tpu.dma_semaphore, #tpu.memory_space<semaphore_mem>>, %arg23: memref<!tpu.dma_semaphore, #tpu.memory_space<semaphore_mem>>, %arg24: memref<!tpu.dma_semaphore, #tpu.memory_space<semaphore_mem>>, %arg25: memref<!tpu.dma_semaphore, #tpu.memory_space<semaphore_mem>>, %arg26: memref<!tpu.dma_semaphore, #tpu.memory_space<semaphore_mem>>, %arg27: memref<!tpu.dma_semaphore, #tpu.memory_space<semaphore_mem>>) attributes {dimension_semantics = [#tpu.dimension_semantics<core_parallel>, #tpu.dimension_semantics<subcore_parallel>], iteration_bounds = array<i64: 2, 16>, scalar_prefetch = 0 : i64, scratch_operands = 22 : i64, tpu.core_type = #tpu.core_type<sc_vector_subcore>, window_params = [{transform_indices = #map}, {transform_indices = #map1}, {transform_indices = #map1}, {transform_indices = #map1}]} {
    %mul3A = arith.constant 2 : i32
    %mul3A_0 = arith.muli %arg1, %mul3A : i32
    %add3A = arith.addi %mul3A_0, %arg0 : i32
    %mul3A_1 = arith.constant 6400 : i32
    %mul3A_2 = arith.muli %add3A, %mul3A_1 : i32
    tpu.enqueue_dma source(%arg4 : memref<200x128xf32, #tpu.memory_space<hbm>>) target(%arg6 : memref<200x128xf32, #tpu.memory_space<vmem>>) target_semaphore(%arg27 : memref<!tpu.dma_semaphore, #tpu.memory_space<semaphore_mem>>)
    %add3A_3 = arith.constant 0 : i32
    %add3A_4 = arith.addi %mul3A_2, %add3A_3 : i32
    %multiple_of3A = tpu.assume_multiple %add3A_4, 8 : i32
    %dma_start3A = tpu.memref_slice %arg2[%multiple_of3A] : memref<204800xi32, #tpu.memory_space<hbm>> -> memref<200xi32, #tpu.memory_space<hbm>>
    %dma_start3A_5 = tpu.memref_slice %arg2[%multiple_of3A] : memref<204800xi32, #tpu.memory_space<hbm>> -> memref<200xi32, #tpu.memory_space<hbm>>
    tpu.enqueue_dma source(%dma_start3A_5 : memref<200xi32, #tpu.memory_space<hbm>>) target(%arg11 : memref<200xi32, #tpu.memory_space<vmem>>) target_semaphore(%arg23 : memref<!tpu.dma_semaphore, #tpu.memory_space<semaphore_mem>>)
    %add3A_6 = arith.constant 200 : i32
    %add3A_7 = arith.addi %mul3A_2, %add3A_6 : i32
    %multiple_of3A_8 = tpu.assume_multiple %add3A_7, 8 : i32
    %dma_start3A_9 = tpu.memref_slice %arg2[%multiple_of3A_8] : memref<204800xi32, #tpu.memory_space<hbm>> -> memref<200xi32, #tpu.memory_space<hbm>>
    %dma_start3A_10 = tpu.memref_slice %arg2[%multiple_of3A_8] : memref<204800xi32, #tpu.memory_space<hbm>> -> memref<200xi32, #tpu.memory_space<hbm>>
    tpu.enqueue_dma source(%dma_start3A_10 : memref<200xi32, #tpu.memory_space<hbm>>) target(%arg12 : memref<200xi32, #tpu.memory_space<vmem>>) target_semaphore(%arg24 : memref<!tpu.dma_semaphore, #tpu.memory_space<semaphore_mem>>)
    %add3A_11 = arith.constant 400 : i32
    %add3A_12 = arith.addi %mul3A_2, %add3A_11 : i32
    %multiple_of3A_13 = tpu.assume_multiple %add3A_12, 8 : i32
    %dma_start3A_14 = tpu.memref_slice %arg2[%multiple_of3A_13] : memref<204800xi32, #tpu.memory_space<hbm>> -> memref<200xi32, #tpu.memory_space<hbm>>
    %dma_start3A_15 = tpu.memref_slice %arg2[%multiple_of3A_13] : memref<204800xi32, #tpu.memory_space<hbm>> -> memref<200xi32, #tpu.memory_space<hbm>>
    tpu.enqueue_dma source(%dma_start3A_15 : memref<200xi32, #tpu.memory_space<hbm>>) target(%arg13 : memref<200xi32, #tpu.memory_space<vmem>>) target_semaphore(%arg25 : memref<!tpu.dma_semaphore, #tpu.memory_space<semaphore_mem>>)
    %add3A_16 = arith.constant 600 : i32
    %add3A_17 = arith.addi %mul3A_2, %add3A_16 : i32
    %multiple_of3A_18 = tpu.assume_multiple %add3A_17, 8 : i32
    %dma_start3A_19 = tpu.memref_slice %arg2[%multiple_of3A_18] : memref<204800xi32, #tpu.memory_space<hbm>> -> memref<200xi32, #tpu.memory_space<hbm>>
    %dma_start3A_20 = tpu.memref_slice %arg2[%multiple_of3A_18] : memref<204800xi32, #tpu.memory_space<hbm>> -> memref<200xi32, #tpu.memory_space<hbm>>
    tpu.enqueue_dma source(%dma_start3A_20 : memref<200xi32, #tpu.memory_space<hbm>>) target(%arg14 : memref<200xi32, #tpu.memory_space<vmem>>) target_semaphore(%arg26 : memref<!tpu.dma_semaphore, #tpu.memory_space<semaphore_mem>>)
    %dma_wait3A = tpu.memref_slice %arg2[%mul3A_2] : memref<204800xi32, #tpu.memory_space<hbm>> -> memref<200xi32, #tpu.memory_space<hbm>>
    %dma_wait3A_21 = tpu.memref_slice %arg2[%mul3A_2] : memref<204800xi32, #tpu.memory_space<hbm>> -> memref<200xi32, #tpu.memory_space<hbm>>
    tpu.wait_dma2 semaphore(%arg23 : memref<!tpu.dma_semaphore, #tpu.memory_space<semaphore_mem>>) src(%dma_wait3A_21 : memref<200xi32, #tpu.memory_space<hbm>>) dst(%arg11 : memref<200xi32, #tpu.memory_space<vmem>>)
    %dma_start3A_22 = arith.constant 0 : i32
    %dma_start3A_23 = arith.constant 0 : i32
    %dma_start3A_24 = tpu.memref_slice %arg7[%dma_start3A_22, %dma_start3A_23] : memref<200x128xf32, #tpu.memory_space<vmem>> -> memref<128x128xf32, #tpu.memory_space<vmem>>
    %dma_start3A_25 = arith.constant 0 : i32
    %dma_start3A_26 = tpu.memref_slice %arg11[%dma_start3A_25] : memref<200xi32, #tpu.memory_space<vmem>> -> memref<128xi32, #tpu.memory_space<vmem>>
    %dma_start3A_27 = arith.constant 0 : i32
    %dma_start3A_28 = arith.constant 0 : i32
    %dma_start3A_29 = tpu.memref_slice %arg3[%dma_start3A_27, %dma_start3A_28] : memref<100000x128xf32, #tpu.memory_space<hbm>> -> memref<100000x128xf32, #tpu.memory_space<hbm>>
    tpu.enqueue_indirect_dma source(%dma_start3A_29 : memref<100000x128xf32, #tpu.memory_space<hbm>>) target(%dma_start3A_24 : memref<128x128xf32, #tpu.memory_space<vmem>>) offsets(%dma_start3A_26 : memref<128xi32, #tpu.memory_space<vmem>>) semaphore(%arg15 : memref<!tpu.dma_semaphore, #tpu.memory_space<semaphore_mem>>)
    %dma_start3A_30 = arith.constant 128 : i32
    %dma_start3A_31 = arith.constant 0 : i32
    %dma_start3A_32 = tpu.memref_slice %arg7[%dma_start3A_30, %dma_start3A_31] : memref<200x128xf32, #tpu.memory_space<vmem>> -> memref<72x128xf32, #tpu.memory_space<vmem>>
    %dma_start3A_33 = arith.constant 128 : i32
    %dma_start3A_34 = tpu.memref_slice %arg11[%dma_start3A_33] : memref<200xi32, #tpu.memory_space<vmem>> -> memref<72xi32, #tpu.memory_space<vmem>>
    %dma_start3A_35 = arith.constant 0 : i32
    %dma_start3A_36 = arith.constant 0 : i32
    %dma_start3A_37 = tpu.memref_slice %arg3[%dma_start3A_35, %dma_start3A_36] : memref<100000x128xf32, #tpu.memory_space<hbm>> -> memref<100000x128xf32, #tpu.memory_space<hbm>>
    tpu.enqueue_indirect_dma source(%dma_start3A_37 : memref<100000x128xf32, #tpu.memory_space<hbm>>) target(%dma_start3A_32 : memref<72x128xf32, #tpu.memory_space<vmem>>) offsets(%dma_start3A_34 : memref<72xi32, #tpu.memory_space<vmem>>) semaphore(%arg15 : memref<!tpu.dma_semaphore, #tpu.memory_space<semaphore_mem>>)
    %dma_wait3A_38 = tpu.memref_slice %arg2[%mul3A_2] : memref<204800xi32, #tpu.memory_space<hbm>> -> memref<200xi32, #tpu.memory_space<hbm>>
    %dma_wait3A_39 = tpu.memref_slice %arg2[%mul3A_2] : memref<204800xi32, #tpu.memory_space<hbm>> -> memref<200xi32, #tpu.memory_space<hbm>>
    tpu.wait_dma2 semaphore(%arg24 : memref<!tpu.dma_semaphore, #tpu.memory_space<semaphore_mem>>) src(%dma_wait3A_39 : memref<200xi32, #tpu.memory_space<hbm>>) dst(%arg12 : memref<200xi32, #tpu.memory_space<vmem>>)
    %dma_start3A_40 = arith.constant 0 : i32
    %dma_start3A_41 = arith.constant 0 : i32
    %dma_start3A_42 = tpu.memref_slice %arg8[%dma_start3A_40, %dma_start3A_41] : memref<200x128xf32, #tpu.memory_space<vmem>> -> memref<128x128xf32, #tpu.memory_space<vmem>>
    %dma_start3A_43 = arith.constant 0 : i32
    %dma_start3A_44 = tpu.memref_slice %arg12[%dma_start3A_43] : memref<200xi32, #tpu.memory_space<vmem>> -> memref<128xi32, #tpu.memory_space<vmem>>
    %dma_start3A_45 = arith.constant 0 : i32
    %dma_start3A_46 = arith.constant 0 : i32
    %dma_start3A_47 = tpu.memref_slice %arg3[%dma_start3A_45, %dma_start3A_46] : memref<100000x128xf32, #tpu.memory_space<hbm>> -> memref<100000x128xf32, #tpu.memory_space<hbm>>
    tpu.enqueue_indirect_dma source(%dma_start3A_47 : memref<100000x128xf32, #tpu.memory_space<hbm>>) target(%dma_start3A_42 : memref<128x128xf32, #tpu.memory_space<vmem>>) offsets(%dma_start3A_44 : memref<128xi32, #tpu.memory_space<vmem>>) semaphore(%arg16 : memref<!tpu.dma_semaphore, #tpu.memory_space<semaphore_mem>>)
    %dma_start3A_48 = arith.constant 128 : i32
    %dma_start3A_49 = arith.constant 0 : i32
    %dma_start3A_50 = tpu.memref_slice %arg8[%dma_start3A_48, %dma_start3A_49] : memref<200x128xf32, #tpu.memory_space<vmem>> -> memref<72x128xf32, #tpu.memory_space<vmem>>
    %dma_start3A_51 = arith.constant 128 : i32
    %dma_start3A_52 = tpu.memref_slice %arg12[%dma_start3A_51] : memref<200xi32, #tpu.memory_space<vmem>> -> memref<72xi32, #tpu.memory_space<vmem>>
    %dma_start3A_53 = arith.constant 0 : i32
    %dma_start3A_54 = arith.constant 0 : i32
    %dma_start3A_55 = tpu.memref_slice %arg3[%dma_start3A_53, %dma_start3A_54] : memref<100000x128xf32, #tpu.memory_space<hbm>> -> memref<100000x128xf32, #tpu.memory_space<hbm>>
    tpu.enqueue_indirect_dma source(%dma_start3A_55 : memref<100000x128xf32, #tpu.memory_space<hbm>>) target(%dma_start3A_50 : memref<72x128xf32, #tpu.memory_space<vmem>>) offsets(%dma_start3A_52 : memref<72xi32, #tpu.memory_space<vmem>>) semaphore(%arg16 : memref<!tpu.dma_semaphore, #tpu.memory_space<semaphore_mem>>)
    tpu.wait_dma2 semaphore(%arg27 : memref<!tpu.dma_semaphore, #tpu.memory_space<semaphore_mem>>) src(%arg4 : memref<200x128xf32, #tpu.memory_space<hbm>>) dst(%arg6 : memref<200x128xf32, #tpu.memory_space<vmem>>)
    %dma_wait3A_56 = arith.constant 0 : i32
    %dma_wait3A_57 = arith.constant 0 : i32
    %dma_wait3A_58 = tpu.memref_slice %arg7[%dma_wait3A_56, %dma_wait3A_57] : memref<200x128xf32, #tpu.memory_space<vmem>> -> memref<128x128xf32, #tpu.memory_space<vmem>>
    %dma_wait3A_59 = arith.constant 0 : i32
    %dma_wait3A_60 = tpu.memref_slice %arg11[%dma_wait3A_59] : memref<200xi32, #tpu.memory_space<vmem>> -> memref<128xi32, #tpu.memory_space<vmem>>
    %dma_wait3A_61 = arith.constant 0 : i32
    %dma_wait3A_62 = arith.constant 0 : i32
    %dma_wait3A_63 = tpu.memref_slice %arg3[%dma_wait3A_61, %dma_wait3A_62] : memref<100000x128xf32, #tpu.memory_space<hbm>> -> memref<100000x128xf32, #tpu.memory_space<hbm>>
    tpu.wait_indirect_dma semaphore(%arg15 : memref<!tpu.dma_semaphore, #tpu.memory_space<semaphore_mem>>) src(%dma_wait3A_63 : memref<100000x128xf32, #tpu.memory_space<hbm>>) dst(%dma_wait3A_58 : memref<128x128xf32, #tpu.memory_space<vmem>>)
    %dma_wait3A_64 = arith.constant 128 : i32
    %dma_wait3A_65 = arith.constant 0 : i32
    %dma_wait3A_66 = tpu.memref_slice %arg7[%dma_wait3A_64, %dma_wait3A_65] : memref<200x128xf32, #tpu.memory_space<vmem>> -> memref<72x128xf32, #tpu.memory_space<vmem>>
    %dma_wait3A_67 = arith.constant 128 : i32
    %dma_wait3A_68 = tpu.memref_slice %arg11[%dma_wait3A_67] : memref<200xi32, #tpu.memory_space<vmem>> -> memref<72xi32, #tpu.memory_space<vmem>>
    %dma_wait3A_69 = arith.constant 0 : i32
    %dma_wait3A_70 = arith.constant 0 : i32
    %dma_wait3A_71 = tpu.memref_slice %arg3[%dma_wait3A_69, %dma_wait3A_70] : memref<100000x128xf32, #tpu.memory_space<hbm>> -> memref<100000x128xf32, #tpu.memory_space<hbm>>
    tpu.wait_indirect_dma semaphore(%arg15 : memref<!tpu.dma_semaphore, #tpu.memory_space<semaphore_mem>>) src(%dma_wait3A_71 : memref<100000x128xf32, #tpu.memory_space<hbm>>) dst(%dma_wait3A_66 : memref<72x128xf32, #tpu.memory_space<vmem>>)
    %dma_wait3A_72 = tpu.memref_slice %arg2[%mul3A_2] : memref<204800xi32, #tpu.memory_space<hbm>> -> memref<200xi32, #tpu.memory_space<hbm>>
    %dma_wait3A_73 = tpu.memref_slice %arg2[%mul3A_2] : memref<204800xi32, #tpu.memory_space<hbm>> -> memref<200xi32, #tpu.memory_space<hbm>>
    tpu.wait_dma2 semaphore(%arg25 : memref<!tpu.dma_semaphore, #tpu.memory_space<semaphore_mem>>) src(%dma_wait3A_73 : memref<200xi32, #tpu.memory_space<hbm>>) dst(%arg13 : memref<200xi32, #tpu.memory_space<vmem>>)
    %dma_start3A_74 = arith.constant 0 : i32
    %dma_start3A_75 = arith.constant 0 : i32
    %dma_start3A_76 = tpu.memref_slice %arg9[%dma_start3A_74, %dma_start3A_75] : memref<200x128xf32, #tpu.memory_space<vmem>> -> memref<128x128xf32, #tpu.memory_space<vmem>>
    %dma_start3A_77 = arith.constant 0 : i32
    %dma_start3A_78 = tpu.memref_slice %arg13[%dma_start3A_77] : memref<200xi32, #tpu.memory_space<vmem>> -> memref<128xi32, #tpu.memory_space<vmem>>
    %dma_start3A_79 = arith.constant 0 : i32
    %dma_start3A_80 = arith.constant 0 : i32
    %dma_start3A_81 = tpu.memref_slice %arg3[%dma_start3A_79, %dma_start3A_80] : memref<100000x128xf32, #tpu.memory_space<hbm>> -> memref<100000x128xf32, #tpu.memory_space<hbm>>
    tpu.enqueue_indirect_dma source(%dma_start3A_81 : memref<100000x128xf32, #tpu.memory_space<hbm>>) target(%dma_start3A_76 : memref<128x128xf32, #tpu.memory_space<vmem>>) offsets(%dma_start3A_78 : memref<128xi32, #tpu.memory_space<vmem>>) semaphore(%arg17 : memref<!tpu.dma_semaphore, #tpu.memory_space<semaphore_mem>>)
    %dma_start3A_82 = arith.constant 128 : i32
    %dma_start3A_83 = arith.constant 0 : i32
    %dma_start3A_84 = tpu.memref_slice %arg9[%dma_start3A_82, %dma_start3A_83] : memref<200x128xf32, #tpu.memory_space<vmem>> -> memref<72x128xf32, #tpu.memory_space<vmem>>
    %dma_start3A_85 = arith.constant 128 : i32
    %dma_start3A_86 = tpu.memref_slice %arg13[%dma_start3A_85] : memref<200xi32, #tpu.memory_space<vmem>> -> memref<72xi32, #tpu.memory_space<vmem>>
    %dma_start3A_87 = arith.constant 0 : i32
    %dma_start3A_88 = arith.constant 0 : i32
    %dma_start3A_89 = tpu.memref_slice %arg3[%dma_start3A_87, %dma_start3A_88] : memref<100000x128xf32, #tpu.memory_space<hbm>> -> memref<100000x128xf32, #tpu.memory_space<hbm>>
    tpu.enqueue_indirect_dma source(%dma_start3A_89 : memref<100000x128xf32, #tpu.memory_space<hbm>>) target(%dma_start3A_84 : memref<72x128xf32, #tpu.memory_space<vmem>>) offsets(%dma_start3A_86 : memref<72xi32, #tpu.memory_space<vmem>>) semaphore(%arg17 : memref<!tpu.dma_semaphore, #tpu.memory_space<semaphore_mem>>)
    %add3A_90 = arith.constant 800 : i32
    %add3A_91 = arith.addi %mul3A_2, %add3A_90 : i32
    %multiple_of3A_92 = tpu.assume_multiple %add3A_91, 8 : i32
    %dma_start3A_93 = tpu.memref_slice %arg2[%multiple_of3A_92] : memref<204800xi32, #tpu.memory_space<hbm>> -> memref<200xi32, #tpu.memory_space<hbm>>
    %dma_start3A_94 = tpu.memref_slice %arg2[%multiple_of3A_92] : memref<204800xi32, #tpu.memory_space<hbm>> -> memref<200xi32, #tpu.memory_space<hbm>>
    tpu.enqueue_dma source(%dma_start3A_94 : memref<200xi32, #tpu.memory_space<hbm>>) target(%arg11 : memref<200xi32, #tpu.memory_space<vmem>>) target_semaphore(%arg23 : memref<!tpu.dma_semaphore, #tpu.memory_space<semaphore_mem>>)
    %parallel_loop3A = arith.constant 0 : i32
    %parallel_loop3A_95 = arith.constant 200 : i32
    %parallel_loop3A_96 = arith.constant 1 : i32
    scf.for %parallel_loop3A_429 = %parallel_loop3A to %parallel_loop3A_95 step %parallel_loop3A_96  : i32 {
      %parallel_loop3A_430 = arith.index_cast %parallel_loop3A_429 : i32 to index
      %parallel_loop3A_431 = arith.constant 0 : index
      %parallel_loop3A_432 = tpu.vector_load %arg7[%parallel_loop3A_430, %parallel_loop3A_431] {strides = array<i32>} : memref<200x128xf32, #tpu.memory_space<vmem>>, vector<1x16xf32>,
      %parallel_loop3A_433 = vector.shape_cast %parallel_loop3A_432 : vector<1x16xf32> to vector<16xf32>
      %parallel_loop3A_434 = arith.index_cast %parallel_loop3A_429 : i32 to index
      %parallel_loop3A_435 = arith.constant 0 : index
      %parallel_loop3A_436 = tpu.vector_load %arg6[%parallel_loop3A_434, %parallel_loop3A_435] {strides = array<i32>} : memref<200x128xf32, #tpu.memory_space<vmem>>, vector<1x16xf32>,
      %parallel_loop3A_437 = vector.shape_cast %parallel_loop3A_436 : vector<1x16xf32> to vector<16xf32>
      %parallel_loop3A_438 = arith.addf %parallel_loop3A_433, %parallel_loop3A_437 : vector<16xf32>
      %parallel_loop3A_439 = arith.constant 0.000000e+00 : f32
      %parallel_loop3A_440 = vector.broadcast %parallel_loop3A_439 : f32 to vector<16xf32>
      %parallel_loop3A_441 = arith.maximumf %parallel_loop3A_438, %parallel_loop3A_440 : vector<16xf32>
      %parallel_loop3A_442 = arith.index_cast %parallel_loop3A_429 : i32 to index
      %parallel_loop3A_443 = arith.constant 0 : index
      %parallel_loop3A_444 = tpu.vector_load %arg7[%parallel_loop3A_442, %parallel_loop3A_443] {strides = array<i32>} : memref<200x128xf32, #tpu.memory_space<vmem>>, vector<1x16xf32>,
      %parallel_loop3A_445 = vector.shape_cast %parallel_loop3A_444 : vector<1x16xf32> to vector<16xf32>
      %parallel_loop3A_446 = vector.shape_cast %parallel_loop3A_441 : vector<16xf32> to vector<1x16xf32>
      tpu.vector_store %arg7[%parallel_loop3A_442, %parallel_loop3A_443], %parallel_loop3A_446 {strides = array<i32>} : memref<200x128xf32, #tpu.memory_space<vmem>>, vector<1x16xf32>,
      %parallel_loop3A_447 = arith.index_cast %parallel_loop3A_429 : i32 to index
      %parallel_loop3A_448 = arith.constant 16 : index
      %parallel_loop3A_449 = tpu.vector_load %arg7[%parallel_loop3A_447, %parallel_loop3A_448] {strides = array<i32>} : memref<200x128xf32, #tpu.memory_space<vmem>>, vector<1x16xf32>,
      %parallel_loop3A_450 = vector.shape_cast %parallel_loop3A_449 : vector<1x16xf32> to vector<16xf32>
      %parallel_loop3A_451 = arith.index_cast %parallel_loop3A_429 : i32 to index
      %parallel_loop3A_452 = arith.constant 16 : index
      %parallel_loop3A_453 = tpu.vector_load %arg6[%parallel_loop3A_451, %parallel_loop3A_452] {strides = array<i32>} : memref<200x128xf32, #tpu.memory_space<vmem>>, vector<1x16xf32>,
      %parallel_loop3A_454 = vector.shape_cast %parallel_loop3A_453 : vector<1x16xf32> to vector<16xf32>
      %parallel_loop3A_455 = arith.addf %parallel_loop3A_450, %parallel_loop3A_454 : vector<16xf32>
      %parallel_loop3A_456 = arith.constant 0.000000e+00 : f32
      %parallel_loop3A_457 = vector.broadcast %parallel_loop3A_456 : f32 to vector<16xf32>
      %parallel_loop3A_458 = arith.maximumf %parallel_loop3A_455, %parallel_loop3A_457 : vector<16xf32>
      %parallel_loop3A_459 = arith.index_cast %parallel_loop3A_429 : i32 to index
      %parallel_loop3A_460 = arith.constant 16 : index
      %parallel_loop3A_461 = tpu.vector_load %arg7[%parallel_loop3A_459, %parallel_loop3A_460] {strides = array<i32>} : memref<200x128xf32, #tpu.memory_space<vmem>>, vector<1x16xf32>,
      %parallel_loop3A_462 = vector.shape_cast %parallel_loop3A_461 : vector<1x16xf32> to vector<16xf32>
      %parallel_loop3A_463 = vector.shape_cast %parallel_loop3A_458 : vector<16xf32> to vector<1x16xf32>
      tpu.vector_store %arg7[%parallel_loop3A_459, %parallel_loop3A_460], %parallel_loop3A_463 {strides = array<i32>} : memref<200x128xf32, #tpu.memory_space<vmem>>, vector<1x16xf32>,
      %parallel_loop3A_464 = arith.index_cast %parallel_loop3A_429 : i32 to index
      %parallel_loop3A_465 = arith.constant 32 : index
      %parallel_loop3A_466 = tpu.vector_load %arg7[%parallel_loop3A_464, %parallel_loop3A_465] {strides = array<i32>} : memref<200x128xf32, #tpu.memory_space<vmem>>, vector<1x16xf32>,
      %parallel_loop3A_467 = vector.shape_cast %parallel_loop3A_466 : vector<1x16xf32> to vector<16xf32>
      %parallel_loop3A_468 = arith.index_cast %parallel_loop3A_429 : i32 to index
      %parallel_loop3A_469 = arith.constant 32 : index
      %parallel_loop3A_470 = tpu.vector_load %arg6[%parallel_loop3A_468, %parallel_loop3A_469] {strides = array<i32>} : memref<200x128xf32, #tpu.memory_space<vmem>>, vector<1x16xf32>,
      %parallel_loop3A_471 = vector.shape_cast %parallel_loop3A_470 : vector<1x16xf32> to vector<16xf32>
      %parallel_loop3A_472 = arith.addf %parallel_loop3A_467, %parallel_loop3A_471 : vector<16xf32>
      %parallel_loop3A_473 = arith.constant 0.000000e+00 : f32
      %parallel_loop3A_474 = vector.broadcast %parallel_loop3A_473 : f32 to vector<16xf32>
      %parallel_loop3A_475 = arith.maximumf %parallel_loop3A_472, %parallel_loop3A_474 : vector<16xf32>
      %parallel_loop3A_476 = arith.index_cast %parallel_loop3A_429 : i32 to index
      %parallel_loop3A_477 = arith.constant 32 : index
      %parallel_loop3A_478 = tpu.vector_load %arg7[%parallel_loop3A_476, %parallel_loop3A_477] {strides = array<i32>} : memref<200x128xf32, #tpu.memory_space<vmem>>, vector<1x16xf32>,
      %parallel_loop3A_479 = vector.shape_cast %parallel_loop3A_478 : vector<1x16xf32> to vector<16xf32>
      %parallel_loop3A_480 = vector.shape_cast %parallel_loop3A_475 : vector<16xf32> to vector<1x16xf32>
      tpu.vector_store %arg7[%parallel_loop3A_476, %parallel_loop3A_477], %parallel_loop3A_480 {strides = array<i32>} : memref<200x128xf32, #tpu.memory_space<vmem>>, vector<1x16xf32>,
      %parallel_loop3A_481 = arith.index_cast %parallel_loop3A_429 : i32 to index
      %parallel_loop3A_482 = arith.constant 48 : index
      %parallel_loop3A_483 = tpu.vector_load %arg7[%parallel_loop3A_481, %parallel_loop3A_482] {strides = array<i32>} : memref<200x128xf32, #tpu.memory_space<vmem>>, vector<1x16xf32>,
      %parallel_loop3A_484 = vector.shape_cast %parallel_loop3A_483 : vector<1x16xf32> to vector<16xf32>
      %parallel_loop3A_485 = arith.index_cast %parallel_loop3A_429 : i32 to index
      %parallel_loop3A_486 = arith.constant 48 : index
      %parallel_loop3A_487 = tpu.vector_load %arg6[%parallel_loop3A_485, %parallel_loop3A_486] {strides = array<i32>} : memref<200x128xf32, #tpu.memory_space<vmem>>, vector<1x16xf32>,
      %parallel_loop3A_488 = vector.shape_cast %parallel_loop3A_487 : vector<1x16xf32> to vector<16xf32>
      %parallel_loop3A_489 = arith.addf %parallel_loop3A_484, %parallel_loop3A_488 : vector<16xf32>
      %parallel_loop3A_490 = arith.constant 0.000000e+00 : f32
      %parallel_loop3A_491 = vector.broadcast %parallel_loop3A_490 : f32 to vector<16xf32>
      %parallel_loop3A_492 = arith.maximumf %parallel_loop3A_489, %parallel_loop3A_491 : vector<16xf32>
      %parallel_loop3A_493 = arith.index_cast %parallel_loop3A_429 : i32 to index
      %parallel_loop3A_494 = arith.constant 48 : index
      %parallel_loop3A_495 = tpu.vector_load %arg7[%parallel_loop3A_493, %parallel_loop3A_494] {strides = array<i32>} : memref<200x128xf32, #tpu.memory_space<vmem>>, vector<1x16xf32>,
      %parallel_loop3A_496 = vector.shape_cast %parallel_loop3A_495 : vector<1x16xf32> to vector<16xf32>
      %parallel_loop3A_497 = vector.shape_cast %parallel_loop3A_492 : vector<16xf32> to vector<1x16xf32>
      tpu.vector_store %arg7[%parallel_loop3A_493, %parallel_loop3A_494], %parallel_loop3A_497 {strides = array<i32>} : memref<200x128xf32, #tpu.memory_space<vmem>>, vector<1x16xf32>,
      %parallel_loop3A_498 = arith.index_cast %parallel_loop3A_429 : i32 to index
      %parallel_loop3A_499 = arith.constant 64 : index
      %parallel_loop3A_500 = tpu.vector_load %arg7[%parallel_loop3A_498, %parallel_loop3A_499] {strides = array<i32>} : memref<200x128xf32, #tpu.memory_space<vmem>>, vector<1x16xf32>,
      %parallel_loop3A_501 = vector.shape_cast %parallel_loop3A_500 : vector<1x16xf32> to vector<16xf32>
      %parallel_loop3A_502 = arith.index_cast %parallel_loop3A_429 : i32 to index
      %parallel_loop3A_503 = arith.constant 64 : index
      %parallel_loop3A_504 = tpu.vector_load %arg6[%parallel_loop3A_502, %parallel_loop3A_503] {strides = array<i32>} : memref<200x128xf32, #tpu.memory_space<vmem>>, vector<1x16xf32>,
      %parallel_loop3A_505 = vector.shape_cast %parallel_loop3A_504 : vector<1x16xf32> to vector<16xf32>
      %parallel_loop3A_506 = arith.addf %parallel_loop3A_501, %parallel_loop3A_505 : vector<16xf32>
      %parallel_loop3A_507 = arith.constant 0.000000e+00 : f32
      %parallel_loop3A_508 = vector.broadcast %parallel_loop3A_507 : f32 to vector<16xf32>
      %parallel_loop3A_509 = arith.maximumf %parallel_loop3A_506, %parallel_loop3A_508 : vector<16xf32>
      %parallel_loop3A_510 = arith.index_cast %parallel_loop3A_429 : i32 to index
      %parallel_loop3A_511 = arith.constant 64 : index
      %parallel_loop3A_512 = tpu.vector_load %arg7[%parallel_loop3A_510, %parallel_loop3A_511] {strides = array<i32>} : memref<200x128xf32, #tpu.memory_space<vmem>>, vector<1x16xf32>,
      %parallel_loop3A_513 = vector.shape_cast %parallel_loop3A_512 : vector<1x16xf32> to vector<16xf32>
      %parallel_loop3A_514 = vector.shape_cast %parallel_loop3A_509 : vector<16xf32> to vector<1x16xf32>
      tpu.vector_store %arg7[%parallel_loop3A_510, %parallel_loop3A_511], %parallel_loop3A_514 {strides = array<i32>} : memref<200x128xf32, #tpu.memory_space<vmem>>, vector<1x16xf32>,
      %parallel_loop3A_515 = arith.index_cast %parallel_loop3A_429 : i32 to index
      %parallel_loop3A_516 = arith.constant 80 : index
      %parallel_loop3A_517 = tpu.vector_load %arg7[%parallel_loop3A_515, %parallel_loop3A_516] {strides = array<i32>} : memref<200x128xf32, #tpu.memory_space<vmem>>, vector<1x16xf32>,
      %parallel_loop3A_518 = vector.shape_cast %parallel_loop3A_517 : vector<1x16xf32> to vector<16xf32>
      %parallel_loop3A_519 = arith.index_cast %parallel_loop3A_429 : i32 to index
      %parallel_loop3A_520 = arith.constant 80 : index
      %parallel_loop3A_521 = tpu.vector_load %arg6[%parallel_loop3A_519, %parallel_loop3A_520] {strides = array<i32>} : memref<200x128xf32, #tpu.memory_space<vmem>>, vector<1x16xf32>,
      %parallel_loop3A_522 = vector.shape_cast %parallel_loop3A_521 : vector<1x16xf32> to vector<16xf32>
      %parallel_loop3A_523 = arith.addf %parallel_loop3A_518, %parallel_loop3A_522 : vector<16xf32>
      %parallel_loop3A_524 = arith.constant 0.000000e+00 : f32
      %parallel_loop3A_525 = vector.broadcast %parallel_loop3A_524 : f32 to vector<16xf32>
      %parallel_loop3A_526 = arith.maximumf %parallel_loop3A_523, %parallel_loop3A_525 : vector<16xf32>
      %parallel_loop3A_527 = arith.index_cast %parallel_loop3A_429 : i32 to index
      %parallel_loop3A_528 = arith.constant 80 : index
      %parallel_loop3A_529 = tpu.vector_load %arg7[%parallel_loop3A_527, %parallel_loop3A_528] {strides = array<i32>} : memref<200x128xf32, #tpu.memory_space<vmem>>, vector<1x16xf32>,
      %parallel_loop3A_530 = vector.shape_cast %parallel_loop3A_529 : vector<1x16xf32> to vector<16xf32>
      %parallel_loop3A_531 = vector.shape_cast %parallel_loop3A_526 : vector<16xf32> to vector<1x16xf32>
      tpu.vector_store %arg7[%parallel_loop3A_527, %parallel_loop3A_528], %parallel_loop3A_531 {strides = array<i32>} : memref<200x128xf32, #tpu.memory_space<vmem>>, vector<1x16xf32>,
      %parallel_loop3A_532 = arith.index_cast %parallel_loop3A_429 : i32 to index
      %parallel_loop3A_533 = arith.constant 96 : index
      %parallel_loop3A_534 = tpu.vector_load %arg7[%parallel_loop3A_532, %parallel_loop3A_533] {strides = array<i32>} : memref<200x128xf32, #tpu.memory_space<vmem>>, vector<1x16xf32>,
      %parallel_loop3A_535 = vector.shape_cast %parallel_loop3A_534 : vector<1x16xf32> to vector<16xf32>
      %parallel_loop3A_536 = arith.index_cast %parallel_loop3A_429 : i32 to index
      %parallel_loop3A_537 = arith.constant 96 : index
      %parallel_loop3A_538 = tpu.vector_load %arg6[%parallel_loop3A_536, %parallel_loop3A_537] {strides = array<i32>} : memref<200x128xf32, #tpu.memory_space<vmem>>, vector<1x16xf32>,
      %parallel_loop3A_539 = vector.shape_cast %parallel_loop3A_538 : vector<1x16xf32> to vector<16xf32>
      %parallel_loop3A_540 = arith.addf %parallel_loop3A_535, %parallel_loop3A_539 : vector<16xf32>
      %parallel_loop3A_541 = arith.constant 0.000000e+00 : f32
      %parallel_loop3A_542 = vector.broadcast %parallel_loop3A_541 : f32 to vector<16xf32>
      %parallel_loop3A_543 = arith.maximumf %parallel_loop3A_540, %parallel_loop3A_542 : vector<16xf32>
      %parallel_loop3A_544 = arith.index_cast %parallel_loop3A_429 : i32 to index
      %parallel_loop3A_545 = arith.constant 96 : index
      %parallel_loop3A_546 = tpu.vector_load %arg7[%parallel_loop3A_544, %parallel_loop3A_545] {strides = array<i32>} : memref<200x128xf32, #tpu.memory_space<vmem>>, vector<1x16xf32>,
      %parallel_loop3A_547 = vector.shape_cast %parallel_loop3A_546 : vector<1x16xf32> to vector<16xf32>
      %parallel_loop3A_548 = vector.shape_cast %parallel_loop3A_543 : vector<16xf32> to vector<1x16xf32>
      tpu.vector_store %arg7[%parallel_loop3A_544, %parallel_loop3A_545], %parallel_loop3A_548 {strides = array<i32>} : memref<200x128xf32, #tpu.memory_space<vmem>>, vector<1x16xf32>,
      %parallel_loop3A_549 = arith.index_cast %parallel_loop3A_429 : i32 to index
      %parallel_loop3A_550 = arith.constant 112 : index
      %parallel_loop3A_551 = tpu.vector_load %arg7[%parallel_loop3A_549, %parallel_loop3A_550] {strides = array<i32>} : memref<200x128xf32, #tpu.memory_space<vmem>>, vector<1x16xf32>,
      %parallel_loop3A_552 = vector.shape_cast %parallel_loop3A_551 : vector<1x16xf32> to vector<16xf32>
      %parallel_loop3A_553 = arith.index_cast %parallel_loop3A_429 : i32 to index
      %parallel_loop3A_554 = arith.constant 112 : index
      %parallel_loop3A_555 = tpu.vector_load %arg6[%parallel_loop3A_553, %parallel_loop3A_554] {strides = array<i32>} : memref<200x128xf32, #tpu.memory_space<vmem>>, vector<1x16xf32>,
      %parallel_loop3A_556 = vector.shape_cast %parallel_loop3A_555 : vector<1x16xf32> to vector<16xf32>
      %parallel_loop3A_557 = arith.addf %parallel_loop3A_552, %parallel_loop3A_556 : vector<16xf32>
      %parallel_loop3A_558 = arith.constant 0.000000e+00 : f32
      %parallel_loop3A_559 = vector.broadcast %parallel_loop3A_558 : f32 to vector<16xf32>
      %parallel_loop3A_560 = arith.maximumf %parallel_loop3A_557, %parallel_loop3A_559 : vector<16xf32>
      %parallel_loop3A_561 = arith.index_cast %parallel_loop3A_429 : i32 to index
      %parallel_loop3A_562 = arith.constant 112 : index
      %parallel_loop3A_563 = tpu.vector_load %arg7[%parallel_loop3A_561, %parallel_loop3A_562] {strides = array<i32>} : memref<200x128xf32, #tpu.memory_space<vmem>>, vector<1x16xf32>,
      %parallel_loop3A_564 = vector.shape_cast %parallel_loop3A_563 : vector<1x16xf32> to vector<16xf32>
      %parallel_loop3A_565 = vector.shape_cast %parallel_loop3A_560 : vector<16xf32> to vector<1x16xf32>
      tpu.vector_store %arg7[%parallel_loop3A_561, %parallel_loop3A_562], %parallel_loop3A_565 {strides = array<i32>} : memref<200x128xf32, #tpu.memory_space<vmem>>, vector<1x16xf32>,
    } {sc.loop_unroll_factor = 4 : i64, sc.parallel_access}
    %add3A_97 = arith.constant 0 : i32
    %add3A_98 = arith.addi %mul3A_2, %add3A_97 : i32
    %multiple_of3A_99 = tpu.assume_multiple %add3A_98, 8 : i32
    %dma_start3A_100 = arith.constant 0 : i32
    %dma_start3A_101 = tpu.memref_slice %arg5[%multiple_of3A_99, %dma_start3A_100] : memref<204800x128xf32, #tpu.memory_space<hbm>> -> memref<200x128xf32, #tpu.memory_space<hbm>>
    %dma_start3A_102 = arith.constant 0 : i32
    %dma_start3A_103 = tpu.memref_slice %arg5[%multiple_of3A_99, %dma_start3A_102] : memref<204800x128xf32, #tpu.memory_space<hbm>> -> memref<200x128xf32, #tpu.memory_space<hbm>>
    tpu.enqueue_dma source(%arg7 : memref<200x128xf32, #tpu.memory_space<vmem>>) target(%dma_start3A_103 : memref<200x128xf32, #tpu.memory_space<hbm>>) target_semaphore(%arg19 : memref<!tpu.dma_semaphore, #tpu.memory_space<semaphore_mem>>)
    %dma_wait3A_104 = arith.constant 0 : i32
    %dma_wait3A_105 = arith.constant 0 : i32
    %dma_wait3A_106 = tpu.memref_slice %arg8[%dma_wait3A_104, %dma_wait3A_105] : memref<200x128xf32, #tpu.memory_space<vmem>> -> memref<128x128xf32, #tpu.memory_space<vmem>>
    %dma_wait3A_107 = arith.constant 0 : i32
    %dma_wait3A_108 = tpu.memref_slice %arg12[%dma_wait3A_107] : memref<200xi32, #tpu.memory_space<vmem>> -> memref<128xi32, #tpu.memory_space<vmem>>
    %dma_wait3A_109 = arith.constant 0 : i32
    %dma_wait3A_110 = arith.constant 0 : i32
    %dma_wait3A_111 = tpu.memref_slice %arg3[%dma_wait3A_109, %dma_wait3A_110] : memref<100000x128xf32, #tpu.memory_space<hbm>> -> memref<100000x128xf32, #tpu.memory_space<hbm>>
    tpu.wait_indirect_dma semaphore(%arg16 : memref<!tpu.dma_semaphore, #tpu.memory_space<semaphore_mem>>) src(%dma_wait3A_111 : memref<100000x128xf32, #tpu.memory_space<hbm>>) dst(%dma_wait3A_106 : memref<128x128xf32, #tpu.memory_space<vmem>>)
    %dma_wait3A_112 = arith.constant 128 : i32
    %dma_wait3A_113 = arith.constant 0 : i32
    %dma_wait3A_114 = tpu.memref_slice %arg8[%dma_wait3A_112, %dma_wait3A_113] : memref<200x128xf32, #tpu.memory_space<vmem>> -> memref<72x128xf32, #tpu.memory_space<vmem>>
    %dma_wait3A_115 = arith.constant 128 : i32
    %dma_wait3A_116 = tpu.memref_slice %arg12[%dma_wait3A_115] : memref<200xi32, #tpu.memory_space<vmem>> -> memref<72xi32, #tpu.memory_space<vmem>>
    %dma_wait3A_117 = arith.constant 0 : i32
    %dma_wait3A_118 = arith.constant 0 : i32
    %dma_wait3A_119 = tpu.memref_slice %arg3[%dma_wait3A_117, %dma_wait3A_118] : memref<100000x128xf32, #tpu.memory_space<hbm>> -> memref<100000x128xf32, #tpu.memory_space<hbm>>
    tpu.wait_indirect_dma semaphore(%arg16 : memref<!tpu.dma_semaphore, #tpu.memory_space<semaphore_mem>>) src(%dma_wait3A_119 : memref<100000x128xf32, #tpu.memory_space<hbm>>) dst(%dma_wait3A_114 : memref<72x128xf32, #tpu.memory_space<vmem>>)
    %dma_wait3A_120 = tpu.memref_slice %arg2[%mul3A_2] : memref<204800xi32, #tpu.memory_space<hbm>> -> memref<200xi32, #tpu.memory_space<hbm>>
    %dma_wait3A_121 = tpu.memref_slice %arg2[%mul3A_2] : memref<204800xi32, #tpu.memory_space<hbm>> -> memref<200xi32, #tpu.memory_space<hbm>>
    tpu.wait_dma2 semaphore(%arg26 : memref<!tpu.dma_semaphore, #tpu.memory_space<semaphore_mem>>) src(%dma_wait3A_121 : memref<200xi32, #tpu.memory_space<hbm>>) dst(%arg14 : memref<200xi32, #tpu.memory_space<vmem>>)
    %dma_start3A_122 = arith.constant 0 : i32
    %dma_start3A_123 = arith.constant 0 : i32
    %dma_start3A_124 = tpu.memref_slice %arg10[%dma_start3A_122, %dma_start3A_123] : memref<200x128xf32, #tpu.memory_space<vmem>> -> memref<128x128xf32, #tpu.memory_space<vmem>>
    %dma_start3A_125 = arith.constant 0 : i32
    %dma_start3A_126 = tpu.memref_slice %arg14[%dma_start3A_125] : memref<200xi32, #tpu.memory_space<vmem>> -> memref<128xi32, #tpu.memory_space<vmem>>
    %dma_start3A_127 = arith.constant 0 : i32
    %dma_start3A_128 = arith.constant 0 : i32
    %dma_start3A_129 = tpu.memref_slice %arg3[%dma_start3A_127, %dma_start3A_128] : memref<100000x128xf32, #tpu.memory_space<hbm>> -> memref<100000x128xf32, #tpu.memory_space<hbm>>
    tpu.enqueue_indirect_dma source(%dma_start3A_129 : memref<100000x128xf32, #tpu.memory_space<hbm>>) target(%dma_start3A_124 : memref<128x128xf32, #tpu.memory_space<vmem>>) offsets(%dma_start3A_126 : memref<128xi32, #tpu.memory_space<vmem>>) semaphore(%arg18 : memref<!tpu.dma_semaphore, #tpu.memory_space<semaphore_mem>>)
    %dma_start3A_130 = arith.constant 128 : i32
    %dma_start3A_131 = arith.constant 0 : i32
    %dma_start3A_132 = tpu.memref_slice %arg10[%dma_start3A_130, %dma_start3A_131] : memref<200x128xf32, #tpu.memory_space<vmem>> -> memref<72x128xf32, #tpu.memory_space<vmem>>
    %dma_start3A_133 = arith.constant 128 : i32
    %dma_start3A_134 = tpu.memref_slice %arg14[%dma_start3A_133] : memref<200xi32, #tpu.memory_space<vmem>> -> memref<72xi32, #tpu.memory_space<vmem>>
    %dma_start3A_135 = arith.constant 0 : i32
    %dma_start3A_136 = arith.constant 0 : i32
    %dma_start3A_137 = tpu.memref_slice %arg3[%dma_start3A_135, %dma_start3A_136] : memref<100000x128xf32, #tpu.memory_space<hbm>> -> memref<100000x128xf32, #tpu.memory_space<hbm>>
    tpu.enqueue_indirect_dma source(%dma_start3A_137 : memref<100000x128xf32, #tpu.memory_space<hbm>>) target(%dma_start3A_132 : memref<72x128xf32, #tpu.memory_space<vmem>>) offsets(%dma_start3A_134 : memref<72xi32, #tpu.memory_space<vmem>>) semaphore(%arg18 : memref<!tpu.dma_semaphore, #tpu.memory_space<semaphore_mem>>)
    %add3A_138 = arith.constant 1000 : i32
    %add3A_139 = arith.addi %mul3A_2, %add3A_138 : i32
    %multiple_of3A_140 = tpu.assume_multiple %add3A_139, 8 : i32
    %dma_start3A_141 = tpu.memref_slice %arg2[%multiple_of3A_140] : memref<204800xi32, #tpu.memory_space<hbm>> -> memref<200xi32, #tpu.memory_space<hbm>>
    %dma_start3A_142 = tpu.memref_slice %arg2[%multiple_of3A_140] : memref<204800xi32, #tpu.memory_space<hbm>> -> memref<200xi32, #tpu.memory_space<hbm>>
    tpu.enqueue_dma source(%dma_start3A_142 : memref<200xi32, #tpu.memory_space<hbm>>) target(%arg12 : memref<200xi32, #tpu.memory_space<vmem>>) target_semaphore(%arg24 : memref<!tpu.dma_semaphore, #tpu.memory_space<semaphore_mem>>)
    %parallel_loop3A_143 = arith.constant 0 : i32
    %parallel_loop3A_144 = arith.constant 200 : i32
    %parallel_loop3A_145 = arith.constant 1 : i32
    scf.for %parallel_loop3A_429 = %parallel_loop3A_143 to %parallel_loop3A_144 step %parallel_loop3A_145  : i32 {
      %parallel_loop3A_430 = arith.index_cast %parallel_loop3A_429 : i32 to index
      %parallel_loop3A_431 = arith.constant 0 : index
      %parallel_loop3A_432 = tpu.vector_load %arg8[%parallel_loop3A_430, %parallel_loop3A_431] {strides = array<i32>} : memref<200x128xf32, #tpu.memory_space<vmem>>, vector<1x16xf32>,
      %parallel_loop3A_433 = vector.shape_cast %parallel_loop3A_432 : vector<1x16xf32> to vector<16xf32>
      %parallel_loop3A_434 = arith.index_cast %parallel_loop3A_429 : i32 to index
      %parallel_loop3A_435 = arith.constant 0 : index
      %parallel_loop3A_436 = tpu.vector_load %arg6[%parallel_loop3A_434, %parallel_loop3A_435] {strides = array<i32>} : memref<200x128xf32, #tpu.memory_space<vmem>>, vector<1x16xf32>,
      %parallel_loop3A_437 = vector.shape_cast %parallel_loop3A_436 : vector<1x16xf32> to vector<16xf32>
      %parallel_loop3A_438 = arith.addf %parallel_loop3A_433, %parallel_loop3A_437 : vector<16xf32>
      %parallel_loop3A_439 = arith.constant 0.000000e+00 : f32
      %parallel_loop3A_440 = vector.broadcast %parallel_loop3A_439 : f32 to vector<16xf32>
      %parallel_loop3A_441 = arith.maximumf %parallel_loop3A_438, %parallel_loop3A_440 : vector<16xf32>
      %parallel_loop3A_442 = arith.index_cast %parallel_loop3A_429 : i32 to index
      %parallel_loop3A_443 = arith.constant 0 : index
      %parallel_loop3A_444 = tpu.vector_load %arg8[%parallel_loop3A_442, %parallel_loop3A_443] {strides = array<i32>} : memref<200x128xf32, #tpu.memory_space<vmem>>, vector<1x16xf32>,
      %parallel_loop3A_445 = vector.shape_cast %parallel_loop3A_444 : vector<1x16xf32> to vector<16xf32>
      %parallel_loop3A_446 = vector.shape_cast %parallel_loop3A_441 : vector<16xf32> to vector<1x16xf32>
      tpu.vector_store %arg8[%parallel_loop3A_442, %parallel_loop3A_443], %parallel_loop3A_446 {strides = array<i32>} : memref<200x128xf32, #tpu.memory_space<vmem>>, vector<1x16xf32>,
      %parallel_loop3A_447 = arith.index_cast %parallel_loop3A_429 : i32 to index
      %parallel_loop3A_448 = arith.constant 16 : index
      %parallel_loop3A_449 = tpu.vector_load %arg8[%parallel_loop3A_447, %parallel_loop3A_448] {strides = array<i32>} : memref<200x128xf32, #tpu.memory_space<vmem>>, vector<1x16xf32>,
      %parallel_loop3A_450 = vector.shape_cast %parallel_loop3A_449 : vector<1x16xf32> to vector<16xf32>
      %parallel_loop3A_451 = arith.index_cast %parallel_loop3A_429 : i32 to index
      %parallel_loop3A_452 = arith.constant 16 : index
      %parallel_loop3A_453 = tpu.vector_load %arg6[%parallel_loop3A_451, %parallel_loop3A_452] {strides = array<i32>} : memref<200x128xf32, #tpu.memory_space<vmem>>, vector<1x16xf32>,
      %parallel_loop3A_454 = vector.shape_cast %parallel_loop3A_453 : vector<1x16xf32> to vector<16xf32>
      %parallel_loop3A_455 = arith.addf %parallel_loop3A_450, %parallel_loop3A_454 : vector<16xf32>
      %parallel_loop3A_456 = arith.constant 0.000000e+00 : f32
      %parallel_loop3A_457 = vector.broadcast %parallel_loop3A_456 : f32 to vector<16xf32>
      %parallel_loop3A_458 = arith.maximumf %parallel_loop3A_455, %parallel_loop3A_457 : vector<16xf32>
      %parallel_loop3A_459 = arith.index_cast %parallel_loop3A_429 : i32 to index
      %parallel_loop3A_460 = arith.constant 16 : index
      %parallel_loop3A_461 = tpu.vector_load %arg8[%parallel_loop3A_459, %parallel_loop3A_460] {strides = array<i32>} : memref<200x128xf32, #tpu.memory_space<vmem>>, vector<1x16xf32>,
      %parallel_loop3A_462 = vector.shape_cast %parallel_loop3A_461 : vector<1x16xf32> to vector<16xf32>
      %parallel_loop3A_463 = vector.shape_cast %parallel_loop3A_458 : vector<16xf32> to vector<1x16xf32>
      tpu.vector_store %arg8[%parallel_loop3A_459, %parallel_loop3A_460], %parallel_loop3A_463 {strides = array<i32>} : memref<200x128xf32, #tpu.memory_space<vmem>>, vector<1x16xf32>,
      %parallel_loop3A_464 = arith.index_cast %parallel_loop3A_429 : i32 to index
      %parallel_loop3A_465 = arith.constant 32 : index
      %parallel_loop3A_466 = tpu.vector_load %arg8[%parallel_loop3A_464, %parallel_loop3A_465] {strides = array<i32>} : memref<200x128xf32, #tpu.memory_space<vmem>>, vector<1x16xf32>,
      %parallel_loop3A_467 = vector.shape_cast %parallel_loop3A_466 : vector<1x16xf32> to vector<16xf32>
      %parallel_loop3A_468 = arith.index_cast %parallel_loop3A_429 : i32 to index
      %parallel_loop3A_469 = arith.constant 32 : index
      %parallel_loop3A_470 = tpu.vector_load %arg6[%parallel_loop3A_468, %parallel_loop3A_469] {strides = array<i32>} : memref<200x128xf32, #tpu.memory_space<vmem>>, vector<1x16xf32>,
      %parallel_loop3A_471 = vector.shape_cast %parallel_loop3A_470 : vector<1x16xf32> to vector<16xf32>
      %parallel_loop3A_472 = arith.addf %parallel_loop3A_467, %parallel_loop3A_471 : vector<16xf32>
      %parallel_loop3A_473 = arith.constant 0.000000e+00 : f32
      %parallel_loop3A_474 = vector.broadcast %parallel_loop3A_473 : f32 to vector<16xf32>
      %parallel_loop3A_475 = arith.maximumf %parallel_loop3A_472, %parallel_loop3A_474 : vector<16xf32>
      %parallel_loop3A_476 = arith.index_cast %parallel_loop3A_429 : i32 to index
      %parallel_loop3A_477 = arith.constant 32 : index
      %parallel_loop3A_478 = tpu.vector_load %arg8[%parallel_loop3A_476, %parallel_loop3A_477] {strides = array<i32>} : memref<200x128xf32, #tpu.memory_space<vmem>>, vector<1x16xf32>,
      %parallel_loop3A_479 = vector.shape_cast %parallel_loop3A_478 : vector<1x16xf32> to vector<16xf32>
      %parallel_loop3A_480 = vector.shape_cast %parallel_loop3A_475 : vector<16xf32> to vector<1x16xf32>
      tpu.vector_store %arg8[%parallel_loop3A_476, %parallel_loop3A_477], %parallel_loop3A_480 {strides = array<i32>} : memref<200x128xf32, #tpu.memory_space<vmem>>, vector<1x16xf32>,
      %parallel_loop3A_481 = arith.index_cast %parallel_loop3A_429 : i32 to index
      %parallel_loop3A_482 = arith.constant 48 : index
      %parallel_loop3A_483 = tpu.vector_load %arg8[%parallel_loop3A_481, %parallel_loop3A_482] {strides = array<i32>} : memref<200x128xf32, #tpu.memory_space<vmem>>, vector<1x16xf32>,
      %parallel_loop3A_484 = vector.shape_cast %parallel_loop3A_483 : vector<1x16xf32> to vector<16xf32>
      %parallel_loop3A_485 = arith.index_cast %parallel_loop3A_429 : i32 to index
      %parallel_loop3A_486 = arith.constant 48 : index
      %parallel_loop3A_487 = tpu.vector_load %arg6[%parallel_loop3A_485, %parallel_loop3A_486] {strides = array<i32>} : memref<200x128xf32, #tpu.memory_space<vmem>>, vector<1x16xf32>,
      %parallel_loop3A_488 = vector.shape_cast %parallel_loop3A_487 : vector<1x16xf32> to vector<16xf32>
      %parallel_loop3A_489 = arith.addf %parallel_loop3A_484, %parallel_loop3A_488 : vector<16xf32>
      %parallel_loop3A_490 = arith.constant 0.000000e+00 : f32
      %parallel_loop3A_491 = vector.broadcast %parallel_loop3A_490 : f32 to vector<16xf32>
      %parallel_loop3A_492 = arith.maximumf %parallel_loop3A_489, %parallel_loop3A_491 : vector<16xf32>
      %parallel_loop3A_493 = arith.index_cast %parallel_loop3A_429 : i32 to index
      %parallel_loop3A_494 = arith.constant 48 : index
      %parallel_loop3A_495 = tpu.vector_load %arg8[%parallel_loop3A_493, %parallel_loop3A_494] {strides = array<i32>} : memref<200x128xf32, #tpu.memory_space<vmem>>, vector<1x16xf32>,
      %parallel_loop3A_496 = vector.shape_cast %parallel_loop3A_495 : vector<1x16xf32> to vector<16xf32>
      %parallel_loop3A_497 = vector.shape_cast %parallel_loop3A_492 : vector<16xf32> to vector<1x16xf32>
      tpu.vector_store %arg8[%parallel_loop3A_493, %parallel_loop3A_494], %parallel_loop3A_497 {strides = array<i32>} : memref<200x128xf32, #tpu.memory_space<vmem>>, vector<1x16xf32>,
      %parallel_loop3A_498 = arith.index_cast %parallel_loop3A_429 : i32 to index
      %parallel_loop3A_499 = arith.constant 64 : index
      %parallel_loop3A_500 = tpu.vector_load %arg8[%parallel_loop3A_498, %parallel_loop3A_499] {strides = array<i32>} : memref<200x128xf32, #tpu.memory_space<vmem>>, vector<1x16xf32>,
      %parallel_loop3A_501 = vector.shape_cast %parallel_loop3A_500 : vector<1x16xf32> to vector<16xf32>
      %parallel_loop3A_502 = arith.index_cast %parallel_loop3A_429 : i32 to index
      %parallel_loop3A_503 = arith.constant 64 : index
      %parallel_loop3A_504 = tpu.vector_load %arg6[%parallel_loop3A_502, %parallel_loop3A_503] {strides = array<i32>} : memref<200x128xf32, #tpu.memory_space<vmem>>, vector<1x16xf32>,
      %parallel_loop3A_505 = vector.shape_cast %parallel_loop3A_504 : vector<1x16xf32> to vector<16xf32>
      %parallel_loop3A_506 = arith.addf %parallel_loop3A_501, %parallel_loop3A_505 : vector<16xf32>
      %parallel_loop3A_507 = arith.constant 0.000000e+00 : f32
      %parallel_loop3A_508 = vector.broadcast %parallel_loop3A_507 : f32 to vector<16xf32>
      %parallel_loop3A_509 = arith.maximumf %parallel_loop3A_506, %parallel_loop3A_508 : vector<16xf32>
      %parallel_loop3A_510 = arith.index_cast %parallel_loop3A_429 : i32 to index
      %parallel_loop3A_511 = arith.constant 64 : index
      %parallel_loop3A_512 = tpu.vector_load %arg8[%parallel_loop3A_510, %parallel_loop3A_511] {strides = array<i32>} : memref<200x128xf32, #tpu.memory_space<vmem>>, vector<1x16xf32>,
      %parallel_loop3A_513 = vector.shape_cast %parallel_loop3A_512 : vector<1x16xf32> to vector<16xf32>
      %parallel_loop3A_514 = vector.shape_cast %parallel_loop3A_509 : vector<16xf32> to vector<1x16xf32>
      tpu.vector_store %arg8[%parallel_loop3A_510, %parallel_loop3A_511], %parallel_loop3A_514 {strides = array<i32>} : memref<200x128xf32, #tpu.memory_space<vmem>>, vector<1x16xf32>,
      %parallel_loop3A_515 = arith.index_cast %parallel_loop3A_429 : i32 to index
      %parallel_loop3A_516 = arith.constant 80 : index
      %parallel_loop3A_517 = tpu.vector_load %arg8[%parallel_loop3A_515, %parallel_loop3A_516] {strides = array<i32>} : memref<200x128xf32, #tpu.memory_space<vmem>>, vector<1x16xf32>,
      %parallel_loop3A_518 = vector.shape_cast %parallel_loop3A_517 : vector<1x16xf32> to vector<16xf32>
      %parallel_loop3A_519 = arith.index_cast %parallel_loop3A_429 : i32 to index
      %parallel_loop3A_520 = arith.constant 80 : index
      %parallel_loop3A_521 = tpu.vector_load %arg6[%parallel_loop3A_519, %parallel_loop3A_520] {strides = array<i32>} : memref<200x128xf32, #tpu.memory_space<vmem>>, vector<1x16xf32>,
      %parallel_loop3A_522 = vector.shape_cast %parallel_loop3A_521 : vector<1x16xf32> to vector<16xf32>
      %parallel_loop3A_523 = arith.addf %parallel_loop3A_518, %parallel_loop3A_522 : vector<16xf32>
      %parallel_loop3A_524 = arith.constant 0.000000e+00 : f32
      %parallel_loop3A_525 = vector.broadcast %parallel_loop3A_524 : f32 to vector<16xf32>
      %parallel_loop3A_526 = arith.maximumf %parallel_loop3A_523, %parallel_loop3A_525 : vector<16xf32>
      %parallel_loop3A_527 = arith.index_cast %parallel_loop3A_429 : i32 to index
      %parallel_loop3A_528 = arith.constant 80 : index
      %parallel_loop3A_529 = tpu.vector_load %arg8[%parallel_loop3A_527, %parallel_loop3A_528] {strides = array<i32>} : memref<200x128xf32, #tpu.memory_space<vmem>>, vector<1x16xf32>,
      %parallel_loop3A_530 = vector.shape_cast %parallel_loop3A_529 : vector<1x16xf32> to vector<16xf32>
      %parallel_loop3A_531 = vector.shape_cast %parallel_loop3A_526 : vector<16xf32> to vector<1x16xf32>
      tpu.vector_store %arg8[%parallel_loop3A_527, %parallel_loop3A_528], %parallel_loop3A_531 {strides = array<i32>} : memref<200x128xf32, #tpu.memory_space<vmem>>, vector<1x16xf32>,
      %parallel_loop3A_532 = arith.index_cast %parallel_loop3A_429 : i32 to index
      %parallel_loop3A_533 = arith.constant 96 : index
      %parallel_loop3A_534 = tpu.vector_load %arg8[%parallel_loop3A_532, %parallel_loop3A_533] {strides = array<i32>} : memref<200x128xf32, #tpu.memory_space<vmem>>, vector<1x16xf32>,
      %parallel_loop3A_535 = vector.shape_cast %parallel_loop3A_534 : vector<1x16xf32> to vector<16xf32>
      %parallel_loop3A_536 = arith.index_cast %parallel_loop3A_429 : i32 to index
      %parallel_loop3A_537 = arith.constant 96 : index
      %parallel_loop3A_538 = tpu.vector_load %arg6[%parallel_loop3A_536, %parallel_loop3A_537] {strides = array<i32>} : memref<200x128xf32, #tpu.memory_space<vmem>>, vector<1x16xf32>,
      %parallel_loop3A_539 = vector.shape_cast %parallel_loop3A_538 : vector<1x16xf32> to vector<16xf32>
      %parallel_loop3A_540 = arith.addf %parallel_loop3A_535, %parallel_loop3A_539 : vector<16xf32>
      %parallel_loop3A_541 = arith.constant 0.000000e+00 : f32
      %parallel_loop3A_542 = vector.broadcast %parallel_loop3A_541 : f32 to vector<16xf32>
      %parallel_loop3A_543 = arith.maximumf %parallel_loop3A_540, %parallel_loop3A_542 : vector<16xf32>
      %parallel_loop3A_544 = arith.index_cast %parallel_loop3A_429 : i32 to index
      %parallel_loop3A_545 = arith.constant 96 : index
      %parallel_loop3A_546 = tpu.vector_load %arg8[%parallel_loop3A_544, %parallel_loop3A_545] {strides = array<i32>} : memref<200x128xf32, #tpu.memory_space<vmem>>, vector<1x16xf32>,
      %parallel_loop3A_547 = vector.shape_cast %parallel_loop3A_546 : vector<1x16xf32> to vector<16xf32>
      %parallel_loop3A_548 = vector.shape_cast %parallel_loop3A_543 : vector<16xf32> to vector<1x16xf32>
      tpu.vector_store %arg8[%parallel_loop3A_544, %parallel_loop3A_545], %parallel_loop3A_548 {strides = array<i32>} : memref<200x128xf32, #tpu.memory_space<vmem>>, vector<1x16xf32>,
      %parallel_loop3A_549 = arith.index_cast %parallel_loop3A_429 : i32 to index
      %parallel_loop3A_550 = arith.constant 112 : index
      %parallel_loop3A_551 = tpu.vector_load %arg8[%parallel_loop3A_549, %parallel_loop3A_550] {strides = array<i32>} : memref<200x128xf32, #tpu.memory_space<vmem>>, vector<1x16xf32>,
      %parallel_loop3A_552 = vector.shape_cast %parallel_loop3A_551 : vector<1x16xf32> to vector<16xf32>
      %parallel_loop3A_553 = arith.index_cast %parallel_loop3A_429 : i32 to index
      %parallel_loop3A_554 = arith.constant 112 : index
      %parallel_loop3A_555 = tpu.vector_load %arg6[%parallel_loop3A_553, %parallel_loop3A_554] {strides = array<i32>} : memref<200x128xf32, #tpu.memory_space<vmem>>, vector<1x16xf32>,
      %parallel_loop3A_556 = vector.shape_cast %parallel_loop3A_555 : vector<1x16xf32> to vector<16xf32>
      %parallel_loop3A_557 = arith.addf %parallel_loop3A_552, %parallel_loop3A_556 : vector<16xf32>
      %parallel_loop3A_558 = arith.constant 0.000000e+00 : f32
      %parallel_loop3A_559 = vector.broadcast %parallel_loop3A_558 : f32 to vector<16xf32>
      %parallel_loop3A_560 = arith.maximumf %parallel_loop3A_557, %parallel_loop3A_559 : vector<16xf32>
      %parallel_loop3A_561 = arith.index_cast %parallel_loop3A_429 : i32 to index
      %parallel_loop3A_562 = arith.constant 112 : index
      %parallel_loop3A_563 = tpu.vector_load %arg8[%parallel_loop3A_561, %parallel_loop3A_562] {strides = array<i32>} : memref<200x128xf32, #tpu.memory_space<vmem>>, vector<1x16xf32>,
      %parallel_loop3A_564 = vector.shape_cast %parallel_loop3A_563 : vector<1x16xf32> to vector<16xf32>
      %parallel_loop3A_565 = vector.shape_cast %parallel_loop3A_560 : vector<16xf32> to vector<1x16xf32>
      tpu.vector_store %arg8[%parallel_loop3A_561, %parallel_loop3A_562], %parallel_loop3A_565 {strides = array<i32>} : memref<200x128xf32, #tpu.memory_space<vmem>>, vector<1x16xf32>,
    } {sc.loop_unroll_factor = 4 : i64, sc.parallel_access}
    %add3A_146 = arith.constant 200 : i32
    %add3A_147 = arith.addi %mul3A_2, %add3A_146 : i32
    %multiple_of3A_148 = tpu.assume_multiple %add3A_147, 8 : i32
    %dma_start3A_149 = arith.constant 0 : i32
    %dma_start3A_150 = tpu.memref_slice %arg5[%multiple_of3A_148, %dma_start3A_149] : memref<204800x128xf32, #tpu.memory_space<hbm>> -> memref<200x128xf32, #tpu.memory_space<hbm>>
    %dma_start3A_151 = arith.constant 0 : i32
    %dma_start3A_152 = tpu.memref_slice %arg5[%multiple_of3A_148, %dma_start3A_151] : memref<204800x128xf32, #tpu.memory_space<hbm>> -> memref<200x128xf32, #tpu.memory_space<hbm>>
    tpu.enqueue_dma source(%arg8 : memref<200x128xf32, #tpu.memory_space<vmem>>) target(%dma_start3A_152 : memref<200x128xf32, #tpu.memory_space<hbm>>) target_semaphore(%arg20 : memref<!tpu.dma_semaphore, #tpu.memory_space<semaphore_mem>>)
    %scan3A = arith.constant 0 : i32
    %scan3A_153 = arith.constant 0 : i32
    %scan3A_154 = arith.constant 6 : i32
    %scan3A_155 = arith.addi %scan3A_153, %scan3A_154 : i32
    %scan3A_156 = arith.constant 1 : i32
    %scan3A_157 = scf.for %scan3A_429 = %scan3A_153 to %scan3A_155 step %scan3A_156 iter_args(%scan3A_430 = %scan3A) -> (i32)  : i32 {
      %mul3A_431 = arith.constant 4 : i32
      %mul3A_432 = arith.muli %scan3A_429, %mul3A_431 : i32
      %add3A_433 = arith.constant 2 : i32
      %add3A_434 = arith.addi %mul3A_432, %add3A_433 : i32
      %dma_wait3A_435 = arith.constant 0 : i32
      %dma_wait3A_436 = arith.constant 0 : i32
      %dma_wait3A_437 = tpu.memref_slice %arg9[%dma_wait3A_435, %dma_wait3A_436] : memref<200x128xf32, #tpu.memory_space<vmem>> -> memref<128x128xf32, #tpu.memory_space<vmem>>
      %dma_wait3A_438 = arith.constant 0 : i32
      %dma_wait3A_439 = tpu.memref_slice %arg13[%dma_wait3A_438] : memref<200xi32, #tpu.memory_space<vmem>> -> memref<128xi32, #tpu.memory_space<vmem>>
      %dma_wait3A_440 = arith.constant 0 : i32
      %dma_wait3A_441 = arith.constant 0 : i32
      %dma_wait3A_442 = tpu.memref_slice %arg3[%dma_wait3A_440, %dma_wait3A_441] : memref<100000x128xf32, #tpu.memory_space<hbm>> -> memref<100000x128xf32, #tpu.memory_space<hbm>>
      tpu.wait_indirect_dma semaphore(%arg17 : memref<!tpu.dma_semaphore, #tpu.memory_space<semaphore_mem>>) src(%dma_wait3A_442 : memref<100000x128xf32, #tpu.memory_space<hbm>>) dst(%dma_wait3A_437 : memref<128x128xf32, #tpu.memory_space<vmem>>)
      %dma_wait3A_443 = arith.constant 128 : i32
      %dma_wait3A_444 = arith.constant 0 : i32
      %dma_wait3A_445 = tpu.memref_slice %arg9[%dma_wait3A_443, %dma_wait3A_444] : memref<200x128xf32, #tpu.memory_space<vmem>> -> memref<72x128xf32, #tpu.memory_space<vmem>>
      %dma_wait3A_446 = arith.constant 128 : i32
      %dma_wait3A_447 = tpu.memref_slice %arg13[%dma_wait3A_446] : memref<200xi32, #tpu.memory_space<vmem>> -> memref<72xi32, #tpu.memory_space<vmem>>
      %dma_wait3A_448 = arith.constant 0 : i32
      %dma_wait3A_449 = arith.constant 0 : i32
      %dma_wait3A_450 = tpu.memref_slice %arg3[%dma_wait3A_448, %dma_wait3A_449] : memref<100000x128xf32, #tpu.memory_space<hbm>> -> memref<100000x128xf32, #tpu.memory_space<hbm>>
      tpu.wait_indirect_dma semaphore(%arg17 : memref<!tpu.dma_semaphore, #tpu.memory_space<semaphore_mem>>) src(%dma_wait3A_450 : memref<100000x128xf32, #tpu.memory_space<hbm>>) dst(%dma_wait3A_445 : memref<72x128xf32, #tpu.memory_space<vmem>>)
      %add3A_451 = arith.constant 4 : i32
      %add3A_452 = arith.addi %add3A_434, %add3A_451 : i32
      %mul3A_453 = arith.constant 200 : i32
      %mul3A_454 = arith.muli %add3A_452, %mul3A_453 : i32
      %add3A_455 = arith.addi %mul3A_2, %mul3A_454 : i32
      %multiple_of3A_456 = tpu.assume_multiple %add3A_455, 8 : i32
      %dma_start3A_457 = tpu.memref_slice %arg2[%multiple_of3A_456] : memref<204800xi32, #tpu.memory_space<hbm>> -> memref<200xi32, #tpu.memory_space<hbm>>
      %dma_start3A_458 = tpu.memref_slice %arg2[%multiple_of3A_456] : memref<204800xi32, #tpu.memory_space<hbm>> -> memref<200xi32, #tpu.memory_space<hbm>>
      tpu.enqueue_dma source(%dma_start3A_458 : memref<200xi32, #tpu.memory_space<hbm>>) target(%arg13 : memref<200xi32, #tpu.memory_space<vmem>>) target_semaphore(%arg25 : memref<!tpu.dma_semaphore, #tpu.memory_space<semaphore_mem>>)
      %dma_wait3A_459 = arith.constant 0 : i32
      %dma_wait3A_460 = tpu.memref_slice %arg5[%mul3A_2, %dma_wait3A_459] : memref<204800x128xf32, #tpu.memory_space<hbm>> -> memref<200x128xf32, #tpu.memory_space<hbm>>
      %dma_wait3A_461 = arith.constant 0 : i32
      %dma_wait3A_462 = tpu.memref_slice %arg5[%mul3A_2, %dma_wait3A_461] : memref<204800x128xf32, #tpu.memory_space<hbm>> -> memref<200x128xf32, #tpu.memory_space<hbm>>
      tpu.wait_dma2 semaphore(%arg19 : memref<!tpu.dma_semaphore, #tpu.memory_space<semaphore_mem>>) src(%arg7 : memref<200x128xf32, #tpu.memory_space<vmem>>) dst(%dma_wait3A_462 : memref<200x128xf32, #tpu.memory_space<hbm>>)
      %dma_wait3A_463 = tpu.memref_slice %arg2[%mul3A_2] : memref<204800xi32, #tpu.memory_space<hbm>> -> memref<200xi32, #tpu.memory_space<hbm>>
      %dma_wait3A_464 = tpu.memref_slice %arg2[%mul3A_2] : memref<204800xi32, #tpu.memory_space<hbm>> -> memref<200xi32, #tpu.memory_space<hbm>>
      tpu.wait_dma2 semaphore(%arg23 : memref<!tpu.dma_semaphore, #tpu.memory_space<semaphore_mem>>) src(%dma_wait3A_464 : memref<200xi32, #tpu.memory_space<hbm>>) dst(%arg11 : memref<200xi32, #tpu.memory_space<vmem>>)
      %dma_start3A_465 = arith.constant 0 : i32
      %dma_start3A_466 = arith.constant 0 : i32
      %dma_start3A_467 = tpu.memref_slice %arg7[%dma_start3A_465, %dma_start3A_466] : memref<200x128xf32, #tpu.memory_space<vmem>> -> memref<128x128xf32, #tpu.memory_space<vmem>>
      %dma_start3A_468 = arith.constant 0 : i32
      %dma_start3A_469 = tpu.memref_slice %arg11[%dma_start3A_468] : memref<200xi32, #tpu.memory_space<vmem>> -> memref<128xi32, #tpu.memory_space<vmem>>
      %dma_start3A_470 = arith.constant 0 : i32
      %dma_start3A_471 = arith.constant 0 : i32
      %dma_start3A_472 = tpu.memref_slice %arg3[%dma_start3A_470, %dma_start3A_471] : memref<100000x128xf32, #tpu.memory_space<hbm>> -> memref<100000x128xf32, #tpu.memory_space<hbm>>
      tpu.enqueue_indirect_dma source(%dma_start3A_472 : memref<100000x128xf32, #tpu.memory_space<hbm>>) target(%dma_start3A_467 : memref<128x128xf32, #tpu.memory_space<vmem>>) offsets(%dma_start3A_469 : memref<128xi32, #tpu.memory_space<vmem>>) semaphore(%arg15 : memref<!tpu.dma_semaphore, #tpu.memory_space<semaphore_mem>>)
      %dma_start3A_473 = arith.constant 128 : i32
      %dma_start3A_474 = arith.constant 0 : i32
      %dma_start3A_475 = tpu.memref_slice %arg7[%dma_start3A_473, %dma_start3A_474] : memref<200x128xf32, #tpu.memory_space<vmem>> -> memref<72x128xf32, #tpu.memory_space<vmem>>
      %dma_start3A_476 = arith.constant 128 : i32
      %dma_start3A_477 = tpu.memref_slice %arg11[%dma_start3A_476] : memref<200xi32, #tpu.memory_space<vmem>> -> memref<72xi32, #tpu.memory_space<vmem>>
      %dma_start3A_478 = arith.constant 0 : i32
      %dma_start3A_479 = arith.constant 0 : i32
      %dma_start3A_480 = tpu.memref_slice %arg3[%dma_start3A_478, %dma_start3A_479] : memref<100000x128xf32, #tpu.memory_space<hbm>> -> memref<100000x128xf32, #tpu.memory_space<hbm>>
      tpu.enqueue_indirect_dma source(%dma_start3A_480 : memref<100000x128xf32, #tpu.memory_space<hbm>>) target(%dma_start3A_475 : memref<72x128xf32, #tpu.memory_space<vmem>>) offsets(%dma_start3A_477 : memref<72xi32, #tpu.memory_space<vmem>>) semaphore(%arg15 : memref<!tpu.dma_semaphore, #tpu.memory_space<semaphore_mem>>)
      %parallel_loop3A_481 = arith.constant 0 : i32
      %parallel_loop3A_482 = arith.constant 200 : i32
      %parallel_loop3A_483 = arith.constant 1 : i32
      scf.for %parallel_loop3A_670 = %parallel_loop3A_481 to %parallel_loop3A_482 step %parallel_loop3A_483  : i32 {
        %parallel_loop3A_671 = arith.index_cast %parallel_loop3A_670 : i32 to index
        %parallel_loop3A_672 = arith.constant 0 : index
        %parallel_loop3A_673 = tpu.vector_load %arg9[%parallel_loop3A_671, %parallel_loop3A_672] {strides = array<i32>} : memref<200x128xf32, #tpu.memory_space<vmem>>, vector<1x16xf32>,
        %parallel_loop3A_674 = vector.shape_cast %parallel_loop3A_673 : vector<1x16xf32> to vector<16xf32>
        %parallel_loop3A_675 = arith.index_cast %parallel_loop3A_670 : i32 to index
        %parallel_loop3A_676 = arith.constant 0 : index
        %parallel_loop3A_677 = tpu.vector_load %arg6[%parallel_loop3A_675, %parallel_loop3A_676] {strides = array<i32>} : memref<200x128xf32, #tpu.memory_space<vmem>>, vector<1x16xf32>,
        %parallel_loop3A_678 = vector.shape_cast %parallel_loop3A_677 : vector<1x16xf32> to vector<16xf32>
        %parallel_loop3A_679 = arith.addf %parallel_loop3A_674, %parallel_loop3A_678 : vector<16xf32>
        %parallel_loop3A_680 = arith.constant 0.000000e+00 : f32
        %parallel_loop3A_681 = vector.broadcast %parallel_loop3A_680 : f32 to vector<16xf32>
        %parallel_loop3A_682 = arith.maximumf %parallel_loop3A_679, %parallel_loop3A_681 : vector<16xf32>
        %parallel_loop3A_683 = arith.index_cast %parallel_loop3A_670 : i32 to index
        %parallel_loop3A_684 = arith.constant 0 : index
        %parallel_loop3A_685 = tpu.vector_load %arg9[%parallel_loop3A_683, %parallel_loop3A_684] {strides = array<i32>} : memref<200x128xf32, #tpu.memory_space<vmem>>, vector<1x16xf32>,
        %parallel_loop3A_686 = vector.shape_cast %parallel_loop3A_685 : vector<1x16xf32> to vector<16xf32>
        %parallel_loop3A_687 = vector.shape_cast %parallel_loop3A_682 : vector<16xf32> to vector<1x16xf32>
        tpu.vector_store %arg9[%parallel_loop3A_683, %parallel_loop3A_684], %parallel_loop3A_687 {strides = array<i32>} : memref<200x128xf32, #tpu.memory_space<vmem>>, vector<1x16xf32>,
        %parallel_loop3A_688 = arith.index_cast %parallel_loop3A_670 : i32 to index
        %parallel_loop3A_689 = arith.constant 16 : index
        %parallel_loop3A_690 = tpu.vector_load %arg9[%parallel_loop3A_688, %parallel_loop3A_689] {strides = array<i32>} : memref<200x128xf32, #tpu.memory_space<vmem>>, vector<1x16xf32>,
        %parallel_loop3A_691 = vector.shape_cast %parallel_loop3A_690 : vector<1x16xf32> to vector<16xf32>
        %parallel_loop3A_692 = arith.index_cast %parallel_loop3A_670 : i32 to index
        %parallel_loop3A_693 = arith.constant 16 : index
        %parallel_loop3A_694 = tpu.vector_load %arg6[%parallel_loop3A_692, %parallel_loop3A_693] {strides = array<i32>} : memref<200x128xf32, #tpu.memory_space<vmem>>, vector<1x16xf32>,
        %parallel_loop3A_695 = vector.shape_cast %parallel_loop3A_694 : vector<1x16xf32> to vector<16xf32>
        %parallel_loop3A_696 = arith.addf %parallel_loop3A_691, %parallel_loop3A_695 : vector<16xf32>
        %parallel_loop3A_697 = arith.constant 0.000000e+00 : f32
        %parallel_loop3A_698 = vector.broadcast %parallel_loop3A_697 : f32 to vector<16xf32>
        %parallel_loop3A_699 = arith.maximumf %parallel_loop3A_696, %parallel_loop3A_698 : vector<16xf32>
        %parallel_loop3A_700 = arith.index_cast %parallel_loop3A_670 : i32 to index
        %parallel_loop3A_701 = arith.constant 16 : index
        %parallel_loop3A_702 = tpu.vector_load %arg9[%parallel_loop3A_700, %parallel_loop3A_701] {strides = array<i32>} : memref<200x128xf32, #tpu.memory_space<vmem>>, vector<1x16xf32>,
        %parallel_loop3A_703 = vector.shape_cast %parallel_loop3A_702 : vector<1x16xf32> to vector<16xf32>
        %parallel_loop3A_704 = vector.shape_cast %parallel_loop3A_699 : vector<16xf32> to vector<1x16xf32>
        tpu.vector_store %arg9[%parallel_loop3A_700, %parallel_loop3A_701], %parallel_loop3A_704 {strides = array<i32>} : memref<200x128xf32, #tpu.memory_space<vmem>>, vector<1x16xf32>,
        %parallel_loop3A_705 = arith.index_cast %parallel_loop3A_670 : i32 to index
        %parallel_loop3A_706 = arith.constant 32 : index
        %parallel_loop3A_707 = tpu.vector_load %arg9[%parallel_loop3A_705, %parallel_loop3A_706] {strides = array<i32>} : memref<200x128xf32, #tpu.memory_space<vmem>>, vector<1x16xf32>,
        %parallel_loop3A_708 = vector.shape_cast %parallel_loop3A_707 : vector<1x16xf32> to vector<16xf32>
        %parallel_loop3A_709 = arith.index_cast %parallel_loop3A_670 : i32 to index
        %parallel_loop3A_710 = arith.constant 32 : index
        %parallel_loop3A_711 = tpu.vector_load %arg6[%parallel_loop3A_709, %parallel_loop3A_710] {strides = array<i32>} : memref<200x128xf32, #tpu.memory_space<vmem>>, vector<1x16xf32>,
        %parallel_loop3A_712 = vector.shape_cast %parallel_loop3A_711 : vector<1x16xf32> to vector<16xf32>
        %parallel_loop3A_713 = arith.addf %parallel_loop3A_708, %parallel_loop3A_712 : vector<16xf32>
        %parallel_loop3A_714 = arith.constant 0.000000e+00 : f32
        %parallel_loop3A_715 = vector.broadcast %parallel_loop3A_714 : f32 to vector<16xf32>
        %parallel_loop3A_716 = arith.maximumf %parallel_loop3A_713, %parallel_loop3A_715 : vector<16xf32>
        %parallel_loop3A_717 = arith.index_cast %parallel_loop3A_670 : i32 to index
        %parallel_loop3A_718 = arith.constant 32 : index
        %parallel_loop3A_719 = tpu.vector_load %arg9[%parallel_loop3A_717, %parallel_loop3A_718] {strides = array<i32>} : memref<200x128xf32, #tpu.memory_space<vmem>>, vector<1x16xf32>,
        %parallel_loop3A_720 = vector.shape_cast %parallel_loop3A_719 : vector<1x16xf32> to vector<16xf32>
        %parallel_loop3A_721 = vector.shape_cast %parallel_loop3A_716 : vector<16xf32> to vector<1x16xf32>
        tpu.vector_store %arg9[%parallel_loop3A_717, %parallel_loop3A_718], %parallel_loop3A_721 {strides = array<i32>} : memref<200x128xf32, #tpu.memory_space<vmem>>, vector<1x16xf32>,
        %parallel_loop3A_722 = arith.index_cast %parallel_loop3A_670 : i32 to index
        %parallel_loop3A_723 = arith.constant 48 : index
        %parallel_loop3A_724 = tpu.vector_load %arg9[%parallel_loop3A_722, %parallel_loop3A_723] {strides = array<i32>} : memref<200x128xf32, #tpu.memory_space<vmem>>, vector<1x16xf32>,
        %parallel_loop3A_725 = vector.shape_cast %parallel_loop3A_724 : vector<1x16xf32> to vector<16xf32>
        %parallel_loop3A_726 = arith.index_cast %parallel_loop3A_670 : i32 to index
        %parallel_loop3A_727 = arith.constant 48 : index
        %parallel_loop3A_728 = tpu.vector_load %arg6[%parallel_loop3A_726, %parallel_loop3A_727] {strides = array<i32>} : memref<200x128xf32, #tpu.memory_space<vmem>>, vector<1x16xf32>,
        %parallel_loop3A_729 = vector.shape_cast %parallel_loop3A_728 : vector<1x16xf32> to vector<16xf32>
        %parallel_loop3A_730 = arith.addf %parallel_loop3A_725, %parallel_loop3A_729 : vector<16xf32>
        %parallel_loop3A_731 = arith.constant 0.000000e+00 : f32
        %parallel_loop3A_732 = vector.broadcast %parallel_loop3A_731 : f32 to vector<16xf32>
        %parallel_loop3A_733 = arith.maximumf %parallel_loop3A_730, %parallel_loop3A_732 : vector<16xf32>
        %parallel_loop3A_734 = arith.index_cast %parallel_loop3A_670 : i32 to index
        %parallel_loop3A_735 = arith.constant 48 : index
        %parallel_loop3A_736 = tpu.vector_load %arg9[%parallel_loop3A_734, %parallel_loop3A_735] {strides = array<i32>} : memref<200x128xf32, #tpu.memory_space<vmem>>, vector<1x16xf32>,
        %parallel_loop3A_737 = vector.shape_cast %parallel_loop3A_736 : vector<1x16xf32> to vector<16xf32>
        %parallel_loop3A_738 = vector.shape_cast %parallel_loop3A_733 : vector<16xf32> to vector<1x16xf32>
        tpu.vector_store %arg9[%parallel_loop3A_734, %parallel_loop3A_735], %parallel_loop3A_738 {strides = array<i32>} : memref<200x128xf32, #tpu.memory_space<vmem>>, vector<1x16xf32>,
        %parallel_loop3A_739 = arith.index_cast %parallel_loop3A_670 : i32 to index
        %parallel_loop3A_740 = arith.constant 64 : index
        %parallel_loop3A_741 = tpu.vector_load %arg9[%parallel_loop3A_739, %parallel_loop3A_740] {strides = array<i32>} : memref<200x128xf32, #tpu.memory_space<vmem>>, vector<1x16xf32>,
        %parallel_loop3A_742 = vector.shape_cast %parallel_loop3A_741 : vector<1x16xf32> to vector<16xf32>
        %parallel_loop3A_743 = arith.index_cast %parallel_loop3A_670 : i32 to index
        %parallel_loop3A_744 = arith.constant 64 : index
        %parallel_loop3A_745 = tpu.vector_load %arg6[%parallel_loop3A_743, %parallel_loop3A_744] {strides = array<i32>} : memref<200x128xf32, #tpu.memory_space<vmem>>, vector<1x16xf32>,
        %parallel_loop3A_746 = vector.shape_cast %parallel_loop3A_745 : vector<1x16xf32> to vector<16xf32>
        %parallel_loop3A_747 = arith.addf %parallel_loop3A_742, %parallel_loop3A_746 : vector<16xf32>
        %parallel_loop3A_748 = arith.constant 0.000000e+00 : f32
        %parallel_loop3A_749 = vector.broadcast %parallel_loop3A_748 : f32 to vector<16xf32>
        %parallel_loop3A_750 = arith.maximumf %parallel_loop3A_747, %parallel_loop3A_749 : vector<16xf32>
        %parallel_loop3A_751 = arith.index_cast %parallel_loop3A_670 : i32 to index
        %parallel_loop3A_752 = arith.constant 64 : index
        %parallel_loop3A_753 = tpu.vector_load %arg9[%parallel_loop3A_751, %parallel_loop3A_752] {strides = array<i32>} : memref<200x128xf32, #tpu.memory_space<vmem>>, vector<1x16xf32>,
        %parallel_loop3A_754 = vector.shape_cast %parallel_loop3A_753 : vector<1x16xf32> to vector<16xf32>
        %parallel_loop3A_755 = vector.shape_cast %parallel_loop3A_750 : vector<16xf32> to vector<1x16xf32>
        tpu.vector_store %arg9[%parallel_loop3A_751, %parallel_loop3A_752], %parallel_loop3A_755 {strides = array<i32>} : memref<200x128xf32, #tpu.memory_space<vmem>>, vector<1x16xf32>,
        %parallel_loop3A_756 = arith.index_cast %parallel_loop3A_670 : i32 to index
        %parallel_loop3A_757 = arith.constant 80 : index
        %parallel_loop3A_758 = tpu.vector_load %arg9[%parallel_loop3A_756, %parallel_loop3A_757] {strides = array<i32>} : memref<200x128xf32, #tpu.memory_space<vmem>>, vector<1x16xf32>,
        %parallel_loop3A_759 = vector.shape_cast %parallel_loop3A_758 : vector<1x16xf32> to vector<16xf32>
        %parallel_loop3A_760 = arith.index_cast %parallel_loop3A_670 : i32 to index
        %parallel_loop3A_761 = arith.constant 80 : index
        %parallel_loop3A_762 = tpu.vector_load %arg6[%parallel_loop3A_760, %parallel_loop3A_761] {strides = array<i32>} : memref<200x128xf32, #tpu.memory_space<vmem>>, vector<1x16xf32>,
        %parallel_loop3A_763 = vector.shape_cast %parallel_loop3A_762 : vector<1x16xf32> to vector<16xf32>
        %parallel_loop3A_764 = arith.addf %parallel_loop3A_759, %parallel_loop3A_763 : vector<16xf32>
        %parallel_loop3A_765 = arith.constant 0.000000e+00 : f32
        %parallel_loop3A_766 = vector.broadcast %parallel_loop3A_765 : f32 to vector<16xf32>
        %parallel_loop3A_767 = arith.maximumf %parallel_loop3A_764, %parallel_loop3A_766 : vector<16xf32>
        %parallel_loop3A_768 = arith.index_cast %parallel_loop3A_670 : i32 to index
        %parallel_loop3A_769 = arith.constant 80 : index
        %parallel_loop3A_770 = tpu.vector_load %arg9[%parallel_loop3A_768, %parallel_loop3A_769] {strides = array<i32>} : memref<200x128xf32, #tpu.memory_space<vmem>>, vector<1x16xf32>,
        %parallel_loop3A_771 = vector.shape_cast %parallel_loop3A_770 : vector<1x16xf32> to vector<16xf32>
        %parallel_loop3A_772 = vector.shape_cast %parallel_loop3A_767 : vector<16xf32> to vector<1x16xf32>
        tpu.vector_store %arg9[%parallel_loop3A_768, %parallel_loop3A_769], %parallel_loop3A_772 {strides = array<i32>} : memref<200x128xf32, #tpu.memory_space<vmem>>, vector<1x16xf32>,
        %parallel_loop3A_773 = arith.index_cast %parallel_loop3A_670 : i32 to index
        %parallel_loop3A_774 = arith.constant 96 : index
        %parallel_loop3A_775 = tpu.vector_load %arg9[%parallel_loop3A_773, %parallel_loop3A_774] {strides = array<i32>} : memref<200x128xf32, #tpu.memory_space<vmem>>, vector<1x16xf32>,
        %parallel_loop3A_776 = vector.shape_cast %parallel_loop3A_775 : vector<1x16xf32> to vector<16xf32>
        %parallel_loop3A_777 = arith.index_cast %parallel_loop3A_670 : i32 to index
        %parallel_loop3A_778 = arith.constant 96 : index
        %parallel_loop3A_779 = tpu.vector_load %arg6[%parallel_loop3A_777, %parallel_loop3A_778] {strides = array<i32>} : memref<200x128xf32, #tpu.memory_space<vmem>>, vector<1x16xf32>,
        %parallel_loop3A_780 = vector.shape_cast %parallel_loop3A_779 : vector<1x16xf32> to vector<16xf32>
        %parallel_loop3A_781 = arith.addf %parallel_loop3A_776, %parallel_loop3A_780 : vector<16xf32>
        %parallel_loop3A_782 = arith.constant 0.000000e+00 : f32
        %parallel_loop3A_783 = vector.broadcast %parallel_loop3A_782 : f32 to vector<16xf32>
        %parallel_loop3A_784 = arith.maximumf %parallel_loop3A_781, %parallel_loop3A_783 : vector<16xf32>
        %parallel_loop3A_785 = arith.index_cast %parallel_loop3A_670 : i32 to index
        %parallel_loop3A_786 = arith.constant 96 : index
        %parallel_loop3A_787 = tpu.vector_load %arg9[%parallel_loop3A_785, %parallel_loop3A_786] {strides = array<i32>} : memref<200x128xf32, #tpu.memory_space<vmem>>, vector<1x16xf32>,
        %parallel_loop3A_788 = vector.shape_cast %parallel_loop3A_787 : vector<1x16xf32> to vector<16xf32>
        %parallel_loop3A_789 = vector.shape_cast %parallel_loop3A_784 : vector<16xf32> to vector<1x16xf32>
        tpu.vector_store %arg9[%parallel_loop3A_785, %parallel_loop3A_786], %parallel_loop3A_789 {strides = array<i32>} : memref<200x128xf32, #tpu.memory_space<vmem>>, vector<1x16xf32>,
        %parallel_loop3A_790 = arith.index_cast %parallel_loop3A_670 : i32 to index
        %parallel_loop3A_791 = arith.constant 112 : index
        %parallel_loop3A_792 = tpu.vector_load %arg9[%parallel_loop3A_790, %parallel_loop3A_791] {strides = array<i32>} : memref<200x128xf32, #tpu.memory_space<vmem>>, vector<1x16xf32>,
        %parallel_loop3A_793 = vector.shape_cast %parallel_loop3A_792 : vector<1x16xf32> to vector<16xf32>
        %parallel_loop3A_794 = arith.index_cast %parallel_loop3A_670 : i32 to index
        %parallel_loop3A_795 = arith.constant 112 : index
        %parallel_loop3A_796 = tpu.vector_load %arg6[%parallel_loop3A_794, %parallel_loop3A_795] {strides = array<i32>} : memref<200x128xf32, #tpu.memory_space<vmem>>, vector<1x16xf32>,
        %parallel_loop3A_797 = vector.shape_cast %parallel_loop3A_796 : vector<1x16xf32> to vector<16xf32>
        %parallel_loop3A_798 = arith.addf %parallel_loop3A_793, %parallel_loop3A_797 : vector<16xf32>
        %parallel_loop3A_799 = arith.constant 0.000000e+00 : f32
        %parallel_loop3A_800 = vector.broadcast %parallel_loop3A_799 : f32 to vector<16xf32>
        %parallel_loop3A_801 = arith.maximumf %parallel_loop3A_798, %parallel_loop3A_800 : vector<16xf32>
        %parallel_loop3A_802 = arith.index_cast %parallel_loop3A_670 : i32 to index
        %parallel_loop3A_803 = arith.constant 112 : index
        %parallel_loop3A_804 = tpu.vector_load %arg9[%parallel_loop3A_802, %parallel_loop3A_803] {strides = array<i32>} : memref<200x128xf32, #tpu.memory_space<vmem>>, vector<1x16xf32>,
        %parallel_loop3A_805 = vector.shape_cast %parallel_loop3A_804 : vector<1x16xf32> to vector<16xf32>
        %parallel_loop3A_806 = vector.shape_cast %parallel_loop3A_801 : vector<16xf32> to vector<1x16xf32>
        tpu.vector_store %arg9[%parallel_loop3A_802, %parallel_loop3A_803], %parallel_loop3A_806 {strides = array<i32>} : memref<200x128xf32, #tpu.memory_space<vmem>>, vector<1x16xf32>,
      } {sc.loop_unroll_factor = 4 : i64, sc.parallel_access}
      %mul3A_484 = arith.constant 200 : i32
      %mul3A_485 = arith.muli %add3A_434, %mul3A_484 : i32
      %add3A_486 = arith.addi %mul3A_2, %mul3A_485 : i32
      %multiple_of3A_487 = tpu.assume_multiple %add3A_486, 8 : i32
      %dma_start3A_488 = arith.constant 0 : i32
      %dma_start3A_489 = tpu.memref_slice %arg5[%multiple_of3A_487, %dma_start3A_488] : memref<204800x128xf32, #tpu.memory_space<hbm>> -> memref<200x128xf32, #tpu.memory_space<hbm>>
      %dma_start3A_490 = arith.constant 0 : i32
      %dma_start3A_491 = tpu.memref_slice %arg5[%multiple_of3A_487, %dma_start3A_490] : memref<204800x128xf32, #tpu.memory_space<hbm>> -> memref<200x128xf32, #tpu.memory_space<hbm>>
      tpu.enqueue_dma source(%arg9 : memref<200x128xf32, #tpu.memory_space<vmem>>) target(%dma_start3A_491 : memref<200x128xf32, #tpu.memory_space<hbm>>) target_semaphore(%arg21 : memref<!tpu.dma_semaphore, #tpu.memory_space<semaphore_mem>>)
      %add3A_492 = arith.constant 1 : i32
      %add3A_493 = arith.addi %add3A_434, %add3A_492 : i32
      %dma_wait3A_494 = arith.constant 0 : i32
      %dma_wait3A_495 = arith.constant 0 : i32
      %dma_wait3A_496 = tpu.memref_slice %arg10[%dma_wait3A_494, %dma_wait3A_495] : memref<200x128xf32, #tpu.memory_space<vmem>> -> memref<128x128xf32, #tpu.memory_space<vmem>>
      %dma_wait3A_497 = arith.constant 0 : i32
      %dma_wait3A_498 = tpu.memref_slice %arg14[%dma_wait3A_497] : memref<200xi32, #tpu.memory_space<vmem>> -> memref<128xi32, #tpu.memory_space<vmem>>
      %dma_wait3A_499 = arith.constant 0 : i32
      %dma_wait3A_500 = arith.constant 0 : i32
      %dma_wait3A_501 = tpu.memref_slice %arg3[%dma_wait3A_499, %dma_wait3A_500] : memref<100000x128xf32, #tpu.memory_space<hbm>> -> memref<100000x128xf32, #tpu.memory_space<hbm>>
      tpu.wait_indirect_dma semaphore(%arg18 : memref<!tpu.dma_semaphore, #tpu.memory_space<semaphore_mem>>) src(%dma_wait3A_501 : memref<100000x128xf32, #tpu.memory_space<hbm>>) dst(%dma_wait3A_496 : memref<128x128xf32, #tpu.memory_space<vmem>>)
      %dma_wait3A_502 = arith.constant 128 : i32
      %dma_wait3A_503 = arith.constant 0 : i32
      %dma_wait3A_504 = tpu.memref_slice %arg10[%dma_wait3A_502, %dma_wait3A_503] : memref<200x128xf32, #tpu.memory_space<vmem>> -> memref<72x128xf32, #tpu.memory_space<vmem>>
      %dma_wait3A_505 = arith.constant 128 : i32
      %dma_wait3A_506 = tpu.memref_slice %arg14[%dma_wait3A_505] : memref<200xi32, #tpu.memory_space<vmem>> -> memref<72xi32, #tpu.memory_space<vmem>>
      %dma_wait3A_507 = arith.constant 0 : i32
      %dma_wait3A_508 = arith.constant 0 : i32
      %dma_wait3A_509 = tpu.memref_slice %arg3[%dma_wait3A_507, %dma_wait3A_508] : memref<100000x128xf32, #tpu.memory_space<hbm>> -> memref<100000x128xf32, #tpu.memory_space<hbm>>
      tpu.wait_indirect_dma semaphore(%arg18 : memref<!tpu.dma_semaphore, #tpu.memory_space<semaphore_mem>>) src(%dma_wait3A_509 : memref<100000x128xf32, #tpu.memory_space<hbm>>) dst(%dma_wait3A_504 : memref<72x128xf32, #tpu.memory_space<vmem>>)
      %add3A_510 = arith.constant 4 : i32
      %add3A_511 = arith.addi %add3A_493, %add3A_510 : i32
      %mul3A_512 = arith.constant 200 : i32
      %mul3A_513 = arith.muli %add3A_511, %mul3A_512 : i32
      %add3A_514 = arith.addi %mul3A_2, %mul3A_513 : i32
      %multiple_of3A_515 = tpu.assume_multiple %add3A_514, 8 : i32
      %dma_start3A_516 = tpu.memref_slice %arg2[%multiple_of3A_515] : memref<204800xi32, #tpu.memory_space<hbm>> -> memref<200xi32, #tpu.memory_space<hbm>>
      %dma_start3A_517 = tpu.memref_slice %arg2[%multiple_of3A_515] : memref<204800xi32, #tpu.memory_space<hbm>> -> memref<200xi32, #tpu.memory_space<hbm>>
      tpu.enqueue_dma source(%dma_start3A_517 : memref<200xi32, #tpu.memory_space<hbm>>) target(%arg14 : memref<200xi32, #tpu.memory_space<vmem>>) target_semaphore(%arg26 : memref<!tpu.dma_semaphore, #tpu.memory_space<semaphore_mem>>)
      %dma_wait3A_518 = arith.constant 0 : i32
      %dma_wait3A_519 = tpu.memref_slice %arg5[%mul3A_2, %dma_wait3A_518] : memref<204800x128xf32, #tpu.memory_space<hbm>> -> memref<200x128xf32, #tpu.memory_space<hbm>>
      %dma_wait3A_520 = arith.constant 0 : i32
      %dma_wait3A_521 = tpu.memref_slice %arg5[%mul3A_2, %dma_wait3A_520] : memref<204800x128xf32, #tpu.memory_space<hbm>> -> memref<200x128xf32, #tpu.memory_space<hbm>>
      tpu.wait_dma2 semaphore(%arg20 : memref<!tpu.dma_semaphore, #tpu.memory_space<semaphore_mem>>) src(%arg8 : memref<200x128xf32, #tpu.memory_space<vmem>>) dst(%dma_wait3A_521 : memref<200x128xf32, #tpu.memory_space<hbm>>)
      %dma_wait3A_522 = tpu.memref_slice %arg2[%mul3A_2] : memref<204800xi32, #tpu.memory_space<hbm>> -> memref<200xi32, #tpu.memory_space<hbm>>
      %dma_wait3A_523 = tpu.memref_slice %arg2[%mul3A_2] : memref<204800xi32, #tpu.memory_space<hbm>> -> memref<200xi32, #tpu.memory_space<hbm>>
      tpu.wait_dma2 semaphore(%arg24 : memref<!tpu.dma_semaphore, #tpu.memory_space<semaphore_mem>>) src(%dma_wait3A_523 : memref<200xi32, #tpu.memory_space<hbm>>) dst(%arg12 : memref<200xi32, #tpu.memory_space<vmem>>)
      %dma_start3A_524 = arith.constant 0 : i32
      %dma_start3A_525 = arith.constant 0 : i32
      %dma_start3A_526 = tpu.memref_slice %arg8[%dma_start3A_524, %dma_start3A_525] : memref<200x128xf32, #tpu.memory_space<vmem>> -> memref<128x128xf32, #tpu.memory_space<vmem>>
      %dma_start3A_527 = arith.constant 0 : i32
      %dma_start3A_528 = tpu.memref_slice %arg12[%dma_start3A_527] : memref<200xi32, #tpu.memory_space<vmem>> -> memref<128xi32, #tpu.memory_space<vmem>>
      %dma_start3A_529 = arith.constant 0 : i32
      %dma_start3A_530 = arith.constant 0 : i32
      %dma_start3A_531 = tpu.memref_slice %arg3[%dma_start3A_529, %dma_start3A_530] : memref<100000x128xf32, #tpu.memory_space<hbm>> -> memref<100000x128xf32, #tpu.memory_space<hbm>>
      tpu.enqueue_indirect_dma source(%dma_start3A_531 : memref<100000x128xf32, #tpu.memory_space<hbm>>) target(%dma_start3A_526 : memref<128x128xf32, #tpu.memory_space<vmem>>) offsets(%dma_start3A_528 : memref<128xi32, #tpu.memory_space<vmem>>) semaphore(%arg16 : memref<!tpu.dma_semaphore, #tpu.memory_space<semaphore_mem>>)
      %dma_start3A_532 = arith.constant 128 : i32
      %dma_start3A_533 = arith.constant 0 : i32
      %dma_start3A_534 = tpu.memref_slice %arg8[%dma_start3A_532, %dma_start3A_533] : memref<200x128xf32, #tpu.memory_space<vmem>> -> memref<72x128xf32, #tpu.memory_space<vmem>>
      %dma_start3A_535 = arith.constant 128 : i32
      %dma_start3A_536 = tpu.memref_slice %arg12[%dma_start3A_535] : memref<200xi32, #tpu.memory_space<vmem>> -> memref<72xi32, #tpu.memory_space<vmem>>
      %dma_start3A_537 = arith.constant 0 : i32
      %dma_start3A_538 = arith.constant 0 : i32
      %dma_start3A_539 = tpu.memref_slice %arg3[%dma_start3A_537, %dma_start3A_538] : memref<100000x128xf32, #tpu.memory_space<hbm>> -> memref<100000x128xf32, #tpu.memory_space<hbm>>
      tpu.enqueue_indirect_dma source(%dma_start3A_539 : memref<100000x128xf32, #tpu.memory_space<hbm>>) target(%dma_start3A_534 : memref<72x128xf32, #tpu.memory_space<vmem>>) offsets(%dma_start3A_536 : memref<72xi32, #tpu.memory_space<vmem>>) semaphore(%arg16 : memref<!tpu.dma_semaphore, #tpu.memory_space<semaphore_mem>>)
      %parallel_loop3A_540 = arith.constant 0 : i32
      %parallel_loop3A_541 = arith.constant 200 : i32
      %parallel_loop3A_542 = arith.constant 1 : i32
      scf.for %parallel_loop3A_670 = %parallel_loop3A_540 to %parallel_loop3A_541 step %parallel_loop3A_542  : i32 {
        %parallel_loop3A_671 = arith.index_cast %parallel_loop3A_670 : i32 to index
        %parallel_loop3A_672 = arith.constant 0 : index
        %parallel_loop3A_673 = tpu.vector_load %arg10[%parallel_loop3A_671, %parallel_loop3A_672] {strides = array<i32>} : memref<200x128xf32, #tpu.memory_space<vmem>>, vector<1x16xf32>,
        %parallel_loop3A_674 = vector.shape_cast %parallel_loop3A_673 : vector<1x16xf32> to vector<16xf32>
        %parallel_loop3A_675 = arith.index_cast %parallel_loop3A_670 : i32 to index
        %parallel_loop3A_676 = arith.constant 0 : index
        %parallel_loop3A_677 = tpu.vector_load %arg6[%parallel_loop3A_675, %parallel_loop3A_676] {strides = array<i32>} : memref<200x128xf32, #tpu.memory_space<vmem>>, vector<1x16xf32>,
        %parallel_loop3A_678 = vector.shape_cast %parallel_loop3A_677 : vector<1x16xf32> to vector<16xf32>
        %parallel_loop3A_679 = arith.addf %parallel_loop3A_674, %parallel_loop3A_678 : vector<16xf32>
        %parallel_loop3A_680 = arith.constant 0.000000e+00 : f32
        %parallel_loop3A_681 = vector.broadcast %parallel_loop3A_680 : f32 to vector<16xf32>
        %parallel_loop3A_682 = arith.maximumf %parallel_loop3A_679, %parallel_loop3A_681 : vector<16xf32>
        %parallel_loop3A_683 = arith.index_cast %parallel_loop3A_670 : i32 to index
        %parallel_loop3A_684 = arith.constant 0 : index
        %parallel_loop3A_685 = tpu.vector_load %arg10[%parallel_loop3A_683, %parallel_loop3A_684] {strides = array<i32>} : memref<200x128xf32, #tpu.memory_space<vmem>>, vector<1x16xf32>,
        %parallel_loop3A_686 = vector.shape_cast %parallel_loop3A_685 : vector<1x16xf32> to vector<16xf32>
        %parallel_loop3A_687 = vector.shape_cast %parallel_loop3A_682 : vector<16xf32> to vector<1x16xf32>
        tpu.vector_store %arg10[%parallel_loop3A_683, %parallel_loop3A_684], %parallel_loop3A_687 {strides = array<i32>} : memref<200x128xf32, #tpu.memory_space<vmem>>, vector<1x16xf32>,
        %parallel_loop3A_688 = arith.index_cast %parallel_loop3A_670 : i32 to index
        %parallel_loop3A_689 = arith.constant 16 : index
        %parallel_loop3A_690 = tpu.vector_load %arg10[%parallel_loop3A_688, %parallel_loop3A_689] {strides = array<i32>} : memref<200x128xf32, #tpu.memory_space<vmem>>, vector<1x16xf32>,
        %parallel_loop3A_691 = vector.shape_cast %parallel_loop3A_690 : vector<1x16xf32> to vector<16xf32>
        %parallel_loop3A_692 = arith.index_cast %parallel_loop3A_670 : i32 to index
        %parallel_loop3A_693 = arith.constant 16 : index
        %parallel_loop3A_694 = tpu.vector_load %arg6[%parallel_loop3A_692, %parallel_loop3A_693] {strides = array<i32>} : memref<200x128xf32, #tpu.memory_space<vmem>>, vector<1x16xf32>,
        %parallel_loop3A_695 = vector.shape_cast %parallel_loop3A_694 : vector<1x16xf32> to vector<16xf32>
        %parallel_loop3A_696 = arith.addf %parallel_loop3A_691, %parallel_loop3A_695 : vector<16xf32>
        %parallel_loop3A_697 = arith.constant 0.000000e+00 : f32
        %parallel_loop3A_698 = vector.broadcast %parallel_loop3A_697 : f32 to vector<16xf32>
        %parallel_loop3A_699 = arith.maximumf %parallel_loop3A_696, %parallel_loop3A_698 : vector<16xf32>
        %parallel_loop3A_700 = arith.index_cast %parallel_loop3A_670 : i32 to index
        %parallel_loop3A_701 = arith.constant 16 : index
        %parallel_loop3A_702 = tpu.vector_load %arg10[%parallel_loop3A_700, %parallel_loop3A_701] {strides = array<i32>} : memref<200x128xf32, #tpu.memory_space<vmem>>, vector<1x16xf32>,
        %parallel_loop3A_703 = vector.shape_cast %parallel_loop3A_702 : vector<1x16xf32> to vector<16xf32>
        %parallel_loop3A_704 = vector.shape_cast %parallel_loop3A_699 : vector<16xf32> to vector<1x16xf32>
        tpu.vector_store %arg10[%parallel_loop3A_700, %parallel_loop3A_701], %parallel_loop3A_704 {strides = array<i32>} : memref<200x128xf32, #tpu.memory_space<vmem>>, vector<1x16xf32>,
        %parallel_loop3A_705 = arith.index_cast %parallel_loop3A_670 : i32 to index
        %parallel_loop3A_706 = arith.constant 32 : index
        %parallel_loop3A_707 = tpu.vector_load %arg10[%parallel_loop3A_705, %parallel_loop3A_706] {strides = array<i32>} : memref<200x128xf32, #tpu.memory_space<vmem>>, vector<1x16xf32>,
        %parallel_loop3A_708 = vector.shape_cast %parallel_loop3A_707 : vector<1x16xf32> to vector<16xf32>
        %parallel_loop3A_709 = arith.index_cast %parallel_loop3A_670 : i32 to index
        %parallel_loop3A_710 = arith.constant 32 : index
        %parallel_loop3A_711 = tpu.vector_load %arg6[%parallel_loop3A_709, %parallel_loop3A_710] {strides = array<i32>} : memref<200x128xf32, #tpu.memory_space<vmem>>, vector<1x16xf32>,
        %parallel_loop3A_712 = vector.shape_cast %parallel_loop3A_711 : vector<1x16xf32> to vector<16xf32>
        %parallel_loop3A_713 = arith.addf %parallel_loop3A_708, %parallel_loop3A_712 : vector<16xf32>
        %parallel_loop3A_714 = arith.constant 0.000000e+00 : f32
        %parallel_loop3A_715 = vector.broadcast %parallel_loop3A_714 : f32 to vector<16xf32>
        %parallel_loop3A_716 = arith.maximumf %parallel_loop3A_713, %parallel_loop3A_715 : vector<16xf32>
        %parallel_loop3A_717 = arith.index_cast %parallel_loop3A_670 : i32 to index
        %parallel_loop3A_718 = arith.constant 32 : index
        %parallel_loop3A_719 = tpu.vector_load %arg10[%parallel_loop3A_717, %parallel_loop3A_718] {strides = array<i32>} : memref<200x128xf32, #tpu.memory_space<vmem>>, vector<1x16xf32>,
        %parallel_loop3A_720 = vector.shape_cast %parallel_loop3A_719 : vector<1x16xf32> to vector<16xf32>
        %parallel_loop3A_721 = vector.shape_cast %parallel_loop3A_716 : vector<16xf32> to vector<1x16xf32>
        tpu.vector_store %arg10[%parallel_loop3A_717, %parallel_loop3A_718], %parallel_loop3A_721 {strides = array<i32>} : memref<200x128xf32, #tpu.memory_space<vmem>>, vector<1x16xf32>,
        %parallel_loop3A_722 = arith.index_cast %parallel_loop3A_670 : i32 to index
        %parallel_loop3A_723 = arith.constant 48 : index
        %parallel_loop3A_724 = tpu.vector_load %arg10[%parallel_loop3A_722, %parallel_loop3A_723] {strides = array<i32>} : memref<200x128xf32, #tpu.memory_space<vmem>>, vector<1x16xf32>,
        %parallel_loop3A_725 = vector.shape_cast %parallel_loop3A_724 : vector<1x16xf32> to vector<16xf32>
        %parallel_loop3A_726 = arith.index_cast %parallel_loop3A_670 : i32 to index
        %parallel_loop3A_727 = arith.constant 48 : index
        %parallel_loop3A_728 = tpu.vector_load %arg6[%parallel_loop3A_726, %parallel_loop3A_727] {strides = array<i32>} : memref<200x128xf32, #tpu.memory_space<vmem>>, vector<1x16xf32>,
        %parallel_loop3A_729 = vector.shape_cast %parallel_loop3A_728 : vector<1x16xf32> to vector<16xf32>
        %parallel_loop3A_730 = arith.addf %parallel_loop3A_725, %parallel_loop3A_729 : vector<16xf32>
        %parallel_loop3A_731 = arith.constant 0.000000e+00 : f32
        %parallel_loop3A_732 = vector.broadcast %parallel_loop3A_731 : f32 to vector<16xf32>
        %parallel_loop3A_733 = arith.maximumf %parallel_loop3A_730, %parallel_loop3A_732 : vector<16xf32>
        %parallel_loop3A_734 = arith.index_cast %parallel_loop3A_670 : i32 to index
        %parallel_loop3A_735 = arith.constant 48 : index
        %parallel_loop3A_736 = tpu.vector_load %arg10[%parallel_loop3A_734, %parallel_loop3A_735] {strides = array<i32>} : memref<200x128xf32, #tpu.memory_space<vmem>>, vector<1x16xf32>,
        %parallel_loop3A_737 = vector.shape_cast %parallel_loop3A_736 : vector<1x16xf32> to vector<16xf32>
        %parallel_loop3A_738 = vector.shape_cast %parallel_loop3A_733 : vector<16xf32> to vector<1x16xf32>
        tpu.vector_store %arg10[%parallel_loop3A_734, %parallel_loop3A_735], %parallel_loop3A_738 {strides = array<i32>} : memref<200x128xf32, #tpu.memory_space<vmem>>, vector<1x16xf32>,
        %parallel_loop3A_739 = arith.index_cast %parallel_loop3A_670 : i32 to index
        %parallel_loop3A_740 = arith.constant 64 : index
        %parallel_loop3A_741 = tpu.vector_load %arg10[%parallel_loop3A_739, %parallel_loop3A_740] {strides = array<i32>} : memref<200x128xf32, #tpu.memory_space<vmem>>, vector<1x16xf32>,
        %parallel_loop3A_742 = vector.shape_cast %parallel_loop3A_741 : vector<1x16xf32> to vector<16xf32>
        %parallel_loop3A_743 = arith.index_cast %parallel_loop3A_670 : i32 to index
        %parallel_loop3A_744 = arith.constant 64 : index
        %parallel_loop3A_745 = tpu.vector_load %arg6[%parallel_loop3A_743, %parallel_loop3A_744] {strides = array<i32>} : memref<200x128xf32, #tpu.memory_space<vmem>>, vector<1x16xf32>,
        %parallel_loop3A_746 = vector.shape_cast %parallel_loop3A_745 : vector<1x16xf32> to vector<16xf32>
        %parallel_loop3A_747 = arith.addf %parallel_loop3A_742, %parallel_loop3A_746 : vector<16xf32>
        %parallel_loop3A_748 = arith.constant 0.000000e+00 : f32
        %parallel_loop3A_749 = vector.broadcast %parallel_loop3A_748 : f32 to vector<16xf32>
        %parallel_loop3A_750 = arith.maximumf %parallel_loop3A_747, %parallel_loop3A_749 : vector<16xf32>
        %parallel_loop3A_751 = arith.index_cast %parallel_loop3A_670 : i32 to index
        %parallel_loop3A_752 = arith.constant 64 : index
        %parallel_loop3A_753 = tpu.vector_load %arg10[%parallel_loop3A_751, %parallel_loop3A_752] {strides = array<i32>} : memref<200x128xf32, #tpu.memory_space<vmem>>, vector<1x16xf32>,
        %parallel_loop3A_754 = vector.shape_cast %parallel_loop3A_753 : vector<1x16xf32> to vector<16xf32>
        %parallel_loop3A_755 = vector.shape_cast %parallel_loop3A_750 : vector<16xf32> to vector<1x16xf32>
        tpu.vector_store %arg10[%parallel_loop3A_751, %parallel_loop3A_752], %parallel_loop3A_755 {strides = array<i32>} : memref<200x128xf32, #tpu.memory_space<vmem>>, vector<1x16xf32>,
        %parallel_loop3A_756 = arith.index_cast %parallel_loop3A_670 : i32 to index
        %parallel_loop3A_757 = arith.constant 80 : index
        %parallel_loop3A_758 = tpu.vector_load %arg10[%parallel_loop3A_756, %parallel_loop3A_757] {strides = array<i32>} : memref<200x128xf32, #tpu.memory_space<vmem>>, vector<1x16xf32>,
        %parallel_loop3A_759 = vector.shape_cast %parallel_loop3A_758 : vector<1x16xf32> to vector<16xf32>
        %parallel_loop3A_760 = arith.index_cast %parallel_loop3A_670 : i32 to index
        %parallel_loop3A_761 = arith.constant 80 : index
        %parallel_loop3A_762 = tpu.vector_load %arg6[%parallel_loop3A_760, %parallel_loop3A_761] {strides = array<i32>} : memref<200x128xf32, #tpu.memory_space<vmem>>, vector<1x16xf32>,
        %parallel_loop3A_763 = vector.shape_cast %parallel_loop3A_762 : vector<1x16xf32> to vector<16xf32>
        %parallel_loop3A_764 = arith.addf %parallel_loop3A_759, %parallel_loop3A_763 : vector<16xf32>
        %parallel_loop3A_765 = arith.constant 0.000000e+00 : f32
        %parallel_loop3A_766 = vector.broadcast %parallel_loop3A_765 : f32 to vector<16xf32>
        %parallel_loop3A_767 = arith.maximumf %parallel_loop3A_764, %parallel_loop3A_766 : vector<16xf32>
        %parallel_loop3A_768 = arith.index_cast %parallel_loop3A_670 : i32 to index
        %parallel_loop3A_769 = arith.constant 80 : index
        %parallel_loop3A_770 = tpu.vector_load %arg10[%parallel_loop3A_768, %parallel_loop3A_769] {strides = array<i32>} : memref<200x128xf32, #tpu.memory_space<vmem>>, vector<1x16xf32>,
        %parallel_loop3A_771 = vector.shape_cast %parallel_loop3A_770 : vector<1x16xf32> to vector<16xf32>
        %parallel_loop3A_772 = vector.shape_cast %parallel_loop3A_767 : vector<16xf32> to vector<1x16xf32>
        tpu.vector_store %arg10[%parallel_loop3A_768, %parallel_loop3A_769], %parallel_loop3A_772 {strides = array<i32>} : memref<200x128xf32, #tpu.memory_space<vmem>>, vector<1x16xf32>,
        %parallel_loop3A_773 = arith.index_cast %parallel_loop3A_670 : i32 to index
        %parallel_loop3A_774 = arith.constant 96 : index
        %parallel_loop3A_775 = tpu.vector_load %arg10[%parallel_loop3A_773, %parallel_loop3A_774] {strides = array<i32>} : memref<200x128xf32, #tpu.memory_space<vmem>>, vector<1x16xf32>,
        %parallel_loop3A_776 = vector.shape_cast %parallel_loop3A_775 : vector<1x16xf32> to vector<16xf32>
        %parallel_loop3A_777 = arith.index_cast %parallel_loop3A_670 : i32 to index
        %parallel_loop3A_778 = arith.constant 96 : index
        %parallel_loop3A_779 = tpu.vector_load %arg6[%parallel_loop3A_777, %parallel_loop3A_778] {strides = array<i32>} : memref<200x128xf32, #tpu.memory_space<vmem>>, vector<1x16xf32>,
        %parallel_loop3A_780 = vector.shape_cast %parallel_loop3A_779 : vector<1x16xf32> to vector<16xf32>
        %parallel_loop3A_781 = arith.addf %parallel_loop3A_776, %parallel_loop3A_780 : vector<16xf32>
        %parallel_loop3A_782 = arith.constant 0.000000e+00 : f32
        %parallel_loop3A_783 = vector.broadcast %parallel_loop3A_782 : f32 to vector<16xf32>
        %parallel_loop3A_784 = arith.maximumf %parallel_loop3A_781, %parallel_loop3A_783 : vector<16xf32>
        %parallel_loop3A_785 = arith.index_cast %parallel_loop3A_670 : i32 to index
        %parallel_loop3A_786 = arith.constant 96 : index
        %parallel_loop3A_787 = tpu.vector_load %arg10[%parallel_loop3A_785, %parallel_loop3A_786] {strides = array<i32>} : memref<200x128xf32, #tpu.memory_space<vmem>>, vector<1x16xf32>,
        %parallel_loop3A_788 = vector.shape_cast %parallel_loop3A_787 : vector<1x16xf32> to vector<16xf32>
        %parallel_loop3A_789 = vector.shape_cast %parallel_loop3A_784 : vector<16xf32> to vector<1x16xf32>
        tpu.vector_store %arg10[%parallel_loop3A_785, %parallel_loop3A_786], %parallel_loop3A_789 {strides = array<i32>} : memref<200x128xf32, #tpu.memory_space<vmem>>, vector<1x16xf32>,
        %parallel_loop3A_790 = arith.index_cast %parallel_loop3A_670 : i32 to index
        %parallel_loop3A_791 = arith.constant 112 : index
        %parallel_loop3A_792 = tpu.vector_load %arg10[%parallel_loop3A_790, %parallel_loop3A_791] {strides = array<i32>} : memref<200x128xf32, #tpu.memory_space<vmem>>, vector<1x16xf32>,
        %parallel_loop3A_793 = vector.shape_cast %parallel_loop3A_792 : vector<1x16xf32> to vector<16xf32>
        %parallel_loop3A_794 = arith.index_cast %parallel_loop3A_670 : i32 to index
        %parallel_loop3A_795 = arith.constant 112 : index
        %parallel_loop3A_796 = tpu.vector_load %arg6[%parallel_loop3A_794, %parallel_loop3A_795] {strides = array<i32>} : memref<200x128xf32, #tpu.memory_space<vmem>>, vector<1x16xf32>,
        %parallel_loop3A_797 = vector.shape_cast %parallel_loop3A_796 : vector<1x16xf32> to vector<16xf32>
        %parallel_loop3A_798 = arith.addf %parallel_loop3A_793, %parallel_loop3A_797 : vector<16xf32>
        %parallel_loop3A_799 = arith.constant 0.000000e+00 : f32
        %parallel_loop3A_800 = vector.broadcast %parallel_loop3A_799 : f32 to vector<16xf32>
        %parallel_loop3A_801 = arith.maximumf %parallel_loop3A_798, %parallel_loop3A_800 : vector<16xf32>
        %parallel_loop3A_802 = arith.index_cast %parallel_loop3A_670 : i32 to index
        %parallel_loop3A_803 = arith.constant 112 : index
        %parallel_loop3A_804 = tpu.vector_load %arg10[%parallel_loop3A_802, %parallel_loop3A_803] {strides = array<i32>} : memref<200x128xf32, #tpu.memory_space<vmem>>, vector<1x16xf32>,
        %parallel_loop3A_805 = vector.shape_cast %parallel_loop3A_804 : vector<1x16xf32> to vector<16xf32>
        %parallel_loop3A_806 = vector.shape_cast %parallel_loop3A_801 : vector<16xf32> to vector<1x16xf32>
        tpu.vector_store %arg10[%parallel_loop3A_802, %parallel_loop3A_803], %parallel_loop3A_806 {strides = array<i32>} : memref<200x128xf32, #tpu.memory_space<vmem>>, vector<1x16xf32>,
      } {sc.loop_unroll_factor = 4 : i64, sc.parallel_access}
      %mul3A_543 = arith.constant 200 : i32
      %mul3A_544 = arith.muli %add3A_493, %mul3A_543 : i32
      %add3A_545 = arith.addi %mul3A_2, %mul3A_544 : i32
      %multiple_of3A_546 = tpu.assume_multiple %add3A_545, 8 : i32
      %dma_start3A_547 = arith.constant 0 : i32
      %dma_start3A_548 = tpu.memref_slice %arg5[%multiple_of3A_546, %dma_start3A_547] : memref<204800x128xf32, #tpu.memory_space<hbm>> -> memref<200x128xf32, #tpu.memory_space<hbm>>
      %dma_start3A_549 = arith.constant 0 : i32
      %dma_start3A_550 = tpu.memref_slice %arg5[%multiple_of3A_546, %dma_start3A_549] : memref<204800x128xf32, #tpu.memory_space<hbm>> -> memref<200x128xf32, #tpu.memory_space<hbm>>
      tpu.enqueue_dma source(%arg10 : memref<200x128xf32, #tpu.memory_space<vmem>>) target(%dma_start3A_550 : memref<200x128xf32, #tpu.memory_space<hbm>>) target_semaphore(%arg22 : memref<!tpu.dma_semaphore, #tpu.memory_space<semaphore_mem>>)
      %add3A_551 = arith.constant 2 : i32
      %add3A_552 = arith.addi %add3A_434, %add3A_551 : i32
      %dma_wait3A_553 = arith.constant 0 : i32
      %dma_wait3A_554 = arith.constant 0 : i32
      %dma_wait3A_555 = tpu.memref_slice %arg7[%dma_wait3A_553, %dma_wait3A_554] : memref<200x128xf32, #tpu.memory_space<vmem>> -> memref<128x128xf32, #tpu.memory_space<vmem>>
      %dma_wait3A_556 = arith.constant 0 : i32
      %dma_wait3A_557 = tpu.memref_slice %arg11[%dma_wait3A_556] : memref<200xi32, #tpu.memory_space<vmem>> -> memref<128xi32, #tpu.memory_space<vmem>>
      %dma_wait3A_558 = arith.constant 0 : i32
      %dma_wait3A_559 = arith.constant 0 : i32
      %dma_wait3A_560 = tpu.memref_slice %arg3[%dma_wait3A_558, %dma_wait3A_559] : memref<100000x128xf32, #tpu.memory_space<hbm>> -> memref<100000x128xf32, #tpu.memory_space<hbm>>
      tpu.wait_indirect_dma semaphore(%arg15 : memref<!tpu.dma_semaphore, #tpu.memory_space<semaphore_mem>>) src(%dma_wait3A_560 : memref<100000x128xf32, #tpu.memory_space<hbm>>) dst(%dma_wait3A_555 : memref<128x128xf32, #tpu.memory_space<vmem>>)
      %dma_wait3A_561 = arith.constant 128 : i32
      %dma_wait3A_562 = arith.constant 0 : i32
      %dma_wait3A_563 = tpu.memref_slice %arg7[%dma_wait3A_561, %dma_wait3A_562] : memref<200x128xf32, #tpu.memory_space<vmem>> -> memref<72x128xf32, #tpu.memory_space<vmem>>
      %dma_wait3A_564 = arith.constant 128 : i32
      %dma_wait3A_565 = tpu.memref_slice %arg11[%dma_wait3A_564] : memref<200xi32, #tpu.memory_space<vmem>> -> memref<72xi32, #tpu.memory_space<vmem>>
      %dma_wait3A_566 = arith.constant 0 : i32
      %dma_wait3A_567 = arith.constant 0 : i32
      %dma_wait3A_568 = tpu.memref_slice %arg3[%dma_wait3A_566, %dma_wait3A_567] : memref<100000x128xf32, #tpu.memory_space<hbm>> -> memref<100000x128xf32, #tpu.memory_space<hbm>>
      tpu.wait_indirect_dma semaphore(%arg15 : memref<!tpu.dma_semaphore, #tpu.memory_space<semaphore_mem>>) src(%dma_wait3A_568 : memref<100000x128xf32, #tpu.memory_space<hbm>>) dst(%dma_wait3A_563 : memref<72x128xf32, #tpu.memory_space<vmem>>)
      %add3A_569 = arith.constant 4 : i32
      %add3A_570 = arith.addi %add3A_552, %add3A_569 : i32
      %mul3A_571 = arith.constant 200 : i32
      %mul3A_572 = arith.muli %add3A_570, %mul3A_571 : i32
      %add3A_573 = arith.addi %mul3A_2, %mul3A_572 : i32
      %multiple_of3A_574 = tpu.assume_multiple %add3A_573, 8 : i32
      %dma_start3A_575 = tpu.memref_slice %arg2[%multiple_of3A_574] : memref<204800xi32, #tpu.memory_space<hbm>> -> memref<200xi32, #tpu.memory_space<hbm>>
      %dma_start3A_576 = tpu.memref_slice %arg2[%multiple_of3A_574] : memref<204800xi32, #tpu.memory_space<hbm>> -> memref<200xi32, #tpu.memory_space<hbm>>
      tpu.enqueue_dma source(%dma_start3A_576 : memref<200xi32, #tpu.memory_space<hbm>>) target(%arg11 : memref<200xi32, #tpu.memory_space<vmem>>) target_semaphore(%arg23 : memref<!tpu.dma_semaphore, #tpu.memory_space<semaphore_mem>>)
      %dma_wait3A_577 = arith.constant 0 : i32
      %dma_wait3A_578 = tpu.memref_slice %arg5[%mul3A_2, %dma_wait3A_577] : memref<204800x128xf32, #tpu.memory_space<hbm>> -> memref<200x128xf32, #tpu.memory_space<hbm>>
      %dma_wait3A_579 = arith.constant 0 : i32
      %dma_wait3A_580 = tpu.memref_slice %arg5[%mul3A_2, %dma_wait3A_579] : memref<204800x128xf32, #tpu.memory_space<hbm>> -> memref<200x128xf32, #tpu.memory_space<hbm>>
      tpu.wait_dma2 semaphore(%arg21 : memref<!tpu.dma_semaphore, #tpu.memory_space<semaphore_mem>>) src(%arg9 : memref<200x128xf32, #tpu.memory_space<vmem>>) dst(%dma_wait3A_580 : memref<200x128xf32, #tpu.memory_space<hbm>>)
      %dma_wait3A_581 = tpu.memref_slice %arg2[%mul3A_2] : memref<204800xi32, #tpu.memory_space<hbm>> -> memref<200xi32, #tpu.memory_space<hbm>>
      %dma_wait3A_582 = tpu.memref_slice %arg2[%mul3A_2] : memref<204800xi32, #tpu.memory_space<hbm>> -> memref<200xi32, #tpu.memory_space<hbm>>
      tpu.wait_dma2 semaphore(%arg25 : memref<!tpu.dma_semaphore, #tpu.memory_space<semaphore_mem>>) src(%dma_wait3A_582 : memref<200xi32, #tpu.memory_space<hbm>>) dst(%arg13 : memref<200xi32, #tpu.memory_space<vmem>>)
      %dma_start3A_583 = arith.constant 0 : i32
      %dma_start3A_584 = arith.constant 0 : i32
      %dma_start3A_585 = tpu.memref_slice %arg9[%dma_start3A_583, %dma_start3A_584] : memref<200x128xf32, #tpu.memory_space<vmem>> -> memref<128x128xf32, #tpu.memory_space<vmem>>
      %dma_start3A_586 = arith.constant 0 : i32
      %dma_start3A_587 = tpu.memref_slice %arg13[%dma_start3A_586] : memref<200xi32, #tpu.memory_space<vmem>> -> memref<128xi32, #tpu.memory_space<vmem>>
      %dma_start3A_588 = arith.constant 0 : i32
      %dma_start3A_589 = arith.constant 0 : i32
      %dma_start3A_590 = tpu.memref_slice %arg3[%dma_start3A_588, %dma_start3A_589] : memref<100000x128xf32, #tpu.memory_space<hbm>> -> memref<100000x128xf32, #tpu.memory_space<hbm>>
      tpu.enqueue_indirect_dma source(%dma_start3A_590 : memref<100000x128xf32, #tpu.memory_space<hbm>>) target(%dma_start3A_585 : memref<128x128xf32, #tpu.memory_space<vmem>>) offsets(%dma_start3A_587 : memref<128xi32, #tpu.memory_space<vmem>>) semaphore(%arg17 : memref<!tpu.dma_semaphore, #tpu.memory_space<semaphore_mem>>)
      %dma_start3A_591 = arith.constant 128 : i32
      %dma_start3A_592 = arith.constant 0 : i32
      %dma_start3A_593 = tpu.memref_slice %arg9[%dma_start3A_591, %dma_start3A_592] : memref<200x128xf32, #tpu.memory_space<vmem>> -> memref<72x128xf32, #tpu.memory_space<vmem>>
      %dma_start3A_594 = arith.constant 128 : i32
      %dma_start3A_595 = tpu.memref_slice %arg13[%dma_start3A_594] : memref<200xi32, #tpu.memory_space<vmem>> -> memref<72xi32, #tpu.memory_space<vmem>>
      %dma_start3A_596 = arith.constant 0 : i32
      %dma_start3A_597 = arith.constant 0 : i32
      %dma_start3A_598 = tpu.memref_slice %arg3[%dma_start3A_596, %dma_start3A_597] : memref<100000x128xf32, #tpu.memory_space<hbm>> -> memref<100000x128xf32, #tpu.memory_space<hbm>>
      tpu.enqueue_indirect_dma source(%dma_start3A_598 : memref<100000x128xf32, #tpu.memory_space<hbm>>) target(%dma_start3A_593 : memref<72x128xf32, #tpu.memory_space<vmem>>) offsets(%dma_start3A_595 : memref<72xi32, #tpu.memory_space<vmem>>) semaphore(%arg17 : memref<!tpu.dma_semaphore, #tpu.memory_space<semaphore_mem>>)
      %parallel_loop3A_599 = arith.constant 0 : i32
      %parallel_loop3A_600 = arith.constant 200 : i32
      %parallel_loop3A_601 = arith.constant 1 : i32
      scf.for %parallel_loop3A_670 = %parallel_loop3A_599 to %parallel_loop3A_600 step %parallel_loop3A_601  : i32 {
        %parallel_loop3A_671 = arith.index_cast %parallel_loop3A_670 : i32 to index
        %parallel_loop3A_672 = arith.constant 0 : index
        %parallel_loop3A_673 = tpu.vector_load %arg7[%parallel_loop3A_671, %parallel_loop3A_672] {strides = array<i32>} : memref<200x128xf32, #tpu.memory_space<vmem>>, vector<1x16xf32>,
        %parallel_loop3A_674 = vector.shape_cast %parallel_loop3A_673 : vector<1x16xf32> to vector<16xf32>
        %parallel_loop3A_675 = arith.index_cast %parallel_loop3A_670 : i32 to index
        %parallel_loop3A_676 = arith.constant 0 : index
        %parallel_loop3A_677 = tpu.vector_load %arg6[%parallel_loop3A_675, %parallel_loop3A_676] {strides = array<i32>} : memref<200x128xf32, #tpu.memory_space<vmem>>, vector<1x16xf32>,
        %parallel_loop3A_678 = vector.shape_cast %parallel_loop3A_677 : vector<1x16xf32> to vector<16xf32>
        %parallel_loop3A_679 = arith.addf %parallel_loop3A_674, %parallel_loop3A_678 : vector<16xf32>
        %parallel_loop3A_680 = arith.constant 0.000000e+00 : f32
        %parallel_loop3A_681 = vector.broadcast %parallel_loop3A_680 : f32 to vector<16xf32>
        %parallel_loop3A_682 = arith.maximumf %parallel_loop3A_679, %parallel_loop3A_681 : vector<16xf32>
        %parallel_loop3A_683 = arith.index_cast %parallel_loop3A_670 : i32 to index
        %parallel_loop3A_684 = arith.constant 0 : index
        %parallel_loop3A_685 = tpu.vector_load %arg7[%parallel_loop3A_683, %parallel_loop3A_684] {strides = array<i32>} : memref<200x128xf32, #tpu.memory_space<vmem>>, vector<1x16xf32>,
        %parallel_loop3A_686 = vector.shape_cast %parallel_loop3A_685 : vector<1x16xf32> to vector<16xf32>
        %parallel_loop3A_687 = vector.shape_cast %parallel_loop3A_682 : vector<16xf32> to vector<1x16xf32>
        tpu.vector_store %arg7[%parallel_loop3A_683, %parallel_loop3A_684], %parallel_loop3A_687 {strides = array<i32>} : memref<200x128xf32, #tpu.memory_space<vmem>>, vector<1x16xf32>,
        %parallel_loop3A_688 = arith.index_cast %parallel_loop3A_670 : i32 to index
        %parallel_loop3A_689 = arith.constant 16 : index
        %parallel_loop3A_690 = tpu.vector_load %arg7[%parallel_loop3A_688, %parallel_loop3A_689] {strides = array<i32>} : memref<200x128xf32, #tpu.memory_space<vmem>>, vector<1x16xf32>,
        %parallel_loop3A_691 = vector.shape_cast %parallel_loop3A_690 : vector<1x16xf32> to vector<16xf32>
        %parallel_loop3A_692 = arith.index_cast %parallel_loop3A_670 : i32 to index
        %parallel_loop3A_693 = arith.constant 16 : index
        %parallel_loop3A_694 = tpu.vector_load %arg6[%parallel_loop3A_692, %parallel_loop3A_693] {strides = array<i32>} : memref<200x128xf32, #tpu.memory_space<vmem>>, vector<1x16xf32>,
        %parallel_loop3A_695 = vector.shape_cast %parallel_loop3A_694 : vector<1x16xf32> to vector<16xf32>
        %parallel_loop3A_696 = arith.addf %parallel_loop3A_691, %parallel_loop3A_695 : vector<16xf32>
        %parallel_loop3A_697 = arith.constant 0.000000e+00 : f32
        %parallel_loop3A_698 = vector.broadcast %parallel_loop3A_697 : f32 to vector<16xf32>
        %parallel_loop3A_699 = arith.maximumf %parallel_loop3A_696, %parallel_loop3A_698 : vector<16xf32>
        %parallel_loop3A_700 = arith.index_cast %parallel_loop3A_670 : i32 to index
        %parallel_loop3A_701 = arith.constant 16 : index
        %parallel_loop3A_702 = tpu.vector_load %arg7[%parallel_loop3A_700, %parallel_loop3A_701] {strides = array<i32>} : memref<200x128xf32, #tpu.memory_space<vmem>>, vector<1x16xf32>,
        %parallel_loop3A_703 = vector.shape_cast %parallel_loop3A_702 : vector<1x16xf32> to vector<16xf32>
        %parallel_loop3A_704 = vector.shape_cast %parallel_loop3A_699 : vector<16xf32> to vector<1x16xf32>
        tpu.vector_store %arg7[%parallel_loop3A_700, %parallel_loop3A_701], %parallel_loop3A_704 {strides = array<i32>} : memref<200x128xf32, #tpu.memory_space<vmem>>, vector<1x16xf32>,
        %parallel_loop3A_705 = arith.index_cast %parallel_loop3A_670 : i32 to index
        %parallel_loop3A_706 = arith.constant 32 : index
        %parallel_loop3A_707 = tpu.vector_load %arg7[%parallel_loop3A_705, %parallel_loop3A_706] {strides = array<i32>} : memref<200x128xf32, #tpu.memory_space<vmem>>, vector<1x16xf32>,
        %parallel_loop3A_708 = vector.shape_cast %parallel_loop3A_707 : vector<1x16xf32> to vector<16xf32>
        %parallel_loop3A_709 = arith.index_cast %parallel_loop3A_670 : i32 to index
        %parallel_loop3A_710 = arith.constant 32 : index
        %parallel_loop3A_711 = tpu.vector_load %arg6[%parallel_loop3A_709, %parallel_loop3A_710] {strides = array<i32>} : memref<200x128xf32, #tpu.memory_space<vmem>>, vector<1x16xf32>,
        %parallel_loop3A_712 = vector.shape_cast %parallel_loop3A_711 : vector<1x16xf32> to vector<16xf32>
        %parallel_loop3A_713 = arith.addf %parallel_loop3A_708, %parallel_loop3A_712 : vector<16xf32>
        %parallel_loop3A_714 = arith.constant 0.000000e+00 : f32
        %parallel_loop3A_715 = vector.broadcast %parallel_loop3A_714 : f32 to vector<16xf32>
        %parallel_loop3A_716 = arith.maximumf %parallel_loop3A_713, %parallel_loop3A_715 : vector<16xf32>
        %parallel_loop3A_717 = arith.index_cast %parallel_loop3A_670 : i32 to index
        %parallel_loop3A_718 = arith.constant 32 : index
        %parallel_loop3A_719 = tpu.vector_load %arg7[%parallel_loop3A_717, %parallel_loop3A_718] {strides = array<i32>} : memref<200x128xf32, #tpu.memory_space<vmem>>, vector<1x16xf32>,
        %parallel_loop3A_720 = vector.shape_cast %parallel_loop3A_719 : vector<1x16xf32> to vector<16xf32>
        %parallel_loop3A_721 = vector.shape_cast %parallel_loop3A_716 : vector<16xf32> to vector<1x16xf32>
        tpu.vector_store %arg7[%parallel_loop3A_717, %parallel_loop3A_718], %parallel_loop3A_721 {strides = array<i32>} : memref<200x128xf32, #tpu.memory_space<vmem>>, vector<1x16xf32>,
        %parallel_loop3A_722 = arith.index_cast %parallel_loop3A_670 : i32 to index
        %parallel_loop3A_723 = arith.constant 48 : index
        %parallel_loop3A_724 = tpu.vector_load %arg7[%parallel_loop3A_722, %parallel_loop3A_723] {strides = array<i32>} : memref<200x128xf32, #tpu.memory_space<vmem>>, vector<1x16xf32>,
        %parallel_loop3A_725 = vector.shape_cast %parallel_loop3A_724 : vector<1x16xf32> to vector<16xf32>
        %parallel_loop3A_726 = arith.index_cast %parallel_loop3A_670 : i32 to index
        %parallel_loop3A_727 = arith.constant 48 : index
        %parallel_loop3A_728 = tpu.vector_load %arg6[%parallel_loop3A_726, %parallel_loop3A_727] {strides = array<i32>} : memref<200x128xf32, #tpu.memory_space<vmem>>, vector<1x16xf32>,
        %parallel_loop3A_729 = vector.shape_cast %parallel_loop3A_728 : vector<1x16xf32> to vector<16xf32>
        %parallel_loop3A_730 = arith.addf %parallel_loop3A_725, %parallel_loop3A_729 : vector<16xf32>
        %parallel_loop3A_731 = arith.constant 0.000000e+00 : f32
        %parallel_loop3A_732 = vector.broadcast %parallel_loop3A_731 : f32 to vector<16xf32>
        %parallel_loop3A_733 = arith.maximumf %parallel_loop3A_730, %parallel_loop3A_732 : vector<16xf32>
        %parallel_loop3A_734 = arith.index_cast %parallel_loop3A_670 : i32 to index
        %parallel_loop3A_735 = arith.constant 48 : index
        %parallel_loop3A_736 = tpu.vector_load %arg7[%parallel_loop3A_734, %parallel_loop3A_735] {strides = array<i32>} : memref<200x128xf32, #tpu.memory_space<vmem>>, vector<1x16xf32>,
        %parallel_loop3A_737 = vector.shape_cast %parallel_loop3A_736 : vector<1x16xf32> to vector<16xf32>
        %parallel_loop3A_738 = vector.shape_cast %parallel_loop3A_733 : vector<16xf32> to vector<1x16xf32>
        tpu.vector_store %arg7[%parallel_loop3A_734, %parallel_loop3A_735], %parallel_loop3A_738 {strides = array<i32>} : memref<200x128xf32, #tpu.memory_space<vmem>>, vector<1x16xf32>,
        %parallel_loop3A_739 = arith.index_cast %parallel_loop3A_670 : i32 to index
        %parallel_loop3A_740 = arith.constant 64 : index
        %parallel_loop3A_741 = tpu.vector_load %arg7[%parallel_loop3A_739, %parallel_loop3A_740] {strides = array<i32>} : memref<200x128xf32, #tpu.memory_space<vmem>>, vector<1x16xf32>,
        %parallel_loop3A_742 = vector.shape_cast %parallel_loop3A_741 : vector<1x16xf32> to vector<16xf32>
        %parallel_loop3A_743 = arith.index_cast %parallel_loop3A_670 : i32 to index
        %parallel_loop3A_744 = arith.constant 64 : index
        %parallel_loop3A_745 = tpu.vector_load %arg6[%parallel_loop3A_743, %parallel_loop3A_744] {strides = array<i32>} : memref<200x128xf32, #tpu.memory_space<vmem>>, vector<1x16xf32>,
        %parallel_loop3A_746 = vector.shape_cast %parallel_loop3A_745 : vector<1x16xf32> to vector<16xf32>
        %parallel_loop3A_747 = arith.addf %parallel_loop3A_742, %parallel_loop3A_746 : vector<16xf32>
        %parallel_loop3A_748 = arith.constant 0.000000e+00 : f32
        %parallel_loop3A_749 = vector.broadcast %parallel_loop3A_748 : f32 to vector<16xf32>
        %parallel_loop3A_750 = arith.maximumf %parallel_loop3A_747, %parallel_loop3A_749 : vector<16xf32>
        %parallel_loop3A_751 = arith.index_cast %parallel_loop3A_670 : i32 to index
        %parallel_loop3A_752 = arith.constant 64 : index
        %parallel_loop3A_753 = tpu.vector_load %arg7[%parallel_loop3A_751, %parallel_loop3A_752] {strides = array<i32>} : memref<200x128xf32, #tpu.memory_space<vmem>>, vector<1x16xf32>,
        %parallel_loop3A_754 = vector.shape_cast %parallel_loop3A_753 : vector<1x16xf32> to vector<16xf32>
        %parallel_loop3A_755 = vector.shape_cast %parallel_loop3A_750 : vector<16xf32> to vector<1x16xf32>
        tpu.vector_store %arg7[%parallel_loop3A_751, %parallel_loop3A_752], %parallel_loop3A_755 {strides = array<i32>} : memref<200x128xf32, #tpu.memory_space<vmem>>, vector<1x16xf32>,
        %parallel_loop3A_756 = arith.index_cast %parallel_loop3A_670 : i32 to index
        %parallel_loop3A_757 = arith.constant 80 : index
        %parallel_loop3A_758 = tpu.vector_load %arg7[%parallel_loop3A_756, %parallel_loop3A_757] {strides = array<i32>} : memref<200x128xf32, #tpu.memory_space<vmem>>, vector<1x16xf32>,
        %parallel_loop3A_759 = vector.shape_cast %parallel_loop3A_758 : vector<1x16xf32> to vector<16xf32>
        %parallel_loop3A_760 = arith.index_cast %parallel_loop3A_670 : i32 to index
        %parallel_loop3A_761 = arith.constant 80 : index
        %parallel_loop3A_762 = tpu.vector_load %arg6[%parallel_loop3A_760, %parallel_loop3A_761] {strides = array<i32>} : memref<200x128xf32, #tpu.memory_space<vmem>>, vector<1x16xf32>,
        %parallel_loop3A_763 = vector.shape_cast %parallel_loop3A_762 : vector<1x16xf32> to vector<16xf32>
        %parallel_loop3A_764 = arith.addf %parallel_loop3A_759, %parallel_loop3A_763 : vector<16xf32>
        %parallel_loop3A_765 = arith.constant 0.000000e+00 : f32
        %parallel_loop3A_766 = vector.broadcast %parallel_loop3A_765 : f32 to vector<16xf32>
        %parallel_loop3A_767 = arith.maximumf %parallel_loop3A_764, %parallel_loop3A_766 : vector<16xf32>
        %parallel_loop3A_768 = arith.index_cast %parallel_loop3A_670 : i32 to index
        %parallel_loop3A_769 = arith.constant 80 : index
        %parallel_loop3A_770 = tpu.vector_load %arg7[%parallel_loop3A_768, %parallel_loop3A_769] {strides = array<i32>} : memref<200x128xf32, #tpu.memory_space<vmem>>, vector<1x16xf32>,
        %parallel_loop3A_771 = vector.shape_cast %parallel_loop3A_770 : vector<1x16xf32> to vector<16xf32>
        %parallel_loop3A_772 = vector.shape_cast %parallel_loop3A_767 : vector<16xf32> to vector<1x16xf32>
        tpu.vector_store %arg7[%parallel_loop3A_768, %parallel_loop3A_769], %parallel_loop3A_772 {strides = array<i32>} : memref<200x128xf32, #tpu.memory_space<vmem>>, vector<1x16xf32>,
        %parallel_loop3A_773 = arith.index_cast %parallel_loop3A_670 : i32 to index
        %parallel_loop3A_774 = arith.constant 96 : index
        %parallel_loop3A_775 = tpu.vector_load %arg7[%parallel_loop3A_773, %parallel_loop3A_774] {strides = array<i32>} : memref<200x128xf32, #tpu.memory_space<vmem>>, vector<1x16xf32>,
        %parallel_loop3A_776 = vector.shape_cast %parallel_loop3A_775 : vector<1x16xf32> to vector<16xf32>
        %parallel_loop3A_777 = arith.index_cast %parallel_loop3A_670 : i32 to index
        %parallel_loop3A_778 = arith.constant 96 : index
        %parallel_loop3A_779 = tpu.vector_load %arg6[%parallel_loop3A_777, %parallel_loop3A_778] {strides = array<i32>} : memref<200x128xf32, #tpu.memory_space<vmem>>, vector<1x16xf32>,
        %parallel_loop3A_780 = vector.shape_cast %parallel_loop3A_779 : vector<1x16xf32> to vector<16xf32>
        %parallel_loop3A_781 = arith.addf %parallel_loop3A_776, %parallel_loop3A_780 : vector<16xf32>
        %parallel_loop3A_782 = arith.constant 0.000000e+00 : f32
        %parallel_loop3A_783 = vector.broadcast %parallel_loop3A_782 : f32 to vector<16xf32>
        %parallel_loop3A_784 = arith.maximumf %parallel_loop3A_781, %parallel_loop3A_783 : vector<16xf32>
        %parallel_loop3A_785 = arith.index_cast %parallel_loop3A_670 : i32 to index
        %parallel_loop3A_786 = arith.constant 96 : index
        %parallel_loop3A_787 = tpu.vector_load %arg7[%parallel_loop3A_785, %parallel_loop3A_786] {strides = array<i32>} : memref<200x128xf32, #tpu.memory_space<vmem>>, vector<1x16xf32>,
        %parallel_loop3A_788 = vector.shape_cast %parallel_loop3A_787 : vector<1x16xf32> to vector<16xf32>
        %parallel_loop3A_789 = vector.shape_cast %parallel_loop3A_784 : vector<16xf32> to vector<1x16xf32>
        tpu.vector_store %arg7[%parallel_loop3A_785, %parallel_loop3A_786], %parallel_loop3A_789 {strides = array<i32>} : memref<200x128xf32, #tpu.memory_space<vmem>>, vector<1x16xf32>,
        %parallel_loop3A_790 = arith.index_cast %parallel_loop3A_670 : i32 to index
        %parallel_loop3A_791 = arith.constant 112 : index
        %parallel_loop3A_792 = tpu.vector_load %arg7[%parallel_loop3A_790, %parallel_loop3A_791] {strides = array<i32>} : memref<200x128xf32, #tpu.memory_space<vmem>>, vector<1x16xf32>,
        %parallel_loop3A_793 = vector.shape_cast %parallel_loop3A_792 : vector<1x16xf32> to vector<16xf32>
        %parallel_loop3A_794 = arith.index_cast %parallel_loop3A_670 : i32 to index
        %parallel_loop3A_795 = arith.constant 112 : index
        %parallel_loop3A_796 = tpu.vector_load %arg6[%parallel_loop3A_794, %parallel_loop3A_795] {strides = array<i32>} : memref<200x128xf32, #tpu.memory_space<vmem>>, vector<1x16xf32>,
        %parallel_loop3A_797 = vector.shape_cast %parallel_loop3A_796 : vector<1x16xf32> to vector<16xf32>
        %parallel_loop3A_798 = arith.addf %parallel_loop3A_793, %parallel_loop3A_797 : vector<16xf32>
        %parallel_loop3A_799 = arith.constant 0.000000e+00 : f32
        %parallel_loop3A_800 = vector.broadcast %parallel_loop3A_799 : f32 to vector<16xf32>
        %parallel_loop3A_801 = arith.maximumf %parallel_loop3A_798, %parallel_loop3A_800 : vector<16xf32>
        %parallel_loop3A_802 = arith.index_cast %parallel_loop3A_670 : i32 to index
        %parallel_loop3A_803 = arith.constant 112 : index
        %parallel_loop3A_804 = tpu.vector_load %arg7[%parallel_loop3A_802, %parallel_loop3A_803] {strides = array<i32>} : memref<200x128xf32, #tpu.memory_space<vmem>>, vector<1x16xf32>,
        %parallel_loop3A_805 = vector.shape_cast %parallel_loop3A_804 : vector<1x16xf32> to vector<16xf32>
        %parallel_loop3A_806 = vector.shape_cast %parallel_loop3A_801 : vector<16xf32> to vector<1x16xf32>
        tpu.vector_store %arg7[%parallel_loop3A_802, %parallel_loop3A_803], %parallel_loop3A_806 {strides = array<i32>} : memref<200x128xf32, #tpu.memory_space<vmem>>, vector<1x16xf32>,
      } {sc.loop_unroll_factor = 4 : i64, sc.parallel_access}
      %mul3A_602 = arith.constant 200 : i32
      %mul3A_603 = arith.muli %add3A_552, %mul3A_602 : i32
      %add3A_604 = arith.addi %mul3A_2, %mul3A_603 : i32
      %multiple_of3A_605 = tpu.assume_multiple %add3A_604, 8 : i32
      %dma_start3A_606 = arith.constant 0 : i32
      %dma_start3A_607 = tpu.memref_slice %arg5[%multiple_of3A_605, %dma_start3A_606] : memref<204800x128xf32, #tpu.memory_space<hbm>> -> memref<200x128xf32, #tpu.memory_space<hbm>>
      %dma_start3A_608 = arith.constant 0 : i32
      %dma_start3A_609 = tpu.memref_slice %arg5[%multiple_of3A_605, %dma_start3A_608] : memref<204800x128xf32, #tpu.memory_space<hbm>> -> memref<200x128xf32, #tpu.memory_space<hbm>>
      tpu.enqueue_dma source(%arg7 : memref<200x128xf32, #tpu.memory_space<vmem>>) target(%dma_start3A_609 : memref<200x128xf32, #tpu.memory_space<hbm>>) target_semaphore(%arg19 : memref<!tpu.dma_semaphore, #tpu.memory_space<semaphore_mem>>)
      %add3A_610 = arith.constant 3 : i32
      %add3A_611 = arith.addi %add3A_434, %add3A_610 : i32
      %dma_wait3A_612 = arith.constant 0 : i32
      %dma_wait3A_613 = arith.constant 0 : i32
      %dma_wait3A_614 = tpu.memref_slice %arg8[%dma_wait3A_612, %dma_wait3A_613] : memref<200x128xf32, #tpu.memory_space<vmem>> -> memref<128x128xf32, #tpu.memory_space<vmem>>
      %dma_wait3A_615 = arith.constant 0 : i32
      %dma_wait3A_616 = tpu.memref_slice %arg12[%dma_wait3A_615] : memref<200xi32, #tpu.memory_space<vmem>> -> memref<128xi32, #tpu.memory_space<vmem>>
      %dma_wait3A_617 = arith.constant 0 : i32
      %dma_wait3A_618 = arith.constant 0 : i32
      %dma_wait3A_619 = tpu.memref_slice %arg3[%dma_wait3A_617, %dma_wait3A_618] : memref<100000x128xf32, #tpu.memory_space<hbm>> -> memref<100000x128xf32, #tpu.memory_space<hbm>>
      tpu.wait_indirect_dma semaphore(%arg16 : memref<!tpu.dma_semaphore, #tpu.memory_space<semaphore_mem>>) src(%dma_wait3A_619 : memref<100000x128xf32, #tpu.memory_space<hbm>>) dst(%dma_wait3A_614 : memref<128x128xf32, #tpu.memory_space<vmem>>)
      %dma_wait3A_620 = arith.constant 128 : i32
      %dma_wait3A_621 = arith.constant 0 : i32
      %dma_wait3A_622 = tpu.memref_slice %arg8[%dma_wait3A_620, %dma_wait3A_621] : memref<200x128xf32, #tpu.memory_space<vmem>> -> memref<72x128xf32, #tpu.memory_space<vmem>>
      %dma_wait3A_623 = arith.constant 128 : i32
      %dma_wait3A_624 = tpu.memref_slice %arg12[%dma_wait3A_623] : memref<200xi32, #tpu.memory_space<vmem>> -> memref<72xi32, #tpu.memory_space<vmem>>
      %dma_wait3A_625 = arith.constant 0 : i32
      %dma_wait3A_626 = arith.constant 0 : i32
      %dma_wait3A_627 = tpu.memref_slice %arg3[%dma_wait3A_625, %dma_wait3A_626] : memref<100000x128xf32, #tpu.memory_space<hbm>> -> memref<100000x128xf32, #tpu.memory_space<hbm>>
      tpu.wait_indirect_dma semaphore(%arg16 : memref<!tpu.dma_semaphore, #tpu.memory_space<semaphore_mem>>) src(%dma_wait3A_627 : memref<100000x128xf32, #tpu.memory_space<hbm>>) dst(%dma_wait3A_622 : memref<72x128xf32, #tpu.memory_space<vmem>>)
      %add3A_628 = arith.constant 4 : i32
      %add3A_629 = arith.addi %add3A_611, %add3A_628 : i32
      %mul3A_630 = arith.constant 200 : i32
      %mul3A_631 = arith.muli %add3A_629, %mul3A_630 : i32
      %add3A_632 = arith.addi %mul3A_2, %mul3A_631 : i32
      %multiple_of3A_633 = tpu.assume_multiple %add3A_632, 8 : i32
      %dma_start3A_634 = tpu.memref_slice %arg2[%multiple_of3A_633] : memref<204800xi32, #tpu.memory_space<hbm>> -> memref<200xi32, #tpu.memory_space<hbm>>
      %dma_start3A_635 = tpu.memref_slice %arg2[%multiple_of3A_633] : memref<204800xi32, #tpu.memory_space<hbm>> -> memref<200xi32, #tpu.memory_space<hbm>>
      tpu.enqueue_dma source(%dma_start3A_635 : memref<200xi32, #tpu.memory_space<hbm>>) target(%arg12 : memref<200xi32, #tpu.memory_space<vmem>>) target_semaphore(%arg24 : memref<!tpu.dma_semaphore, #tpu.memory_space<semaphore_mem>>)
      %dma_wait3A_636 = arith.constant 0 : i32
      %dma_wait3A_637 = tpu.memref_slice %arg5[%mul3A_2, %dma_wait3A_636] : memref<204800x128xf32, #tpu.memory_space<hbm>> -> memref<200x128xf32, #tpu.memory_space<hbm>>
      %dma_wait3A_638 = arith.constant 0 : i32
      %dma_wait3A_639 = tpu.memref_slice %arg5[%mul3A_2, %dma_wait3A_638] : memref<204800x128xf32, #tpu.memory_space<hbm>> -> memref<200x128xf32, #tpu.memory_space<hbm>>
      tpu.wait_dma2 semaphore(%arg22 : memref<!tpu.dma_semaphore, #tpu.memory_space<semaphore_mem>>) src(%arg10 : memref<200x128xf32, #tpu.memory_space<vmem>>) dst(%dma_wait3A_639 : memref<200x128xf32, #tpu.memory_space<hbm>>)
      %dma_wait3A_640 = tpu.memref_slice %arg2[%mul3A_2] : memref<204800xi32, #tpu.memory_space<hbm>> -> memref<200xi32, #tpu.memory_space<hbm>>
      %dma_wait3A_641 = tpu.memref_slice %arg2[%mul3A_2] : memref<204800xi32, #tpu.memory_space<hbm>> -> memref<200xi32, #tpu.memory_space<hbm>>
      tpu.wait_dma2 semaphore(%arg26 : memref<!tpu.dma_semaphore, #tpu.memory_space<semaphore_mem>>) src(%dma_wait3A_641 : memref<200xi32, #tpu.memory_space<hbm>>) dst(%arg14 : memref<200xi32, #tpu.memory_space<vmem>>)
      %dma_start3A_642 = arith.constant 0 : i32
      %dma_start3A_643 = arith.constant 0 : i32
      %dma_start3A_644 = tpu.memref_slice %arg10[%dma_start3A_642, %dma_start3A_643] : memref<200x128xf32, #tpu.memory_space<vmem>> -> memref<128x128xf32, #tpu.memory_space<vmem>>
      %dma_start3A_645 = arith.constant 0 : i32
      %dma_start3A_646 = tpu.memref_slice %arg14[%dma_start3A_645] : memref<200xi32, #tpu.memory_space<vmem>> -> memref<128xi32, #tpu.memory_space<vmem>>
      %dma_start3A_647 = arith.constant 0 : i32
      %dma_start3A_648 = arith.constant 0 : i32
      %dma_start3A_649 = tpu.memref_slice %arg3[%dma_start3A_647, %dma_start3A_648] : memref<100000x128xf32, #tpu.memory_space<hbm>> -> memref<100000x128xf32, #tpu.memory_space<hbm>>
      tpu.enqueue_indirect_dma source(%dma_start3A_649 : memref<100000x128xf32, #tpu.memory_space<hbm>>) target(%dma_start3A_644 : memref<128x128xf32, #tpu.memory_space<vmem>>) offsets(%dma_start3A_646 : memref<128xi32, #tpu.memory_space<vmem>>) semaphore(%arg18 : memref<!tpu.dma_semaphore, #tpu.memory_space<semaphore_mem>>)
      %dma_start3A_650 = arith.constant 128 : i32
      %dma_start3A_651 = arith.constant 0 : i32
      %dma_start3A_652 = tpu.memref_slice %arg10[%dma_start3A_650, %dma_start3A_651] : memref<200x128xf32, #tpu.memory_space<vmem>> -> memref<72x128xf32, #tpu.memory_space<vmem>>
      %dma_start3A_653 = arith.constant 128 : i32
      %dma_start3A_654 = tpu.memref_slice %arg14[%dma_start3A_653] : memref<200xi32, #tpu.memory_space<vmem>> -> memref<72xi32, #tpu.memory_space<vmem>>
      %dma_start3A_655 = arith.constant 0 : i32
      %dma_start3A_656 = arith.constant 0 : i32
      %dma_start3A_657 = tpu.memref_slice %arg3[%dma_start3A_655, %dma_start3A_656] : memref<100000x128xf32, #tpu.memory_space<hbm>> -> memref<100000x128xf32, #tpu.memory_space<hbm>>
      tpu.enqueue_indirect_dma source(%dma_start3A_657 : memref<100000x128xf32, #tpu.memory_space<hbm>>) target(%dma_start3A_652 : memref<72x128xf32, #tpu.memory_space<vmem>>) offsets(%dma_start3A_654 : memref<72xi32, #tpu.memory_space<vmem>>) semaphore(%arg18 : memref<!tpu.dma_semaphore, #tpu.memory_space<semaphore_mem>>)
      %parallel_loop3A_658 = arith.constant 0 : i32
      %parallel_loop3A_659 = arith.constant 200 : i32
      %parallel_loop3A_660 = arith.constant 1 : i32
      scf.for %parallel_loop3A_670 = %parallel_loop3A_658 to %parallel_loop3A_659 step %parallel_loop3A_660  : i32 {
        %parallel_loop3A_671 = arith.index_cast %parallel_loop3A_670 : i32 to index
        %parallel_loop3A_672 = arith.constant 0 : index
        %parallel_loop3A_673 = tpu.vector_load %arg8[%parallel_loop3A_671, %parallel_loop3A_672] {strides = array<i32>} : memref<200x128xf32, #tpu.memory_space<vmem>>, vector<1x16xf32>,
        %parallel_loop3A_674 = vector.shape_cast %parallel_loop3A_673 : vector<1x16xf32> to vector<16xf32>
        %parallel_loop3A_675 = arith.index_cast %parallel_loop3A_670 : i32 to index
        %parallel_loop3A_676 = arith.constant 0 : index
        %parallel_loop3A_677 = tpu.vector_load %arg6[%parallel_loop3A_675, %parallel_loop3A_676] {strides = array<i32>} : memref<200x128xf32, #tpu.memory_space<vmem>>, vector<1x16xf32>,
        %parallel_loop3A_678 = vector.shape_cast %parallel_loop3A_677 : vector<1x16xf32> to vector<16xf32>
        %parallel_loop3A_679 = arith.addf %parallel_loop3A_674, %parallel_loop3A_678 : vector<16xf32>
        %parallel_loop3A_680 = arith.constant 0.000000e+00 : f32
        %parallel_loop3A_681 = vector.broadcast %parallel_loop3A_680 : f32 to vector<16xf32>
        %parallel_loop3A_682 = arith.maximumf %parallel_loop3A_679, %parallel_loop3A_681 : vector<16xf32>
        %parallel_loop3A_683 = arith.index_cast %parallel_loop3A_670 : i32 to index
        %parallel_loop3A_684 = arith.constant 0 : index
        %parallel_loop3A_685 = tpu.vector_load %arg8[%parallel_loop3A_683, %parallel_loop3A_684] {strides = array<i32>} : memref<200x128xf32, #tpu.memory_space<vmem>>, vector<1x16xf32>,
        %parallel_loop3A_686 = vector.shape_cast %parallel_loop3A_685 : vector<1x16xf32> to vector<16xf32>
        %parallel_loop3A_687 = vector.shape_cast %parallel_loop3A_682 : vector<16xf32> to vector<1x16xf32>
        tpu.vector_store %arg8[%parallel_loop3A_683, %parallel_loop3A_684], %parallel_loop3A_687 {strides = array<i32>} : memref<200x128xf32, #tpu.memory_space<vmem>>, vector<1x16xf32>,
        %parallel_loop3A_688 = arith.index_cast %parallel_loop3A_670 : i32 to index
        %parallel_loop3A_689 = arith.constant 16 : index
        %parallel_loop3A_690 = tpu.vector_load %arg8[%parallel_loop3A_688, %parallel_loop3A_689] {strides = array<i32>} : memref<200x128xf32, #tpu.memory_space<vmem>>, vector<1x16xf32>,
        %parallel_loop3A_691 = vector.shape_cast %parallel_loop3A_690 : vector<1x16xf32> to vector<16xf32>
        %parallel_loop3A_692 = arith.index_cast %parallel_loop3A_670 : i32 to index
        %parallel_loop3A_693 = arith.constant 16 : index
        %parallel_loop3A_694 = tpu.vector_load %arg6[%parallel_loop3A_692, %parallel_loop3A_693] {strides = array<i32>} : memref<200x128xf32, #tpu.memory_space<vmem>>, vector<1x16xf32>,
        %parallel_loop3A_695 = vector.shape_cast %parallel_loop3A_694 : vector<1x16xf32> to vector<16xf32>
        %parallel_loop3A_696 = arith.addf %parallel_loop3A_691, %parallel_loop3A_695 : vector<16xf32>
        %parallel_loop3A_697 = arith.constant 0.000000e+00 : f32
        %parallel_loop3A_698 = vector.broadcast %parallel_loop3A_697 : f32 to vector<16xf32>
        %parallel_loop3A_699 = arith.maximumf %parallel_loop3A_696, %parallel_loop3A_698 : vector<16xf32>
        %parallel_loop3A_700 = arith.index_cast %parallel_loop3A_670 : i32 to index
        %parallel_loop3A_701 = arith.constant 16 : index
        %parallel_loop3A_702 = tpu.vector_load %arg8[%parallel_loop3A_700, %parallel_loop3A_701] {strides = array<i32>} : memref<200x128xf32, #tpu.memory_space<vmem>>, vector<1x16xf32>,
        %parallel_loop3A_703 = vector.shape_cast %parallel_loop3A_702 : vector<1x16xf32> to vector<16xf32>
        %parallel_loop3A_704 = vector.shape_cast %parallel_loop3A_699 : vector<16xf32> to vector<1x16xf32>
        tpu.vector_store %arg8[%parallel_loop3A_700, %parallel_loop3A_701], %parallel_loop3A_704 {strides = array<i32>} : memref<200x128xf32, #tpu.memory_space<vmem>>, vector<1x16xf32>,
        %parallel_loop3A_705 = arith.index_cast %parallel_loop3A_670 : i32 to index
        %parallel_loop3A_706 = arith.constant 32 : index
        %parallel_loop3A_707 = tpu.vector_load %arg8[%parallel_loop3A_705, %parallel_loop3A_706] {strides = array<i32>} : memref<200x128xf32, #tpu.memory_space<vmem>>, vector<1x16xf32>,
        %parallel_loop3A_708 = vector.shape_cast %parallel_loop3A_707 : vector<1x16xf32> to vector<16xf32>
        %parallel_loop3A_709 = arith.index_cast %parallel_loop3A_670 : i32 to index
        %parallel_loop3A_710 = arith.constant 32 : index
        %parallel_loop3A_711 = tpu.vector_load %arg6[%parallel_loop3A_709, %parallel_loop3A_710] {strides = array<i32>} : memref<200x128xf32, #tpu.memory_space<vmem>>, vector<1x16xf32>,
        %parallel_loop3A_712 = vector.shape_cast %parallel_loop3A_711 : vector<1x16xf32> to vector<16xf32>
        %parallel_loop3A_713 = arith.addf %parallel_loop3A_708, %parallel_loop3A_712 : vector<16xf32>
        %parallel_loop3A_714 = arith.constant 0.000000e+00 : f32
        %parallel_loop3A_715 = vector.broadcast %parallel_loop3A_714 : f32 to vector<16xf32>
        %parallel_loop3A_716 = arith.maximumf %parallel_loop3A_713, %parallel_loop3A_715 : vector<16xf32>
        %parallel_loop3A_717 = arith.index_cast %parallel_loop3A_670 : i32 to index
        %parallel_loop3A_718 = arith.constant 32 : index
        %parallel_loop3A_719 = tpu.vector_load %arg8[%parallel_loop3A_717, %parallel_loop3A_718] {strides = array<i32>} : memref<200x128xf32, #tpu.memory_space<vmem>>, vector<1x16xf32>,
        %parallel_loop3A_720 = vector.shape_cast %parallel_loop3A_719 : vector<1x16xf32> to vector<16xf32>
        %parallel_loop3A_721 = vector.shape_cast %parallel_loop3A_716 : vector<16xf32> to vector<1x16xf32>
        tpu.vector_store %arg8[%parallel_loop3A_717, %parallel_loop3A_718], %parallel_loop3A_721 {strides = array<i32>} : memref<200x128xf32, #tpu.memory_space<vmem>>, vector<1x16xf32>,
        %parallel_loop3A_722 = arith.index_cast %parallel_loop3A_670 : i32 to index
        %parallel_loop3A_723 = arith.constant 48 : index
        %parallel_loop3A_724 = tpu.vector_load %arg8[%parallel_loop3A_722, %parallel_loop3A_723] {strides = array<i32>} : memref<200x128xf32, #tpu.memory_space<vmem>>, vector<1x16xf32>,
        %parallel_loop3A_725 = vector.shape_cast %parallel_loop3A_724 : vector<1x16xf32> to vector<16xf32>
        %parallel_loop3A_726 = arith.index_cast %parallel_loop3A_670 : i32 to index
        %parallel_loop3A_727 = arith.constant 48 : index
        %parallel_loop3A_728 = tpu.vector_load %arg6[%parallel_loop3A_726, %parallel_loop3A_727] {strides = array<i32>} : memref<200x128xf32, #tpu.memory_space<vmem>>, vector<1x16xf32>,
        %parallel_loop3A_729 = vector.shape_cast %parallel_loop3A_728 : vector<1x16xf32> to vector<16xf32>
        %parallel_loop3A_730 = arith.addf %parallel_loop3A_725, %parallel_loop3A_729 : vector<16xf32>
        %parallel_loop3A_731 = arith.constant 0.000000e+00 : f32
        %parallel_loop3A_732 = vector.broadcast %parallel_loop3A_731 : f32 to vector<16xf32>
        %parallel_loop3A_733 = arith.maximumf %parallel_loop3A_730, %parallel_loop3A_732 : vector<16xf32>
        %parallel_loop3A_734 = arith.index_cast %parallel_loop3A_670 : i32 to index
        %parallel_loop3A_735 = arith.constant 48 : index
        %parallel_loop3A_736 = tpu.vector_load %arg8[%parallel_loop3A_734, %parallel_loop3A_735] {strides = array<i32>} : memref<200x128xf32, #tpu.memory_space<vmem>>, vector<1x16xf32>,
        %parallel_loop3A_737 = vector.shape_cast %parallel_loop3A_736 : vector<1x16xf32> to vector<16xf32>
        %parallel_loop3A_738 = vector.shape_cast %parallel_loop3A_733 : vector<16xf32> to vector<1x16xf32>
        tpu.vector_store %arg8[%parallel_loop3A_734, %parallel_loop3A_735], %parallel_loop3A_738 {strides = array<i32>} : memref<200x128xf32, #tpu.memory_space<vmem>>, vector<1x16xf32>,
        %parallel_loop3A_739 = arith.index_cast %parallel_loop3A_670 : i32 to index
        %parallel_loop3A_740 = arith.constant 64 : index
        %parallel_loop3A_741 = tpu.vector_load %arg8[%parallel_loop3A_739, %parallel_loop3A_740] {strides = array<i32>} : memref<200x128xf32, #tpu.memory_space<vmem>>, vector<1x16xf32>,
        %parallel_loop3A_742 = vector.shape_cast %parallel_loop3A_741 : vector<1x16xf32> to vector<16xf32>
        %parallel_loop3A_743 = arith.index_cast %parallel_loop3A_670 : i32 to index
        %parallel_loop3A_744 = arith.constant 64 : index
        %parallel_loop3A_745 = tpu.vector_load %arg6[%parallel_loop3A_743, %parallel_loop3A_744] {strides = array<i32>} : memref<200x128xf32, #tpu.memory_space<vmem>>, vector<1x16xf32>,
        %parallel_loop3A_746 = vector.shape_cast %parallel_loop3A_745 : vector<1x16xf32> to vector<16xf32>
        %parallel_loop3A_747 = arith.addf %parallel_loop3A_742, %parallel_loop3A_746 : vector<16xf32>
        %parallel_loop3A_748 = arith.constant 0.000000e+00 : f32
        %parallel_loop3A_749 = vector.broadcast %parallel_loop3A_748 : f32 to vector<16xf32>
        %parallel_loop3A_750 = arith.maximumf %parallel_loop3A_747, %parallel_loop3A_749 : vector<16xf32>
        %parallel_loop3A_751 = arith.index_cast %parallel_loop3A_670 : i32 to index
        %parallel_loop3A_752 = arith.constant 64 : index
        %parallel_loop3A_753 = tpu.vector_load %arg8[%parallel_loop3A_751, %parallel_loop3A_752] {strides = array<i32>} : memref<200x128xf32, #tpu.memory_space<vmem>>, vector<1x16xf32>,
        %parallel_loop3A_754 = vector.shape_cast %parallel_loop3A_753 : vector<1x16xf32> to vector<16xf32>
        %parallel_loop3A_755 = vector.shape_cast %parallel_loop3A_750 : vector<16xf32> to vector<1x16xf32>
        tpu.vector_store %arg8[%parallel_loop3A_751, %parallel_loop3A_752], %parallel_loop3A_755 {strides = array<i32>} : memref<200x128xf32, #tpu.memory_space<vmem>>, vector<1x16xf32>,
        %parallel_loop3A_756 = arith.index_cast %parallel_loop3A_670 : i32 to index
        %parallel_loop3A_757 = arith.constant 80 : index
        %parallel_loop3A_758 = tpu.vector_load %arg8[%parallel_loop3A_756, %parallel_loop3A_757] {strides = array<i32>} : memref<200x128xf32, #tpu.memory_space<vmem>>, vector<1x16xf32>,
        %parallel_loop3A_759 = vector.shape_cast %parallel_loop3A_758 : vector<1x16xf32> to vector<16xf32>
        %parallel_loop3A_760 = arith.index_cast %parallel_loop3A_670 : i32 to index
        %parallel_loop3A_761 = arith.constant 80 : index
        %parallel_loop3A_762 = tpu.vector_load %arg6[%parallel_loop3A_760, %parallel_loop3A_761] {strides = array<i32>} : memref<200x128xf32, #tpu.memory_space<vmem>>, vector<1x16xf32>,
        %parallel_loop3A_763 = vector.shape_cast %parallel_loop3A_762 : vector<1x16xf32> to vector<16xf32>
        %parallel_loop3A_764 = arith.addf %parallel_loop3A_759, %parallel_loop3A_763 : vector<16xf32>
        %parallel_loop3A_765 = arith.constant 0.000000e+00 : f32
        %parallel_loop3A_766 = vector.broadcast %parallel_loop3A_765 : f32 to vector<16xf32>
        %parallel_loop3A_767 = arith.maximumf %parallel_loop3A_764, %parallel_loop3A_766 : vector<16xf32>
        %parallel_loop3A_768 = arith.index_cast %parallel_loop3A_670 : i32 to index
        %parallel_loop3A_769 = arith.constant 80 : index
        %parallel_loop3A_770 = tpu.vector_load %arg8[%parallel_loop3A_768, %parallel_loop3A_769] {strides = array<i32>} : memref<200x128xf32, #tpu.memory_space<vmem>>, vector<1x16xf32>,
        %parallel_loop3A_771 = vector.shape_cast %parallel_loop3A_770 : vector<1x16xf32> to vector<16xf32>
        %parallel_loop3A_772 = vector.shape_cast %parallel_loop3A_767 : vector<16xf32> to vector<1x16xf32>
        tpu.vector_store %arg8[%parallel_loop3A_768, %parallel_loop3A_769], %parallel_loop3A_772 {strides = array<i32>} : memref<200x128xf32, #tpu.memory_space<vmem>>, vector<1x16xf32>,
        %parallel_loop3A_773 = arith.index_cast %parallel_loop3A_670 : i32 to index
        %parallel_loop3A_774 = arith.constant 96 : index
        %parallel_loop3A_775 = tpu.vector_load %arg8[%parallel_loop3A_773, %parallel_loop3A_774] {strides = array<i32>} : memref<200x128xf32, #tpu.memory_space<vmem>>, vector<1x16xf32>,
        %parallel_loop3A_776 = vector.shape_cast %parallel_loop3A_775 : vector<1x16xf32> to vector<16xf32>
        %parallel_loop3A_777 = arith.index_cast %parallel_loop3A_670 : i32 to index
        %parallel_loop3A_778 = arith.constant 96 : index
        %parallel_loop3A_779 = tpu.vector_load %arg6[%parallel_loop3A_777, %parallel_loop3A_778] {strides = array<i32>} : memref<200x128xf32, #tpu.memory_space<vmem>>, vector<1x16xf32>,
        %parallel_loop3A_780 = vector.shape_cast %parallel_loop3A_779 : vector<1x16xf32> to vector<16xf32>
        %parallel_loop3A_781 = arith.addf %parallel_loop3A_776, %parallel_loop3A_780 : vector<16xf32>
        %parallel_loop3A_782 = arith.constant 0.000000e+00 : f32
        %parallel_loop3A_783 = vector.broadcast %parallel_loop3A_782 : f32 to vector<16xf32>
        %parallel_loop3A_784 = arith.maximumf %parallel_loop3A_781, %parallel_loop3A_783 : vector<16xf32>
        %parallel_loop3A_785 = arith.index_cast %parallel_loop3A_670 : i32 to index
        %parallel_loop3A_786 = arith.constant 96 : index
        %parallel_loop3A_787 = tpu.vector_load %arg8[%parallel_loop3A_785, %parallel_loop3A_786] {strides = array<i32>} : memref<200x128xf32, #tpu.memory_space<vmem>>, vector<1x16xf32>,
        %parallel_loop3A_788 = vector.shape_cast %parallel_loop3A_787 : vector<1x16xf32> to vector<16xf32>
        %parallel_loop3A_789 = vector.shape_cast %parallel_loop3A_784 : vector<16xf32> to vector<1x16xf32>
        tpu.vector_store %arg8[%parallel_loop3A_785, %parallel_loop3A_786], %parallel_loop3A_789 {strides = array<i32>} : memref<200x128xf32, #tpu.memory_space<vmem>>, vector<1x16xf32>,
        %parallel_loop3A_790 = arith.index_cast %parallel_loop3A_670 : i32 to index
        %parallel_loop3A_791 = arith.constant 112 : index
        %parallel_loop3A_792 = tpu.vector_load %arg8[%parallel_loop3A_790, %parallel_loop3A_791] {strides = array<i32>} : memref<200x128xf32, #tpu.memory_space<vmem>>, vector<1x16xf32>,
        %parallel_loop3A_793 = vector.shape_cast %parallel_loop3A_792 : vector<1x16xf32> to vector<16xf32>
        %parallel_loop3A_794 = arith.index_cast %parallel_loop3A_670 : i32 to index
        %parallel_loop3A_795 = arith.constant 112 : index
        %parallel_loop3A_796 = tpu.vector_load %arg6[%parallel_loop3A_794, %parallel_loop3A_795] {strides = array<i32>} : memref<200x128xf32, #tpu.memory_space<vmem>>, vector<1x16xf32>,
        %parallel_loop3A_797 = vector.shape_cast %parallel_loop3A_796 : vector<1x16xf32> to vector<16xf32>
        %parallel_loop3A_798 = arith.addf %parallel_loop3A_793, %parallel_loop3A_797 : vector<16xf32>
        %parallel_loop3A_799 = arith.constant 0.000000e+00 : f32
        %parallel_loop3A_800 = vector.broadcast %parallel_loop3A_799 : f32 to vector<16xf32>
        %parallel_loop3A_801 = arith.maximumf %parallel_loop3A_798, %parallel_loop3A_800 : vector<16xf32>
        %parallel_loop3A_802 = arith.index_cast %parallel_loop3A_670 : i32 to index
        %parallel_loop3A_803 = arith.constant 112 : index
        %parallel_loop3A_804 = tpu.vector_load %arg8[%parallel_loop3A_802, %parallel_loop3A_803] {strides = array<i32>} : memref<200x128xf32, #tpu.memory_space<vmem>>, vector<1x16xf32>,
        %parallel_loop3A_805 = vector.shape_cast %parallel_loop3A_804 : vector<1x16xf32> to vector<16xf32>
        %parallel_loop3A_806 = vector.shape_cast %parallel_loop3A_801 : vector<16xf32> to vector<1x16xf32>
        tpu.vector_store %arg8[%parallel_loop3A_802, %parallel_loop3A_803], %parallel_loop3A_806 {strides = array<i32>} : memref<200x128xf32, #tpu.memory_space<vmem>>, vector<1x16xf32>,
      } {sc.loop_unroll_factor = 4 : i64, sc.parallel_access}
      %mul3A_661 = arith.constant 200 : i32
      %mul3A_662 = arith.muli %add3A_611, %mul3A_661 : i32
      %add3A_663 = arith.addi %mul3A_2, %mul3A_662 : i32
      %multiple_of3A_664 = tpu.assume_multiple %add3A_663, 8 : i32
      %dma_start3A_665 = arith.constant 0 : i32
      %dma_start3A_666 = tpu.memref_slice %arg5[%multiple_of3A_664, %dma_start3A_665] : memref<204800x128xf32, #tpu.memory_space<hbm>> -> memref<200x128xf32, #tpu.memory_space<hbm>>
      %dma_start3A_667 = arith.constant 0 : i32
      %dma_start3A_668 = tpu.memref_slice %arg5[%multiple_of3A_664, %dma_start3A_667] : memref<204800x128xf32, #tpu.memory_space<hbm>> -> memref<200x128xf32, #tpu.memory_space<hbm>>
      tpu.enqueue_dma source(%arg8 : memref<200x128xf32, #tpu.memory_space<vmem>>) target(%dma_start3A_668 : memref<200x128xf32, #tpu.memory_space<hbm>>) target_semaphore(%arg20 : memref<!tpu.dma_semaphore, #tpu.memory_space<semaphore_mem>>)
      %scan3A_669 = arith.constant 0 : i32
      scf.yield %scan3A_669 : i32
    }
    %scan3A_158 = arith.constant 6 : i32
    %dma_wait3A_159 = arith.constant 0 : i32
    %dma_wait3A_160 = arith.constant 0 : i32
    %dma_wait3A_161 = tpu.memref_slice %arg9[%dma_wait3A_159, %dma_wait3A_160] : memref<200x128xf32, #tpu.memory_space<vmem>> -> memref<128x128xf32, #tpu.memory_space<vmem>>
    %dma_wait3A_162 = arith.constant 0 : i32
    %dma_wait3A_163 = tpu.memref_slice %arg13[%dma_wait3A_162] : memref<200xi32, #tpu.memory_space<vmem>> -> memref<128xi32, #tpu.memory_space<vmem>>
    %dma_wait3A_164 = arith.constant 0 : i32
    %dma_wait3A_165 = arith.constant 0 : i32
    %dma_wait3A_166 = tpu.memref_slice %arg3[%dma_wait3A_164, %dma_wait3A_165] : memref<100000x128xf32, #tpu.memory_space<hbm>> -> memref<100000x128xf32, #tpu.memory_space<hbm>>
    tpu.wait_indirect_dma semaphore(%arg17 : memref<!tpu.dma_semaphore, #tpu.memory_space<semaphore_mem>>) src(%dma_wait3A_166 : memref<100000x128xf32, #tpu.memory_space<hbm>>) dst(%dma_wait3A_161 : memref<128x128xf32, #tpu.memory_space<vmem>>)
    %dma_wait3A_167 = arith.constant 128 : i32
    %dma_wait3A_168 = arith.constant 0 : i32
    %dma_wait3A_169 = tpu.memref_slice %arg9[%dma_wait3A_167, %dma_wait3A_168] : memref<200x128xf32, #tpu.memory_space<vmem>> -> memref<72x128xf32, #tpu.memory_space<vmem>>
    %dma_wait3A_170 = arith.constant 128 : i32
    %dma_wait3A_171 = tpu.memref_slice %arg13[%dma_wait3A_170] : memref<200xi32, #tpu.memory_space<vmem>> -> memref<72xi32, #tpu.memory_space<vmem>>
    %dma_wait3A_172 = arith.constant 0 : i32
    %dma_wait3A_173 = arith.constant 0 : i32
    %dma_wait3A_174 = tpu.memref_slice %arg3[%dma_wait3A_172, %dma_wait3A_173] : memref<100000x128xf32, #tpu.memory_space<hbm>> -> memref<100000x128xf32, #tpu.memory_space<hbm>>
    tpu.wait_indirect_dma semaphore(%arg17 : memref<!tpu.dma_semaphore, #tpu.memory_space<semaphore_mem>>) src(%dma_wait3A_174 : memref<100000x128xf32, #tpu.memory_space<hbm>>) dst(%dma_wait3A_169 : memref<72x128xf32, #tpu.memory_space<vmem>>)
    %add3A_175 = arith.constant 6000 : i32
    %add3A_176 = arith.addi %mul3A_2, %add3A_175 : i32
    %multiple_of3A_177 = tpu.assume_multiple %add3A_176, 8 : i32
    %dma_start3A_178 = tpu.memref_slice %arg2[%multiple_of3A_177] : memref<204800xi32, #tpu.memory_space<hbm>> -> memref<200xi32, #tpu.memory_space<hbm>>
    %dma_start3A_179 = tpu.memref_slice %arg2[%multiple_of3A_177] : memref<204800xi32, #tpu.memory_space<hbm>> -> memref<200xi32, #tpu.memory_space<hbm>>
    tpu.enqueue_dma source(%dma_start3A_179 : memref<200xi32, #tpu.memory_space<hbm>>) target(%arg13 : memref<200xi32, #tpu.memory_space<vmem>>) target_semaphore(%arg25 : memref<!tpu.dma_semaphore, #tpu.memory_space<semaphore_mem>>)
    %dma_wait3A_180 = arith.constant 0 : i32
    %dma_wait3A_181 = tpu.memref_slice %arg5[%mul3A_2, %dma_wait3A_180] : memref<204800x128xf32, #tpu.memory_space<hbm>> -> memref<200x128xf32, #tpu.memory_space<hbm>>
    %dma_wait3A_182 = arith.constant 0 : i32
    %dma_wait3A_183 = tpu.memref_slice %arg5[%mul3A_2, %dma_wait3A_182] : memref<204800x128xf32, #tpu.memory_space<hbm>> -> memref<200x128xf32, #tpu.memory_space<hbm>>
    tpu.wait_dma2 semaphore(%arg19 : memref<!tpu.dma_semaphore, #tpu.memory_space<semaphore_mem>>) src(%arg7 : memref<200x128xf32, #tpu.memory_space<vmem>>) dst(%dma_wait3A_183 : memref<200x128xf32, #tpu.memory_space<hbm>>)
    %dma_wait3A_184 = tpu.memref_slice %arg2[%mul3A_2] : memref<204800xi32, #tpu.memory_space<hbm>> -> memref<200xi32, #tpu.memory_space<hbm>>
    %dma_wait3A_185 = tpu.memref_slice %arg2[%mul3A_2] : memref<204800xi32, #tpu.memory_space<hbm>> -> memref<200xi32, #tpu.memory_space<hbm>>
    tpu.wait_dma2 semaphore(%arg23 : memref<!tpu.dma_semaphore, #tpu.memory_space<semaphore_mem>>) src(%dma_wait3A_185 : memref<200xi32, #tpu.memory_space<hbm>>) dst(%arg11 : memref<200xi32, #tpu.memory_space<vmem>>)
    %dma_start3A_186 = arith.constant 0 : i32
    %dma_start3A_187 = arith.constant 0 : i32
    %dma_start3A_188 = tpu.memref_slice %arg7[%dma_start3A_186, %dma_start3A_187] : memref<200x128xf32, #tpu.memory_space<vmem>> -> memref<128x128xf32, #tpu.memory_space<vmem>>
    %dma_start3A_189 = arith.constant 0 : i32
    %dma_start3A_190 = tpu.memref_slice %arg11[%dma_start3A_189] : memref<200xi32, #tpu.memory_space<vmem>> -> memref<128xi32, #tpu.memory_space<vmem>>
    %dma_start3A_191 = arith.constant 0 : i32
    %dma_start3A_192 = arith.constant 0 : i32
    %dma_start3A_193 = tpu.memref_slice %arg3[%dma_start3A_191, %dma_start3A_192] : memref<100000x128xf32, #tpu.memory_space<hbm>> -> memref<100000x128xf32, #tpu.memory_space<hbm>>
    tpu.enqueue_indirect_dma source(%dma_start3A_193 : memref<100000x128xf32, #tpu.memory_space<hbm>>) target(%dma_start3A_188 : memref<128x128xf32, #tpu.memory_space<vmem>>) offsets(%dma_start3A_190 : memref<128xi32, #tpu.memory_space<vmem>>) semaphore(%arg15 : memref<!tpu.dma_semaphore, #tpu.memory_space<semaphore_mem>>)
    %dma_start3A_194 = arith.constant 128 : i32
    %dma_start3A_195 = arith.constant 0 : i32
    %dma_start3A_196 = tpu.memref_slice %arg7[%dma_start3A_194, %dma_start3A_195] : memref<200x128xf32, #tpu.memory_space<vmem>> -> memref<72x128xf32, #tpu.memory_space<vmem>>
    %dma_start3A_197 = arith.constant 128 : i32
    %dma_start3A_198 = tpu.memref_slice %arg11[%dma_start3A_197] : memref<200xi32, #tpu.memory_space<vmem>> -> memref<72xi32, #tpu.memory_space<vmem>>
    %dma_start3A_199 = arith.constant 0 : i32
    %dma_start3A_200 = arith.constant 0 : i32
    %dma_start3A_201 = tpu.memref_slice %arg3[%dma_start3A_199, %dma_start3A_200] : memref<100000x128xf32, #tpu.memory_space<hbm>> -> memref<100000x128xf32, #tpu.memory_space<hbm>>
    tpu.enqueue_indirect_dma source(%dma_start3A_201 : memref<100000x128xf32, #tpu.memory_space<hbm>>) target(%dma_start3A_196 : memref<72x128xf32, #tpu.memory_space<vmem>>) offsets(%dma_start3A_198 : memref<72xi32, #tpu.memory_space<vmem>>) semaphore(%arg15 : memref<!tpu.dma_semaphore, #tpu.memory_space<semaphore_mem>>)
    %parallel_loop3A_202 = arith.constant 0 : i32
    %parallel_loop3A_203 = arith.constant 200 : i32
    %parallel_loop3A_204 = arith.constant 1 : i32
    scf.for %parallel_loop3A_429 = %parallel_loop3A_202 to %parallel_loop3A_203 step %parallel_loop3A_204  : i32 {
      %parallel_loop3A_430 = arith.index_cast %parallel_loop3A_429 : i32 to index
      %parallel_loop3A_431 = arith.constant 0 : index
      %parallel_loop3A_432 = tpu.vector_load %arg9[%parallel_loop3A_430, %parallel_loop3A_431] {strides = array<i32>} : memref<200x128xf32, #tpu.memory_space<vmem>>, vector<1x16xf32>,
      %parallel_loop3A_433 = vector.shape_cast %parallel_loop3A_432 : vector<1x16xf32> to vector<16xf32>
      %parallel_loop3A_434 = arith.index_cast %parallel_loop3A_429 : i32 to index
      %parallel_loop3A_435 = arith.constant 0 : index
      %parallel_loop3A_436 = tpu.vector_load %arg6[%parallel_loop3A_434, %parallel_loop3A_435] {strides = array<i32>} : memref<200x128xf32, #tpu.memory_space<vmem>>, vector<1x16xf32>,
      %parallel_loop3A_437 = vector.shape_cast %parallel_loop3A_436 : vector<1x16xf32> to vector<16xf32>
      %parallel_loop3A_438 = arith.addf %parallel_loop3A_433, %parallel_loop3A_437 : vector<16xf32>
      %parallel_loop3A_439 = arith.constant 0.000000e+00 : f32
      %parallel_loop3A_440 = vector.broadcast %parallel_loop3A_439 : f32 to vector<16xf32>
      %parallel_loop3A_441 = arith.maximumf %parallel_loop3A_438, %parallel_loop3A_440 : vector<16xf32>
      %parallel_loop3A_442 = arith.index_cast %parallel_loop3A_429 : i32 to index
      %parallel_loop3A_443 = arith.constant 0 : index
      %parallel_loop3A_444 = tpu.vector_load %arg9[%parallel_loop3A_442, %parallel_loop3A_443] {strides = array<i32>} : memref<200x128xf32, #tpu.memory_space<vmem>>, vector<1x16xf32>,
      %parallel_loop3A_445 = vector.shape_cast %parallel_loop3A_444 : vector<1x16xf32> to vector<16xf32>
      %parallel_loop3A_446 = vector.shape_cast %parallel_loop3A_441 : vector<16xf32> to vector<1x16xf32>
      tpu.vector_store %arg9[%parallel_loop3A_442, %parallel_loop3A_443], %parallel_loop3A_446 {strides = array<i32>} : memref<200x128xf32, #tpu.memory_space<vmem>>, vector<1x16xf32>,
      %parallel_loop3A_447 = arith.index_cast %parallel_loop3A_429 : i32 to index
      %parallel_loop3A_448 = arith.constant 16 : index
      %parallel_loop3A_449 = tpu.vector_load %arg9[%parallel_loop3A_447, %parallel_loop3A_448] {strides = array<i32>} : memref<200x128xf32, #tpu.memory_space<vmem>>, vector<1x16xf32>,
      %parallel_loop3A_450 = vector.shape_cast %parallel_loop3A_449 : vector<1x16xf32> to vector<16xf32>
      %parallel_loop3A_451 = arith.index_cast %parallel_loop3A_429 : i32 to index
      %parallel_loop3A_452 = arith.constant 16 : index
      %parallel_loop3A_453 = tpu.vector_load %arg6[%parallel_loop3A_451, %parallel_loop3A_452] {strides = array<i32>} : memref<200x128xf32, #tpu.memory_space<vmem>>, vector<1x16xf32>,
      %parallel_loop3A_454 = vector.shape_cast %parallel_loop3A_453 : vector<1x16xf32> to vector<16xf32>
      %parallel_loop3A_455 = arith.addf %parallel_loop3A_450, %parallel_loop3A_454 : vector<16xf32>
      %parallel_loop3A_456 = arith.constant 0.000000e+00 : f32
      %parallel_loop3A_457 = vector.broadcast %parallel_loop3A_456 : f32 to vector<16xf32>
      %parallel_loop3A_458 = arith.maximumf %parallel_loop3A_455, %parallel_loop3A_457 : vector<16xf32>
      %parallel_loop3A_459 = arith.index_cast %parallel_loop3A_429 : i32 to index
      %parallel_loop3A_460 = arith.constant 16 : index
      %parallel_loop3A_461 = tpu.vector_load %arg9[%parallel_loop3A_459, %parallel_loop3A_460] {strides = array<i32>} : memref<200x128xf32, #tpu.memory_space<vmem>>, vector<1x16xf32>,
      %parallel_loop3A_462 = vector.shape_cast %parallel_loop3A_461 : vector<1x16xf32> to vector<16xf32>
      %parallel_loop3A_463 = vector.shape_cast %parallel_loop3A_458 : vector<16xf32> to vector<1x16xf32>
      tpu.vector_store %arg9[%parallel_loop3A_459, %parallel_loop3A_460], %parallel_loop3A_463 {strides = array<i32>} : memref<200x128xf32, #tpu.memory_space<vmem>>, vector<1x16xf32>,
      %parallel_loop3A_464 = arith.index_cast %parallel_loop3A_429 : i32 to index
      %parallel_loop3A_465 = arith.constant 32 : index
      %parallel_loop3A_466 = tpu.vector_load %arg9[%parallel_loop3A_464, %parallel_loop3A_465] {strides = array<i32>} : memref<200x128xf32, #tpu.memory_space<vmem>>, vector<1x16xf32>,
      %parallel_loop3A_467 = vector.shape_cast %parallel_loop3A_466 : vector<1x16xf32> to vector<16xf32>
      %parallel_loop3A_468 = arith.index_cast %parallel_loop3A_429 : i32 to index
      %parallel_loop3A_469 = arith.constant 32 : index
      %parallel_loop3A_470 = tpu.vector_load %arg6[%parallel_loop3A_468, %parallel_loop3A_469] {strides = array<i32>} : memref<200x128xf32, #tpu.memory_space<vmem>>, vector<1x16xf32>,
      %parallel_loop3A_471 = vector.shape_cast %parallel_loop3A_470 : vector<1x16xf32> to vector<16xf32>
      %parallel_loop3A_472 = arith.addf %parallel_loop3A_467, %parallel_loop3A_471 : vector<16xf32>
      %parallel_loop3A_473 = arith.constant 0.000000e+00 : f32
      %parallel_loop3A_474 = vector.broadcast %parallel_loop3A_473 : f32 to vector<16xf32>
      %parallel_loop3A_475 = arith.maximumf %parallel_loop3A_472, %parallel_loop3A_474 : vector<16xf32>
      %parallel_loop3A_476 = arith.index_cast %parallel_loop3A_429 : i32 to index
      %parallel_loop3A_477 = arith.constant 32 : index
      %parallel_loop3A_478 = tpu.vector_load %arg9[%parallel_loop3A_476, %parallel_loop3A_477] {strides = array<i32>} : memref<200x128xf32, #tpu.memory_space<vmem>>, vector<1x16xf32>,
      %parallel_loop3A_479 = vector.shape_cast %parallel_loop3A_478 : vector<1x16xf32> to vector<16xf32>
      %parallel_loop3A_480 = vector.shape_cast %parallel_loop3A_475 : vector<16xf32> to vector<1x16xf32>
      tpu.vector_store %arg9[%parallel_loop3A_476, %parallel_loop3A_477], %parallel_loop3A_480 {strides = array<i32>} : memref<200x128xf32, #tpu.memory_space<vmem>>, vector<1x16xf32>,
      %parallel_loop3A_481 = arith.index_cast %parallel_loop3A_429 : i32 to index
      %parallel_loop3A_482 = arith.constant 48 : index
      %parallel_loop3A_483 = tpu.vector_load %arg9[%parallel_loop3A_481, %parallel_loop3A_482] {strides = array<i32>} : memref<200x128xf32, #tpu.memory_space<vmem>>, vector<1x16xf32>,
      %parallel_loop3A_484 = vector.shape_cast %parallel_loop3A_483 : vector<1x16xf32> to vector<16xf32>
      %parallel_loop3A_485 = arith.index_cast %parallel_loop3A_429 : i32 to index
      %parallel_loop3A_486 = arith.constant 48 : index
      %parallel_loop3A_487 = tpu.vector_load %arg6[%parallel_loop3A_485, %parallel_loop3A_486] {strides = array<i32>} : memref<200x128xf32, #tpu.memory_space<vmem>>, vector<1x16xf32>,
      %parallel_loop3A_488 = vector.shape_cast %parallel_loop3A_487 : vector<1x16xf32> to vector<16xf32>
      %parallel_loop3A_489 = arith.addf %parallel_loop3A_484, %parallel_loop3A_488 : vector<16xf32>
      %parallel_loop3A_490 = arith.constant 0.000000e+00 : f32
      %parallel_loop3A_491 = vector.broadcast %parallel_loop3A_490 : f32 to vector<16xf32>
      %parallel_loop3A_492 = arith.maximumf %parallel_loop3A_489, %parallel_loop3A_491 : vector<16xf32>
      %parallel_loop3A_493 = arith.index_cast %parallel_loop3A_429 : i32 to index
      %parallel_loop3A_494 = arith.constant 48 : index
      %parallel_loop3A_495 = tpu.vector_load %arg9[%parallel_loop3A_493, %parallel_loop3A_494] {strides = array<i32>} : memref<200x128xf32, #tpu.memory_space<vmem>>, vector<1x16xf32>,
      %parallel_loop3A_496 = vector.shape_cast %parallel_loop3A_495 : vector<1x16xf32> to vector<16xf32>
      %parallel_loop3A_497 = vector.shape_cast %parallel_loop3A_492 : vector<16xf32> to vector<1x16xf32>
      tpu.vector_store %arg9[%parallel_loop3A_493, %parallel_loop3A_494], %parallel_loop3A_497 {strides = array<i32>} : memref<200x128xf32, #tpu.memory_space<vmem>>, vector<1x16xf32>,
      %parallel_loop3A_498 = arith.index_cast %parallel_loop3A_429 : i32 to index
      %parallel_loop3A_499 = arith.constant 64 : index
      %parallel_loop3A_500 = tpu.vector_load %arg9[%parallel_loop3A_498, %parallel_loop3A_499] {strides = array<i32>} : memref<200x128xf32, #tpu.memory_space<vmem>>, vector<1x16xf32>,
      %parallel_loop3A_501 = vector.shape_cast %parallel_loop3A_500 : vector<1x16xf32> to vector<16xf32>
      %parallel_loop3A_502 = arith.index_cast %parallel_loop3A_429 : i32 to index
      %parallel_loop3A_503 = arith.constant 64 : index
      %parallel_loop3A_504 = tpu.vector_load %arg6[%parallel_loop3A_502, %parallel_loop3A_503] {strides = array<i32>} : memref<200x128xf32, #tpu.memory_space<vmem>>, vector<1x16xf32>,
      %parallel_loop3A_505 = vector.shape_cast %parallel_loop3A_504 : vector<1x16xf32> to vector<16xf32>
      %parallel_loop3A_506 = arith.addf %parallel_loop3A_501, %parallel_loop3A_505 : vector<16xf32>
      %parallel_loop3A_507 = arith.constant 0.000000e+00 : f32
      %parallel_loop3A_508 = vector.broadcast %parallel_loop3A_507 : f32 to vector<16xf32>
      %parallel_loop3A_509 = arith.maximumf %parallel_loop3A_506, %parallel_loop3A_508 : vector<16xf32>
      %parallel_loop3A_510 = arith.index_cast %parallel_loop3A_429 : i32 to index
      %parallel_loop3A_511 = arith.constant 64 : index
      %parallel_loop3A_512 = tpu.vector_load %arg9[%parallel_loop3A_510, %parallel_loop3A_511] {strides = array<i32>} : memref<200x128xf32, #tpu.memory_space<vmem>>, vector<1x16xf32>,
      %parallel_loop3A_513 = vector.shape_cast %parallel_loop3A_512 : vector<1x16xf32> to vector<16xf32>
      %parallel_loop3A_514 = vector.shape_cast %parallel_loop3A_509 : vector<16xf32> to vector<1x16xf32>
      tpu.vector_store %arg9[%parallel_loop3A_510, %parallel_loop3A_511], %parallel_loop3A_514 {strides = array<i32>} : memref<200x128xf32, #tpu.memory_space<vmem>>, vector<1x16xf32>,
      %parallel_loop3A_515 = arith.index_cast %parallel_loop3A_429 : i32 to index
      %parallel_loop3A_516 = arith.constant 80 : index
      %parallel_loop3A_517 = tpu.vector_load %arg9[%parallel_loop3A_515, %parallel_loop3A_516] {strides = array<i32>} : memref<200x128xf32, #tpu.memory_space<vmem>>, vector<1x16xf32>,
      %parallel_loop3A_518 = vector.shape_cast %parallel_loop3A_517 : vector<1x16xf32> to vector<16xf32>
      %parallel_loop3A_519 = arith.index_cast %parallel_loop3A_429 : i32 to index
      %parallel_loop3A_520 = arith.constant 80 : index
      %parallel_loop3A_521 = tpu.vector_load %arg6[%parallel_loop3A_519, %parallel_loop3A_520] {strides = array<i32>} : memref<200x128xf32, #tpu.memory_space<vmem>>, vector<1x16xf32>,
      %parallel_loop3A_522 = vector.shape_cast %parallel_loop3A_521 : vector<1x16xf32> to vector<16xf32>
      %parallel_loop3A_523 = arith.addf %parallel_loop3A_518, %parallel_loop3A_522 : vector<16xf32>
      %parallel_loop3A_524 = arith.constant 0.000000e+00 : f32
      %parallel_loop3A_525 = vector.broadcast %parallel_loop3A_524 : f32 to vector<16xf32>
      %parallel_loop3A_526 = arith.maximumf %parallel_loop3A_523, %parallel_loop3A_525 : vector<16xf32>
      %parallel_loop3A_527 = arith.index_cast %parallel_loop3A_429 : i32 to index
      %parallel_loop3A_528 = arith.constant 80 : index
      %parallel_loop3A_529 = tpu.vector_load %arg9[%parallel_loop3A_527, %parallel_loop3A_528] {strides = array<i32>} : memref<200x128xf32, #tpu.memory_space<vmem>>, vector<1x16xf32>,
      %parallel_loop3A_530 = vector.shape_cast %parallel_loop3A_529 : vector<1x16xf32> to vector<16xf32>
      %parallel_loop3A_531 = vector.shape_cast %parallel_loop3A_526 : vector<16xf32> to vector<1x16xf32>
      tpu.vector_store %arg9[%parallel_loop3A_527, %parallel_loop3A_528], %parallel_loop3A_531 {strides = array<i32>} : memref<200x128xf32, #tpu.memory_space<vmem>>, vector<1x16xf32>,
      %parallel_loop3A_532 = arith.index_cast %parallel_loop3A_429 : i32 to index
      %parallel_loop3A_533 = arith.constant 96 : index
      %parallel_loop3A_534 = tpu.vector_load %arg9[%parallel_loop3A_532, %parallel_loop3A_533] {strides = array<i32>} : memref<200x128xf32, #tpu.memory_space<vmem>>, vector<1x16xf32>,
      %parallel_loop3A_535 = vector.shape_cast %parallel_loop3A_534 : vector<1x16xf32> to vector<16xf32>
      %parallel_loop3A_536 = arith.index_cast %parallel_loop3A_429 : i32 to index
      %parallel_loop3A_537 = arith.constant 96 : index
      %parallel_loop3A_538 = tpu.vector_load %arg6[%parallel_loop3A_536, %parallel_loop3A_537] {strides = array<i32>} : memref<200x128xf32, #tpu.memory_space<vmem>>, vector<1x16xf32>,
      %parallel_loop3A_539 = vector.shape_cast %parallel_loop3A_538 : vector<1x16xf32> to vector<16xf32>
      %parallel_loop3A_540 = arith.addf %parallel_loop3A_535, %parallel_loop3A_539 : vector<16xf32>
      %parallel_loop3A_541 = arith.constant 0.000000e+00 : f32
      %parallel_loop3A_542 = vector.broadcast %parallel_loop3A_541 : f32 to vector<16xf32>
      %parallel_loop3A_543 = arith.maximumf %parallel_loop3A_540, %parallel_loop3A_542 : vector<16xf32>
      %parallel_loop3A_544 = arith.index_cast %parallel_loop3A_429 : i32 to index
      %parallel_loop3A_545 = arith.constant 96 : index
      %parallel_loop3A_546 = tpu.vector_load %arg9[%parallel_loop3A_544, %parallel_loop3A_545] {strides = array<i32>} : memref<200x128xf32, #tpu.memory_space<vmem>>, vector<1x16xf32>,
      %parallel_loop3A_547 = vector.shape_cast %parallel_loop3A_546 : vector<1x16xf32> to vector<16xf32>
      %parallel_loop3A_548 = vector.shape_cast %parallel_loop3A_543 : vector<16xf32> to vector<1x16xf32>
      tpu.vector_store %arg9[%parallel_loop3A_544, %parallel_loop3A_545], %parallel_loop3A_548 {strides = array<i32>} : memref<200x128xf32, #tpu.memory_space<vmem>>, vector<1x16xf32>,
      %parallel_loop3A_549 = arith.index_cast %parallel_loop3A_429 : i32 to index
      %parallel_loop3A_550 = arith.constant 112 : index
      %parallel_loop3A_551 = tpu.vector_load %arg9[%parallel_loop3A_549, %parallel_loop3A_550] {strides = array<i32>} : memref<200x128xf32, #tpu.memory_space<vmem>>, vector<1x16xf32>,
      %parallel_loop3A_552 = vector.shape_cast %parallel_loop3A_551 : vector<1x16xf32> to vector<16xf32>
      %parallel_loop3A_553 = arith.index_cast %parallel_loop3A_429 : i32 to index
      %parallel_loop3A_554 = arith.constant 112 : index
      %parallel_loop3A_555 = tpu.vector_load %arg6[%parallel_loop3A_553, %parallel_loop3A_554] {strides = array<i32>} : memref<200x128xf32, #tpu.memory_space<vmem>>, vector<1x16xf32>,
      %parallel_loop3A_556 = vector.shape_cast %parallel_loop3A_555 : vector<1x16xf32> to vector<16xf32>
      %parallel_loop3A_557 = arith.addf %parallel_loop3A_552, %parallel_loop3A_556 : vector<16xf32>
      %parallel_loop3A_558 = arith.constant 0.000000e+00 : f32
      %parallel_loop3A_559 = vector.broadcast %parallel_loop3A_558 : f32 to vector<16xf32>
      %parallel_loop3A_560 = arith.maximumf %parallel_loop3A_557, %parallel_loop3A_559 : vector<16xf32>
      %parallel_loop3A_561 = arith.index_cast %parallel_loop3A_429 : i32 to index
      %parallel_loop3A_562 = arith.constant 112 : index
      %parallel_loop3A_563 = tpu.vector_load %arg9[%parallel_loop3A_561, %parallel_loop3A_562] {strides = array<i32>} : memref<200x128xf32, #tpu.memory_space<vmem>>, vector<1x16xf32>,
      %parallel_loop3A_564 = vector.shape_cast %parallel_loop3A_563 : vector<1x16xf32> to vector<16xf32>
      %parallel_loop3A_565 = vector.shape_cast %parallel_loop3A_560 : vector<16xf32> to vector<1x16xf32>
      tpu.vector_store %arg9[%parallel_loop3A_561, %parallel_loop3A_562], %parallel_loop3A_565 {strides = array<i32>} : memref<200x128xf32, #tpu.memory_space<vmem>>, vector<1x16xf32>,
    } {sc.loop_unroll_factor = 4 : i64, sc.parallel_access}
    %add3A_205 = arith.constant 5200 : i32
    %add3A_206 = arith.addi %mul3A_2, %add3A_205 : i32
    %multiple_of3A_207 = tpu.assume_multiple %add3A_206, 8 : i32
    %dma_start3A_208 = arith.constant 0 : i32
    %dma_start3A_209 = tpu.memref_slice %arg5[%multiple_of3A_207, %dma_start3A_208] : memref<204800x128xf32, #tpu.memory_space<hbm>> -> memref<200x128xf32, #tpu.memory_space<hbm>>
    %dma_start3A_210 = arith.constant 0 : i32
    %dma_start3A_211 = tpu.memref_slice %arg5[%multiple_of3A_207, %dma_start3A_210] : memref<204800x128xf32, #tpu.memory_space<hbm>> -> memref<200x128xf32, #tpu.memory_space<hbm>>
    tpu.enqueue_dma source(%arg9 : memref<200x128xf32, #tpu.memory_space<vmem>>) target(%dma_start3A_211 : memref<200x128xf32, #tpu.memory_space<hbm>>) target_semaphore(%arg21 : memref<!tpu.dma_semaphore, #tpu.memory_space<semaphore_mem>>)
    %dma_wait3A_212 = arith.constant 0 : i32
    %dma_wait3A_213 = arith.constant 0 : i32
    %dma_wait3A_214 = tpu.memref_slice %arg10[%dma_wait3A_212, %dma_wait3A_213] : memref<200x128xf32, #tpu.memory_space<vmem>> -> memref<128x128xf32, #tpu.memory_space<vmem>>
    %dma_wait3A_215 = arith.constant 0 : i32
    %dma_wait3A_216 = tpu.memref_slice %arg14[%dma_wait3A_215] : memref<200xi32, #tpu.memory_space<vmem>> -> memref<128xi32, #tpu.memory_space<vmem>>
    %dma_wait3A_217 = arith.constant 0 : i32
    %dma_wait3A_218 = arith.constant 0 : i32
    %dma_wait3A_219 = tpu.memref_slice %arg3[%dma_wait3A_217, %dma_wait3A_218] : memref<100000x128xf32, #tpu.memory_space<hbm>> -> memref<100000x128xf32, #tpu.memory_space<hbm>>
    tpu.wait_indirect_dma semaphore(%arg18 : memref<!tpu.dma_semaphore, #tpu.memory_space<semaphore_mem>>) src(%dma_wait3A_219 : memref<100000x128xf32, #tpu.memory_space<hbm>>) dst(%dma_wait3A_214 : memref<128x128xf32, #tpu.memory_space<vmem>>)
    %dma_wait3A_220 = arith.constant 128 : i32
    %dma_wait3A_221 = arith.constant 0 : i32
    %dma_wait3A_222 = tpu.memref_slice %arg10[%dma_wait3A_220, %dma_wait3A_221] : memref<200x128xf32, #tpu.memory_space<vmem>> -> memref<72x128xf32, #tpu.memory_space<vmem>>
    %dma_wait3A_223 = arith.constant 128 : i32
    %dma_wait3A_224 = tpu.memref_slice %arg14[%dma_wait3A_223] : memref<200xi32, #tpu.memory_space<vmem>> -> memref<72xi32, #tpu.memory_space<vmem>>
    %dma_wait3A_225 = arith.constant 0 : i32
    %dma_wait3A_226 = arith.constant 0 : i32
    %dma_wait3A_227 = tpu.memref_slice %arg3[%dma_wait3A_225, %dma_wait3A_226] : memref<100000x128xf32, #tpu.memory_space<hbm>> -> memref<100000x128xf32, #tpu.memory_space<hbm>>
    tpu.wait_indirect_dma semaphore(%arg18 : memref<!tpu.dma_semaphore, #tpu.memory_space<semaphore_mem>>) src(%dma_wait3A_227 : memref<100000x128xf32, #tpu.memory_space<hbm>>) dst(%dma_wait3A_222 : memref<72x128xf32, #tpu.memory_space<vmem>>)
    %add3A_228 = arith.constant 6200 : i32
    %add3A_229 = arith.addi %mul3A_2, %add3A_228 : i32
    %multiple_of3A_230 = tpu.assume_multiple %add3A_229, 8 : i32
    %dma_start3A_231 = tpu.memref_slice %arg2[%multiple_of3A_230] : memref<204800xi32, #tpu.memory_space<hbm>> -> memref<200xi32, #tpu.memory_space<hbm>>
    %dma_start3A_232 = tpu.memref_slice %arg2[%multiple_of3A_230] : memref<204800xi32, #tpu.memory_space<hbm>> -> memref<200xi32, #tpu.memory_space<hbm>>
    tpu.enqueue_dma source(%dma_start3A_232 : memref<200xi32, #tpu.memory_space<hbm>>) target(%arg14 : memref<200xi32, #tpu.memory_space<vmem>>) target_semaphore(%arg26 : memref<!tpu.dma_semaphore, #tpu.memory_space<semaphore_mem>>)
    %dma_wait3A_233 = arith.constant 0 : i32
    %dma_wait3A_234 = tpu.memref_slice %arg5[%mul3A_2, %dma_wait3A_233] : memref<204800x128xf32, #tpu.memory_space<hbm>> -> memref<200x128xf32, #tpu.memory_space<hbm>>
    %dma_wait3A_235 = arith.constant 0 : i32
    %dma_wait3A_236 = tpu.memref_slice %arg5[%mul3A_2, %dma_wait3A_235] : memref<204800x128xf32, #tpu.memory_space<hbm>> -> memref<200x128xf32, #tpu.memory_space<hbm>>
    tpu.wait_dma2 semaphore(%arg20 : memref<!tpu.dma_semaphore, #tpu.memory_space<semaphore_mem>>) src(%arg8 : memref<200x128xf32, #tpu.memory_space<vmem>>) dst(%dma_wait3A_236 : memref<200x128xf32, #tpu.memory_space<hbm>>)
    %dma_wait3A_237 = tpu.memref_slice %arg2[%mul3A_2] : memref<204800xi32, #tpu.memory_space<hbm>> -> memref<200xi32, #tpu.memory_space<hbm>>
    %dma_wait3A_238 = tpu.memref_slice %arg2[%mul3A_2] : memref<204800xi32, #tpu.memory_space<hbm>> -> memref<200xi32, #tpu.memory_space<hbm>>
    tpu.wait_dma2 semaphore(%arg24 : memref<!tpu.dma_semaphore, #tpu.memory_space<semaphore_mem>>) src(%dma_wait3A_238 : memref<200xi32, #tpu.memory_space<hbm>>) dst(%arg12 : memref<200xi32, #tpu.memory_space<vmem>>)
    %dma_start3A_239 = arith.constant 0 : i32
    %dma_start3A_240 = arith.constant 0 : i32
    %dma_start3A_241 = tpu.memref_slice %arg8[%dma_start3A_239, %dma_start3A_240] : memref<200x128xf32, #tpu.memory_space<vmem>> -> memref<128x128xf32, #tpu.memory_space<vmem>>
    %dma_start3A_242 = arith.constant 0 : i32
    %dma_start3A_243 = tpu.memref_slice %arg12[%dma_start3A_242] : memref<200xi32, #tpu.memory_space<vmem>> -> memref<128xi32, #tpu.memory_space<vmem>>
    %dma_start3A_244 = arith.constant 0 : i32
    %dma_start3A_245 = arith.constant 0 : i32
    %dma_start3A_246 = tpu.memref_slice %arg3[%dma_start3A_244, %dma_start3A_245] : memref<100000x128xf32, #tpu.memory_space<hbm>> -> memref<100000x128xf32, #tpu.memory_space<hbm>>
    tpu.enqueue_indirect_dma source(%dma_start3A_246 : memref<100000x128xf32, #tpu.memory_space<hbm>>) target(%dma_start3A_241 : memref<128x128xf32, #tpu.memory_space<vmem>>) offsets(%dma_start3A_243 : memref<128xi32, #tpu.memory_space<vmem>>) semaphore(%arg16 : memref<!tpu.dma_semaphore, #tpu.memory_space<semaphore_mem>>)
    %dma_start3A_247 = arith.constant 128 : i32
    %dma_start3A_248 = arith.constant 0 : i32
    %dma_start3A_249 = tpu.memref_slice %arg8[%dma_start3A_247, %dma_start3A_248] : memref<200x128xf32, #tpu.memory_space<vmem>> -> memref<72x128xf32, #tpu.memory_space<vmem>>
    %dma_start3A_250 = arith.constant 128 : i32
    %dma_start3A_251 = tpu.memref_slice %arg12[%dma_start3A_250] : memref<200xi32, #tpu.memory_space<vmem>> -> memref<72xi32, #tpu.memory_space<vmem>>
    %dma_start3A_252 = arith.constant 0 : i32
    %dma_start3A_253 = arith.constant 0 : i32
    %dma_start3A_254 = tpu.memref_slice %arg3[%dma_start3A_252, %dma_start3A_253] : memref<100000x128xf32, #tpu.memory_space<hbm>> -> memref<100000x128xf32, #tpu.memory_space<hbm>>
    tpu.enqueue_indirect_dma source(%dma_start3A_254 : memref<100000x128xf32, #tpu.memory_space<hbm>>) target(%dma_start3A_249 : memref<72x128xf32, #tpu.memory_space<vmem>>) offsets(%dma_start3A_251 : memref<72xi32, #tpu.memory_space<vmem>>) semaphore(%arg16 : memref<!tpu.dma_semaphore, #tpu.memory_space<semaphore_mem>>)
    %parallel_loop3A_255 = arith.constant 0 : i32
    %parallel_loop3A_256 = arith.constant 200 : i32
    %parallel_loop3A_257 = arith.constant 1 : i32
    scf.for %parallel_loop3A_429 = %parallel_loop3A_255 to %parallel_loop3A_256 step %parallel_loop3A_257  : i32 {
      %parallel_loop3A_430 = arith.index_cast %parallel_loop3A_429 : i32 to index
      %parallel_loop3A_431 = arith.constant 0 : index
      %parallel_loop3A_432 = tpu.vector_load %arg10[%parallel_loop3A_430, %parallel_loop3A_431] {strides = array<i32>} : memref<200x128xf32, #tpu.memory_space<vmem>>, vector<1x16xf32>,
      %parallel_loop3A_433 = vector.shape_cast %parallel_loop3A_432 : vector<1x16xf32> to vector<16xf32>
      %parallel_loop3A_434 = arith.index_cast %parallel_loop3A_429 : i32 to index
      %parallel_loop3A_435 = arith.constant 0 : index
      %parallel_loop3A_436 = tpu.vector_load %arg6[%parallel_loop3A_434, %parallel_loop3A_435] {strides = array<i32>} : memref<200x128xf32, #tpu.memory_space<vmem>>, vector<1x16xf32>,
      %parallel_loop3A_437 = vector.shape_cast %parallel_loop3A_436 : vector<1x16xf32> to vector<16xf32>
      %parallel_loop3A_438 = arith.addf %parallel_loop3A_433, %parallel_loop3A_437 : vector<16xf32>
      %parallel_loop3A_439 = arith.constant 0.000000e+00 : f32
      %parallel_loop3A_440 = vector.broadcast %parallel_loop3A_439 : f32 to vector<16xf32>
      %parallel_loop3A_441 = arith.maximumf %parallel_loop3A_438, %parallel_loop3A_440 : vector<16xf32>
      %parallel_loop3A_442 = arith.index_cast %parallel_loop3A_429 : i32 to index
      %parallel_loop3A_443 = arith.constant 0 : index
      %parallel_loop3A_444 = tpu.vector_load %arg10[%parallel_loop3A_442, %parallel_loop3A_443] {strides = array<i32>} : memref<200x128xf32, #tpu.memory_space<vmem>>, vector<1x16xf32>,
      %parallel_loop3A_445 = vector.shape_cast %parallel_loop3A_444 : vector<1x16xf32> to vector<16xf32>
      %parallel_loop3A_446 = vector.shape_cast %parallel_loop3A_441 : vector<16xf32> to vector<1x16xf32>
      tpu.vector_store %arg10[%parallel_loop3A_442, %parallel_loop3A_443], %parallel_loop3A_446 {strides = array<i32>} : memref<200x128xf32, #tpu.memory_space<vmem>>, vector<1x16xf32>,
      %parallel_loop3A_447 = arith.index_cast %parallel_loop3A_429 : i32 to index
      %parallel_loop3A_448 = arith.constant 16 : index
      %parallel_loop3A_449 = tpu.vector_load %arg10[%parallel_loop3A_447, %parallel_loop3A_448] {strides = array<i32>} : memref<200x128xf32, #tpu.memory_space<vmem>>, vector<1x16xf32>,
      %parallel_loop3A_450 = vector.shape_cast %parallel_loop3A_449 : vector<1x16xf32> to vector<16xf32>
      %parallel_loop3A_451 = arith.index_cast %parallel_loop3A_429 : i32 to index
      %parallel_loop3A_452 = arith.constant 16 : index
      %parallel_loop3A_453 = tpu.vector_load %arg6[%parallel_loop3A_451, %parallel_loop3A_452] {strides = array<i32>} : memref<200x128xf32, #tpu.memory_space<vmem>>, vector<1x16xf32>,
      %parallel_loop3A_454 = vector.shape_cast %parallel_loop3A_453 : vector<1x16xf32> to vector<16xf32>
      %parallel_loop3A_455 = arith.addf %parallel_loop3A_450, %parallel_loop3A_454 : vector<16xf32>
      %parallel_loop3A_456 = arith.constant 0.000000e+00 : f32
      %parallel_loop3A_457 = vector.broadcast %parallel_loop3A_456 : f32 to vector<16xf32>
      %parallel_loop3A_458 = arith.maximumf %parallel_loop3A_455, %parallel_loop3A_457 : vector<16xf32>
      %parallel_loop3A_459 = arith.index_cast %parallel_loop3A_429 : i32 to index
      %parallel_loop3A_460 = arith.constant 16 : index
      %parallel_loop3A_461 = tpu.vector_load %arg10[%parallel_loop3A_459, %parallel_loop3A_460] {strides = array<i32>} : memref<200x128xf32, #tpu.memory_space<vmem>>, vector<1x16xf32>,
      %parallel_loop3A_462 = vector.shape_cast %parallel_loop3A_461 : vector<1x16xf32> to vector<16xf32>
      %parallel_loop3A_463 = vector.shape_cast %parallel_loop3A_458 : vector<16xf32> to vector<1x16xf32>
      tpu.vector_store %arg10[%parallel_loop3A_459, %parallel_loop3A_460], %parallel_loop3A_463 {strides = array<i32>} : memref<200x128xf32, #tpu.memory_space<vmem>>, vector<1x16xf32>,
      %parallel_loop3A_464 = arith.index_cast %parallel_loop3A_429 : i32 to index
      %parallel_loop3A_465 = arith.constant 32 : index
      %parallel_loop3A_466 = tpu.vector_load %arg10[%parallel_loop3A_464, %parallel_loop3A_465] {strides = array<i32>} : memref<200x128xf32, #tpu.memory_space<vmem>>, vector<1x16xf32>,
      %parallel_loop3A_467 = vector.shape_cast %parallel_loop3A_466 : vector<1x16xf32> to vector<16xf32>
      %parallel_loop3A_468 = arith.index_cast %parallel_loop3A_429 : i32 to index
      %parallel_loop3A_469 = arith.constant 32 : index
      %parallel_loop3A_470 = tpu.vector_load %arg6[%parallel_loop3A_468, %parallel_loop3A_469] {strides = array<i32>} : memref<200x128xf32, #tpu.memory_space<vmem>>, vector<1x16xf32>,
      %parallel_loop3A_471 = vector.shape_cast %parallel_loop3A_470 : vector<1x16xf32> to vector<16xf32>
      %parallel_loop3A_472 = arith.addf %parallel_loop3A_467, %parallel_loop3A_471 : vector<16xf32>
      %parallel_loop3A_473 = arith.constant 0.000000e+00 : f32
      %parallel_loop3A_474 = vector.broadcast %parallel_loop3A_473 : f32 to vector<16xf32>
      %parallel_loop3A_475 = arith.maximumf %parallel_loop3A_472, %parallel_loop3A_474 : vector<16xf32>
      %parallel_loop3A_476 = arith.index_cast %parallel_loop3A_429 : i32 to index
      %parallel_loop3A_477 = arith.constant 32 : index
      %parallel_loop3A_478 = tpu.vector_load %arg10[%parallel_loop3A_476, %parallel_loop3A_477] {strides = array<i32>} : memref<200x128xf32, #tpu.memory_space<vmem>>, vector<1x16xf32>,
      %parallel_loop3A_479 = vector.shape_cast %parallel_loop3A_478 : vector<1x16xf32> to vector<16xf32>
      %parallel_loop3A_480 = vector.shape_cast %parallel_loop3A_475 : vector<16xf32> to vector<1x16xf32>
      tpu.vector_store %arg10[%parallel_loop3A_476, %parallel_loop3A_477], %parallel_loop3A_480 {strides = array<i32>} : memref<200x128xf32, #tpu.memory_space<vmem>>, vector<1x16xf32>,
      %parallel_loop3A_481 = arith.index_cast %parallel_loop3A_429 : i32 to index
      %parallel_loop3A_482 = arith.constant 48 : index
      %parallel_loop3A_483 = tpu.vector_load %arg10[%parallel_loop3A_481, %parallel_loop3A_482] {strides = array<i32>} : memref<200x128xf32, #tpu.memory_space<vmem>>, vector<1x16xf32>,
      %parallel_loop3A_484 = vector.shape_cast %parallel_loop3A_483 : vector<1x16xf32> to vector<16xf32>
      %parallel_loop3A_485 = arith.index_cast %parallel_loop3A_429 : i32 to index
      %parallel_loop3A_486 = arith.constant 48 : index
      %parallel_loop3A_487 = tpu.vector_load %arg6[%parallel_loop3A_485, %parallel_loop3A_486] {strides = array<i32>} : memref<200x128xf32, #tpu.memory_space<vmem>>, vector<1x16xf32>,
      %parallel_loop3A_488 = vector.shape_cast %parallel_loop3A_487 : vector<1x16xf32> to vector<16xf32>
      %parallel_loop3A_489 = arith.addf %parallel_loop3A_484, %parallel_loop3A_488 : vector<16xf32>
      %parallel_loop3A_490 = arith.constant 0.000000e+00 : f32
      %parallel_loop3A_491 = vector.broadcast %parallel_loop3A_490 : f32 to vector<16xf32>
      %parallel_loop3A_492 = arith.maximumf %parallel_loop3A_489, %parallel_loop3A_491 : vector<16xf32>
      %parallel_loop3A_493 = arith.index_cast %parallel_loop3A_429 : i32 to index
      %parallel_loop3A_494 = arith.constant 48 : index
      %parallel_loop3A_495 = tpu.vector_load %arg10[%parallel_loop3A_493, %parallel_loop3A_494] {strides = array<i32>} : memref<200x128xf32, #tpu.memory_space<vmem>>, vector<1x16xf32>,
      %parallel_loop3A_496 = vector.shape_cast %parallel_loop3A_495 : vector<1x16xf32> to vector<16xf32>
      %parallel_loop3A_497 = vector.shape_cast %parallel_loop3A_492 : vector<16xf32> to vector<1x16xf32>
      tpu.vector_store %arg10[%parallel_loop3A_493, %parallel_loop3A_494], %parallel_loop3A_497 {strides = array<i32>} : memref<200x128xf32, #tpu.memory_space<vmem>>, vector<1x16xf32>,
      %parallel_loop3A_498 = arith.index_cast %parallel_loop3A_429 : i32 to index
      %parallel_loop3A_499 = arith.constant 64 : index
      %parallel_loop3A_500 = tpu.vector_load %arg10[%parallel_loop3A_498, %parallel_loop3A_499] {strides = array<i32>} : memref<200x128xf32, #tpu.memory_space<vmem>>, vector<1x16xf32>,
      %parallel_loop3A_501 = vector.shape_cast %parallel_loop3A_500 : vector<1x16xf32> to vector<16xf32>
      %parallel_loop3A_502 = arith.index_cast %parallel_loop3A_429 : i32 to index
      %parallel_loop3A_503 = arith.constant 64 : index
      %parallel_loop3A_504 = tpu.vector_load %arg6[%parallel_loop3A_502, %parallel_loop3A_503] {strides = array<i32>} : memref<200x128xf32, #tpu.memory_space<vmem>>, vector<1x16xf32>,
      %parallel_loop3A_505 = vector.shape_cast %parallel_loop3A_504 : vector<1x16xf32> to vector<16xf32>
      %parallel_loop3A_506 = arith.addf %parallel_loop3A_501, %parallel_loop3A_505 : vector<16xf32>
      %parallel_loop3A_507 = arith.constant 0.000000e+00 : f32
      %parallel_loop3A_508 = vector.broadcast %parallel_loop3A_507 : f32 to vector<16xf32>
      %parallel_loop3A_509 = arith.maximumf %parallel_loop3A_506, %parallel_loop3A_508 : vector<16xf32>
      %parallel_loop3A_510 = arith.index_cast %parallel_loop3A_429 : i32 to index
      %parallel_loop3A_511 = arith.constant 64 : index
      %parallel_loop3A_512 = tpu.vector_load %arg10[%parallel_loop3A_510, %parallel_loop3A_511] {strides = array<i32>} : memref<200x128xf32, #tpu.memory_space<vmem>>, vector<1x16xf32>,
      %parallel_loop3A_513 = vector.shape_cast %parallel_loop3A_512 : vector<1x16xf32> to vector<16xf32>
      %parallel_loop3A_514 = vector.shape_cast %parallel_loop3A_509 : vector<16xf32> to vector<1x16xf32>
      tpu.vector_store %arg10[%parallel_loop3A_510, %parallel_loop3A_511], %parallel_loop3A_514 {strides = array<i32>} : memref<200x128xf32, #tpu.memory_space<vmem>>, vector<1x16xf32>,
      %parallel_loop3A_515 = arith.index_cast %parallel_loop3A_429 : i32 to index
      %parallel_loop3A_516 = arith.constant 80 : index
      %parallel_loop3A_517 = tpu.vector_load %arg10[%parallel_loop3A_515, %parallel_loop3A_516] {strides = array<i32>} : memref<200x128xf32, #tpu.memory_space<vmem>>, vector<1x16xf32>,
      %parallel_loop3A_518 = vector.shape_cast %parallel_loop3A_517 : vector<1x16xf32> to vector<16xf32>
      %parallel_loop3A_519 = arith.index_cast %parallel_loop3A_429 : i32 to index
      %parallel_loop3A_520 = arith.constant 80 : index
      %parallel_loop3A_521 = tpu.vector_load %arg6[%parallel_loop3A_519, %parallel_loop3A_520] {strides = array<i32>} : memref<200x128xf32, #tpu.memory_space<vmem>>, vector<1x16xf32>,
      %parallel_loop3A_522 = vector.shape_cast %parallel_loop3A_521 : vector<1x16xf32> to vector<16xf32>
      %parallel_loop3A_523 = arith.addf %parallel_loop3A_518, %parallel_loop3A_522 : vector<16xf32>
      %parallel_loop3A_524 = arith.constant 0.000000e+00 : f32
      %parallel_loop3A_525 = vector.broadcast %parallel_loop3A_524 : f32 to vector<16xf32>
      %parallel_loop3A_526 = arith.maximumf %parallel_loop3A_523, %parallel_loop3A_525 : vector<16xf32>
      %parallel_loop3A_527 = arith.index_cast %parallel_loop3A_429 : i32 to index
      %parallel_loop3A_528 = arith.constant 80 : index
      %parallel_loop3A_529 = tpu.vector_load %arg10[%parallel_loop3A_527, %parallel_loop3A_528] {strides = array<i32>} : memref<200x128xf32, #tpu.memory_space<vmem>>, vector<1x16xf32>,
      %parallel_loop3A_530 = vector.shape_cast %parallel_loop3A_529 : vector<1x16xf32> to vector<16xf32>
      %parallel_loop3A_531 = vector.shape_cast %parallel_loop3A_526 : vector<16xf32> to vector<1x16xf32>
      tpu.vector_store %arg10[%parallel_loop3A_527, %parallel_loop3A_528], %parallel_loop3A_531 {strides = array<i32>} : memref<200x128xf32, #tpu.memory_space<vmem>>, vector<1x16xf32>,
      %parallel_loop3A_532 = arith.index_cast %parallel_loop3A_429 : i32 to index
      %parallel_loop3A_533 = arith.constant 96 : index
      %parallel_loop3A_534 = tpu.vector_load %arg10[%parallel_loop3A_532, %parallel_loop3A_533] {strides = array<i32>} : memref<200x128xf32, #tpu.memory_space<vmem>>, vector<1x16xf32>,
      %parallel_loop3A_535 = vector.shape_cast %parallel_loop3A_534 : vector<1x16xf32> to vector<16xf32>
      %parallel_loop3A_536 = arith.index_cast %parallel_loop3A_429 : i32 to index
      %parallel_loop3A_537 = arith.constant 96 : index
      %parallel_loop3A_538 = tpu.vector_load %arg6[%parallel_loop3A_536, %parallel_loop3A_537] {strides = array<i32>} : memref<200x128xf32, #tpu.memory_space<vmem>>, vector<1x16xf32>,
      %parallel_loop3A_539 = vector.shape_cast %parallel_loop3A_538 : vector<1x16xf32> to vector<16xf32>
      %parallel_loop3A_540 = arith.addf %parallel_loop3A_535, %parallel_loop3A_539 : vector<16xf32>
      %parallel_loop3A_541 = arith.constant 0.000000e+00 : f32
      %parallel_loop3A_542 = vector.broadcast %parallel_loop3A_541 : f32 to vector<16xf32>
      %parallel_loop3A_543 = arith.maximumf %parallel_loop3A_540, %parallel_loop3A_542 : vector<16xf32>
      %parallel_loop3A_544 = arith.index_cast %parallel_loop3A_429 : i32 to index
      %parallel_loop3A_545 = arith.constant 96 : index
      %parallel_loop3A_546 = tpu.vector_load %arg10[%parallel_loop3A_544, %parallel_loop3A_545] {strides = array<i32>} : memref<200x128xf32, #tpu.memory_space<vmem>>, vector<1x16xf32>,
      %parallel_loop3A_547 = vector.shape_cast %parallel_loop3A_546 : vector<1x16xf32> to vector<16xf32>
      %parallel_loop3A_548 = vector.shape_cast %parallel_loop3A_543 : vector<16xf32> to vector<1x16xf32>
      tpu.vector_store %arg10[%parallel_loop3A_544, %parallel_loop3A_545], %parallel_loop3A_548 {strides = array<i32>} : memref<200x128xf32, #tpu.memory_space<vmem>>, vector<1x16xf32>,
      %parallel_loop3A_549 = arith.index_cast %parallel_loop3A_429 : i32 to index
      %parallel_loop3A_550 = arith.constant 112 : index
      %parallel_loop3A_551 = tpu.vector_load %arg10[%parallel_loop3A_549, %parallel_loop3A_550] {strides = array<i32>} : memref<200x128xf32, #tpu.memory_space<vmem>>, vector<1x16xf32>,
      %parallel_loop3A_552 = vector.shape_cast %parallel_loop3A_551 : vector<1x16xf32> to vector<16xf32>
      %parallel_loop3A_553 = arith.index_cast %parallel_loop3A_429 : i32 to index
      %parallel_loop3A_554 = arith.constant 112 : index
      %parallel_loop3A_555 = tpu.vector_load %arg6[%parallel_loop3A_553, %parallel_loop3A_554] {strides = array<i32>} : memref<200x128xf32, #tpu.memory_space<vmem>>, vector<1x16xf32>,
      %parallel_loop3A_556 = vector.shape_cast %parallel_loop3A_555 : vector<1x16xf32> to vector<16xf32>
      %parallel_loop3A_557 = arith.addf %parallel_loop3A_552, %parallel_loop3A_556 : vector<16xf32>
      %parallel_loop3A_558 = arith.constant 0.000000e+00 : f32
      %parallel_loop3A_559 = vector.broadcast %parallel_loop3A_558 : f32 to vector<16xf32>
      %parallel_loop3A_560 = arith.maximumf %parallel_loop3A_557, %parallel_loop3A_559 : vector<16xf32>
      %parallel_loop3A_561 = arith.index_cast %parallel_loop3A_429 : i32 to index
      %parallel_loop3A_562 = arith.constant 112 : index
      %parallel_loop3A_563 = tpu.vector_load %arg10[%parallel_loop3A_561, %parallel_loop3A_562] {strides = array<i32>} : memref<200x128xf32, #tpu.memory_space<vmem>>, vector<1x16xf32>,
      %parallel_loop3A_564 = vector.shape_cast %parallel_loop3A_563 : vector<1x16xf32> to vector<16xf32>
      %parallel_loop3A_565 = vector.shape_cast %parallel_loop3A_560 : vector<16xf32> to vector<1x16xf32>
      tpu.vector_store %arg10[%parallel_loop3A_561, %parallel_loop3A_562], %parallel_loop3A_565 {strides = array<i32>} : memref<200x128xf32, #tpu.memory_space<vmem>>, vector<1x16xf32>,
    } {sc.loop_unroll_factor = 4 : i64, sc.parallel_access}
    %add3A_258 = arith.constant 5400 : i32
    %add3A_259 = arith.addi %mul3A_2, %add3A_258 : i32
    %multiple_of3A_260 = tpu.assume_multiple %add3A_259, 8 : i32
    %dma_start3A_261 = arith.constant 0 : i32
    %dma_start3A_262 = tpu.memref_slice %arg5[%multiple_of3A_260, %dma_start3A_261] : memref<204800x128xf32, #tpu.memory_space<hbm>> -> memref<200x128xf32, #tpu.memory_space<hbm>>
    %dma_start3A_263 = arith.constant 0 : i32
    %dma_start3A_264 = tpu.memref_slice %arg5[%multiple_of3A_260, %dma_start3A_263] : memref<204800x128xf32, #tpu.memory_space<hbm>> -> memref<200x128xf32, #tpu.memory_space<hbm>>
    tpu.enqueue_dma source(%arg10 : memref<200x128xf32, #tpu.memory_space<vmem>>) target(%dma_start3A_264 : memref<200x128xf32, #tpu.memory_space<hbm>>) target_semaphore(%arg22 : memref<!tpu.dma_semaphore, #tpu.memory_space<semaphore_mem>>)
    %dma_wait3A_265 = arith.constant 0 : i32
    %dma_wait3A_266 = arith.constant 0 : i32
    %dma_wait3A_267 = tpu.memref_slice %arg7[%dma_wait3A_265, %dma_wait3A_266] : memref<200x128xf32, #tpu.memory_space<vmem>> -> memref<128x128xf32, #tpu.memory_space<vmem>>
    %dma_wait3A_268 = arith.constant 0 : i32
    %dma_wait3A_269 = tpu.memref_slice %arg11[%dma_wait3A_268] : memref<200xi32, #tpu.memory_space<vmem>> -> memref<128xi32, #tpu.memory_space<vmem>>
    %dma_wait3A_270 = arith.constant 0 : i32
    %dma_wait3A_271 = arith.constant 0 : i32
    %dma_wait3A_272 = tpu.memref_slice %arg3[%dma_wait3A_270, %dma_wait3A_271] : memref<100000x128xf32, #tpu.memory_space<hbm>> -> memref<100000x128xf32, #tpu.memory_space<hbm>>
    tpu.wait_indirect_dma semaphore(%arg15 : memref<!tpu.dma_semaphore, #tpu.memory_space<semaphore_mem>>) src(%dma_wait3A_272 : memref<100000x128xf32, #tpu.memory_space<hbm>>) dst(%dma_wait3A_267 : memref<128x128xf32, #tpu.memory_space<vmem>>)
    %dma_wait3A_273 = arith.constant 128 : i32
    %dma_wait3A_274 = arith.constant 0 : i32
    %dma_wait3A_275 = tpu.memref_slice %arg7[%dma_wait3A_273, %dma_wait3A_274] : memref<200x128xf32, #tpu.memory_space<vmem>> -> memref<72x128xf32, #tpu.memory_space<vmem>>
    %dma_wait3A_276 = arith.constant 128 : i32
    %dma_wait3A_277 = tpu.memref_slice %arg11[%dma_wait3A_276] : memref<200xi32, #tpu.memory_space<vmem>> -> memref<72xi32, #tpu.memory_space<vmem>>
    %dma_wait3A_278 = arith.constant 0 : i32
    %dma_wait3A_279 = arith.constant 0 : i32
    %dma_wait3A_280 = tpu.memref_slice %arg3[%dma_wait3A_278, %dma_wait3A_279] : memref<100000x128xf32, #tpu.memory_space<hbm>> -> memref<100000x128xf32, #tpu.memory_space<hbm>>
    tpu.wait_indirect_dma semaphore(%arg15 : memref<!tpu.dma_semaphore, #tpu.memory_space<semaphore_mem>>) src(%dma_wait3A_280 : memref<100000x128xf32, #tpu.memory_space<hbm>>) dst(%dma_wait3A_275 : memref<72x128xf32, #tpu.memory_space<vmem>>)
    %dma_wait3A_281 = arith.constant 0 : i32
    %dma_wait3A_282 = tpu.memref_slice %arg5[%mul3A_2, %dma_wait3A_281] : memref<204800x128xf32, #tpu.memory_space<hbm>> -> memref<200x128xf32, #tpu.memory_space<hbm>>
    %dma_wait3A_283 = arith.constant 0 : i32
    %dma_wait3A_284 = tpu.memref_slice %arg5[%mul3A_2, %dma_wait3A_283] : memref<204800x128xf32, #tpu.memory_space<hbm>> -> memref<200x128xf32, #tpu.memory_space<hbm>>
    tpu.wait_dma2 semaphore(%arg21 : memref<!tpu.dma_semaphore, #tpu.memory_space<semaphore_mem>>) src(%arg9 : memref<200x128xf32, #tpu.memory_space<vmem>>) dst(%dma_wait3A_284 : memref<200x128xf32, #tpu.memory_space<hbm>>)
    %dma_wait3A_285 = tpu.memref_slice %arg2[%mul3A_2] : memref<204800xi32, #tpu.memory_space<hbm>> -> memref<200xi32, #tpu.memory_space<hbm>>
    %dma_wait3A_286 = tpu.memref_slice %arg2[%mul3A_2] : memref<204800xi32, #tpu.memory_space<hbm>> -> memref<200xi32, #tpu.memory_space<hbm>>
    tpu.wait_dma2 semaphore(%arg25 : memref<!tpu.dma_semaphore, #tpu.memory_space<semaphore_mem>>) src(%dma_wait3A_286 : memref<200xi32, #tpu.memory_space<hbm>>) dst(%arg13 : memref<200xi32, #tpu.memory_space<vmem>>)
    %dma_start3A_287 = arith.constant 0 : i32
    %dma_start3A_288 = arith.constant 0 : i32
    %dma_start3A_289 = tpu.memref_slice %arg9[%dma_start3A_287, %dma_start3A_288] : memref<200x128xf32, #tpu.memory_space<vmem>> -> memref<128x128xf32, #tpu.memory_space<vmem>>
    %dma_start3A_290 = arith.constant 0 : i32
    %dma_start3A_291 = tpu.memref_slice %arg13[%dma_start3A_290] : memref<200xi32, #tpu.memory_space<vmem>> -> memref<128xi32, #tpu.memory_space<vmem>>
    %dma_start3A_292 = arith.constant 0 : i32
    %dma_start3A_293 = arith.constant 0 : i32
    %dma_start3A_294 = tpu.memref_slice %arg3[%dma_start3A_292, %dma_start3A_293] : memref<100000x128xf32, #tpu.memory_space<hbm>> -> memref<100000x128xf32, #tpu.memory_space<hbm>>
    tpu.enqueue_indirect_dma source(%dma_start3A_294 : memref<100000x128xf32, #tpu.memory_space<hbm>>) target(%dma_start3A_289 : memref<128x128xf32, #tpu.memory_space<vmem>>) offsets(%dma_start3A_291 : memref<128xi32, #tpu.memory_space<vmem>>) semaphore(%arg17 : memref<!tpu.dma_semaphore, #tpu.memory_space<semaphore_mem>>)
    %dma_start3A_295 = arith.constant 128 : i32
    %dma_start3A_296 = arith.constant 0 : i32
    %dma_start3A_297 = tpu.memref_slice %arg9[%dma_start3A_295, %dma_start3A_296] : memref<200x128xf32, #tpu.memory_space<vmem>> -> memref<72x128xf32, #tpu.memory_space<vmem>>
    %dma_start3A_298 = arith.constant 128 : i32
    %dma_start3A_299 = tpu.memref_slice %arg13[%dma_start3A_298] : memref<200xi32, #tpu.memory_space<vmem>> -> memref<72xi32, #tpu.memory_space<vmem>>
    %dma_start3A_300 = arith.constant 0 : i32
    %dma_start3A_301 = arith.constant 0 : i32
    %dma_start3A_302 = tpu.memref_slice %arg3[%dma_start3A_300, %dma_start3A_301] : memref<100000x128xf32, #tpu.memory_space<hbm>> -> memref<100000x128xf32, #tpu.memory_space<hbm>>
    tpu.enqueue_indirect_dma source(%dma_start3A_302 : memref<100000x128xf32, #tpu.memory_space<hbm>>) target(%dma_start3A_297 : memref<72x128xf32, #tpu.memory_space<vmem>>) offsets(%dma_start3A_299 : memref<72xi32, #tpu.memory_space<vmem>>) semaphore(%arg17 : memref<!tpu.dma_semaphore, #tpu.memory_space<semaphore_mem>>)
    %parallel_loop3A_303 = arith.constant 0 : i32
    %parallel_loop3A_304 = arith.constant 200 : i32
    %parallel_loop3A_305 = arith.constant 1 : i32
    scf.for %parallel_loop3A_429 = %parallel_loop3A_303 to %parallel_loop3A_304 step %parallel_loop3A_305  : i32 {
      %parallel_loop3A_430 = arith.index_cast %parallel_loop3A_429 : i32 to index
      %parallel_loop3A_431 = arith.constant 0 : index
      %parallel_loop3A_432 = tpu.vector_load %arg7[%parallel_loop3A_430, %parallel_loop3A_431] {strides = array<i32>} : memref<200x128xf32, #tpu.memory_space<vmem>>, vector<1x16xf32>,
      %parallel_loop3A_433 = vector.shape_cast %parallel_loop3A_432 : vector<1x16xf32> to vector<16xf32>
      %parallel_loop3A_434 = arith.index_cast %parallel_loop3A_429 : i32 to index
      %parallel_loop3A_435 = arith.constant 0 : index
      %parallel_loop3A_436 = tpu.vector_load %arg6[%parallel_loop3A_434, %parallel_loop3A_435] {strides = array<i32>} : memref<200x128xf32, #tpu.memory_space<vmem>>, vector<1x16xf32>,
      %parallel_loop3A_437 = vector.shape_cast %parallel_loop3A_436 : vector<1x16xf32> to vector<16xf32>
      %parallel_loop3A_438 = arith.addf %parallel_loop3A_433, %parallel_loop3A_437 : vector<16xf32>
      %parallel_loop3A_439 = arith.constant 0.000000e+00 : f32
      %parallel_loop3A_440 = vector.broadcast %parallel_loop3A_439 : f32 to vector<16xf32>
      %parallel_loop3A_441 = arith.maximumf %parallel_loop3A_438, %parallel_loop3A_440 : vector<16xf32>
      %parallel_loop3A_442 = arith.index_cast %parallel_loop3A_429 : i32 to index
      %parallel_loop3A_443 = arith.constant 0 : index
      %parallel_loop3A_444 = tpu.vector_load %arg7[%parallel_loop3A_442, %parallel_loop3A_443] {strides = array<i32>} : memref<200x128xf32, #tpu.memory_space<vmem>>, vector<1x16xf32>,
      %parallel_loop3A_445 = vector.shape_cast %parallel_loop3A_444 : vector<1x16xf32> to vector<16xf32>
      %parallel_loop3A_446 = vector.shape_cast %parallel_loop3A_441 : vector<16xf32> to vector<1x16xf32>
      tpu.vector_store %arg7[%parallel_loop3A_442, %parallel_loop3A_443], %parallel_loop3A_446 {strides = array<i32>} : memref<200x128xf32, #tpu.memory_space<vmem>>, vector<1x16xf32>,
      %parallel_loop3A_447 = arith.index_cast %parallel_loop3A_429 : i32 to index
      %parallel_loop3A_448 = arith.constant 16 : index
      %parallel_loop3A_449 = tpu.vector_load %arg7[%parallel_loop3A_447, %parallel_loop3A_448] {strides = array<i32>} : memref<200x128xf32, #tpu.memory_space<vmem>>, vector<1x16xf32>,
      %parallel_loop3A_450 = vector.shape_cast %parallel_loop3A_449 : vector<1x16xf32> to vector<16xf32>
      %parallel_loop3A_451 = arith.index_cast %parallel_loop3A_429 : i32 to index
      %parallel_loop3A_452 = arith.constant 16 : index
      %parallel_loop3A_453 = tpu.vector_load %arg6[%parallel_loop3A_451, %parallel_loop3A_452] {strides = array<i32>} : memref<200x128xf32, #tpu.memory_space<vmem>>, vector<1x16xf32>,
      %parallel_loop3A_454 = vector.shape_cast %parallel_loop3A_453 : vector<1x16xf32> to vector<16xf32>
      %parallel_loop3A_455 = arith.addf %parallel_loop3A_450, %parallel_loop3A_454 : vector<16xf32>
      %parallel_loop3A_456 = arith.constant 0.000000e+00 : f32
      %parallel_loop3A_457 = vector.broadcast %parallel_loop3A_456 : f32 to vector<16xf32>
      %parallel_loop3A_458 = arith.maximumf %parallel_loop3A_455, %parallel_loop3A_457 : vector<16xf32>
      %parallel_loop3A_459 = arith.index_cast %parallel_loop3A_429 : i32 to index
      %parallel_loop3A_460 = arith.constant 16 : index
      %parallel_loop3A_461 = tpu.vector_load %arg7[%parallel_loop3A_459, %parallel_loop3A_460] {strides = array<i32>} : memref<200x128xf32, #tpu.memory_space<vmem>>, vector<1x16xf32>,
      %parallel_loop3A_462 = vector.shape_cast %parallel_loop3A_461 : vector<1x16xf32> to vector<16xf32>
      %parallel_loop3A_463 = vector.shape_cast %parallel_loop3A_458 : vector<16xf32> to vector<1x16xf32>
      tpu.vector_store %arg7[%parallel_loop3A_459, %parallel_loop3A_460], %parallel_loop3A_463 {strides = array<i32>} : memref<200x128xf32, #tpu.memory_space<vmem>>, vector<1x16xf32>,
      %parallel_loop3A_464 = arith.index_cast %parallel_loop3A_429 : i32 to index
      %parallel_loop3A_465 = arith.constant 32 : index
      %parallel_loop3A_466 = tpu.vector_load %arg7[%parallel_loop3A_464, %parallel_loop3A_465] {strides = array<i32>} : memref<200x128xf32, #tpu.memory_space<vmem>>, vector<1x16xf32>,
      %parallel_loop3A_467 = vector.shape_cast %parallel_loop3A_466 : vector<1x16xf32> to vector<16xf32>
      %parallel_loop3A_468 = arith.index_cast %parallel_loop3A_429 : i32 to index
      %parallel_loop3A_469 = arith.constant 32 : index
      %parallel_loop3A_470 = tpu.vector_load %arg6[%parallel_loop3A_468, %parallel_loop3A_469] {strides = array<i32>} : memref<200x128xf32, #tpu.memory_space<vmem>>, vector<1x16xf32>,
      %parallel_loop3A_471 = vector.shape_cast %parallel_loop3A_470 : vector<1x16xf32> to vector<16xf32>
      %parallel_loop3A_472 = arith.addf %parallel_loop3A_467, %parallel_loop3A_471 : vector<16xf32>
      %parallel_loop3A_473 = arith.constant 0.000000e+00 : f32
      %parallel_loop3A_474 = vector.broadcast %parallel_loop3A_473 : f32 to vector<16xf32>
      %parallel_loop3A_475 = arith.maximumf %parallel_loop3A_472, %parallel_loop3A_474 : vector<16xf32>
      %parallel_loop3A_476 = arith.index_cast %parallel_loop3A_429 : i32 to index
      %parallel_loop3A_477 = arith.constant 32 : index
      %parallel_loop3A_478 = tpu.vector_load %arg7[%parallel_loop3A_476, %parallel_loop3A_477] {strides = array<i32>} : memref<200x128xf32, #tpu.memory_space<vmem>>, vector<1x16xf32>,
      %parallel_loop3A_479 = vector.shape_cast %parallel_loop3A_478 : vector<1x16xf32> to vector<16xf32>
      %parallel_loop3A_480 = vector.shape_cast %parallel_loop3A_475 : vector<16xf32> to vector<1x16xf32>
      tpu.vector_store %arg7[%parallel_loop3A_476, %parallel_loop3A_477], %parallel_loop3A_480 {strides = array<i32>} : memref<200x128xf32, #tpu.memory_space<vmem>>, vector<1x16xf32>,
      %parallel_loop3A_481 = arith.index_cast %parallel_loop3A_429 : i32 to index
      %parallel_loop3A_482 = arith.constant 48 : index
      %parallel_loop3A_483 = tpu.vector_load %arg7[%parallel_loop3A_481, %parallel_loop3A_482] {strides = array<i32>} : memref<200x128xf32, #tpu.memory_space<vmem>>, vector<1x16xf32>,
      %parallel_loop3A_484 = vector.shape_cast %parallel_loop3A_483 : vector<1x16xf32> to vector<16xf32>
      %parallel_loop3A_485 = arith.index_cast %parallel_loop3A_429 : i32 to index
      %parallel_loop3A_486 = arith.constant 48 : index
      %parallel_loop3A_487 = tpu.vector_load %arg6[%parallel_loop3A_485, %parallel_loop3A_486] {strides = array<i32>} : memref<200x128xf32, #tpu.memory_space<vmem>>, vector<1x16xf32>,
      %parallel_loop3A_488 = vector.shape_cast %parallel_loop3A_487 : vector<1x16xf32> to vector<16xf32>
      %parallel_loop3A_489 = arith.addf %parallel_loop3A_484, %parallel_loop3A_488 : vector<16xf32>
      %parallel_loop3A_490 = arith.constant 0.000000e+00 : f32
      %parallel_loop3A_491 = vector.broadcast %parallel_loop3A_490 : f32 to vector<16xf32>
      %parallel_loop3A_492 = arith.maximumf %parallel_loop3A_489, %parallel_loop3A_491 : vector<16xf32>
      %parallel_loop3A_493 = arith.index_cast %parallel_loop3A_429 : i32 to index
      %parallel_loop3A_494 = arith.constant 48 : index
      %parallel_loop3A_495 = tpu.vector_load %arg7[%parallel_loop3A_493, %parallel_loop3A_494] {strides = array<i32>} : memref<200x128xf32, #tpu.memory_space<vmem>>, vector<1x16xf32>,
      %parallel_loop3A_496 = vector.shape_cast %parallel_loop3A_495 : vector<1x16xf32> to vector<16xf32>
      %parallel_loop3A_497 = vector.shape_cast %parallel_loop3A_492 : vector<16xf32> to vector<1x16xf32>
      tpu.vector_store %arg7[%parallel_loop3A_493, %parallel_loop3A_494], %parallel_loop3A_497 {strides = array<i32>} : memref<200x128xf32, #tpu.memory_space<vmem>>, vector<1x16xf32>,
      %parallel_loop3A_498 = arith.index_cast %parallel_loop3A_429 : i32 to index
      %parallel_loop3A_499 = arith.constant 64 : index
      %parallel_loop3A_500 = tpu.vector_load %arg7[%parallel_loop3A_498, %parallel_loop3A_499] {strides = array<i32>} : memref<200x128xf32, #tpu.memory_space<vmem>>, vector<1x16xf32>,
      %parallel_loop3A_501 = vector.shape_cast %parallel_loop3A_500 : vector<1x16xf32> to vector<16xf32>
      %parallel_loop3A_502 = arith.index_cast %parallel_loop3A_429 : i32 to index
      %parallel_loop3A_503 = arith.constant 64 : index
      %parallel_loop3A_504 = tpu.vector_load %arg6[%parallel_loop3A_502, %parallel_loop3A_503] {strides = array<i32>} : memref<200x128xf32, #tpu.memory_space<vmem>>, vector<1x16xf32>,
      %parallel_loop3A_505 = vector.shape_cast %parallel_loop3A_504 : vector<1x16xf32> to vector<16xf32>
      %parallel_loop3A_506 = arith.addf %parallel_loop3A_501, %parallel_loop3A_505 : vector<16xf32>
      %parallel_loop3A_507 = arith.constant 0.000000e+00 : f32
      %parallel_loop3A_508 = vector.broadcast %parallel_loop3A_507 : f32 to vector<16xf32>
      %parallel_loop3A_509 = arith.maximumf %parallel_loop3A_506, %parallel_loop3A_508 : vector<16xf32>
      %parallel_loop3A_510 = arith.index_cast %parallel_loop3A_429 : i32 to index
      %parallel_loop3A_511 = arith.constant 64 : index
      %parallel_loop3A_512 = tpu.vector_load %arg7[%parallel_loop3A_510, %parallel_loop3A_511] {strides = array<i32>} : memref<200x128xf32, #tpu.memory_space<vmem>>, vector<1x16xf32>,
      %parallel_loop3A_513 = vector.shape_cast %parallel_loop3A_512 : vector<1x16xf32> to vector<16xf32>
      %parallel_loop3A_514 = vector.shape_cast %parallel_loop3A_509 : vector<16xf32> to vector<1x16xf32>
      tpu.vector_store %arg7[%parallel_loop3A_510, %parallel_loop3A_511], %parallel_loop3A_514 {strides = array<i32>} : memref<200x128xf32, #tpu.memory_space<vmem>>, vector<1x16xf32>,
      %parallel_loop3A_515 = arith.index_cast %parallel_loop3A_429 : i32 to index
      %parallel_loop3A_516 = arith.constant 80 : index
      %parallel_loop3A_517 = tpu.vector_load %arg7[%parallel_loop3A_515, %parallel_loop3A_516] {strides = array<i32>} : memref<200x128xf32, #tpu.memory_space<vmem>>, vector<1x16xf32>,
      %parallel_loop3A_518 = vector.shape_cast %parallel_loop3A_517 : vector<1x16xf32> to vector<16xf32>
      %parallel_loop3A_519 = arith.index_cast %parallel_loop3A_429 : i32 to index
      %parallel_loop3A_520 = arith.constant 80 : index
      %parallel_loop3A_521 = tpu.vector_load %arg6[%parallel_loop3A_519, %parallel_loop3A_520] {strides = array<i32>} : memref<200x128xf32, #tpu.memory_space<vmem>>, vector<1x16xf32>,
      %parallel_loop3A_522 = vector.shape_cast %parallel_loop3A_521 : vector<1x16xf32> to vector<16xf32>
      %parallel_loop3A_523 = arith.addf %parallel_loop3A_518, %parallel_loop3A_522 : vector<16xf32>
      %parallel_loop3A_524 = arith.constant 0.000000e+00 : f32
      %parallel_loop3A_525 = vector.broadcast %parallel_loop3A_524 : f32 to vector<16xf32>
      %parallel_loop3A_526 = arith.maximumf %parallel_loop3A_523, %parallel_loop3A_525 : vector<16xf32>
      %parallel_loop3A_527 = arith.index_cast %parallel_loop3A_429 : i32 to index
      %parallel_loop3A_528 = arith.constant 80 : index
      %parallel_loop3A_529 = tpu.vector_load %arg7[%parallel_loop3A_527, %parallel_loop3A_528] {strides = array<i32>} : memref<200x128xf32, #tpu.memory_space<vmem>>, vector<1x16xf32>,
      %parallel_loop3A_530 = vector.shape_cast %parallel_loop3A_529 : vector<1x16xf32> to vector<16xf32>
      %parallel_loop3A_531 = vector.shape_cast %parallel_loop3A_526 : vector<16xf32> to vector<1x16xf32>
      tpu.vector_store %arg7[%parallel_loop3A_527, %parallel_loop3A_528], %parallel_loop3A_531 {strides = array<i32>} : memref<200x128xf32, #tpu.memory_space<vmem>>, vector<1x16xf32>,
      %parallel_loop3A_532 = arith.index_cast %parallel_loop3A_429 : i32 to index
      %parallel_loop3A_533 = arith.constant 96 : index
      %parallel_loop3A_534 = tpu.vector_load %arg7[%parallel_loop3A_532, %parallel_loop3A_533] {strides = array<i32>} : memref<200x128xf32, #tpu.memory_space<vmem>>, vector<1x16xf32>,
      %parallel_loop3A_535 = vector.shape_cast %parallel_loop3A_534 : vector<1x16xf32> to vector<16xf32>
      %parallel_loop3A_536 = arith.index_cast %parallel_loop3A_429 : i32 to index
      %parallel_loop3A_537 = arith.constant 96 : index
      %parallel_loop3A_538 = tpu.vector_load %arg6[%parallel_loop3A_536, %parallel_loop3A_537] {strides = array<i32>} : memref<200x128xf32, #tpu.memory_space<vmem>>, vector<1x16xf32>,
      %parallel_loop3A_539 = vector.shape_cast %parallel_loop3A_538 : vector<1x16xf32> to vector<16xf32>
      %parallel_loop3A_540 = arith.addf %parallel_loop3A_535, %parallel_loop3A_539 : vector<16xf32>
      %parallel_loop3A_541 = arith.constant 0.000000e+00 : f32
      %parallel_loop3A_542 = vector.broadcast %parallel_loop3A_541 : f32 to vector<16xf32>
      %parallel_loop3A_543 = arith.maximumf %parallel_loop3A_540, %parallel_loop3A_542 : vector<16xf32>
      %parallel_loop3A_544 = arith.index_cast %parallel_loop3A_429 : i32 to index
      %parallel_loop3A_545 = arith.constant 96 : index
      %parallel_loop3A_546 = tpu.vector_load %arg7[%parallel_loop3A_544, %parallel_loop3A_545] {strides = array<i32>} : memref<200x128xf32, #tpu.memory_space<vmem>>, vector<1x16xf32>,
      %parallel_loop3A_547 = vector.shape_cast %parallel_loop3A_546 : vector<1x16xf32> to vector<16xf32>
      %parallel_loop3A_548 = vector.shape_cast %parallel_loop3A_543 : vector<16xf32> to vector<1x16xf32>
      tpu.vector_store %arg7[%parallel_loop3A_544, %parallel_loop3A_545], %parallel_loop3A_548 {strides = array<i32>} : memref<200x128xf32, #tpu.memory_space<vmem>>, vector<1x16xf32>,
      %parallel_loop3A_549 = arith.index_cast %parallel_loop3A_429 : i32 to index
      %parallel_loop3A_550 = arith.constant 112 : index
      %parallel_loop3A_551 = tpu.vector_load %arg7[%parallel_loop3A_549, %parallel_loop3A_550] {strides = array<i32>} : memref<200x128xf32, #tpu.memory_space<vmem>>, vector<1x16xf32>,
      %parallel_loop3A_552 = vector.shape_cast %parallel_loop3A_551 : vector<1x16xf32> to vector<16xf32>
      %parallel_loop3A_553 = arith.index_cast %parallel_loop3A_429 : i32 to index
      %parallel_loop3A_554 = arith.constant 112 : index
      %parallel_loop3A_555 = tpu.vector_load %arg6[%parallel_loop3A_553, %parallel_loop3A_554] {strides = array<i32>} : memref<200x128xf32, #tpu.memory_space<vmem>>, vector<1x16xf32>,
      %parallel_loop3A_556 = vector.shape_cast %parallel_loop3A_555 : vector<1x16xf32> to vector<16xf32>
      %parallel_loop3A_557 = arith.addf %parallel_loop3A_552, %parallel_loop3A_556 : vector<16xf32>
      %parallel_loop3A_558 = arith.constant 0.000000e+00 : f32
      %parallel_loop3A_559 = vector.broadcast %parallel_loop3A_558 : f32 to vector<16xf32>
      %parallel_loop3A_560 = arith.maximumf %parallel_loop3A_557, %parallel_loop3A_559 : vector<16xf32>
      %parallel_loop3A_561 = arith.index_cast %parallel_loop3A_429 : i32 to index
      %parallel_loop3A_562 = arith.constant 112 : index
      %parallel_loop3A_563 = tpu.vector_load %arg7[%parallel_loop3A_561, %parallel_loop3A_562] {strides = array<i32>} : memref<200x128xf32, #tpu.memory_space<vmem>>, vector<1x16xf32>,
      %parallel_loop3A_564 = vector.shape_cast %parallel_loop3A_563 : vector<1x16xf32> to vector<16xf32>
      %parallel_loop3A_565 = vector.shape_cast %parallel_loop3A_560 : vector<16xf32> to vector<1x16xf32>
      tpu.vector_store %arg7[%parallel_loop3A_561, %parallel_loop3A_562], %parallel_loop3A_565 {strides = array<i32>} : memref<200x128xf32, #tpu.memory_space<vmem>>, vector<1x16xf32>,
    } {sc.loop_unroll_factor = 4 : i64, sc.parallel_access}
    %add3A_306 = arith.constant 5600 : i32
    %add3A_307 = arith.addi %mul3A_2, %add3A_306 : i32
    %multiple_of3A_308 = tpu.assume_multiple %add3A_307, 8 : i32
    %dma_start3A_309 = arith.constant 0 : i32
    %dma_start3A_310 = tpu.memref_slice %arg5[%multiple_of3A_308, %dma_start3A_309] : memref<204800x128xf32, #tpu.memory_space<hbm>> -> memref<200x128xf32, #tpu.memory_space<hbm>>
    %dma_start3A_311 = arith.constant 0 : i32
    %dma_start3A_312 = tpu.memref_slice %arg5[%multiple_of3A_308, %dma_start3A_311] : memref<204800x128xf32, #tpu.memory_space<hbm>> -> memref<200x128xf32, #tpu.memory_space<hbm>>
    tpu.enqueue_dma source(%arg7 : memref<200x128xf32, #tpu.memory_space<vmem>>) target(%dma_start3A_312 : memref<200x128xf32, #tpu.memory_space<hbm>>) target_semaphore(%arg19 : memref<!tpu.dma_semaphore, #tpu.memory_space<semaphore_mem>>)
    %dma_wait3A_313 = arith.constant 0 : i32
    %dma_wait3A_314 = arith.constant 0 : i32
    %dma_wait3A_315 = tpu.memref_slice %arg8[%dma_wait3A_313, %dma_wait3A_314] : memref<200x128xf32, #tpu.memory_space<vmem>> -> memref<128x128xf32, #tpu.memory_space<vmem>>
    %dma_wait3A_316 = arith.constant 0 : i32
    %dma_wait3A_317 = tpu.memref_slice %arg12[%dma_wait3A_316] : memref<200xi32, #tpu.memory_space<vmem>> -> memref<128xi32, #tpu.memory_space<vmem>>
    %dma_wait3A_318 = arith.constant 0 : i32
    %dma_wait3A_319 = arith.constant 0 : i32
    %dma_wait3A_320 = tpu.memref_slice %arg3[%dma_wait3A_318, %dma_wait3A_319] : memref<100000x128xf32, #tpu.memory_space<hbm>> -> memref<100000x128xf32, #tpu.memory_space<hbm>>
    tpu.wait_indirect_dma semaphore(%arg16 : memref<!tpu.dma_semaphore, #tpu.memory_space<semaphore_mem>>) src(%dma_wait3A_320 : memref<100000x128xf32, #tpu.memory_space<hbm>>) dst(%dma_wait3A_315 : memref<128x128xf32, #tpu.memory_space<vmem>>)
    %dma_wait3A_321 = arith.constant 128 : i32
    %dma_wait3A_322 = arith.constant 0 : i32
    %dma_wait3A_323 = tpu.memref_slice %arg8[%dma_wait3A_321, %dma_wait3A_322] : memref<200x128xf32, #tpu.memory_space<vmem>> -> memref<72x128xf32, #tpu.memory_space<vmem>>
    %dma_wait3A_324 = arith.constant 128 : i32
    %dma_wait3A_325 = tpu.memref_slice %arg12[%dma_wait3A_324] : memref<200xi32, #tpu.memory_space<vmem>> -> memref<72xi32, #tpu.memory_space<vmem>>
    %dma_wait3A_326 = arith.constant 0 : i32
    %dma_wait3A_327 = arith.constant 0 : i32
    %dma_wait3A_328 = tpu.memref_slice %arg3[%dma_wait3A_326, %dma_wait3A_327] : memref<100000x128xf32, #tpu.memory_space<hbm>> -> memref<100000x128xf32, #tpu.memory_space<hbm>>
    tpu.wait_indirect_dma semaphore(%arg16 : memref<!tpu.dma_semaphore, #tpu.memory_space<semaphore_mem>>) src(%dma_wait3A_328 : memref<100000x128xf32, #tpu.memory_space<hbm>>) dst(%dma_wait3A_323 : memref<72x128xf32, #tpu.memory_space<vmem>>)
    %dma_wait3A_329 = arith.constant 0 : i32
    %dma_wait3A_330 = tpu.memref_slice %arg5[%mul3A_2, %dma_wait3A_329] : memref<204800x128xf32, #tpu.memory_space<hbm>> -> memref<200x128xf32, #tpu.memory_space<hbm>>
    %dma_wait3A_331 = arith.constant 0 : i32
    %dma_wait3A_332 = tpu.memref_slice %arg5[%mul3A_2, %dma_wait3A_331] : memref<204800x128xf32, #tpu.memory_space<hbm>> -> memref<200x128xf32, #tpu.memory_space<hbm>>
    tpu.wait_dma2 semaphore(%arg22 : memref<!tpu.dma_semaphore, #tpu.memory_space<semaphore_mem>>) src(%arg10 : memref<200x128xf32, #tpu.memory_space<vmem>>) dst(%dma_wait3A_332 : memref<200x128xf32, #tpu.memory_space<hbm>>)
    %dma_wait3A_333 = tpu.memref_slice %arg2[%mul3A_2] : memref<204800xi32, #tpu.memory_space<hbm>> -> memref<200xi32, #tpu.memory_space<hbm>>
    %dma_wait3A_334 = tpu.memref_slice %arg2[%mul3A_2] : memref<204800xi32, #tpu.memory_space<hbm>> -> memref<200xi32, #tpu.memory_space<hbm>>
    tpu.wait_dma2 semaphore(%arg26 : memref<!tpu.dma_semaphore, #tpu.memory_space<semaphore_mem>>) src(%dma_wait3A_334 : memref<200xi32, #tpu.memory_space<hbm>>) dst(%arg14 : memref<200xi32, #tpu.memory_space<vmem>>)
    %dma_start3A_335 = arith.constant 0 : i32
    %dma_start3A_336 = arith.constant 0 : i32
    %dma_start3A_337 = tpu.memref_slice %arg10[%dma_start3A_335, %dma_start3A_336] : memref<200x128xf32, #tpu.memory_space<vmem>> -> memref<128x128xf32, #tpu.memory_space<vmem>>
    %dma_start3A_338 = arith.constant 0 : i32
    %dma_start3A_339 = tpu.memref_slice %arg14[%dma_start3A_338] : memref<200xi32, #tpu.memory_space<vmem>> -> memref<128xi32, #tpu.memory_space<vmem>>
    %dma_start3A_340 = arith.constant 0 : i32
    %dma_start3A_341 = arith.constant 0 : i32
    %dma_start3A_342 = tpu.memref_slice %arg3[%dma_start3A_340, %dma_start3A_341] : memref<100000x128xf32, #tpu.memory_space<hbm>> -> memref<100000x128xf32, #tpu.memory_space<hbm>>
    tpu.enqueue_indirect_dma source(%dma_start3A_342 : memref<100000x128xf32, #tpu.memory_space<hbm>>) target(%dma_start3A_337 : memref<128x128xf32, #tpu.memory_space<vmem>>) offsets(%dma_start3A_339 : memref<128xi32, #tpu.memory_space<vmem>>) semaphore(%arg18 : memref<!tpu.dma_semaphore, #tpu.memory_space<semaphore_mem>>)
    %dma_start3A_343 = arith.constant 128 : i32
    %dma_start3A_344 = arith.constant 0 : i32
    %dma_start3A_345 = tpu.memref_slice %arg10[%dma_start3A_343, %dma_start3A_344] : memref<200x128xf32, #tpu.memory_space<vmem>> -> memref<72x128xf32, #tpu.memory_space<vmem>>
    %dma_start3A_346 = arith.constant 128 : i32
    %dma_start3A_347 = tpu.memref_slice %arg14[%dma_start3A_346] : memref<200xi32, #tpu.memory_space<vmem>> -> memref<72xi32, #tpu.memory_space<vmem>>
    %dma_start3A_348 = arith.constant 0 : i32
    %dma_start3A_349 = arith.constant 0 : i32
    %dma_start3A_350 = tpu.memref_slice %arg3[%dma_start3A_348, %dma_start3A_349] : memref<100000x128xf32, #tpu.memory_space<hbm>> -> memref<100000x128xf32, #tpu.memory_space<hbm>>
    tpu.enqueue_indirect_dma source(%dma_start3A_350 : memref<100000x128xf32, #tpu.memory_space<hbm>>) target(%dma_start3A_345 : memref<72x128xf32, #tpu.memory_space<vmem>>) offsets(%dma_start3A_347 : memref<72xi32, #tpu.memory_space<vmem>>) semaphore(%arg18 : memref<!tpu.dma_semaphore, #tpu.memory_space<semaphore_mem>>)
    %parallel_loop3A_351 = arith.constant 0 : i32
    %parallel_loop3A_352 = arith.constant 200 : i32
    %parallel_loop3A_353 = arith.constant 1 : i32
    scf.for %parallel_loop3A_429 = %parallel_loop3A_351 to %parallel_loop3A_352 step %parallel_loop3A_353  : i32 {
      %parallel_loop3A_430 = arith.index_cast %parallel_loop3A_429 : i32 to index
      %parallel_loop3A_431 = arith.constant 0 : index
      %parallel_loop3A_432 = tpu.vector_load %arg8[%parallel_loop3A_430, %parallel_loop3A_431] {strides = array<i32>} : memref<200x128xf32, #tpu.memory_space<vmem>>, vector<1x16xf32>,
      %parallel_loop3A_433 = vector.shape_cast %parallel_loop3A_432 : vector<1x16xf32> to vector<16xf32>
      %parallel_loop3A_434 = arith.index_cast %parallel_loop3A_429 : i32 to index
      %parallel_loop3A_435 = arith.constant 0 : index
      %parallel_loop3A_436 = tpu.vector_load %arg6[%parallel_loop3A_434, %parallel_loop3A_435] {strides = array<i32>} : memref<200x128xf32, #tpu.memory_space<vmem>>, vector<1x16xf32>,
      %parallel_loop3A_437 = vector.shape_cast %parallel_loop3A_436 : vector<1x16xf32> to vector<16xf32>
      %parallel_loop3A_438 = arith.addf %parallel_loop3A_433, %parallel_loop3A_437 : vector<16xf32>
      %parallel_loop3A_439 = arith.constant 0.000000e+00 : f32
      %parallel_loop3A_440 = vector.broadcast %parallel_loop3A_439 : f32 to vector<16xf32>
      %parallel_loop3A_441 = arith.maximumf %parallel_loop3A_438, %parallel_loop3A_440 : vector<16xf32>
      %parallel_loop3A_442 = arith.index_cast %parallel_loop3A_429 : i32 to index
      %parallel_loop3A_443 = arith.constant 0 : index
      %parallel_loop3A_444 = tpu.vector_load %arg8[%parallel_loop3A_442, %parallel_loop3A_443] {strides = array<i32>} : memref<200x128xf32, #tpu.memory_space<vmem>>, vector<1x16xf32>,
      %parallel_loop3A_445 = vector.shape_cast %parallel_loop3A_444 : vector<1x16xf32> to vector<16xf32>
      %parallel_loop3A_446 = vector.shape_cast %parallel_loop3A_441 : vector<16xf32> to vector<1x16xf32>
      tpu.vector_store %arg8[%parallel_loop3A_442, %parallel_loop3A_443], %parallel_loop3A_446 {strides = array<i32>} : memref<200x128xf32, #tpu.memory_space<vmem>>, vector<1x16xf32>,
      %parallel_loop3A_447 = arith.index_cast %parallel_loop3A_429 : i32 to index
      %parallel_loop3A_448 = arith.constant 16 : index
      %parallel_loop3A_449 = tpu.vector_load %arg8[%parallel_loop3A_447, %parallel_loop3A_448] {strides = array<i32>} : memref<200x128xf32, #tpu.memory_space<vmem>>, vector<1x16xf32>,
      %parallel_loop3A_450 = vector.shape_cast %parallel_loop3A_449 : vector<1x16xf32> to vector<16xf32>
      %parallel_loop3A_451 = arith.index_cast %parallel_loop3A_429 : i32 to index
      %parallel_loop3A_452 = arith.constant 16 : index
      %parallel_loop3A_453 = tpu.vector_load %arg6[%parallel_loop3A_451, %parallel_loop3A_452] {strides = array<i32>} : memref<200x128xf32, #tpu.memory_space<vmem>>, vector<1x16xf32>,
      %parallel_loop3A_454 = vector.shape_cast %parallel_loop3A_453 : vector<1x16xf32> to vector<16xf32>
      %parallel_loop3A_455 = arith.addf %parallel_loop3A_450, %parallel_loop3A_454 : vector<16xf32>
      %parallel_loop3A_456 = arith.constant 0.000000e+00 : f32
      %parallel_loop3A_457 = vector.broadcast %parallel_loop3A_456 : f32 to vector<16xf32>
      %parallel_loop3A_458 = arith.maximumf %parallel_loop3A_455, %parallel_loop3A_457 : vector<16xf32>
      %parallel_loop3A_459 = arith.index_cast %parallel_loop3A_429 : i32 to index
      %parallel_loop3A_460 = arith.constant 16 : index
      %parallel_loop3A_461 = tpu.vector_load %arg8[%parallel_loop3A_459, %parallel_loop3A_460] {strides = array<i32>} : memref<200x128xf32, #tpu.memory_space<vmem>>, vector<1x16xf32>,
      %parallel_loop3A_462 = vector.shape_cast %parallel_loop3A_461 : vector<1x16xf32> to vector<16xf32>
      %parallel_loop3A_463 = vector.shape_cast %parallel_loop3A_458 : vector<16xf32> to vector<1x16xf32>
      tpu.vector_store %arg8[%parallel_loop3A_459, %parallel_loop3A_460], %parallel_loop3A_463 {strides = array<i32>} : memref<200x128xf32, #tpu.memory_space<vmem>>, vector<1x16xf32>,
      %parallel_loop3A_464 = arith.index_cast %parallel_loop3A_429 : i32 to index
      %parallel_loop3A_465 = arith.constant 32 : index
      %parallel_loop3A_466 = tpu.vector_load %arg8[%parallel_loop3A_464, %parallel_loop3A_465] {strides = array<i32>} : memref<200x128xf32, #tpu.memory_space<vmem>>, vector<1x16xf32>,
      %parallel_loop3A_467 = vector.shape_cast %parallel_loop3A_466 : vector<1x16xf32> to vector<16xf32>
      %parallel_loop3A_468 = arith.index_cast %parallel_loop3A_429 : i32 to index
      %parallel_loop3A_469 = arith.constant 32 : index
      %parallel_loop3A_470 = tpu.vector_load %arg6[%parallel_loop3A_468, %parallel_loop3A_469] {strides = array<i32>} : memref<200x128xf32, #tpu.memory_space<vmem>>, vector<1x16xf32>,
      %parallel_loop3A_471 = vector.shape_cast %parallel_loop3A_470 : vector<1x16xf32> to vector<16xf32>
      %parallel_loop3A_472 = arith.addf %parallel_loop3A_467, %parallel_loop3A_471 : vector<16xf32>
      %parallel_loop3A_473 = arith.constant 0.000000e+00 : f32
      %parallel_loop3A_474 = vector.broadcast %parallel_loop3A_473 : f32 to vector<16xf32>
      %parallel_loop3A_475 = arith.maximumf %parallel_loop3A_472, %parallel_loop3A_474 : vector<16xf32>
      %parallel_loop3A_476 = arith.index_cast %parallel_loop3A_429 : i32 to index
      %parallel_loop3A_477 = arith.constant 32 : index
      %parallel_loop3A_478 = tpu.vector_load %arg8[%parallel_loop3A_476, %parallel_loop3A_477] {strides = array<i32>} : memref<200x128xf32, #tpu.memory_space<vmem>>, vector<1x16xf32>,
      %parallel_loop3A_479 = vector.shape_cast %parallel_loop3A_478 : vector<1x16xf32> to vector<16xf32>
      %parallel_loop3A_480 = vector.shape_cast %parallel_loop3A_475 : vector<16xf32> to vector<1x16xf32>
      tpu.vector_store %arg8[%parallel_loop3A_476, %parallel_loop3A_477], %parallel_loop3A_480 {strides = array<i32>} : memref<200x128xf32, #tpu.memory_space<vmem>>, vector<1x16xf32>,
      %parallel_loop3A_481 = arith.index_cast %parallel_loop3A_429 : i32 to index
      %parallel_loop3A_482 = arith.constant 48 : index
      %parallel_loop3A_483 = tpu.vector_load %arg8[%parallel_loop3A_481, %parallel_loop3A_482] {strides = array<i32>} : memref<200x128xf32, #tpu.memory_space<vmem>>, vector<1x16xf32>,
      %parallel_loop3A_484 = vector.shape_cast %parallel_loop3A_483 : vector<1x16xf32> to vector<16xf32>
      %parallel_loop3A_485 = arith.index_cast %parallel_loop3A_429 : i32 to index
      %parallel_loop3A_486 = arith.constant 48 : index
      %parallel_loop3A_487 = tpu.vector_load %arg6[%parallel_loop3A_485, %parallel_loop3A_486] {strides = array<i32>} : memref<200x128xf32, #tpu.memory_space<vmem>>, vector<1x16xf32>,
      %parallel_loop3A_488 = vector.shape_cast %parallel_loop3A_487 : vector<1x16xf32> to vector<16xf32>
      %parallel_loop3A_489 = arith.addf %parallel_loop3A_484, %parallel_loop3A_488 : vector<16xf32>
      %parallel_loop3A_490 = arith.constant 0.000000e+00 : f32
      %parallel_loop3A_491 = vector.broadcast %parallel_loop3A_490 : f32 to vector<16xf32>
      %parallel_loop3A_492 = arith.maximumf %parallel_loop3A_489, %parallel_loop3A_491 : vector<16xf32>
      %parallel_loop3A_493 = arith.index_cast %parallel_loop3A_429 : i32 to index
      %parallel_loop3A_494 = arith.constant 48 : index
      %parallel_loop3A_495 = tpu.vector_load %arg8[%parallel_loop3A_493, %parallel_loop3A_494] {strides = array<i32>} : memref<200x128xf32, #tpu.memory_space<vmem>>, vector<1x16xf32>,
      %parallel_loop3A_496 = vector.shape_cast %parallel_loop3A_495 : vector<1x16xf32> to vector<16xf32>
      %parallel_loop3A_497 = vector.shape_cast %parallel_loop3A_492 : vector<16xf32> to vector<1x16xf32>
      tpu.vector_store %arg8[%parallel_loop3A_493, %parallel_loop3A_494], %parallel_loop3A_497 {strides = array<i32>} : memref<200x128xf32, #tpu.memory_space<vmem>>, vector<1x16xf32>,
      %parallel_loop3A_498 = arith.index_cast %parallel_loop3A_429 : i32 to index
      %parallel_loop3A_499 = arith.constant 64 : index
      %parallel_loop3A_500 = tpu.vector_load %arg8[%parallel_loop3A_498, %parallel_loop3A_499] {strides = array<i32>} : memref<200x128xf32, #tpu.memory_space<vmem>>, vector<1x16xf32>,
      %parallel_loop3A_501 = vector.shape_cast %parallel_loop3A_500 : vector<1x16xf32> to vector<16xf32>
      %parallel_loop3A_502 = arith.index_cast %parallel_loop3A_429 : i32 to index
      %parallel_loop3A_503 = arith.constant 64 : index
      %parallel_loop3A_504 = tpu.vector_load %arg6[%parallel_loop3A_502, %parallel_loop3A_503] {strides = array<i32>} : memref<200x128xf32, #tpu.memory_space<vmem>>, vector<1x16xf32>,
      %parallel_loop3A_505 = vector.shape_cast %parallel_loop3A_504 : vector<1x16xf32> to vector<16xf32>
      %parallel_loop3A_506 = arith.addf %parallel_loop3A_501, %parallel_loop3A_505 : vector<16xf32>
      %parallel_loop3A_507 = arith.constant 0.000000e+00 : f32
      %parallel_loop3A_508 = vector.broadcast %parallel_loop3A_507 : f32 to vector<16xf32>
      %parallel_loop3A_509 = arith.maximumf %parallel_loop3A_506, %parallel_loop3A_508 : vector<16xf32>
      %parallel_loop3A_510 = arith.index_cast %parallel_loop3A_429 : i32 to index
      %parallel_loop3A_511 = arith.constant 64 : index
      %parallel_loop3A_512 = tpu.vector_load %arg8[%parallel_loop3A_510, %parallel_loop3A_511] {strides = array<i32>} : memref<200x128xf32, #tpu.memory_space<vmem>>, vector<1x16xf32>,
      %parallel_loop3A_513 = vector.shape_cast %parallel_loop3A_512 : vector<1x16xf32> to vector<16xf32>
      %parallel_loop3A_514 = vector.shape_cast %parallel_loop3A_509 : vector<16xf32> to vector<1x16xf32>
      tpu.vector_store %arg8[%parallel_loop3A_510, %parallel_loop3A_511], %parallel_loop3A_514 {strides = array<i32>} : memref<200x128xf32, #tpu.memory_space<vmem>>, vector<1x16xf32>,
      %parallel_loop3A_515 = arith.index_cast %parallel_loop3A_429 : i32 to index
      %parallel_loop3A_516 = arith.constant 80 : index
      %parallel_loop3A_517 = tpu.vector_load %arg8[%parallel_loop3A_515, %parallel_loop3A_516] {strides = array<i32>} : memref<200x128xf32, #tpu.memory_space<vmem>>, vector<1x16xf32>,
      %parallel_loop3A_518 = vector.shape_cast %parallel_loop3A_517 : vector<1x16xf32> to vector<16xf32>
      %parallel_loop3A_519 = arith.index_cast %parallel_loop3A_429 : i32 to index
      %parallel_loop3A_520 = arith.constant 80 : index
      %parallel_loop3A_521 = tpu.vector_load %arg6[%parallel_loop3A_519, %parallel_loop3A_520] {strides = array<i32>} : memref<200x128xf32, #tpu.memory_space<vmem>>, vector<1x16xf32>,
      %parallel_loop3A_522 = vector.shape_cast %parallel_loop3A_521 : vector<1x16xf32> to vector<16xf32>
      %parallel_loop3A_523 = arith.addf %parallel_loop3A_518, %parallel_loop3A_522 : vector<16xf32>
      %parallel_loop3A_524 = arith.constant 0.000000e+00 : f32
      %parallel_loop3A_525 = vector.broadcast %parallel_loop3A_524 : f32 to vector<16xf32>
      %parallel_loop3A_526 = arith.maximumf %parallel_loop3A_523, %parallel_loop3A_525 : vector<16xf32>
      %parallel_loop3A_527 = arith.index_cast %parallel_loop3A_429 : i32 to index
      %parallel_loop3A_528 = arith.constant 80 : index
      %parallel_loop3A_529 = tpu.vector_load %arg8[%parallel_loop3A_527, %parallel_loop3A_528] {strides = array<i32>} : memref<200x128xf32, #tpu.memory_space<vmem>>, vector<1x16xf32>,
      %parallel_loop3A_530 = vector.shape_cast %parallel_loop3A_529 : vector<1x16xf32> to vector<16xf32>
      %parallel_loop3A_531 = vector.shape_cast %parallel_loop3A_526 : vector<16xf32> to vector<1x16xf32>
      tpu.vector_store %arg8[%parallel_loop3A_527, %parallel_loop3A_528], %parallel_loop3A_531 {strides = array<i32>} : memref<200x128xf32, #tpu.memory_space<vmem>>, vector<1x16xf32>,
      %parallel_loop3A_532 = arith.index_cast %parallel_loop3A_429 : i32 to index
      %parallel_loop3A_533 = arith.constant 96 : index
      %parallel_loop3A_534 = tpu.vector_load %arg8[%parallel_loop3A_532, %parallel_loop3A_533] {strides = array<i32>} : memref<200x128xf32, #tpu.memory_space<vmem>>, vector<1x16xf32>,
      %parallel_loop3A_535 = vector.shape_cast %parallel_loop3A_534 : vector<1x16xf32> to vector<16xf32>
      %parallel_loop3A_536 = arith.index_cast %parallel_loop3A_429 : i32 to index
      %parallel_loop3A_537 = arith.constant 96 : index
      %parallel_loop3A_538 = tpu.vector_load %arg6[%parallel_loop3A_536, %parallel_loop3A_537] {strides = array<i32>} : memref<200x128xf32, #tpu.memory_space<vmem>>, vector<1x16xf32>,
      %parallel_loop3A_539 = vector.shape_cast %parallel_loop3A_538 : vector<1x16xf32> to vector<16xf32>
      %parallel_loop3A_540 = arith.addf %parallel_loop3A_535, %parallel_loop3A_539 : vector<16xf32>
      %parallel_loop3A_541 = arith.constant 0.000000e+00 : f32
      %parallel_loop3A_542 = vector.broadcast %parallel_loop3A_541 : f32 to vector<16xf32>
      %parallel_loop3A_543 = arith.maximumf %parallel_loop3A_540, %parallel_loop3A_542 : vector<16xf32>
      %parallel_loop3A_544 = arith.index_cast %parallel_loop3A_429 : i32 to index
      %parallel_loop3A_545 = arith.constant 96 : index
      %parallel_loop3A_546 = tpu.vector_load %arg8[%parallel_loop3A_544, %parallel_loop3A_545] {strides = array<i32>} : memref<200x128xf32, #tpu.memory_space<vmem>>, vector<1x16xf32>,
      %parallel_loop3A_547 = vector.shape_cast %parallel_loop3A_546 : vector<1x16xf32> to vector<16xf32>
      %parallel_loop3A_548 = vector.shape_cast %parallel_loop3A_543 : vector<16xf32> to vector<1x16xf32>
      tpu.vector_store %arg8[%parallel_loop3A_544, %parallel_loop3A_545], %parallel_loop3A_548 {strides = array<i32>} : memref<200x128xf32, #tpu.memory_space<vmem>>, vector<1x16xf32>,
      %parallel_loop3A_549 = arith.index_cast %parallel_loop3A_429 : i32 to index
      %parallel_loop3A_550 = arith.constant 112 : index
      %parallel_loop3A_551 = tpu.vector_load %arg8[%parallel_loop3A_549, %parallel_loop3A_550] {strides = array<i32>} : memref<200x128xf32, #tpu.memory_space<vmem>>, vector<1x16xf32>,
      %parallel_loop3A_552 = vector.shape_cast %parallel_loop3A_551 : vector<1x16xf32> to vector<16xf32>
      %parallel_loop3A_553 = arith.index_cast %parallel_loop3A_429 : i32 to index
      %parallel_loop3A_554 = arith.constant 112 : index
      %parallel_loop3A_555 = tpu.vector_load %arg6[%parallel_loop3A_553, %parallel_loop3A_554] {strides = array<i32>} : memref<200x128xf32, #tpu.memory_space<vmem>>, vector<1x16xf32>,
      %parallel_loop3A_556 = vector.shape_cast %parallel_loop3A_555 : vector<1x16xf32> to vector<16xf32>
      %parallel_loop3A_557 = arith.addf %parallel_loop3A_552, %parallel_loop3A_556 : vector<16xf32>
      %parallel_loop3A_558 = arith.constant 0.000000e+00 : f32
      %parallel_loop3A_559 = vector.broadcast %parallel_loop3A_558 : f32 to vector<16xf32>
      %parallel_loop3A_560 = arith.maximumf %parallel_loop3A_557, %parallel_loop3A_559 : vector<16xf32>
      %parallel_loop3A_561 = arith.index_cast %parallel_loop3A_429 : i32 to index
      %parallel_loop3A_562 = arith.constant 112 : index
      %parallel_loop3A_563 = tpu.vector_load %arg8[%parallel_loop3A_561, %parallel_loop3A_562] {strides = array<i32>} : memref<200x128xf32, #tpu.memory_space<vmem>>, vector<1x16xf32>,
      %parallel_loop3A_564 = vector.shape_cast %parallel_loop3A_563 : vector<1x16xf32> to vector<16xf32>
      %parallel_loop3A_565 = vector.shape_cast %parallel_loop3A_560 : vector<16xf32> to vector<1x16xf32>
      tpu.vector_store %arg8[%parallel_loop3A_561, %parallel_loop3A_562], %parallel_loop3A_565 {strides = array<i32>} : memref<200x128xf32, #tpu.memory_space<vmem>>, vector<1x16xf32>,
    } {sc.loop_unroll_factor = 4 : i64, sc.parallel_access}
    %add3A_354 = arith.constant 5800 : i32
    %add3A_355 = arith.addi %mul3A_2, %add3A_354 : i32
    %multiple_of3A_356 = tpu.assume_multiple %add3A_355, 8 : i32
    %dma_start3A_357 = arith.constant 0 : i32
    %dma_start3A_358 = tpu.memref_slice %arg5[%multiple_of3A_356, %dma_start3A_357] : memref<204800x128xf32, #tpu.memory_space<hbm>> -> memref<200x128xf32, #tpu.memory_space<hbm>>
    %dma_start3A_359 = arith.constant 0 : i32
    %dma_start3A_360 = tpu.memref_slice %arg5[%multiple_of3A_356, %dma_start3A_359] : memref<204800x128xf32, #tpu.memory_space<hbm>> -> memref<200x128xf32, #tpu.memory_space<hbm>>
    tpu.enqueue_dma source(%arg8 : memref<200x128xf32, #tpu.memory_space<vmem>>) target(%dma_start3A_360 : memref<200x128xf32, #tpu.memory_space<hbm>>) target_semaphore(%arg20 : memref<!tpu.dma_semaphore, #tpu.memory_space<semaphore_mem>>)
    %dma_wait3A_361 = arith.constant 0 : i32
    %dma_wait3A_362 = arith.constant 0 : i32
    %dma_wait3A_363 = tpu.memref_slice %arg9[%dma_wait3A_361, %dma_wait3A_362] : memref<200x128xf32, #tpu.memory_space<vmem>> -> memref<128x128xf32, #tpu.memory_space<vmem>>
    %dma_wait3A_364 = arith.constant 0 : i32
    %dma_wait3A_365 = tpu.memref_slice %arg13[%dma_wait3A_364] : memref<200xi32, #tpu.memory_space<vmem>> -> memref<128xi32, #tpu.memory_space<vmem>>
    %dma_wait3A_366 = arith.constant 0 : i32
    %dma_wait3A_367 = arith.constant 0 : i32
    %dma_wait3A_368 = tpu.memref_slice %arg3[%dma_wait3A_366, %dma_wait3A_367] : memref<100000x128xf32, #tpu.memory_space<hbm>> -> memref<100000x128xf32, #tpu.memory_space<hbm>>
    tpu.wait_indirect_dma semaphore(%arg17 : memref<!tpu.dma_semaphore, #tpu.memory_space<semaphore_mem>>) src(%dma_wait3A_368 : memref<100000x128xf32, #tpu.memory_space<hbm>>) dst(%dma_wait3A_363 : memref<128x128xf32, #tpu.memory_space<vmem>>)
    %dma_wait3A_369 = arith.constant 128 : i32
    %dma_wait3A_370 = arith.constant 0 : i32
    %dma_wait3A_371 = tpu.memref_slice %arg9[%dma_wait3A_369, %dma_wait3A_370] : memref<200x128xf32, #tpu.memory_space<vmem>> -> memref<72x128xf32, #tpu.memory_space<vmem>>
    %dma_wait3A_372 = arith.constant 128 : i32
    %dma_wait3A_373 = tpu.memref_slice %arg13[%dma_wait3A_372] : memref<200xi32, #tpu.memory_space<vmem>> -> memref<72xi32, #tpu.memory_space<vmem>>
    %dma_wait3A_374 = arith.constant 0 : i32
    %dma_wait3A_375 = arith.constant 0 : i32
    %dma_wait3A_376 = tpu.memref_slice %arg3[%dma_wait3A_374, %dma_wait3A_375] : memref<100000x128xf32, #tpu.memory_space<hbm>> -> memref<100000x128xf32, #tpu.memory_space<hbm>>
    tpu.wait_indirect_dma semaphore(%arg17 : memref<!tpu.dma_semaphore, #tpu.memory_space<semaphore_mem>>) src(%dma_wait3A_376 : memref<100000x128xf32, #tpu.memory_space<hbm>>) dst(%dma_wait3A_371 : memref<72x128xf32, #tpu.memory_space<vmem>>)
    %parallel_loop3A_377 = arith.constant 0 : i32
    %parallel_loop3A_378 = arith.constant 200 : i32
    %parallel_loop3A_379 = arith.constant 1 : i32
    scf.for %parallel_loop3A_429 = %parallel_loop3A_377 to %parallel_loop3A_378 step %parallel_loop3A_379  : i32 {
      %parallel_loop3A_430 = arith.index_cast %parallel_loop3A_429 : i32 to index
      %parallel_loop3A_431 = arith.constant 0 : index
      %parallel_loop3A_432 = tpu.vector_load %arg9[%parallel_loop3A_430, %parallel_loop3A_431] {strides = array<i32>} : memref<200x128xf32, #tpu.memory_space<vmem>>, vector<1x16xf32>,
      %parallel_loop3A_433 = vector.shape_cast %parallel_loop3A_432 : vector<1x16xf32> to vector<16xf32>
      %parallel_loop3A_434 = arith.index_cast %parallel_loop3A_429 : i32 to index
      %parallel_loop3A_435 = arith.constant 0 : index
      %parallel_loop3A_436 = tpu.vector_load %arg6[%parallel_loop3A_434, %parallel_loop3A_435] {strides = array<i32>} : memref<200x128xf32, #tpu.memory_space<vmem>>, vector<1x16xf32>,
      %parallel_loop3A_437 = vector.shape_cast %parallel_loop3A_436 : vector<1x16xf32> to vector<16xf32>
      %parallel_loop3A_438 = arith.addf %parallel_loop3A_433, %parallel_loop3A_437 : vector<16xf32>
      %parallel_loop3A_439 = arith.constant 0.000000e+00 : f32
      %parallel_loop3A_440 = vector.broadcast %parallel_loop3A_439 : f32 to vector<16xf32>
      %parallel_loop3A_441 = arith.maximumf %parallel_loop3A_438, %parallel_loop3A_440 : vector<16xf32>
      %parallel_loop3A_442 = arith.index_cast %parallel_loop3A_429 : i32 to index
      %parallel_loop3A_443 = arith.constant 0 : index
      %parallel_loop3A_444 = tpu.vector_load %arg9[%parallel_loop3A_442, %parallel_loop3A_443] {strides = array<i32>} : memref<200x128xf32, #tpu.memory_space<vmem>>, vector<1x16xf32>,
      %parallel_loop3A_445 = vector.shape_cast %parallel_loop3A_444 : vector<1x16xf32> to vector<16xf32>
      %parallel_loop3A_446 = vector.shape_cast %parallel_loop3A_441 : vector<16xf32> to vector<1x16xf32>
      tpu.vector_store %arg9[%parallel_loop3A_442, %parallel_loop3A_443], %parallel_loop3A_446 {strides = array<i32>} : memref<200x128xf32, #tpu.memory_space<vmem>>, vector<1x16xf32>,
      %parallel_loop3A_447 = arith.index_cast %parallel_loop3A_429 : i32 to index
      %parallel_loop3A_448 = arith.constant 16 : index
      %parallel_loop3A_449 = tpu.vector_load %arg9[%parallel_loop3A_447, %parallel_loop3A_448] {strides = array<i32>} : memref<200x128xf32, #tpu.memory_space<vmem>>, vector<1x16xf32>,
      %parallel_loop3A_450 = vector.shape_cast %parallel_loop3A_449 : vector<1x16xf32> to vector<16xf32>
      %parallel_loop3A_451 = arith.index_cast %parallel_loop3A_429 : i32 to index
      %parallel_loop3A_452 = arith.constant 16 : index
      %parallel_loop3A_453 = tpu.vector_load %arg6[%parallel_loop3A_451, %parallel_loop3A_452] {strides = array<i32>} : memref<200x128xf32, #tpu.memory_space<vmem>>, vector<1x16xf32>,
      %parallel_loop3A_454 = vector.shape_cast %parallel_loop3A_453 : vector<1x16xf32> to vector<16xf32>
      %parallel_loop3A_455 = arith.addf %parallel_loop3A_450, %parallel_loop3A_454 : vector<16xf32>
      %parallel_loop3A_456 = arith.constant 0.000000e+00 : f32
      %parallel_loop3A_457 = vector.broadcast %parallel_loop3A_456 : f32 to vector<16xf32>
      %parallel_loop3A_458 = arith.maximumf %parallel_loop3A_455, %parallel_loop3A_457 : vector<16xf32>
      %parallel_loop3A_459 = arith.index_cast %parallel_loop3A_429 : i32 to index
      %parallel_loop3A_460 = arith.constant 16 : index
      %parallel_loop3A_461 = tpu.vector_load %arg9[%parallel_loop3A_459, %parallel_loop3A_460] {strides = array<i32>} : memref<200x128xf32, #tpu.memory_space<vmem>>, vector<1x16xf32>,
      %parallel_loop3A_462 = vector.shape_cast %parallel_loop3A_461 : vector<1x16xf32> to vector<16xf32>
      %parallel_loop3A_463 = vector.shape_cast %parallel_loop3A_458 : vector<16xf32> to vector<1x16xf32>
      tpu.vector_store %arg9[%parallel_loop3A_459, %parallel_loop3A_460], %parallel_loop3A_463 {strides = array<i32>} : memref<200x128xf32, #tpu.memory_space<vmem>>, vector<1x16xf32>,
      %parallel_loop3A_464 = arith.index_cast %parallel_loop3A_429 : i32 to index
      %parallel_loop3A_465 = arith.constant 32 : index
      %parallel_loop3A_466 = tpu.vector_load %arg9[%parallel_loop3A_464, %parallel_loop3A_465] {strides = array<i32>} : memref<200x128xf32, #tpu.memory_space<vmem>>, vector<1x16xf32>,
      %parallel_loop3A_467 = vector.shape_cast %parallel_loop3A_466 : vector<1x16xf32> to vector<16xf32>
      %parallel_loop3A_468 = arith.index_cast %parallel_loop3A_429 : i32 to index
      %parallel_loop3A_469 = arith.constant 32 : index
      %parallel_loop3A_470 = tpu.vector_load %arg6[%parallel_loop3A_468, %parallel_loop3A_469] {strides = array<i32>} : memref<200x128xf32, #tpu.memory_space<vmem>>, vector<1x16xf32>,
      %parallel_loop3A_471 = vector.shape_cast %parallel_loop3A_470 : vector<1x16xf32> to vector<16xf32>
      %parallel_loop3A_472 = arith.addf %parallel_loop3A_467, %parallel_loop3A_471 : vector<16xf32>
      %parallel_loop3A_473 = arith.constant 0.000000e+00 : f32
      %parallel_loop3A_474 = vector.broadcast %parallel_loop3A_473 : f32 to vector<16xf32>
      %parallel_loop3A_475 = arith.maximumf %parallel_loop3A_472, %parallel_loop3A_474 : vector<16xf32>
      %parallel_loop3A_476 = arith.index_cast %parallel_loop3A_429 : i32 to index
      %parallel_loop3A_477 = arith.constant 32 : index
      %parallel_loop3A_478 = tpu.vector_load %arg9[%parallel_loop3A_476, %parallel_loop3A_477] {strides = array<i32>} : memref<200x128xf32, #tpu.memory_space<vmem>>, vector<1x16xf32>,
      %parallel_loop3A_479 = vector.shape_cast %parallel_loop3A_478 : vector<1x16xf32> to vector<16xf32>
      %parallel_loop3A_480 = vector.shape_cast %parallel_loop3A_475 : vector<16xf32> to vector<1x16xf32>
      tpu.vector_store %arg9[%parallel_loop3A_476, %parallel_loop3A_477], %parallel_loop3A_480 {strides = array<i32>} : memref<200x128xf32, #tpu.memory_space<vmem>>, vector<1x16xf32>,
      %parallel_loop3A_481 = arith.index_cast %parallel_loop3A_429 : i32 to index
      %parallel_loop3A_482 = arith.constant 48 : index
      %parallel_loop3A_483 = tpu.vector_load %arg9[%parallel_loop3A_481, %parallel_loop3A_482] {strides = array<i32>} : memref<200x128xf32, #tpu.memory_space<vmem>>, vector<1x16xf32>,
      %parallel_loop3A_484 = vector.shape_cast %parallel_loop3A_483 : vector<1x16xf32> to vector<16xf32>
      %parallel_loop3A_485 = arith.index_cast %parallel_loop3A_429 : i32 to index
      %parallel_loop3A_486 = arith.constant 48 : index
      %parallel_loop3A_487 = tpu.vector_load %arg6[%parallel_loop3A_485, %parallel_loop3A_486] {strides = array<i32>} : memref<200x128xf32, #tpu.memory_space<vmem>>, vector<1x16xf32>,
      %parallel_loop3A_488 = vector.shape_cast %parallel_loop3A_487 : vector<1x16xf32> to vector<16xf32>
      %parallel_loop3A_489 = arith.addf %parallel_loop3A_484, %parallel_loop3A_488 : vector<16xf32>
      %parallel_loop3A_490 = arith.constant 0.000000e+00 : f32
      %parallel_loop3A_491 = vector.broadcast %parallel_loop3A_490 : f32 to vector<16xf32>
      %parallel_loop3A_492 = arith.maximumf %parallel_loop3A_489, %parallel_loop3A_491 : vector<16xf32>
      %parallel_loop3A_493 = arith.index_cast %parallel_loop3A_429 : i32 to index
      %parallel_loop3A_494 = arith.constant 48 : index
      %parallel_loop3A_495 = tpu.vector_load %arg9[%parallel_loop3A_493, %parallel_loop3A_494] {strides = array<i32>} : memref<200x128xf32, #tpu.memory_space<vmem>>, vector<1x16xf32>,
      %parallel_loop3A_496 = vector.shape_cast %parallel_loop3A_495 : vector<1x16xf32> to vector<16xf32>
      %parallel_loop3A_497 = vector.shape_cast %parallel_loop3A_492 : vector<16xf32> to vector<1x16xf32>
      tpu.vector_store %arg9[%parallel_loop3A_493, %parallel_loop3A_494], %parallel_loop3A_497 {strides = array<i32>} : memref<200x128xf32, #tpu.memory_space<vmem>>, vector<1x16xf32>,
      %parallel_loop3A_498 = arith.index_cast %parallel_loop3A_429 : i32 to index
      %parallel_loop3A_499 = arith.constant 64 : index
      %parallel_loop3A_500 = tpu.vector_load %arg9[%parallel_loop3A_498, %parallel_loop3A_499] {strides = array<i32>} : memref<200x128xf32, #tpu.memory_space<vmem>>, vector<1x16xf32>,
      %parallel_loop3A_501 = vector.shape_cast %parallel_loop3A_500 : vector<1x16xf32> to vector<16xf32>
      %parallel_loop3A_502 = arith.index_cast %parallel_loop3A_429 : i32 to index
      %parallel_loop3A_503 = arith.constant 64 : index
      %parallel_loop3A_504 = tpu.vector_load %arg6[%parallel_loop3A_502, %parallel_loop3A_503] {strides = array<i32>} : memref<200x128xf32, #tpu.memory_space<vmem>>, vector<1x16xf32>,
      %parallel_loop3A_505 = vector.shape_cast %parallel_loop3A_504 : vector<1x16xf32> to vector<16xf32>
      %parallel_loop3A_506 = arith.addf %parallel_loop3A_501, %parallel_loop3A_505 : vector<16xf32>
      %parallel_loop3A_507 = arith.constant 0.000000e+00 : f32
      %parallel_loop3A_508 = vector.broadcast %parallel_loop3A_507 : f32 to vector<16xf32>
      %parallel_loop3A_509 = arith.maximumf %parallel_loop3A_506, %parallel_loop3A_508 : vector<16xf32>
      %parallel_loop3A_510 = arith.index_cast %parallel_loop3A_429 : i32 to index
      %parallel_loop3A_511 = arith.constant 64 : index
      %parallel_loop3A_512 = tpu.vector_load %arg9[%parallel_loop3A_510, %parallel_loop3A_511] {strides = array<i32>} : memref<200x128xf32, #tpu.memory_space<vmem>>, vector<1x16xf32>,
      %parallel_loop3A_513 = vector.shape_cast %parallel_loop3A_512 : vector<1x16xf32> to vector<16xf32>
      %parallel_loop3A_514 = vector.shape_cast %parallel_loop3A_509 : vector<16xf32> to vector<1x16xf32>
      tpu.vector_store %arg9[%parallel_loop3A_510, %parallel_loop3A_511], %parallel_loop3A_514 {strides = array<i32>} : memref<200x128xf32, #tpu.memory_space<vmem>>, vector<1x16xf32>,
      %parallel_loop3A_515 = arith.index_cast %parallel_loop3A_429 : i32 to index
      %parallel_loop3A_516 = arith.constant 80 : index
      %parallel_loop3A_517 = tpu.vector_load %arg9[%parallel_loop3A_515, %parallel_loop3A_516] {strides = array<i32>} : memref<200x128xf32, #tpu.memory_space<vmem>>, vector<1x16xf32>,
      %parallel_loop3A_518 = vector.shape_cast %parallel_loop3A_517 : vector<1x16xf32> to vector<16xf32>
      %parallel_loop3A_519 = arith.index_cast %parallel_loop3A_429 : i32 to index
      %parallel_loop3A_520 = arith.constant 80 : index
      %parallel_loop3A_521 = tpu.vector_load %arg6[%parallel_loop3A_519, %parallel_loop3A_520] {strides = array<i32>} : memref<200x128xf32, #tpu.memory_space<vmem>>, vector<1x16xf32>,
      %parallel_loop3A_522 = vector.shape_cast %parallel_loop3A_521 : vector<1x16xf32> to vector<16xf32>
      %parallel_loop3A_523 = arith.addf %parallel_loop3A_518, %parallel_loop3A_522 : vector<16xf32>
      %parallel_loop3A_524 = arith.constant 0.000000e+00 : f32
      %parallel_loop3A_525 = vector.broadcast %parallel_loop3A_524 : f32 to vector<16xf32>
      %parallel_loop3A_526 = arith.maximumf %parallel_loop3A_523, %parallel_loop3A_525 : vector<16xf32>
      %parallel_loop3A_527 = arith.index_cast %parallel_loop3A_429 : i32 to index
      %parallel_loop3A_528 = arith.constant 80 : index
      %parallel_loop3A_529 = tpu.vector_load %arg9[%parallel_loop3A_527, %parallel_loop3A_528] {strides = array<i32>} : memref<200x128xf32, #tpu.memory_space<vmem>>, vector<1x16xf32>,
      %parallel_loop3A_530 = vector.shape_cast %parallel_loop3A_529 : vector<1x16xf32> to vector<16xf32>
      %parallel_loop3A_531 = vector.shape_cast %parallel_loop3A_526 : vector<16xf32> to vector<1x16xf32>
      tpu.vector_store %arg9[%parallel_loop3A_527, %parallel_loop3A_528], %parallel_loop3A_531 {strides = array<i32>} : memref<200x128xf32, #tpu.memory_space<vmem>>, vector<1x16xf32>,
      %parallel_loop3A_532 = arith.index_cast %parallel_loop3A_429 : i32 to index
      %parallel_loop3A_533 = arith.constant 96 : index
      %parallel_loop3A_534 = tpu.vector_load %arg9[%parallel_loop3A_532, %parallel_loop3A_533] {strides = array<i32>} : memref<200x128xf32, #tpu.memory_space<vmem>>, vector<1x16xf32>,
      %parallel_loop3A_535 = vector.shape_cast %parallel_loop3A_534 : vector<1x16xf32> to vector<16xf32>
      %parallel_loop3A_536 = arith.index_cast %parallel_loop3A_429 : i32 to index
      %parallel_loop3A_537 = arith.constant 96 : index
      %parallel_loop3A_538 = tpu.vector_load %arg6[%parallel_loop3A_536, %parallel_loop3A_537] {strides = array<i32>} : memref<200x128xf32, #tpu.memory_space<vmem>>, vector<1x16xf32>,
      %parallel_loop3A_539 = vector.shape_cast %parallel_loop3A_538 : vector<1x16xf32> to vector<16xf32>
      %parallel_loop3A_540 = arith.addf %parallel_loop3A_535, %parallel_loop3A_539 : vector<16xf32>
      %parallel_loop3A_541 = arith.constant 0.000000e+00 : f32
      %parallel_loop3A_542 = vector.broadcast %parallel_loop3A_541 : f32 to vector<16xf32>
      %parallel_loop3A_543 = arith.maximumf %parallel_loop3A_540, %parallel_loop3A_542 : vector<16xf32>
      %parallel_loop3A_544 = arith.index_cast %parallel_loop3A_429 : i32 to index
      %parallel_loop3A_545 = arith.constant 96 : index
      %parallel_loop3A_546 = tpu.vector_load %arg9[%parallel_loop3A_544, %parallel_loop3A_545] {strides = array<i32>} : memref<200x128xf32, #tpu.memory_space<vmem>>, vector<1x16xf32>,
      %parallel_loop3A_547 = vector.shape_cast %parallel_loop3A_546 : vector<1x16xf32> to vector<16xf32>
      %parallel_loop3A_548 = vector.shape_cast %parallel_loop3A_543 : vector<16xf32> to vector<1x16xf32>
      tpu.vector_store %arg9[%parallel_loop3A_544, %parallel_loop3A_545], %parallel_loop3A_548 {strides = array<i32>} : memref<200x128xf32, #tpu.memory_space<vmem>>, vector<1x16xf32>,
      %parallel_loop3A_549 = arith.index_cast %parallel_loop3A_429 : i32 to index
      %parallel_loop3A_550 = arith.constant 112 : index
      %parallel_loop3A_551 = tpu.vector_load %arg9[%parallel_loop3A_549, %parallel_loop3A_550] {strides = array<i32>} : memref<200x128xf32, #tpu.memory_space<vmem>>, vector<1x16xf32>,
      %parallel_loop3A_552 = vector.shape_cast %parallel_loop3A_551 : vector<1x16xf32> to vector<16xf32>
      %parallel_loop3A_553 = arith.index_cast %parallel_loop3A_429 : i32 to index
      %parallel_loop3A_554 = arith.constant 112 : index
      %parallel_loop3A_555 = tpu.vector_load %arg6[%parallel_loop3A_553, %parallel_loop3A_554] {strides = array<i32>} : memref<200x128xf32, #tpu.memory_space<vmem>>, vector<1x16xf32>,
      %parallel_loop3A_556 = vector.shape_cast %parallel_loop3A_555 : vector<1x16xf32> to vector<16xf32>
      %parallel_loop3A_557 = arith.addf %parallel_loop3A_552, %parallel_loop3A_556 : vector<16xf32>
      %parallel_loop3A_558 = arith.constant 0.000000e+00 : f32
      %parallel_loop3A_559 = vector.broadcast %parallel_loop3A_558 : f32 to vector<16xf32>
      %parallel_loop3A_560 = arith.maximumf %parallel_loop3A_557, %parallel_loop3A_559 : vector<16xf32>
      %parallel_loop3A_561 = arith.index_cast %parallel_loop3A_429 : i32 to index
      %parallel_loop3A_562 = arith.constant 112 : index
      %parallel_loop3A_563 = tpu.vector_load %arg9[%parallel_loop3A_561, %parallel_loop3A_562] {strides = array<i32>} : memref<200x128xf32, #tpu.memory_space<vmem>>, vector<1x16xf32>,
      %parallel_loop3A_564 = vector.shape_cast %parallel_loop3A_563 : vector<1x16xf32> to vector<16xf32>
      %parallel_loop3A_565 = vector.shape_cast %parallel_loop3A_560 : vector<16xf32> to vector<1x16xf32>
      tpu.vector_store %arg9[%parallel_loop3A_561, %parallel_loop3A_562], %parallel_loop3A_565 {strides = array<i32>} : memref<200x128xf32, #tpu.memory_space<vmem>>, vector<1x16xf32>,
    } {sc.loop_unroll_factor = 4 : i64, sc.parallel_access}
    %add3A_380 = arith.constant 6000 : i32
    %add3A_381 = arith.addi %mul3A_2, %add3A_380 : i32
    %multiple_of3A_382 = tpu.assume_multiple %add3A_381, 8 : i32
    %dma_start3A_383 = arith.constant 0 : i32
    %dma_start3A_384 = tpu.memref_slice %arg5[%multiple_of3A_382, %dma_start3A_383] : memref<204800x128xf32, #tpu.memory_space<hbm>> -> memref<200x128xf32, #tpu.memory_space<hbm>>
    %dma_start3A_385 = arith.constant 0 : i32
    %dma_start3A_386 = tpu.memref_slice %arg5[%multiple_of3A_382, %dma_start3A_385] : memref<204800x128xf32, #tpu.memory_space<hbm>> -> memref<200x128xf32, #tpu.memory_space<hbm>>
    tpu.enqueue_dma source(%arg9 : memref<200x128xf32, #tpu.memory_space<vmem>>) target(%dma_start3A_386 : memref<200x128xf32, #tpu.memory_space<hbm>>) target_semaphore(%arg21 : memref<!tpu.dma_semaphore, #tpu.memory_space<semaphore_mem>>)
    %dma_wait3A_387 = arith.constant 0 : i32
    %dma_wait3A_388 = arith.constant 0 : i32
    %dma_wait3A_389 = tpu.memref_slice %arg10[%dma_wait3A_387, %dma_wait3A_388] : memref<200x128xf32, #tpu.memory_space<vmem>> -> memref<128x128xf32, #tpu.memory_space<vmem>>
    %dma_wait3A_390 = arith.constant 0 : i32
    %dma_wait3A_391 = tpu.memref_slice %arg14[%dma_wait3A_390] : memref<200xi32, #tpu.memory_space<vmem>> -> memref<128xi32, #tpu.memory_space<vmem>>
    %dma_wait3A_392 = arith.constant 0 : i32
    %dma_wait3A_393 = arith.constant 0 : i32
    %dma_wait3A_394 = tpu.memref_slice %arg3[%dma_wait3A_392, %dma_wait3A_393] : memref<100000x128xf32, #tpu.memory_space<hbm>> -> memref<100000x128xf32, #tpu.memory_space<hbm>>
    tpu.wait_indirect_dma semaphore(%arg18 : memref<!tpu.dma_semaphore, #tpu.memory_space<semaphore_mem>>) src(%dma_wait3A_394 : memref<100000x128xf32, #tpu.memory_space<hbm>>) dst(%dma_wait3A_389 : memref<128x128xf32, #tpu.memory_space<vmem>>)
    %dma_wait3A_395 = arith.constant 128 : i32
    %dma_wait3A_396 = arith.constant 0 : i32
    %dma_wait3A_397 = tpu.memref_slice %arg10[%dma_wait3A_395, %dma_wait3A_396] : memref<200x128xf32, #tpu.memory_space<vmem>> -> memref<72x128xf32, #tpu.memory_space<vmem>>
    %dma_wait3A_398 = arith.constant 128 : i32
    %dma_wait3A_399 = tpu.memref_slice %arg14[%dma_wait3A_398] : memref<200xi32, #tpu.memory_space<vmem>> -> memref<72xi32, #tpu.memory_space<vmem>>
    %dma_wait3A_400 = arith.constant 0 : i32
    %dma_wait3A_401 = arith.constant 0 : i32
    %dma_wait3A_402 = tpu.memref_slice %arg3[%dma_wait3A_400, %dma_wait3A_401] : memref<100000x128xf32, #tpu.memory_space<hbm>> -> memref<100000x128xf32, #tpu.memory_space<hbm>>
    tpu.wait_indirect_dma semaphore(%arg18 : memref<!tpu.dma_semaphore, #tpu.memory_space<semaphore_mem>>) src(%dma_wait3A_402 : memref<100000x128xf32, #tpu.memory_space<hbm>>) dst(%dma_wait3A_397 : memref<72x128xf32, #tpu.memory_space<vmem>>)
    %parallel_loop3A_403 = arith.constant 0 : i32
    %parallel_loop3A_404 = arith.constant 200 : i32
    %parallel_loop3A_405 = arith.constant 1 : i32
    scf.for %parallel_loop3A_429 = %parallel_loop3A_403 to %parallel_loop3A_404 step %parallel_loop3A_405  : i32 {
      %parallel_loop3A_430 = arith.index_cast %parallel_loop3A_429 : i32 to index
      %parallel_loop3A_431 = arith.constant 0 : index
      %parallel_loop3A_432 = tpu.vector_load %arg10[%parallel_loop3A_430, %parallel_loop3A_431] {strides = array<i32>} : memref<200x128xf32, #tpu.memory_space<vmem>>, vector<1x16xf32>,
      %parallel_loop3A_433 = vector.shape_cast %parallel_loop3A_432 : vector<1x16xf32> to vector<16xf32>
      %parallel_loop3A_434 = arith.index_cast %parallel_loop3A_429 : i32 to index
      %parallel_loop3A_435 = arith.constant 0 : index
      %parallel_loop3A_436 = tpu.vector_load %arg6[%parallel_loop3A_434, %parallel_loop3A_435] {strides = array<i32>} : memref<200x128xf32, #tpu.memory_space<vmem>>, vector<1x16xf32>,
      %parallel_loop3A_437 = vector.shape_cast %parallel_loop3A_436 : vector<1x16xf32> to vector<16xf32>
      %parallel_loop3A_438 = arith.addf %parallel_loop3A_433, %parallel_loop3A_437 : vector<16xf32>
      %parallel_loop3A_439 = arith.constant 0.000000e+00 : f32
      %parallel_loop3A_440 = vector.broadcast %parallel_loop3A_439 : f32 to vector<16xf32>
      %parallel_loop3A_441 = arith.maximumf %parallel_loop3A_438, %parallel_loop3A_440 : vector<16xf32>
      %parallel_loop3A_442 = arith.index_cast %parallel_loop3A_429 : i32 to index
      %parallel_loop3A_443 = arith.constant 0 : index
      %parallel_loop3A_444 = tpu.vector_load %arg10[%parallel_loop3A_442, %parallel_loop3A_443] {strides = array<i32>} : memref<200x128xf32, #tpu.memory_space<vmem>>, vector<1x16xf32>,
      %parallel_loop3A_445 = vector.shape_cast %parallel_loop3A_444 : vector<1x16xf32> to vector<16xf32>
      %parallel_loop3A_446 = vector.shape_cast %parallel_loop3A_441 : vector<16xf32> to vector<1x16xf32>
      tpu.vector_store %arg10[%parallel_loop3A_442, %parallel_loop3A_443], %parallel_loop3A_446 {strides = array<i32>} : memref<200x128xf32, #tpu.memory_space<vmem>>, vector<1x16xf32>,
      %parallel_loop3A_447 = arith.index_cast %parallel_loop3A_429 : i32 to index
      %parallel_loop3A_448 = arith.constant 16 : index
      %parallel_loop3A_449 = tpu.vector_load %arg10[%parallel_loop3A_447, %parallel_loop3A_448] {strides = array<i32>} : memref<200x128xf32, #tpu.memory_space<vmem>>, vector<1x16xf32>,
      %parallel_loop3A_450 = vector.shape_cast %parallel_loop3A_449 : vector<1x16xf32> to vector<16xf32>
      %parallel_loop3A_451 = arith.index_cast %parallel_loop3A_429 : i32 to index
      %parallel_loop3A_452 = arith.constant 16 : index
      %parallel_loop3A_453 = tpu.vector_load %arg6[%parallel_loop3A_451, %parallel_loop3A_452] {strides = array<i32>} : memref<200x128xf32, #tpu.memory_space<vmem>>, vector<1x16xf32>,
      %parallel_loop3A_454 = vector.shape_cast %parallel_loop3A_453 : vector<1x16xf32> to vector<16xf32>
      %parallel_loop3A_455 = arith.addf %parallel_loop3A_450, %parallel_loop3A_454 : vector<16xf32>
      %parallel_loop3A_456 = arith.constant 0.000000e+00 : f32
      %parallel_loop3A_457 = vector.broadcast %parallel_loop3A_456 : f32 to vector<16xf32>
      %parallel_loop3A_458 = arith.maximumf %parallel_loop3A_455, %parallel_loop3A_457 : vector<16xf32>
      %parallel_loop3A_459 = arith.index_cast %parallel_loop3A_429 : i32 to index
      %parallel_loop3A_460 = arith.constant 16 : index
      %parallel_loop3A_461 = tpu.vector_load %arg10[%parallel_loop3A_459, %parallel_loop3A_460] {strides = array<i32>} : memref<200x128xf32, #tpu.memory_space<vmem>>, vector<1x16xf32>,
      %parallel_loop3A_462 = vector.shape_cast %parallel_loop3A_461 : vector<1x16xf32> to vector<16xf32>
      %parallel_loop3A_463 = vector.shape_cast %parallel_loop3A_458 : vector<16xf32> to vector<1x16xf32>
      tpu.vector_store %arg10[%parallel_loop3A_459, %parallel_loop3A_460], %parallel_loop3A_463 {strides = array<i32>} : memref<200x128xf32, #tpu.memory_space<vmem>>, vector<1x16xf32>,
      %parallel_loop3A_464 = arith.index_cast %parallel_loop3A_429 : i32 to index
      %parallel_loop3A_465 = arith.constant 32 : index
      %parallel_loop3A_466 = tpu.vector_load %arg10[%parallel_loop3A_464, %parallel_loop3A_465] {strides = array<i32>} : memref<200x128xf32, #tpu.memory_space<vmem>>, vector<1x16xf32>,
      %parallel_loop3A_467 = vector.shape_cast %parallel_loop3A_466 : vector<1x16xf32> to vector<16xf32>
      %parallel_loop3A_468 = arith.index_cast %parallel_loop3A_429 : i32 to index
      %parallel_loop3A_469 = arith.constant 32 : index
      %parallel_loop3A_470 = tpu.vector_load %arg6[%parallel_loop3A_468, %parallel_loop3A_469] {strides = array<i32>} : memref<200x128xf32, #tpu.memory_space<vmem>>, vector<1x16xf32>,
      %parallel_loop3A_471 = vector.shape_cast %parallel_loop3A_470 : vector<1x16xf32> to vector<16xf32>
      %parallel_loop3A_472 = arith.addf %parallel_loop3A_467, %parallel_loop3A_471 : vector<16xf32>
      %parallel_loop3A_473 = arith.constant 0.000000e+00 : f32
      %parallel_loop3A_474 = vector.broadcast %parallel_loop3A_473 : f32 to vector<16xf32>
      %parallel_loop3A_475 = arith.maximumf %parallel_loop3A_472, %parallel_loop3A_474 : vector<16xf32>
      %parallel_loop3A_476 = arith.index_cast %parallel_loop3A_429 : i32 to index
      %parallel_loop3A_477 = arith.constant 32 : index
      %parallel_loop3A_478 = tpu.vector_load %arg10[%parallel_loop3A_476, %parallel_loop3A_477] {strides = array<i32>} : memref<200x128xf32, #tpu.memory_space<vmem>>, vector<1x16xf32>,
      %parallel_loop3A_479 = vector.shape_cast %parallel_loop3A_478 : vector<1x16xf32> to vector<16xf32>
      %parallel_loop3A_480 = vector.shape_cast %parallel_loop3A_475 : vector<16xf32> to vector<1x16xf32>
      tpu.vector_store %arg10[%parallel_loop3A_476, %parallel_loop3A_477], %parallel_loop3A_480 {strides = array<i32>} : memref<200x128xf32, #tpu.memory_space<vmem>>, vector<1x16xf32>,
      %parallel_loop3A_481 = arith.index_cast %parallel_loop3A_429 : i32 to index
      %parallel_loop3A_482 = arith.constant 48 : index
      %parallel_loop3A_483 = tpu.vector_load %arg10[%parallel_loop3A_481, %parallel_loop3A_482] {strides = array<i32>} : memref<200x128xf32, #tpu.memory_space<vmem>>, vector<1x16xf32>,
      %parallel_loop3A_484 = vector.shape_cast %parallel_loop3A_483 : vector<1x16xf32> to vector<16xf32>
      %parallel_loop3A_485 = arith.index_cast %parallel_loop3A_429 : i32 to index
      %parallel_loop3A_486 = arith.constant 48 : index
      %parallel_loop3A_487 = tpu.vector_load %arg6[%parallel_loop3A_485, %parallel_loop3A_486] {strides = array<i32>} : memref<200x128xf32, #tpu.memory_space<vmem>>, vector<1x16xf32>,
      %parallel_loop3A_488 = vector.shape_cast %parallel_loop3A_487 : vector<1x16xf32> to vector<16xf32>
      %parallel_loop3A_489 = arith.addf %parallel_loop3A_484, %parallel_loop3A_488 : vector<16xf32>
      %parallel_loop3A_490 = arith.constant 0.000000e+00 : f32
      %parallel_loop3A_491 = vector.broadcast %parallel_loop3A_490 : f32 to vector<16xf32>
      %parallel_loop3A_492 = arith.maximumf %parallel_loop3A_489, %parallel_loop3A_491 : vector<16xf32>
      %parallel_loop3A_493 = arith.index_cast %parallel_loop3A_429 : i32 to index
      %parallel_loop3A_494 = arith.constant 48 : index
      %parallel_loop3A_495 = tpu.vector_load %arg10[%parallel_loop3A_493, %parallel_loop3A_494] {strides = array<i32>} : memref<200x128xf32, #tpu.memory_space<vmem>>, vector<1x16xf32>,
      %parallel_loop3A_496 = vector.shape_cast %parallel_loop3A_495 : vector<1x16xf32> to vector<16xf32>
      %parallel_loop3A_497 = vector.shape_cast %parallel_loop3A_492 : vector<16xf32> to vector<1x16xf32>
      tpu.vector_store %arg10[%parallel_loop3A_493, %parallel_loop3A_494], %parallel_loop3A_497 {strides = array<i32>} : memref<200x128xf32, #tpu.memory_space<vmem>>, vector<1x16xf32>,
      %parallel_loop3A_498 = arith.index_cast %parallel_loop3A_429 : i32 to index
      %parallel_loop3A_499 = arith.constant 64 : index
      %parallel_loop3A_500 = tpu.vector_load %arg10[%parallel_loop3A_498, %parallel_loop3A_499] {strides = array<i32>} : memref<200x128xf32, #tpu.memory_space<vmem>>, vector<1x16xf32>,
      %parallel_loop3A_501 = vector.shape_cast %parallel_loop3A_500 : vector<1x16xf32> to vector<16xf32>
      %parallel_loop3A_502 = arith.index_cast %parallel_loop3A_429 : i32 to index
      %parallel_loop3A_503 = arith.constant 64 : index
      %parallel_loop3A_504 = tpu.vector_load %arg6[%parallel_loop3A_502, %parallel_loop3A_503] {strides = array<i32>} : memref<200x128xf32, #tpu.memory_space<vmem>>, vector<1x16xf32>,
      %parallel_loop3A_505 = vector.shape_cast %parallel_loop3A_504 : vector<1x16xf32> to vector<16xf32>
      %parallel_loop3A_506 = arith.addf %parallel_loop3A_501, %parallel_loop3A_505 : vector<16xf32>
      %parallel_loop3A_507 = arith.constant 0.000000e+00 : f32
      %parallel_loop3A_508 = vector.broadcast %parallel_loop3A_507 : f32 to vector<16xf32>
      %parallel_loop3A_509 = arith.maximumf %parallel_loop3A_506, %parallel_loop3A_508 : vector<16xf32>
      %parallel_loop3A_510 = arith.index_cast %parallel_loop3A_429 : i32 to index
      %parallel_loop3A_511 = arith.constant 64 : index
      %parallel_loop3A_512 = tpu.vector_load %arg10[%parallel_loop3A_510, %parallel_loop3A_511] {strides = array<i32>} : memref<200x128xf32, #tpu.memory_space<vmem>>, vector<1x16xf32>,
      %parallel_loop3A_513 = vector.shape_cast %parallel_loop3A_512 : vector<1x16xf32> to vector<16xf32>
      %parallel_loop3A_514 = vector.shape_cast %parallel_loop3A_509 : vector<16xf32> to vector<1x16xf32>
      tpu.vector_store %arg10[%parallel_loop3A_510, %parallel_loop3A_511], %parallel_loop3A_514 {strides = array<i32>} : memref<200x128xf32, #tpu.memory_space<vmem>>, vector<1x16xf32>,
      %parallel_loop3A_515 = arith.index_cast %parallel_loop3A_429 : i32 to index
      %parallel_loop3A_516 = arith.constant 80 : index
      %parallel_loop3A_517 = tpu.vector_load %arg10[%parallel_loop3A_515, %parallel_loop3A_516] {strides = array<i32>} : memref<200x128xf32, #tpu.memory_space<vmem>>, vector<1x16xf32>,
      %parallel_loop3A_518 = vector.shape_cast %parallel_loop3A_517 : vector<1x16xf32> to vector<16xf32>
      %parallel_loop3A_519 = arith.index_cast %parallel_loop3A_429 : i32 to index
      %parallel_loop3A_520 = arith.constant 80 : index
      %parallel_loop3A_521 = tpu.vector_load %arg6[%parallel_loop3A_519, %parallel_loop3A_520] {strides = array<i32>} : memref<200x128xf32, #tpu.memory_space<vmem>>, vector<1x16xf32>,
      %parallel_loop3A_522 = vector.shape_cast %parallel_loop3A_521 : vector<1x16xf32> to vector<16xf32>
      %parallel_loop3A_523 = arith.addf %parallel_loop3A_518, %parallel_loop3A_522 : vector<16xf32>
      %parallel_loop3A_524 = arith.constant 0.000000e+00 : f32
      %parallel_loop3A_525 = vector.broadcast %parallel_loop3A_524 : f32 to vector<16xf32>
      %parallel_loop3A_526 = arith.maximumf %parallel_loop3A_523, %parallel_loop3A_525 : vector<16xf32>
      %parallel_loop3A_527 = arith.index_cast %parallel_loop3A_429 : i32 to index
      %parallel_loop3A_528 = arith.constant 80 : index
      %parallel_loop3A_529 = tpu.vector_load %arg10[%parallel_loop3A_527, %parallel_loop3A_528] {strides = array<i32>} : memref<200x128xf32, #tpu.memory_space<vmem>>, vector<1x16xf32>,
      %parallel_loop3A_530 = vector.shape_cast %parallel_loop3A_529 : vector<1x16xf32> to vector<16xf32>
      %parallel_loop3A_531 = vector.shape_cast %parallel_loop3A_526 : vector<16xf32> to vector<1x16xf32>
      tpu.vector_store %arg10[%parallel_loop3A_527, %parallel_loop3A_528], %parallel_loop3A_531 {strides = array<i32>} : memref<200x128xf32, #tpu.memory_space<vmem>>, vector<1x16xf32>,
      %parallel_loop3A_532 = arith.index_cast %parallel_loop3A_429 : i32 to index
      %parallel_loop3A_533 = arith.constant 96 : index
      %parallel_loop3A_534 = tpu.vector_load %arg10[%parallel_loop3A_532, %parallel_loop3A_533] {strides = array<i32>} : memref<200x128xf32, #tpu.memory_space<vmem>>, vector<1x16xf32>,
      %parallel_loop3A_535 = vector.shape_cast %parallel_loop3A_534 : vector<1x16xf32> to vector<16xf32>
      %parallel_loop3A_536 = arith.index_cast %parallel_loop3A_429 : i32 to index
      %parallel_loop3A_537 = arith.constant 96 : index
      %parallel_loop3A_538 = tpu.vector_load %arg6[%parallel_loop3A_536, %parallel_loop3A_537] {strides = array<i32>} : memref<200x128xf32, #tpu.memory_space<vmem>>, vector<1x16xf32>,
      %parallel_loop3A_539 = vector.shape_cast %parallel_loop3A_538 : vector<1x16xf32> to vector<16xf32>
      %parallel_loop3A_540 = arith.addf %parallel_loop3A_535, %parallel_loop3A_539 : vector<16xf32>
      %parallel_loop3A_541 = arith.constant 0.000000e+00 : f32
      %parallel_loop3A_542 = vector.broadcast %parallel_loop3A_541 : f32 to vector<16xf32>
      %parallel_loop3A_543 = arith.maximumf %parallel_loop3A_540, %parallel_loop3A_542 : vector<16xf32>
      %parallel_loop3A_544 = arith.index_cast %parallel_loop3A_429 : i32 to index
      %parallel_loop3A_545 = arith.constant 96 : index
      %parallel_loop3A_546 = tpu.vector_load %arg10[%parallel_loop3A_544, %parallel_loop3A_545] {strides = array<i32>} : memref<200x128xf32, #tpu.memory_space<vmem>>, vector<1x16xf32>,
      %parallel_loop3A_547 = vector.shape_cast %parallel_loop3A_546 : vector<1x16xf32> to vector<16xf32>
      %parallel_loop3A_548 = vector.shape_cast %parallel_loop3A_543 : vector<16xf32> to vector<1x16xf32>
      tpu.vector_store %arg10[%parallel_loop3A_544, %parallel_loop3A_545], %parallel_loop3A_548 {strides = array<i32>} : memref<200x128xf32, #tpu.memory_space<vmem>>, vector<1x16xf32>,
      %parallel_loop3A_549 = arith.index_cast %parallel_loop3A_429 : i32 to index
      %parallel_loop3A_550 = arith.constant 112 : index
      %parallel_loop3A_551 = tpu.vector_load %arg10[%parallel_loop3A_549, %parallel_loop3A_550] {strides = array<i32>} : memref<200x128xf32, #tpu.memory_space<vmem>>, vector<1x16xf32>,
      %parallel_loop3A_552 = vector.shape_cast %parallel_loop3A_551 : vector<1x16xf32> to vector<16xf32>
      %parallel_loop3A_553 = arith.index_cast %parallel_loop3A_429 : i32 to index
      %parallel_loop3A_554 = arith.constant 112 : index
      %parallel_loop3A_555 = tpu.vector_load %arg6[%parallel_loop3A_553, %parallel_loop3A_554] {strides = array<i32>} : memref<200x128xf32, #tpu.memory_space<vmem>>, vector<1x16xf32>,
      %parallel_loop3A_556 = vector.shape_cast %parallel_loop3A_555 : vector<1x16xf32> to vector<16xf32>
      %parallel_loop3A_557 = arith.addf %parallel_loop3A_552, %parallel_loop3A_556 : vector<16xf32>
      %parallel_loop3A_558 = arith.constant 0.000000e+00 : f32
      %parallel_loop3A_559 = vector.broadcast %parallel_loop3A_558 : f32 to vector<16xf32>
      %parallel_loop3A_560 = arith.maximumf %parallel_loop3A_557, %parallel_loop3A_559 : vector<16xf32>
      %parallel_loop3A_561 = arith.index_cast %parallel_loop3A_429 : i32 to index
      %parallel_loop3A_562 = arith.constant 112 : index
      %parallel_loop3A_563 = tpu.vector_load %arg10[%parallel_loop3A_561, %parallel_loop3A_562] {strides = array<i32>} : memref<200x128xf32, #tpu.memory_space<vmem>>, vector<1x16xf32>,
      %parallel_loop3A_564 = vector.shape_cast %parallel_loop3A_563 : vector<1x16xf32> to vector<16xf32>
      %parallel_loop3A_565 = vector.shape_cast %parallel_loop3A_560 : vector<16xf32> to vector<1x16xf32>
      tpu.vector_store %arg10[%parallel_loop3A_561, %parallel_loop3A_562], %parallel_loop3A_565 {strides = array<i32>} : memref<200x128xf32, #tpu.memory_space<vmem>>, vector<1x16xf32>,
    } {sc.loop_unroll_factor = 4 : i64, sc.parallel_access}
    %add3A_406 = arith.constant 6200 : i32
    %add3A_407 = arith.addi %mul3A_2, %add3A_406 : i32
    %multiple_of3A_408 = tpu.assume_multiple %add3A_407, 8 : i32
    %dma_start3A_409 = arith.constant 0 : i32
    %dma_start3A_410 = tpu.memref_slice %arg5[%multiple_of3A_408, %dma_start3A_409] : memref<204800x128xf32, #tpu.memory_space<hbm>> -> memref<200x128xf32, #tpu.memory_space<hbm>>
    %dma_start3A_411 = arith.constant 0 : i32
    %dma_start3A_412 = tpu.memref_slice %arg5[%multiple_of3A_408, %dma_start3A_411] : memref<204800x128xf32, #tpu.memory_space<hbm>> -> memref<200x128xf32, #tpu.memory_space<hbm>>
    tpu.enqueue_dma source(%arg10 : memref<200x128xf32, #tpu.memory_space<vmem>>) target(%dma_start3A_412 : memref<200x128xf32, #tpu.memory_space<hbm>>) target_semaphore(%arg22 : memref<!tpu.dma_semaphore, #tpu.memory_space<semaphore_mem>>)
    %dma_wait3A_413 = arith.constant 0 : i32
    %dma_wait3A_414 = tpu.memref_slice %arg5[%mul3A_2, %dma_wait3A_413] : memref<204800x128xf32, #tpu.memory_space<hbm>> -> memref<200x128xf32, #tpu.memory_space<hbm>>
    %dma_wait3A_415 = arith.constant 0 : i32
    %dma_wait3A_416 = tpu.memref_slice %arg5[%mul3A_2, %dma_wait3A_415] : memref<204800x128xf32, #tpu.memory_space<hbm>> -> memref<200x128xf32, #tpu.memory_space<hbm>>
    tpu.wait_dma2 semaphore(%arg19 : memref<!tpu.dma_semaphore, #tpu.memory_space<semaphore_mem>>) src(%arg7 : memref<200x128xf32, #tpu.memory_space<vmem>>) dst(%dma_wait3A_416 : memref<200x128xf32, #tpu.memory_space<hbm>>)
    %dma_wait3A_417 = arith.constant 0 : i32
    %dma_wait3A_418 = tpu.memref_slice %arg5[%mul3A_2, %dma_wait3A_417] : memref<204800x128xf32, #tpu.memory_space<hbm>> -> memref<200x128xf32, #tpu.memory_space<hbm>>
    %dma_wait3A_419 = arith.constant 0 : i32
    %dma_wait3A_420 = tpu.memref_slice %arg5[%mul3A_2, %dma_wait3A_419] : memref<204800x128xf32, #tpu.memory_space<hbm>> -> memref<200x128xf32, #tpu.memory_space<hbm>>
    tpu.wait_dma2 semaphore(%arg20 : memref<!tpu.dma_semaphore, #tpu.memory_space<semaphore_mem>>) src(%arg8 : memref<200x128xf32, #tpu.memory_space<vmem>>) dst(%dma_wait3A_420 : memref<200x128xf32, #tpu.memory_space<hbm>>)
    %dma_wait3A_421 = arith.constant 0 : i32
    %dma_wait3A_422 = tpu.memref_slice %arg5[%mul3A_2, %dma_wait3A_421] : memref<204800x128xf32, #tpu.memory_space<hbm>> -> memref<200x128xf32, #tpu.memory_space<hbm>>
    %dma_wait3A_423 = arith.constant 0 : i32
    %dma_wait3A_424 = tpu.memref_slice %arg5[%mul3A_2, %dma_wait3A_423] : memref<204800x128xf32, #tpu.memory_space<hbm>> -> memref<200x128xf32, #tpu.memory_space<hbm>>
    tpu.wait_dma2 semaphore(%arg21 : memref<!tpu.dma_semaphore, #tpu.memory_space<semaphore_mem>>) src(%arg9 : memref<200x128xf32, #tpu.memory_space<vmem>>) dst(%dma_wait3A_424 : memref<200x128xf32, #tpu.memory_space<hbm>>)
    %dma_wait3A_425 = arith.constant 0 : i32
    %dma_wait3A_426 = tpu.memref_slice %arg5[%mul3A_2, %dma_wait3A_425] : memref<204800x128xf32, #tpu.memory_space<hbm>> -> memref<200x128xf32, #tpu.memory_space<hbm>>
    %dma_wait3A_427 = arith.constant 0 : i32
    %dma_wait3A_428 = tpu.memref_slice %arg5[%mul3A_2, %dma_wait3A_427] : memref<204800x128xf32, #tpu.memory_space<hbm>> -> memref<200x128xf32, #tpu.memory_space<hbm>>
    tpu.wait_dma2 semaphore(%arg22 : memref<!tpu.dma_semaphore, #tpu.memory_space<semaphore_mem>>) src(%arg10 : memref<200x128xf32, #tpu.memory_space<vmem>>) dst(%dma_wait3A_428 : memref<200x128xf32, #tpu.memory_space<hbm>>)
    return
  }
}

</mosaic_0001>

<sc_bundles>
// kernel: kernel.3.cloned.1.call-start
scs
__scs_entry_jumppad:
0x0: {  	(pc) =	sbr.rel $0x88, $3  }
0x1: {  	(tag) =	ssettag $0x0;
	lr =	simm.s32 $0x1  }
0x2: {  	[smem:$0x3F9E] =	sst lr;
	_ =	strace $0xD0000000  }
0x3: {  	_ = 	snop  }
0x4: {  	_ = 	snop  }
0x5: {  	_ = 	snop  }
0x6: {  	_ = 	snop  }
0x7: {  	_ = 	snop  }
__scs_overlays_trampoline_lowered:
0x8: {  	[smem:$0x3FAD] =	sst s0  }
0x9: {  	[smem:$0x3FAE] =	sst s1  }
0xa: {  	[smem:$0x3FAF] =	sst s2  }
0xb: {  	[smem:$0x3FB0] =	sst s3  }
0xc: {  	[smem:$0x3FB1] =	sst s4  }
0xd: {  	[smem:$0x3FB2] =	sst s5  }
0xe: {  	[smem:$0x3FB3] =	sst s6  }
0xf: {  	[smem:$0x3FB4] =	sst s7  }
0x10: {  	[smem:$0x3FB5] =	sst s8  }
0x11: {  	[smem:$0x3FB6] =	sst s9;
	s0 =	simm.s32 @!p0 $0x0  }
0x12: {  	s1 =	sld [smem:$0x3F9C];
	s0 =	simm.s32 @p0 $0x1  }
0x13: {  	[smem:$0x3FB7] =	sst s0;
	s0 =	simm.s32 @!p1 $0x0  }
0x14: {  	s2 =	sld [smem:$0x3F9B];
	s0 =	simm.s32 @p1 $0x1  }
0x15: {  	[smem:$0x3FB8] =	sst s0;
	s0 =	simm.s32 @!p2 $0x0  }
0x16: {  	s3 =	sld [smem:$0x3FDB];
	s0 =	simm.s32 @p2 $0x1  }
0x17: {  	s4 =	simm.s32 $0x1BF5;
	[smem:$0x3FBA] =	sst s0  }
0x18: {  	s0 =	sld [smem:$0x3F9D];
	_ =	swait.ge [sflag:s4], $0x0  }
0x19: {  	s7 =	sld [smem:$0x3F9E]  }
0x1a: {  	s8 =	sadd.s32 $0xFFFFE003, lr  }
0x1b: {  	s9 =	sadd.s32 $0xFFFFFEF7, lr;
	s5 =	simm.s32 $0xFFFFFFFF;
	p2 =	slt.u32 s8, $0xFFFFF086  }
0x1c: {  	p1 =	slt.u32 s9, $0xF7A;
	s5 =	simm.s32 @!p2 $0x0  }
0x1d: {  	s5 =	simm.s32 @p1 $0x1;
	p0 =	seq.s32 s7, s2  }
0x1e: {  	s7 =	smul.u32 @!p0 $0xF7A, s2;
	p2 =	seq.s32 @!p0 s5, $0x0  }
0x1f: {  	s9 =	smul.u32 $0xF7A, s1;
	s8 =	simm.s32 @!p0 $0x1BF5;
	p2 =	por !p2, p0  }
0x20: {  	[sflag:s8] =	ssyncset.s32 @!p0 $0xFFFFF086;
	s6 =	sadd.s32 @!p0 s3, s7;
	s7 =	simm.s32 @!p0 $0x108  }
0x21: {  	s3 =	sadd.s32 s3, s9;
	s6 =	sadd.s32 @!p0 $0x88, s6;
	s7 =	simm.s32 @p2 $0x1082  }
0x22: {  	[simem:s7], [sflag:s8] =	dma.local @!p0 [hbm:s6], $0xF7A  }
0x23: {  	s9 =	sor.u32 $0xD0000000, s2;
	s6 =	simm.s32 $0x108;
	_ =	swait.ge @!p0 [sflag:s8], $0x0  }
0x24: {  	s3 =	sadd.s32 $0x88, s3;
	s6 =	simm.s32 @!p1 $0x1082;
	[sflag:s4] =	ssyncset.s32 $0xFFFFF086  }
0x25: {  	[simem:s6], [sflag:s4] =	dma.local [hbm:s3], $0xF7A  }
0x26: {  	[smem:$0x3F9E] =	sst s1;
	(tag) =	ssettag s2;
	_ =	strace s9  }
0x27: {  	s1 =	sld [smem:$0x3FAE]  }
0x28: {  	s2 =	sld [smem:$0x3FAF]  }
0x29: {  	s4 =	sld [smem:$0x3FB1]  }
0x2a: {  	p0 =	seq.s32 s5, $0x0;
	s5 =	sld [smem:$0x3FB2]  }
0x2b: {  	s6 =	sld [smem:$0x3FB3]  }
0x2c: {  	s7 =	sld [smem:$0x3FB4]  }
0x2d: {  	s3 =	simm.s32 $0x108;
	s8 =	sld [smem:$0x3FB5]  }
0x2e: {  	s3 =	simm.s32 @!p0 $0x1082;
	s9 =	sld [smem:$0x3FB6]  }
0x2f: {  	lr =	sadd.s32 s0, s3;
	s0 =	sld [smem:$0x3FAD]  }
0x30: {  	s3 =	sld [smem:$0x3FB0]  }
0x31: {  	[smem:$0x3FB9] =	sst s10  }
0x32: {  	s10 =	sld [smem:$0x3FB7];
	_ =	sdelay $0x3  }
0x33: {  	p0 =	seq.s32 s10, $0x1;
	s10 =	sld [smem:$0x3FB9];
	_ =	sdelay $0x3  }
0x34: {  	[smem:$0x3FB9] =	sst s10  }
0x35: {  	s10 =	sld [smem:$0x3FB8];
	_ =	sdelay $0x3  }
0x36: {  	p1 =	seq.s32 s10, $0x1;
	s10 =	sld [smem:$0x3FB9];
	_ =	sdelay $0x3  }
0x37: {  	[smem:$0x3FB9] =	sst s10  }
0x38: {  	s10 =	sld [smem:$0x3FBA]  }
0x39: {  	_ = 	snop;
	(pc) =	sbr.ind lr, $3  }
0x3a: {  	_ = 	snop  }
0x3b: {  	_ = 	snop  }
0x3c: {  	p2 =	seq.s32 s10, $0x1;
	s10 =	sld [smem:$0x3FB9]  }
0x3d: {  	_ =	shalt  }
0x3e: {  	_ =	shalt  }
0x3f: {  	_ =	shalt  }
0x40: {  	_ =	shalt  }
0x41: {  	_ =	shalt  }
0x42: {  	_ =	shalt  }
0x43: {  	_ =	shalt  }
0x44: {  	_ =	shalt  }
0x45: {  	_ =	shalt  }
0x46: {  	_ =	shalt  }
0x47: {  	_ =	shalt  }
0x48: {  	_ =	shalt  }
0x49: {  	_ =	shalt  }
0x4a: {  	_ =	shalt  }
0x4b: {  	_ =	shalt  }
0x4c: {  	_ =	shalt  }
0x4d: {  	_ =	shalt  }
0x4e: {  	_ =	shalt  }
0x4f: {  	_ =	shalt  }
0x50: {  	_ =	shalt  }
0x51: {  	_ =	shalt  }
0x52: {  	_ =	shalt  }
0x53: {  	_ =	shalt  }
0x54: {  	_ =	shalt  }
0x55: {  	_ =	shalt  }
0x56: {  	_ =	shalt  }
0x57: {  	_ =	shalt  }
0x58: {  	_ =	shalt  }
0x59: {  	_ =	shalt  }
0x5a: {  	_ =	shalt  }
0x5b: {  	_ =	shalt  }
0x5c: {  	_ =	shalt  }
0x5d: {  	_ =	shalt  }
0x5e: {  	_ =	shalt  }
0x5f: {  	_ =	shalt  }
0x60: {  	_ =	shalt  }
0x61: {  	_ =	shalt  }
0x62: {  	_ =	shalt  }
0x63: {  	_ =	shalt  }
0x64: {  	_ =	shalt  }
0x65: {  	_ =	shalt  }
0x66: {  	_ =	shalt  }
0x67: {  	_ =	shalt  }
0x68: {  	_ =	shalt  }
0x69: {  	_ =	shalt  }
0x6a: {  	_ =	shalt  }
0x6b: {  	_ =	shalt  }
0x6c: {  	_ =	shalt  }
0x6d: {  	_ =	shalt  }
0x6e: {  	_ =	shalt  }
0x6f: {  	_ =	shalt  }
0x70: {  	_ =	shalt  }
0x71: {  	_ =	shalt  }
0x72: {  	_ =	shalt  }
0x73: {  	_ =	shalt  }
0x74: {  	_ =	shalt  }
0x75: {  	_ =	shalt  }
0x76: {  	_ =	shalt  }
0x77: {  	_ =	shalt  }
0x78: {  	_ =	shalt  }
0x79: {  	_ =	shalt  }
0x7a: {  	_ =	shalt  }
0x7b: {  	_ =	shalt  }
0x7c: {  	_ =	shalt  }
0x7d: {  	_ =	shalt  }
0x7e: {  	_ =	shalt  }
0x7f: {  	_ =	shalt  }
0x80: {  	_ =	shalt  }
0x81: {  	_ =	shalt  }
0x82: {  	_ =	shalt  }
0x83: {  	_ =	shalt  }
0x84: {  	_ =	shalt  }
0x85: {  	_ =	shalt  }
0x86: {  	_ =	shalt  }
0x87: {  	_ =	shalt  }
.Lfunc_end0:
.L_simem_size_0:
called_computation_lowered:
.L_overlay_start_0:
0x88: {  	s2 =	sld [smem:$0x3FD9]  }
0x89: {  	s3 =	sld [smem:$0x3FFE];
	_ =	sdelay $0x1  }
0x8a: {  	s1 =	srdreg.scid  }
0x8b: {  	s0 =	sand.u32 $0x1, s1  }
0x8c: {  	s17 =	sshll.u32 s0, $0xA;
	s2 =	sadd.s32 s3, s2  }
0x8d: {  	s2 =	sadd.s32 s2, s17  }
0x8e: {  	[smem:$0x3FC5] =	sst s2  }
0x8f: {  	_ = 	snop  }
0x90: {  	s2 =	sld [smem:$0x3FC8]  }
0x91: {  	s18 =	sld [smem:$0x3FC7]  }
0x92: {  	s4 =	sld [smem:$0x3FD0];
	(tm) =	ssettm $0x1  }
0x93: {  	s5 =	sld [smem:$0x3FFB];
	_ =	sdelay $0x3  }
0x94: {  	_ =	strace s5  }
0x95: {  	s5 =	sld [smem:$0x3FFC];
	_ =	sdelay $0x3  }
0x96: {  	_ =	strace s5  }
0x97: {  	s5 =	sld [smem:$0x3FFD];
	_ =	sdelay $0x3  }
0x98: {  	_ =	strace s5  }
0x99: {  	_ =	strace $0x8FFFFFFF  }
0x9a: {  	s19 =	sld [smem:$0x3FDB];
	_ =	sdelay $0x1  }
0x9b: {  	s6 =	simm.s32 $_scs_section_size  }
0x9c: {  	s7 =	simm.s32 $_size__tile_overlayer_lowered;
	s8 =	simm.s32 $_tile_overlayer_lowered  }
0x9d: {  	s22 =	simm.s32 $0x1BFF;
	s21 =	sshll.u32 s8, $0x1;
	s5 =	sadd.s32 s6, s19  }
0x9e: {  	s9 =	simm.s32 $0x0;
	s20 =	sshll.u32 s7, $0x1;
	s7 =	sadd.s32 s21, s5  }
0x9f: {  	[timem:s9], [sflag:s22] =	dma.local [hbm:s7], s20  }
0xa0: {  	_ =	swait.ge [sflag:s22], s20  }
0xa1: {  	s6 =	ssub.s32 $0x0, s20;
	[sflag:s22] =	ssyncset.done $0x0  }
0xa2: {  	[sflag:s22] =	ssyncadd.s32 s6;
	_ =	sdelay $0x1  }
0xa3: {  	s23 =	simm.s32 $0x1B8B  }
0xa4: {  	_ =	swait.ge [sflag:s23], $0x1  }
0xa5: {  	[sflag:s23] =	ssyncset.done $0x0  }
0xa6: {  	s25 =	simm.s32 $0x1B8E;
	s24 =	sld [smem:$0x3FFE];
	[sflag:s23] =	ssyncadd.s32 $0xFFFFFFFF  }
0xa7: {  	s26 =	simm.s32 $execute0_lowered;
	[smem:$0x3FD2] =	sst s25  }
0xa8: {  	s7 =	sshll.u32 s26, $0x1;
	_ =	strace $0x80000046;
	[dreg:$0x1] =	wrdreg $0xFFFFFFFF  }
0xa9: {  	s28 =	simm.s32 $_size_execute0_lowered;
	s5 =	sadd.s32 s5, s7;
	[dreg:$0x0] =	wrdreg $0x0  }
0xaa: {  	s7 =	sshll.u32 s28, $0x1;
	[dreg:$0x2] =	wrdreg s5  }
0xab: {  	[dreg:$0x3] =	wrdreg s7  }
0xac: {  	[dreg:$0x4] =	wrdreg $0xC0  }
0xad: {  	_ =	task [dreg:s9], $0x5FFFF  }
0xae: {  	[dreg:$0x1] =	wrdreg $0xFFFFFFFF  }
0xaf: {  	[dreg:$0x0] =	wrdreg $0x60  }
0xb0: {  	[dreg:$0x2] =	wrdreg s24  }
0xb1: {  	[dreg:$0x3] =	wrdreg s2  }
0xb2: {  	[dreg:$0x4] =	wrdreg s18  }
0xb3: {  	[dreg:$0x5] =	wrdreg s4  }
0xb4: {  	[dreg:$0x6] =	wrdreg $0x9  }
0xb5: {  	_ =	task.clear_ibuf [dreg:s9], $0x7FFFF;
	_ =	strace $0x90000046  }
0xb6: {  	s29 =	simm.s32 $0x9;
	_ =	strace $0x80000048  }
0xb7: {  	_ =	swait.ge [sflag:s29], $0x1  }
0xb8: {  	[sflag:s29] =	ssyncadd.s32 $0xFFFFFFFF  }
0xb9: {  	_ =	strace $0x90000048  }
0xba: {  	_ =	sfence  }
0xbb: {  	s30 =	sld [smem:$0x0];
	_ =	sdelay $0x2  }
0xbc: {  	s31 =	sshll.u32 s1, $0xD;
	s1 =	sshrl.u32 s1, $0x2  }
0xbd: {  	s3 =	sand.u32 $0x4000, s31;
	s1 =	sadd.s32 s1, s30  }
0xbe: {  	s0 =	sor.u32 s3, s0;
	s1 =	sshll.u32 s1, $0x11  }
0xbf: {  	s0 =	sor.u32 s1, s0  }
0xc0: {  	s0 =	sadd.s32 $0x8F2B, s0  }
0xc1: {  	[sflag:s0] =	ssyncadd.remote.s32 $0x1  }
0xc2: {  	_ =	sfence.sel $0xFFFF  }
0xc3: {  	[dreg:$0x0] =	wrdreg $0xFFFFFFFF;
	(pc) =	sbr.abs _section_cstart, $3  }
0xc4: {  	[dreg:$0x1] =	wrdreg $0xFFFFFFFF  }
0xc5: {  	_ =	task.clear_ibuf [dreg:s9], $0x2FFFF;
	_ =	strace $0x9FFFFFFF  }
0xc6: {  	(tm) =	ssettm $0x7FFFFFFF  }
0xc7: {  	_ =	shalt  }
tec
execute0_lowered:
.L_overlay_start_1:
0x0: {  	(tag) =	ssettag $0x1  }
0x1: {  	s0 =	rddreg [dreg:$0x0]  }
0x2: {  	s2 =	rddreg [dreg:$0x1]  }
0x3: {  	s4 =	rddreg [dreg:$0x3];
	s1 =	srdreg.scid  }
0x4: {  	s3 =	stileid.u32;
	s5 =	simm.s32 $0x0;
	s29 =	simm.s32 $0x1  }
0x5: {  	s30 =	simm.s32 $0xB;
	s1 =	sand.u32 $0x1, s1;
	s3 =	sshll.u32 s3, $0x1  }
0x6: {  	s31 =	simm.s32 $0x12C00;
	s7 =	ssub.s32 $0x2, s1;
	s1 =	sor.u32 s1, s3  }
0x7: {  	s28 =	simm.s32 $0x3;
	[smem:$0x7FF] =	sst s5;
	s8 =	smul.u32 $0x1900, s1  }
0x8: {  	s6 =	sadd.s32 $0x400, s0;
	s18 =	sshrl.u32 s7, $0x1;
	s24 =	smul.u32 $0x19000, s1  }
0x9: {  	_ =	strace $0x80000047;
	s1 =	smul.u32 $0xC8000, s1;
	s0 =	ssub.s32 s7, s18  }
0xa: {  	s19 =	sshrl.u32 s8, $0x3;
	s20 =	sor.u32 $0xC8, s8;
	s9 =	sadd.s32 $0x190, s8  }
0xb: {  	s23 =	sadd.s32 $0x258, s8;
	s10 =	sadd.s32 $0x320, s8;
	[dreg:$0x5] =	wrdreg s9  }
0xc: {  	s26 =	sadd.s32 $0x3E8, s8;
	s11 =	sadd.s32 s4, s24;
	[dreg:$0x9] =	wrdreg s23  }
0xd: {  	s14 =	sadd.s32 $0x4B0, s8;
	s15 =	sadd.s32 $0x578, s8;
	[dreg:$0xa] =	wrdreg s10  }
0xe: {  	s16 =	sadd.s32 $0x640, s8;
	s17 =	sadd.s32 $0x1770, s8;
	[dreg:$0xe] =	wrdreg s11  }
0xf: {  	s1 =	sshrl.u32 s1, $0x3;
	s18 =	sadd.s32 $0x708, s8;
	[dreg:$0xc] =	wrdreg s26  }
0x10: {  	s0 =	smax.u32 s0, $0x1;
	s3 =	sadd.s32 s6, s19;
	[dreg:$0x11] =	wrdreg s14  }
0x11: {  	s21 =	sshrl.u32 s20, $0x3;
	s9 =	sshrl.u32 s9, $0x3;
	[dreg:$0x12] =	wrdreg s15  }
0x12: {  	s25 =	sshrl.u32 s10, $0x3;
	s12 =	sshrl.u32 s26, $0x3;
	[dreg:$0x13] =	wrdreg s16  }
0x13: {  	s13 =	sshll.u32 s20, $0x4;
	[dreg:$0x14] =	wrdreg s18;
	s19 =	sadd.s32 $0x1838, s8  }
0x14: {  	s20 =	sshrl.u32 s17, $0x3;
	s1 =	sadd.s32 s4, s1;
	[dreg:$0x1d] =	wrdreg s0  }
0x15: {  	s10 =	simm.s32 $0x9;
	[dreg:$0x6] =	wrdreg s3;
	s3 =	sadd.s32 s6, s21  }
0x16: {  	s16 =	simm.s32 $0x48;
	s22 =	sadd.s32 s6, s9;
	[dreg:$0x7] =	wrdreg s3  }
0x17: {  	s18 =	simm.s32 $0xC;
	s8 =	sadd.s32 s6, s20;
	[dreg:$0x8] =	wrdreg s22  }
0x18: {  	s21 =	sshrl.u32 s19, $0x3;
	s24 =	sadd.s32 $0x15E00, s1;
	[dreg:$0x15] =	wrdreg s8  }
0x19: {  	s0 =	simm.s32 $0x4;
	s8 =	sadd.s32 s6, s21;
	[dreg:$0x19] =	wrdreg s24  }
0x1a: {  	s11 =	simm.s32 $0x7;
	s22 =	sadd.s32 $0x14500, s1;
	[dreg:$0x16] =	wrdreg s8  }
0x1b: {  	s3 =	sshrl.u32 s23, $0x3;
	s23 =	sadd.s32 $0x15180, s1;
	[dreg:$0x17] =	wrdreg s22  }
0x1c: {  	s7 =	sshll.u32 s19, $0x4;
	s1 =	sadd.s32 $0x16A80, s1;
	[dreg:$0x18] =	wrdreg s23  }
0x1d: {  	s15 =	simm.s32 $0x1F600;
	s26 =	sadd.s32 s4, s7;
	[dreg:$0x1a] =	wrdreg s1  }
0x1e: {  	s24 =	simm.s32 $0xC800;
	s3 =	sadd.s32 s6, s3;
	[dreg:$0x1c] =	wrdreg s26  }
0x1f: {  	s7 =	simm.s32 $0x6;
	[dreg:$0xb] =	wrdreg s3;
	s3 =	sadd.s32 s6, s25  }
0x20: {  	s23 =	simm.s32 $0xA;
	[dreg:$0xd] =	wrdreg s3;
	s3 =	sadd.s32 s6, s12  }
0x21: {  	s26 =	simm.s32 $0x5;
	[dreg:$0xf] =	wrdreg s3;
	s3 =	sadd.s32 s4, s13  }
0x22: {  	s12 =	simm.s32 $0x8;
	[dreg:$0x10] =	wrdreg s3;
	s3 =	sshll.u32 s17, $0x4  }
0x23: {  	s13 =	simm.s32 $0x80;
	s17 =	simm.s32 $0x2;
	s25 =	sadd.s32 s4, s3  }
0x24: {  	s3 =	simm.s32 $0x0;
	[dreg:$0x1b] =	wrdreg s25;
	s25 =	simm.s32 $0x19000  }
.LBB2_1:
0x25: {  	[dreg:$0x1e] =	wrdreg s3  }
0x26: {  	s1 =	rddreg [dreg:$0x2]  }
0x27: {  	[tilespmem:s5], [sflag:$0xD] =	stream.linear.gather [hbm4b:s1+s5], $0x6400, $0x38;
	[tilespmem:$0x1F800] =	vst v63  }
0x28: {  	s19 =	rddreg [dreg:$0x6];
	s3 =	simm.s32 $0x1F400  }
0x29: {  	[tilespmem:s3], [sflag:$0x9] =	stream.linear.gather [hbm4b:s19+s5], $0xC8, $0x38;
	[tilespmem:$0x1F800] =	vst v63  }
0x2a: {  	s20 =	rddreg [dreg:$0x7];
	s8 =	simm.s32 $0x1F500  }
0x2b: {  	[tilespmem:s8], [sflag:$0xA] =	stream.linear.gather [hbm4b:s20+s5], $0xC8, $0x38;
	[tilespmem:$0x1F800] =	vst v63  }
0x2c: {  	s21 =	rddreg [dreg:$0x8];
	s14 =	simm.s32 $0x1F600  }
0x2d: {  	[tilespmem:s14], [sflag:$0xB] =	stream.linear.gather [hbm4b:s21+s5], $0xC8, $0x38;
	[tilespmem:$0x1F800] =	vst v63  }
0x2e: {  	s22 =	rddreg [dreg:$0xb];
	s9 =	simm.s32 $0x1F700  }
0x2f: {  	[tilespmem:s9], [sflag:$0xC] =	stream.linear.gather [hbm4b:s22+s5], $0xC8, $0x38;
	[tilespmem:$0x1F800] =	vst v63  }
0x30: {  	_ =	swait.ge [sflag:s10], $0xC8  }
0x31: {  	[sflag:s10] =	ssyncset.done $0x0  }
0x32: {  	s9 =	simm.s32 $0x6400;
	[sflag:s10] =	ssyncadd.s32 $0xFFFFFF38  }
0x33: {  	[tilespmem:s9], [sflag:$0x1] =	stream.indirect.gather [hbm4b:s2+s13], $0x80, s3, s13, $0xb8;
	[tilespmem:$0x1F800] =	vst v63  }
0x34: {  	s19 =	simm.s32 $0x1F480;
	s20 =	simm.s32 $0xA400  }
0x35: {  	[tilespmem:s20], [sflag:$0x1] =	stream.indirect.gather [hbm4b:s2+s16], $0x80, s19, s16, $0xb8;
	[tilespmem:$0x1F800] =	vst v63  }
0x36: {  	_ =	swait.ge [sflag:s23], $0xC8  }
0x37: {  	[sflag:s23] =	ssyncset.done $0x0  }
0x38: {  	[sflag:s23] =	ssyncadd.s32 $0xFFFFFF38  }
0x39: {  	[tilespmem:s24], [sflag:$0x2] =	stream.indirect.gather [hbm4b:s2+s13], $0x80, s8, s13, $0xb8;
	[tilespmem:$0x1F800] =	vst v63  }
0x3a: {  	s21 =	simm.s32 $0x1F580;
	s22 =	simm.s32 $0x10800;
	s19 =	simm.s32 $0xD  }
0x3b: {  	[tilespmem:s22], [sflag:$0x2] =	stream.indirect.gather [hbm4b:s2+s16], $0x80, s21, s16, $0xb8;
	[tilespmem:$0x1F800] =	vst v63  }
0x3c: {  	_ =	swait.ge [sflag:s19], $0x6400  }
0x3d: {  	[sflag:s19] =	ssyncset.done $0x0  }
0x3e: {  	[sflag:s19] =	ssyncadd.s32 $0xFFFF9C00  }
0x3f: {  	_ =	swait.ge [sflag:s29], $0x4000  }
0x40: {  	[sflag:s29] =	ssyncset.done $0x0  }
0x41: {  	[sflag:s29] =	ssyncadd.s32 $0xFFFFC000  }
0x42: {  	_ =	swait.ge [sflag:s29], $0x2400  }
0x43: {  	[sflag:s29] =	ssyncset.done $0x0  }
0x44: {  	[sflag:s29] =	ssyncadd.s32 $0xFFFFDC00  }
0x45: {  	_ =	swait.ge [sflag:s30], $0xC8  }
0x46: {  	[sflag:s30] =	ssyncset.done $0x0  }
0x47: {  	[sflag:s30] =	ssyncadd.s32 $0xFFFFFF38  }
0x48: {  	[tilespmem:s31], [sflag:$0x3] =	stream.indirect.gather [hbm4b:s2+s13], $0x80, s14, s13, $0xb8;
	[tilespmem:$0x1F800] =	vst v63  }
0x49: {  	s20 =	simm.s32 $0x1F680;
	s21 =	simm.s32 $0x16C00  }
0x4a: {  	[tilespmem:s21], [sflag:$0x3] =	stream.indirect.gather [hbm4b:s2+s16], $0x80, s20, s16, $0xb8;
	[tilespmem:$0x1F800] =	vst v63  }
0x4b: {  	s22 =	rddreg [dreg:$0xd];
	s14 =	simm.s32 $0x6500  }
0x4c: {  	[tilespmem:s3], [sflag:$0x9] =	stream.linear.gather [hbm4b:s22+s5], $0xC8, $0x38;
	[tilespmem:$0x1F800] =	vst v63  }
0x4d: {  	s19 =	simm.s32 $0x100;
	v0 =	vld [tilespmem:s14+$0x80]  }
0x4e: {  	v1 =	vld [tilespmem:s19+$0x80]  }
0x4f: {  	v2 =	vld [tilespmem:s19+$0xFFFFFF00]  }
0x50: {  	v3 =	vld [tilespmem:s14+$0xFFFFFF80]  }
0x51: {  	v4 =	vld [tilespmem:s19+$0xFFFFFF80]  }
0x52: {  	v5 =	vld [tilespmem:s19+$0x0]  }
0x53: {  	v0 =	vadd.f32 v1, v0;
	v1 =	vld [tilespmem:s14+$0x0]  }
0x54: {  	v6 =	vld [tilespmem:s14+$0xFFFFFF00]  }
0x55: {  	v0 =	vmax.f32 v0, $0.0e+00  }
0x56: {  	v3 =	vadd.f32 v4, v3;
	[tilespmem:s14+$0x80] =	vst v0;
	v0 =	vld [tilespmem:s14+$0x90]  }
0x57: {  	v7 =	vld [tilespmem:s19+$0x90]  }
0x58: {  	v8 =	vld [tilespmem:s14+$0xFFFFFF90];
	v3 =	vmax.f32 v3, $0.0e+00;
	v1 =	vadd.f32 v5, v1  }
0x59: {  	v4 =	vld [tilespmem:s14+$0xFFFFFF10];
	v2 =	vadd.f32 v2, v6;
	[tilespmem:s14+$0xFFFFFF80] =	vst v3  }
0x5a: {  	v5 =	vld [tilespmem:s19+$0xFFFFFF90];
	v1 =	vmax.f32 v1, $0.0e+00  }
0x5b: {  	v2 =	vmax.f32 v2, $0.0e+00;
	v3 =	vld [tilespmem:s14+$0x10];
	[tilespmem:s14+$0x0] =	vst v1  }
0x5c: {  	[tilespmem:s14+$0xFFFFFF00] =	vst v2;
	v0 =	vadd.f32 v7, v0;
	v1 =	vld [tilespmem:s19+$0x10]  }
0x5d: {  	v2 =	vld [tilespmem:s19+$0xFFFFFF10]  }
0x5e: {  	v0 =	vmax.f32 v0, $0.0e+00  }
0x5f: {  	v5 =	vadd.f32 v5, v8;
	[tilespmem:s14+$0x90] =	vst v0;
	v0 =	vld [tilespmem:s14+$0xA0]  }
0x60: {  	v7 =	vld [tilespmem:s19+$0xA0]  }
0x61: {  	v6 =	vld [tilespmem:s14+$0xFFFFFF20];
	v5 =	vmax.f32 v5, $0.0e+00;
	v1 =	vadd.f32 v1, v3  }
0x62: {  	v2 =	vadd.f32 v2, v4;
	v8 =	vld [tilespmem:s14+$0xFFFFFFA0];
	[tilespmem:s14+$0xFFFFFF90] =	vst v5  }
0x63: {  	v4 =	vld [tilespmem:s19+$0xFFFFFFA0];
	v1 =	vmax.f32 v1, $0.0e+00  }
0x64: {  	v2 =	vmax.f32 v2, $0.0e+00;
	v3 =	vld [tilespmem:s14+$0x20];
	[tilespmem:s14+$0x10] =	vst v1  }
0x65: {  	[tilespmem:s14+$0xFFFFFF10] =	vst v2;
	v0 =	vadd.f32 v7, v0;
	v1 =	vld [tilespmem:s19+$0x20]  }
0x66: {  	v2 =	vld [tilespmem:s19+$0xFFFFFF20]  }
0x67: {  	v0 =	vmax.f32 v0, $0.0e+00  }
0x68: {  	v4 =	vadd.f32 v4, v8;
	[tilespmem:s14+$0xA0] =	vst v0;
	v0 =	vld [tilespmem:s14+$0xB0]  }
0x69: {  	v7 =	vld [tilespmem:s19+$0xB0]  }
0x6a: {  	v9 =	vld [tilespmem:s14+$0x30];
	v4 =	vmax.f32 v4, $0.0e+00;
	v1 =	vadd.f32 v1, v3  }
0x6b: {  	v2 =	vadd.f32 v2, v6;
	v8 =	vld [tilespmem:s14+$0xFFFFFFB0];
	[tilespmem:s14+$0xFFFFFFA0] =	vst v4  }
0x6c: {  	v3 =	vld [tilespmem:s19+$0xFFFFFFB0];
	v1 =	vmax.f32 v1, $0.0e+00  }
0x6d: {  	v5 =	vld [tilespmem:s14+$0xFFFFFF30];
	[tilespmem:s14+$0x20] =	vst v1;
	v1 =	vmax.f32 v2, $0.0e+00  }
0x6e: {  	v0 =	vadd.f32 v7, v0;
	[tilespmem:s14+$0xFFFFFF20] =	vst v1;
	v1 =	vld [tilespmem:s19+$0x30]  }
0x6f: {  	v6 =	vld [tilespmem:s19+$0xFFFFFF30]  }
0x70: {  	v10 =	vld [tilespmem:s14+$0xFFFFFF40];
	v0 =	vmax.f32 v0, $0.0e+00  }
0x71: {  	v3 =	vadd.f32 v3, v8;
	[tilespmem:s14+$0xB0] =	vst v0;
	v0 =	vld [tilespmem:s14+$0xC0]  }
0x72: {  	v7 =	vld [tilespmem:s19+$0xC0]  }
0x73: {  	v11 =	vld [tilespmem:s14+$0xFFFFFFD0];
	v3 =	vmax.f32 v3, $0.0e+00;
	v1 =	vadd.f32 v1, v9  }
0x74: {  	v4 =	vld [tilespmem:s14+$0xFFFFFFC0];
	[tilespmem:s14+$0xFFFFFFB0] =	vst v3;
	v5 =	vadd.f32 v6, v5  }
0x75: {  	v6 =	vld [tilespmem:s19+$0xFFFFFFC0];
	v1 =	vmax.f32 v1, $0.0e+00  }
0x76: {  	v2 =	vld [tilespmem:s14+$0x40];
	[tilespmem:s14+$0x30] =	vst v1;
	v1 =	vmax.f32 v5, $0.0e+00  }
0x77: {  	v0 =	vadd.f32 v7, v0;
	v5 =	vld [tilespmem:s19+$0x40];
	[tilespmem:s14+$0xFFFFFF30] =	vst v1  }
0x78: {  	v1 =	vld [tilespmem:s19+$0xFFFFFF40]  }
0x79: {  	v8 =	vld [tilespmem:s14+$0xFFFFFF50];
	v0 =	vmax.f32 v0, $0.0e+00  }
0x7a: {  	[tilespmem:s14+$0xC0] =	vst v0;
	v0 =	vadd.f32 v6, v4;
	v6 =	vld [tilespmem:s14+$0xD0]  }
0x7b: {  	v7 =	vld [tilespmem:s19+$0xD0]  }
0x7c: {  	v3 =	vld [tilespmem:s14+$0xFFFFFF60];
	v0 =	vmax.f32 v0, $0.0e+00;
	v2 =	vadd.f32 v5, v2  }
0x7d: {  	v9 =	vld [tilespmem:s14+$0x50];
	[tilespmem:s14+$0xFFFFFFC0] =	vst v0;
	v0 =	vadd.f32 v1, v10  }
0x7e: {  	v1 =	vld [tilespmem:s19+$0xFFFFFFD0];
	v2 =	vmax.f32 v2, $0.0e+00  }
0x7f: {  	v4 =	vld [tilespmem:s14+$0xFFFFFFE0];
	[tilespmem:s14+$0x40] =	vst v2;
	v0 =	vmax.f32 v0, $0.0e+00  }
0x80: {  	v2 =	vld [tilespmem:s19+$0x50];
	v6 =	vadd.f32 v7, v6;
	[tilespmem:s14+$0xFFFFFF40] =	vst v0  }
0x81: {  	v0 =	vld [tilespmem:s19+$0xFFFFFF50]  }
0x82: {  	v5 =	vld [tilespmem:s14+$0x60];
	v6 =	vmax.f32 v6, $0.0e+00  }
0x83: {  	v1 =	vadd.f32 v1, v11;
	[tilespmem:s14+$0xD0] =	vst v6;
	v6 =	vld [tilespmem:s14+$0xE0]  }
0x84: {  	v10 =	vld [tilespmem:s19+$0xE0]  }
0x85: {  	v1 =	vmax.f32 v1, $0.0e+00;
	v7 =	vadd.f32 v2, v9;
	v2 =	vld [tilespmem:s14+$0xFFFFFF70]  }
0x86: {  	[tilespmem:s14+$0xFFFFFFD0] =	vst v1;
	v0 =	vadd.f32 v0, v8;
	v1 =	vld [tilespmem:s14+$0xFFFFFFF0]  }
0x87: {  	v8 =	vmax.f32 v7, $0.0e+00;
	v7 =	vld [tilespmem:s19+$0xFFFFFFE0]  }
0x88: {  	[tilespmem:s14+$0x50] =	vst v8;
	v8 =	vmax.f32 v0, $0.0e+00;
	v0 =	vld [tilespmem:s14+$0x70]  }
0x89: {  	[tilespmem:s14+$0xFFFFFF50] =	vst v8;
	v8 =	vld [tilespmem:s19+$0x60];
	v6 =	vadd.f32 v10, v6  }
0x8a: {  	s1 =	simm.s32 $0x100;
	s9 =	simm.s32 $0x1F500;
	v9 =	vld [tilespmem:s19+$0xFFFFFF60]  }
0x8b: {  	s8 =	simm.s32 $0x1F400;
	s20 =	simm.s32 $0x0;
	s21 =	simm.s32 $0x6700;
	v10 =	vmax.f32 v6, $0.0e+00;
	v6 =	vld [tilespmem:s14+$0xF0]  }
.LBB2_2:
0x8c: {  	v11 =	vld [tilespmem:s21+$0x80];
	v4 =	vadd.f32 v7, v4;
	[tilespmem:s14+$0xE0] =	vst v10  }
0x8d: {  	s1 =	sadd.s32 $0x200, s1;
	v7 =	vld [tilespmem:s19+$0xF0]  }
0x8e: {  	s20 =	sadd.s32 $0x4, s20;
	v10 =	vld [tilespmem:s1+$0x80];
	v4 =	vmax.f32 v4, $0.0e+00;
	v5 =	vadd.f32 v8, v5  }
0x8f: {  	p0 =	slt.u32 s20, $0xC4;
	v8 =	vld [tilespmem:s1+$0xFFFFFF00];
	v3 =	vadd.f32 v9, v3;
	[tilespmem:s14+$0xFFFFFFE0] =	vst v4  }
0x90: {  	v4 =	vld [tilespmem:s21+$0xFFFFFF80];
	v5 =	vmax.f32 v5, $0.0e+00  }
0x91: {  	v9 =	vld [tilespmem:s1+$0xFFFFFF80];
	v3 =	vmax.f32 v3, $0.0e+00;
	[tilespmem:s14+$0x60] =	vst v5  }
0x92: {  	v5 =	vld [tilespmem:s21+$0x0];
	[tilespmem:s14+$0xFFFFFF60] =	vst v3;
	v3 =	vadd.f32 v7, v6  }
0x93: {  	v6 =	vld [tilespmem:s1+$0x0];
	v7 =	vadd.f32 v10, v11  }
0x94: {  	v10 =	vld [tilespmem:s21+$0xFFFFFF00];
	v3 =	vmax.f32 v3, $0.0e+00  }
0x95: {  	v11 =	vld [tilespmem:s21+$0xFFFFFF10];
	v7 =	vmax.f32 v7, $0.0e+00;
	[tilespmem:s14+$0xF0] =	vst v3  }
0x96: {  	v3 =	vadd.f32 v9, v4;
	[tilespmem:s21+$0x80] =	vst v7;
	v4 =	vld [tilespmem:s21+$0x90]  }
0x97: {  	v7 =	vld [tilespmem:s1+$0x90]  }
0x98: {  	v3 =	vmax.f32 v3, $0.0e+00;
	v9 =	vld [tilespmem:s21+$0xFFFFFF90];
	v5 =	vadd.f32 v6, v5  }
0x99: {  	v6 =	vadd.f32 v8, v10;
	[tilespmem:s21+$0xFFFFFF80] =	vst v3;
	v3 =	vld [tilespmem:s21+$0x10]  }
0x9a: {  	v8 =	vld [tilespmem:s1+$0xFFFFFF90];
	v5 =	vmax.f32 v5, $0.0e+00  }
0x9b: {  	v6 =	vmax.f32 v6, $0.0e+00;
	v10 =	vld [tilespmem:s21+$0xFFFFFF20];
	[tilespmem:s21+$0x0] =	vst v5  }
0x9c: {  	[tilespmem:s21+$0xFFFFFF00] =	vst v6;
	v5 =	vld [tilespmem:s1+$0x10];
	v4 =	vadd.f32 v7, v4  }
0x9d: {  	v6 =	vld [tilespmem:s1+$0xFFFFFF10]  }
0x9e: {  	v7 =	vld [tilespmem:s21+$0xFFFFFFA0];
	v4 =	vmax.f32 v4, $0.0e+00  }
0x9f: {  	v8 =	vadd.f32 v8, v9;
	[tilespmem:s21+$0x90] =	vst v4;
	v4 =	vld [tilespmem:s21+$0xA0]  }
0xa0: {  	v9 =	vld [tilespmem:s1+$0xA0]  }
0xa1: {  	v8 =	vmax.f32 v8, $0.0e+00;
	v3 =	vadd.f32 v5, v3;
	v5 =	vld [tilespmem:s21+$0x20]  }
0xa2: {  	v6 =	vadd.f32 v6, v11;
	v11 =	vld [tilespmem:s21+$0xFFFFFF30];
	[tilespmem:s21+$0xFFFFFF90] =	vst v8  }
0xa3: {  	v8 =	vld [tilespmem:s1+$0xFFFFFFA0];
	v3 =	vmax.f32 v3, $0.0e+00  }
0xa4: {  	v6 =	vmax.f32 v6, $0.0e+00;
	v12 =	vld [tilespmem:s21+$0xFFFFFFB0];
	[tilespmem:s21+$0x10] =	vst v3  }
0xa5: {  	[tilespmem:s21+$0xFFFFFF10] =	vst v6;
	v3 =	vld [tilespmem:s1+$0x20];
	v4 =	vadd.f32 v9, v4  }
0xa6: {  	v6 =	vld [tilespmem:s1+$0xFFFFFF20]  }
0xa7: {  	v9 =	vld [tilespmem:s21+$0x30];
	v4 =	vmax.f32 v4, $0.0e+00  }
0xa8: {  	v7 =	vadd.f32 v8, v7;
	[tilespmem:s21+$0xA0] =	vst v4;
	v4 =	vld [tilespmem:s21+$0xB0]  }
0xa9: {  	v8 =	vld [tilespmem:s1+$0xB0]  }
0xaa: {  	v13 =	vld [tilespmem:s21+$0xFFFFFF40];
	v7 =	vmax.f32 v7, $0.0e+00;
	v3 =	vadd.f32 v3, v5  }
0xab: {  	v5 =	vadd.f32 v6, v10;
	[tilespmem:s21+$0xFFFFFFA0] =	vst v7;
	v6 =	vld [tilespmem:s21+$0xFFFFFFC0]  }
0xac: {  	v7 =	vld [tilespmem:s1+$0xFFFFFFB0];
	v3 =	vmax.f32 v3, $0.0e+00  }
0xad: {  	v5 =	vmax.f32 v5, $0.0e+00;
	[tilespmem:s21+$0x20] =	vst v3;
	v10 =	vld [tilespmem:s21+$0x40]  }
0xae: {  	[tilespmem:s21+$0xFFFFFF20] =	vst v5;
	v3 =	vld [tilespmem:s1+$0x30];
	v4 =	vadd.f32 v8, v4  }
0xaf: {  	v5 =	vld [tilespmem:s1+$0xFFFFFF30]  }
0xb0: {  	v8 =	vld [tilespmem:s21+$0xFFFFFF50];
	v4 =	vmax.f32 v4, $0.0e+00  }
0xb1: {  	v7 =	vadd.f32 v7, v12;
	[tilespmem:s21+$0xB0] =	vst v4;
	v4 =	vld [tilespmem:s21+$0xC0]  }
0xb2: {  	v12 =	vld [tilespmem:s1+$0xC0]  }
0xb3: {  	v7 =	vmax.f32 v7, $0.0e+00;
	v14 =	vld [tilespmem:s21+$0xFFFFFFD0];
	v3 =	vadd.f32 v3, v9  }
0xb4: {  	v5 =	vadd.f32 v5, v11;
	[tilespmem:s21+$0xFFFFFFB0] =	vst v7;
	v7 =	vld [tilespmem:s21+$0x50]  }
0xb5: {  	v9 =	vld [tilespmem:s1+$0xFFFFFFC0];
	v11 =	vmax.f32 v3, $0.0e+00  }
0xb6: {  	v5 =	vmax.f32 v5, $0.0e+00;
	v3 =	vld [tilespmem:s21+$0xFFFFFF60];
	[tilespmem:s21+$0x30] =	vst v11  }
0xb7: {  	[tilespmem:s21+$0xFFFFFF30] =	vst v5;
	v5 =	vld [tilespmem:s1+$0x40];
	v11 =	vadd.f32 v12, v4  }
0xb8: {  	v12 =	vld [tilespmem:s1+$0xFFFFFF40]  }
0xb9: {  	v4 =	vld [tilespmem:s21+$0xFFFFFFE0];
	v11 =	vmax.f32 v11, $0.0e+00  }
0xba: {  	v6 =	vadd.f32 v9, v6;
	[tilespmem:s21+$0xC0] =	vst v11;
	v9 =	vld [tilespmem:s21+$0xD0]  }
0xbb: {  	v11 =	vld [tilespmem:s1+$0xD0]  }
0xbc: {  	v6 =	vmax.f32 v6, $0.0e+00;
	v10 =	vadd.f32 v5, v10;
	v5 =	vld [tilespmem:s21+$0x60]  }
0xbd: {  	v12 =	vadd.f32 v12, v13;
	[tilespmem:s21+$0xFFFFFFC0] =	vst v6;
	v6 =	vld [tilespmem:s19+$0xFFFFFF70]  }
0xbe: {  	v13 =	vld [tilespmem:s1+$0xFFFFFFD0];
	v10 =	vmax.f32 v10, $0.0e+00  }
0xbf: {  	v12 =	vmax.f32 v12, $0.0e+00;
	[tilespmem:s21+$0x40] =	vst v10;
	v10 =	vld [tilespmem:s19+$0xFFFFFFF0]  }
0xc0: {  	[tilespmem:s21+$0xFFFFFF40] =	vst v12;
	v12 =	vld [tilespmem:s1+$0x50];
	v9 =	vadd.f32 v11, v9  }
0xc1: {  	v11 =	vld [tilespmem:s1+$0xFFFFFF50]  }
0xc2: {  	v9 =	vmax.f32 v9, $0.0e+00;
	v2 =	vadd.f32 v6, v2;
	v6 =	vld [tilespmem:s19+$0x70];
	s19 =	smov.u32 s1  }
0xc3: {  	v13 =	vadd.f32 v13, v14;
	[tilespmem:s21+$0xD0] =	vst v9;
	v9 =	vld [tilespmem:s21+$0xE0]  }
0xc4: {  	v14 =	vld [tilespmem:s1+$0xE0];
	v15 =	vmax.f32 v2, $0.0e+00;
	v10 =	vadd.f32 v10, v1  }
0xc5: {  	v2 =	vld [tilespmem:s21+$0xFFFFFF70];
	v1 =	vmax.f32 v13, $0.0e+00;
	v12 =	vadd.f32 v12, v7;
	[tilespmem:s14+$0xFFFFFF70] =	vst v15  }
0xc6: {  	v8 =	vadd.f32 v11, v8;
	[tilespmem:s21+$0xFFFFFFD0] =	vst v1;
	v1 =	vld [tilespmem:s21+$0xFFFFFFF0];
	v10 =	vmax.f32 v10, $0.0e+00  }
.Ltmp0:
0xc7: {  	v7 =	vld [tilespmem:s1+$0xFFFFFFE0];
	v11 =	vmax.f32 v12, $0.0e+00;
	[tilespmem:s14+$0xFFFFFFF0] =	vst v10;
	v6 =	vadd.f32 v6, v0;
	(pc) =	sbr.rel @p0 .LBB2_2-.Ltmp0, $4  }
0xc8: {  	v8 =	vmax.f32 v8, $0.0e+00;
	[tilespmem:s21+$0x50] =	vst v11;
	v0 =	vld [tilespmem:s21+$0x70]  }
0xc9: {  	[tilespmem:s21+$0xFFFFFF50] =	vst v8;
	v8 =	vld [tilespmem:s1+$0x60];
	v10 =	vadd.f32 v14, v9;
	v6 =	vmax.f32 v6, $0.0e+00  }
0xca: {  	v9 =	vld [tilespmem:s1+$0xFFFFFF60];
	[tilespmem:s14+$0x70] =	vst v6;
	s14 =	smov.u32 s21  }
0xcb: {  	s21 =	sadd.s32 $0x200, s21;
	v10 =	vmax.f32 v10, $0.0e+00;
	v6 =	vld [tilespmem:s14+$0xF0]  }
0xcc: {  	_ =	sdelay $0x2  }
0xcd: {  	v3 =	vadd.f32 v9, v3  }
0xce: {  	v4 =	vadd.f32 v7, v4  }
0xcf: {  	[tilespmem:s14+$0xE0] =	vst v10;
	v5 =	vadd.f32 v8, v5;
	v3 =	vmax.f32 v3, $0.0e+00  }
0xd0: {  	v7 =	vld [tilespmem:s19+$0xF0];
	v4 =	vmax.f32 v4, $0.0e+00;
	[tilespmem:s14+$0xFFFFFF60] =	vst v3  }
0xd1: {  	[tilespmem:s14+$0xFFFFFFE0] =	vst v4;
	v3 =	vmax.f32 v5, $0.0e+00;
	v4 =	vld [tilespmem:s19+$0xFFFFFF70]  }
0xd2: {  	[tilespmem:s14+$0x60] =	vst v3;
	v3 =	vld [tilespmem:s19+$0xFFFFFFF0]  }
0xd3: {  	v5 =	vld [tilespmem:s19+$0x70];
	_ =	sdelay $0x1  }
0xd4: {  	v6 =	vadd.f32 v7, v6  }
0xd5: {  	v2 =	vadd.f32 v4, v2  }
0xd6: {  	v4 =	vmax.f32 v6, $0.0e+00;
	v1 =	vadd.f32 v3, v1  }
0xd7: {  	[tilespmem:s14+$0xF0] =	vst v4;
	v0 =	vadd.f32 v5, v0;
	v2 =	vmax.f32 v2, $0.0e+00  }
0xd8: {  	v1 =	vmax.f32 v1, $0.0e+00;
	[tilespmem:s14+$0xFFFFFF70] =	vst v2  }
0xd9: {  	[tilespmem:s14+$0xFFFFFFF0] =	vst v1;
	v0 =	vmax.f32 v0, $0.0e+00  }
0xda: {  	[tilespmem:s14+$0x70] =	vst v0  }
0xdb: {  	s3 =	simm.s32 $0x6400;
	s1 =	rddreg [dreg:$0xe]  }
0xdc: {  	[hbm4b:s1+s5] =	stream.linear.scatter [tilespmem:s3], [sflag:$0x5], $0x6400, $0x38;
	[tilespmem:$0x1F800] =	vst v63  }
0xdd: {  	_ =	swait.ge [sflag:s17], $0x4000  }
0xde: {  	[sflag:s17] =	ssyncset.done $0x0  }
0xdf: {  	[sflag:s17] =	ssyncadd.s32 $0xFFFFC000  }
0xe0: {  	_ =	swait.ge [sflag:s17], $0x2400  }
0xe1: {  	[sflag:s17] =	ssyncset.done $0x0  }
0xe2: {  	[sflag:s17] =	ssyncadd.s32 $0xFFFFDC00  }
0xe3: {  	_ =	swait.ge [sflag:s18], $0xC8  }
0xe4: {  	[sflag:s18] =	ssyncset.done $0x0  }
0xe5: {  	s19 =	simm.s32 $0x1F700;
	[sflag:s18] =	ssyncadd.s32 $0xFFFFFF38  }
0xe6: {  	[tilespmem:s25], [sflag:$0x4] =	stream.indirect.gather [hbm4b:s2+s13], $0x80, s19, s13, $0xb8;
	[tilespmem:$0x1F800] =	vst v63  }
0xe7: {  	s20 =	simm.s32 $0x1F780;
	s21 =	simm.s32 $0x1D000  }
0xe8: {  	[tilespmem:s21], [sflag:$0x4] =	stream.indirect.gather [hbm4b:s2+s16], $0x80, s20, s16, $0xb8;
	[tilespmem:$0x1F800] =	vst v63  }
0xe9: {  	s14 =	simm.s32 $0xC900;
	s22 =	rddreg [dreg:$0xf]  }
0xea: {  	[tilespmem:s9], [sflag:$0xA] =	stream.linear.gather [hbm4b:s22+s5], $0xC8, $0x38;
	[tilespmem:$0x1F800] =	vst v63  }
0xeb: {  	s19 =	simm.s32 $0x100;
	v0 =	vld [tilespmem:s14+$0x80]  }
0xec: {  	v1 =	vld [tilespmem:s19+$0x80]  }
0xed: {  	v2 =	vld [tilespmem:s19+$0xFFFFFF00]  }
0xee: {  	v3 =	vld [tilespmem:s14+$0xFFFFFF80]  }
0xef: {  	v4 =	vld [tilespmem:s19+$0xFFFFFF80]  }
0xf0: {  	v5 =	vld [tilespmem:s19+$0x0]  }
0xf1: {  	v0 =	vadd.f32 v1, v0;
	v1 =	vld [tilespmem:s14+$0x0]  }
0xf2: {  	v6 =	vld [tilespmem:s14+$0xFFFFFF00]  }
0xf3: {  	v0 =	vmax.f32 v0, $0.0e+00  }
0xf4: {  	v3 =	vadd.f32 v4, v3;
	[tilespmem:s14+$0x80] =	vst v0;
	v0 =	vld [tilespmem:s14+$0x90]  }
0xf5: {  	v7 =	vld [tilespmem:s19+$0x90]  }
0xf6: {  	v8 =	vld [tilespmem:s14+$0xFFFFFF90];
	v3 =	vmax.f32 v3, $0.0e+00;
	v1 =	vadd.f32 v5, v1  }
0xf7: {  	v4 =	vld [tilespmem:s14+$0xFFFFFF10];
	v2 =	vadd.f32 v2, v6;
	[tilespmem:s14+$0xFFFFFF80] =	vst v3  }
0xf8: {  	v5 =	vld [tilespmem:s19+$0xFFFFFF90];
	v1 =	vmax.f32 v1, $0.0e+00  }
0xf9: {  	v2 =	vmax.f32 v2, $0.0e+00;
	v3 =	vld [tilespmem:s14+$0x10];
	[tilespmem:s14+$0x0] =	vst v1  }
0xfa: {  	[tilespmem:s14+$0xFFFFFF00] =	vst v2;
	v0 =	vadd.f32 v7, v0;
	v1 =	vld [tilespmem:s19+$0x10]  }
0xfb: {  	v2 =	vld [tilespmem:s19+$0xFFFFFF10]  }
0xfc: {  	v0 =	vmax.f32 v0, $0.0e+00  }
0xfd: {  	v5 =	vadd.f32 v5, v8;
	[tilespmem:s14+$0x90] =	vst v0;
	v0 =	vld [tilespmem:s14+$0xA0]  }
0xfe: {  	v7 =	vld [tilespmem:s19+$0xA0]  }
0xff: {  	v6 =	vld [tilespmem:s14+$0xFFFFFF20];
	v5 =	vmax.f32 v5, $0.0e+00;
	v1 =	vadd.f32 v1, v3  }
0x100: {  	v2 =	vadd.f32 v2, v4;
	v8 =	vld [tilespmem:s14+$0xFFFFFFA0];
	[tilespmem:s14+$0xFFFFFF90] =	vst v5  }
0x101: {  	v4 =	vld [tilespmem:s19+$0xFFFFFFA0];
	v1 =	vmax.f32 v1, $0.0e+00  }
0x102: {  	v2 =	vmax.f32 v2, $0.0e+00;
	v3 =	vld [tilespmem:s14+$0x20];
	[tilespmem:s14+$0x10] =	vst v1  }
0x103: {  	[tilespmem:s14+$0xFFFFFF10] =	vst v2;
	v0 =	vadd.f32 v7, v0;
	v1 =	vld [tilespmem:s19+$0x20]  }
0x104: {  	v2 =	vld [tilespmem:s19+$0xFFFFFF20]  }
0x105: {  	v0 =	vmax.f32 v0, $0.0e+00  }
0x106: {  	v4 =	vadd.f32 v4, v8;
	[tilespmem:s14+$0xA0] =	vst v0;
	v0 =	vld [tilespmem:s14+$0xB0]  }
0x107: {  	v7 =	vld [tilespmem:s19+$0xB0]  }
0x108: {  	v9 =	vld [tilespmem:s14+$0x30];
	v4 =	vmax.f32 v4, $0.0e+00;
	v1 =	vadd.f32 v1, v3  }
0x109: {  	v2 =	vadd.f32 v2, v6;
	v8 =	vld [tilespmem:s14+$0xFFFFFFB0];
	[tilespmem:s14+$0xFFFFFFA0] =	vst v4  }
0x10a: {  	v3 =	vld [tilespmem:s19+$0xFFFFFFB0];
	v1 =	vmax.f32 v1, $0.0e+00  }
0x10b: {  	v5 =	vld [tilespmem:s14+$0xFFFFFF30];
	[tilespmem:s14+$0x20] =	vst v1;
	v1 =	vmax.f32 v2, $0.0e+00  }
0x10c: {  	v0 =	vadd.f32 v7, v0;
	[tilespmem:s14+$0xFFFFFF20] =	vst v1;
	v1 =	vld [tilespmem:s19+$0x30]  }
0x10d: {  	v6 =	vld [tilespmem:s19+$0xFFFFFF30]  }
0x10e: {  	v10 =	vld [tilespmem:s14+$0xFFFFFF40];
	v0 =	vmax.f32 v0, $0.0e+00  }
0x10f: {  	v3 =	vadd.f32 v3, v8;
	[tilespmem:s14+$0xB0] =	vst v0;
	v0 =	vld [tilespmem:s14+$0xC0]  }
0x110: {  	v7 =	vld [tilespmem:s19+$0xC0]  }
0x111: {  	v11 =	vld [tilespmem:s14+$0xFFFFFFD0];
	v3 =	vmax.f32 v3, $0.0e+00;
	v1 =	vadd.f32 v1, v9  }
0x112: {  	v4 =	vld [tilespmem:s14+$0xFFFFFFC0];
	[tilespmem:s14+$0xFFFFFFB0] =	vst v3;
	v5 =	vadd.f32 v6, v5  }
0x113: {  	v6 =	vld [tilespmem:s19+$0xFFFFFFC0];
	v1 =	vmax.f32 v1, $0.0e+00  }
0x114: {  	v2 =	vld [tilespmem:s14+$0x40];
	[tilespmem:s14+$0x30] =	vst v1;
	v1 =	vmax.f32 v5, $0.0e+00  }
0x115: {  	v0 =	vadd.f32 v7, v0;
	v5 =	vld [tilespmem:s19+$0x40];
	[tilespmem:s14+$0xFFFFFF30] =	vst v1  }
0x116: {  	v1 =	vld [tilespmem:s19+$0xFFFFFF40]  }
0x117: {  	v8 =	vld [tilespmem:s14+$0xFFFFFF50];
	v0 =	vmax.f32 v0, $0.0e+00  }
0x118: {  	[tilespmem:s14+$0xC0] =	vst v0;
	v0 =	vadd.f32 v6, v4;
	v6 =	vld [tilespmem:s14+$0xD0]  }
0x119: {  	v7 =	vld [tilespmem:s19+$0xD0]  }
0x11a: {  	v3 =	vld [tilespmem:s14+$0xFFFFFF60];
	v0 =	vmax.f32 v0, $0.0e+00;
	v2 =	vadd.f32 v5, v2  }
0x11b: {  	v9 =	vld [tilespmem:s14+$0x50];
	[tilespmem:s14+$0xFFFFFFC0] =	vst v0;
	v0 =	vadd.f32 v1, v10  }
0x11c: {  	v1 =	vld [tilespmem:s19+$0xFFFFFFD0];
	v2 =	vmax.f32 v2, $0.0e+00  }
0x11d: {  	v4 =	vld [tilespmem:s14+$0xFFFFFFE0];
	[tilespmem:s14+$0x40] =	vst v2;
	v0 =	vmax.f32 v0, $0.0e+00  }
0x11e: {  	v2 =	vld [tilespmem:s19+$0x50];
	v6 =	vadd.f32 v7, v6;
	[tilespmem:s14+$0xFFFFFF40] =	vst v0  }
0x11f: {  	v0 =	vld [tilespmem:s19+$0xFFFFFF50]  }
0x120: {  	v5 =	vld [tilespmem:s14+$0x60];
	v6 =	vmax.f32 v6, $0.0e+00  }
0x121: {  	v1 =	vadd.f32 v1, v11;
	[tilespmem:s14+$0xD0] =	vst v6;
	v6 =	vld [tilespmem:s14+$0xE0]  }
0x122: {  	v10 =	vld [tilespmem:s19+$0xE0]  }
0x123: {  	v1 =	vmax.f32 v1, $0.0e+00;
	v7 =	vadd.f32 v2, v9;
	v2 =	vld [tilespmem:s14+$0xFFFFFF70]  }
0x124: {  	[tilespmem:s14+$0xFFFFFFD0] =	vst v1;
	v0 =	vadd.f32 v0, v8;
	v1 =	vld [tilespmem:s14+$0xFFFFFFF0]  }
0x125: {  	v8 =	vmax.f32 v7, $0.0e+00;
	v7 =	vld [tilespmem:s19+$0xFFFFFFE0]  }
0x126: {  	[tilespmem:s14+$0x50] =	vst v8;
	v8 =	vmax.f32 v0, $0.0e+00;
	v0 =	vld [tilespmem:s14+$0x70]  }
0x127: {  	[tilespmem:s14+$0xFFFFFF50] =	vst v8;
	v8 =	vld [tilespmem:s19+$0x60];
	v6 =	vadd.f32 v10, v6  }
0x128: {  	v9 =	vld [tilespmem:s19+$0xFFFFFF60]  }
0x129: {  	s1 =	simm.s32 $0x100;
	s20 =	simm.s32 $0x0;
	s21 =	simm.s32 $0xCB00;
	v10 =	vmax.f32 v6, $0.0e+00;
	v6 =	vld [tilespmem:s14+$0xF0]  }
.LBB2_4:
0x12a: {  	v11 =	vld [tilespmem:s21+$0x80];
	v4 =	vadd.f32 v7, v4;
	[tilespmem:s14+$0xE0] =	vst v10  }
0x12b: {  	s1 =	sadd.s32 $0x200, s1;
	v7 =	vld [tilespmem:s19+$0xF0]  }
0x12c: {  	s20 =	sadd.s32 $0x4, s20;
	v10 =	vld [tilespmem:s1+$0x80];
	v4 =	vmax.f32 v4, $0.0e+00;
	v5 =	vadd.f32 v8, v5  }
0x12d: {  	p0 =	slt.u32 s20, $0xC4;
	v8 =	vld [tilespmem:s1+$0xFFFFFF00];
	v3 =	vadd.f32 v9, v3;
	[tilespmem:s14+$0xFFFFFFE0] =	vst v4  }
0x12e: {  	v4 =	vld [tilespmem:s21+$0xFFFFFF80];
	v5 =	vmax.f32 v5, $0.0e+00  }
0x12f: {  	v9 =	vld [tilespmem:s1+$0xFFFFFF80];
	v3 =	vmax.f32 v3, $0.0e+00;
	[tilespmem:s14+$0x60] =	vst v5  }
0x130: {  	v5 =	vld [tilespmem:s21+$0x0];
	[tilespmem:s14+$0xFFFFFF60] =	vst v3;
	v3 =	vadd.f32 v7, v6  }
0x131: {  	v6 =	vld [tilespmem:s1+$0x0];
	v7 =	vadd.f32 v10, v11  }
0x132: {  	v10 =	vld [tilespmem:s21+$0xFFFFFF00];
	v3 =	vmax.f32 v3, $0.0e+00  }
0x133: {  	v11 =	vld [tilespmem:s21+$0xFFFFFF10];
	v7 =	vmax.f32 v7, $0.0e+00;
	[tilespmem:s14+$0xF0] =	vst v3  }
0x134: {  	v3 =	vadd.f32 v9, v4;
	[tilespmem:s21+$0x80] =	vst v7;
	v4 =	vld [tilespmem:s21+$0x90]  }
0x135: {  	v7 =	vld [tilespmem:s1+$0x90]  }
0x136: {  	v3 =	vmax.f32 v3, $0.0e+00;
	v9 =	vld [tilespmem:s21+$0xFFFFFF90];
	v5 =	vadd.f32 v6, v5  }
0x137: {  	v6 =	vadd.f32 v8, v10;
	[tilespmem:s21+$0xFFFFFF80] =	vst v3;
	v3 =	vld [tilespmem:s21+$0x10]  }
0x138: {  	v8 =	vld [tilespmem:s1+$0xFFFFFF90];
	v5 =	vmax.f32 v5, $0.0e+00  }
0x139: {  	v6 =	vmax.f32 v6, $0.0e+00;
	v10 =	vld [tilespmem:s21+$0xFFFFFF20];
	[tilespmem:s21+$0x0] =	vst v5  }
0x13a: {  	[tilespmem:s21+$0xFFFFFF00] =	vst v6;
	v5 =	vld [tilespmem:s1+$0x10];
	v4 =	vadd.f32 v7, v4  }
0x13b: {  	v6 =	vld [tilespmem:s1+$0xFFFFFF10]  }
0x13c: {  	v7 =	vld [tilespmem:s21+$0xFFFFFFA0];
	v4 =	vmax.f32 v4, $0.0e+00  }
0x13d: {  	v8 =	vadd.f32 v8, v9;
	[tilespmem:s21+$0x90] =	vst v4;
	v4 =	vld [tilespmem:s21+$0xA0]  }
0x13e: {  	v9 =	vld [tilespmem:s1+$0xA0]  }
0x13f: {  	v8 =	vmax.f32 v8, $0.0e+00;
	v3 =	vadd.f32 v5, v3;
	v5 =	vld [tilespmem:s21+$0x20]  }
0x140: {  	v6 =	vadd.f32 v6, v11;
	v11 =	vld [tilespmem:s21+$0xFFFFFF30];
	[tilespmem:s21+$0xFFFFFF90] =	vst v8  }
0x141: {  	v8 =	vld [tilespmem:s1+$0xFFFFFFA0];
	v3 =	vmax.f32 v3, $0.0e+00  }
0x142: {  	v6 =	vmax.f32 v6, $0.0e+00;
	v12 =	vld [tilespmem:s21+$0xFFFFFFB0];
	[tilespmem:s21+$0x10] =	vst v3  }
0x143: {  	[tilespmem:s21+$0xFFFFFF10] =	vst v6;
	v3 =	vld [tilespmem:s1+$0x20];
	v4 =	vadd.f32 v9, v4  }
0x144: {  	v6 =	vld [tilespmem:s1+$0xFFFFFF20]  }
0x145: {  	v9 =	vld [tilespmem:s21+$0x30];
	v4 =	vmax.f32 v4, $0.0e+00  }
0x146: {  	v7 =	vadd.f32 v8, v7;
	[tilespmem:s21+$0xA0] =	vst v4;
	v4 =	vld [tilespmem:s21+$0xB0]  }
0x147: {  	v8 =	vld [tilespmem:s1+$0xB0]  }
0x148: {  	v13 =	vld [tilespmem:s21+$0xFFFFFF40];
	v7 =	vmax.f32 v7, $0.0e+00;
	v3 =	vadd.f32 v3, v5  }
0x149: {  	v5 =	vadd.f32 v6, v10;
	[tilespmem:s21+$0xFFFFFFA0] =	vst v7;
	v6 =	vld [tilespmem:s21+$0xFFFFFFC0]  }
0x14a: {  	v7 =	vld [tilespmem:s1+$0xFFFFFFB0];
	v3 =	vmax.f32 v3, $0.0e+00  }
0x14b: {  	v5 =	vmax.f32 v5, $0.0e+00;
	[tilespmem:s21+$0x20] =	vst v3;
	v10 =	vld [tilespmem:s21+$0x40]  }
0x14c: {  	[tilespmem:s21+$0xFFFFFF20] =	vst v5;
	v3 =	vld [tilespmem:s1+$0x30];
	v4 =	vadd.f32 v8, v4  }
0x14d: {  	v5 =	vld [tilespmem:s1+$0xFFFFFF30]  }
0x14e: {  	v8 =	vld [tilespmem:s21+$0xFFFFFF50];
	v4 =	vmax.f32 v4, $0.0e+00  }
0x14f: {  	v7 =	vadd.f32 v7, v12;
	[tilespmem:s21+$0xB0] =	vst v4;
	v4 =	vld [tilespmem:s21+$0xC0]  }
0x150: {  	v12 =	vld [tilespmem:s1+$0xC0]  }
0x151: {  	v7 =	vmax.f32 v7, $0.0e+00;
	v14 =	vld [tilespmem:s21+$0xFFFFFFD0];
	v3 =	vadd.f32 v3, v9  }
0x152: {  	v5 =	vadd.f32 v5, v11;
	[tilespmem:s21+$0xFFFFFFB0] =	vst v7;
	v7 =	vld [tilespmem:s21+$0x50]  }
0x153: {  	v9 =	vld [tilespmem:s1+$0xFFFFFFC0];
	v11 =	vmax.f32 v3, $0.0e+00  }
0x154: {  	v5 =	vmax.f32 v5, $0.0e+00;
	v3 =	vld [tilespmem:s21+$0xFFFFFF60];
	[tilespmem:s21+$0x30] =	vst v11  }
0x155: {  	[tilespmem:s21+$0xFFFFFF30] =	vst v5;
	v5 =	vld [tilespmem:s1+$0x40];
	v11 =	vadd.f32 v12, v4  }
0x156: {  	v12 =	vld [tilespmem:s1+$0xFFFFFF40]  }
0x157: {  	v4 =	vld [tilespmem:s21+$0xFFFFFFE0];
	v11 =	vmax.f32 v11, $0.0e+00  }
0x158: {  	v6 =	vadd.f32 v9, v6;
	[tilespmem:s21+$0xC0] =	vst v11;
	v9 =	vld [tilespmem:s21+$0xD0]  }
0x159: {  	v11 =	vld [tilespmem:s1+$0xD0]  }
0x15a: {  	v6 =	vmax.f32 v6, $0.0e+00;
	v10 =	vadd.f32 v5, v10;
	v5 =	vld [tilespmem:s21+$0x60]  }
0x15b: {  	v12 =	vadd.f32 v12, v13;
	[tilespmem:s21+$0xFFFFFFC0] =	vst v6;
	v6 =	vld [tilespmem:s19+$0xFFFFFF70]  }
0x15c: {  	v13 =	vld [tilespmem:s1+$0xFFFFFFD0];
	v10 =	vmax.f32 v10, $0.0e+00  }
0x15d: {  	v12 =	vmax.f32 v12, $0.0e+00;
	[tilespmem:s21+$0x40] =	vst v10;
	v10 =	vld [tilespmem:s19+$0xFFFFFFF0]  }
0x15e: {  	[tilespmem:s21+$0xFFFFFF40] =	vst v12;
	v12 =	vld [tilespmem:s1+$0x50];
	v9 =	vadd.f32 v11, v9  }
0x15f: {  	v11 =	vld [tilespmem:s1+$0xFFFFFF50]  }
0x160: {  	v9 =	vmax.f32 v9, $0.0e+00;
	v2 =	vadd.f32 v6, v2;
	v6 =	vld [tilespmem:s19+$0x70];
	s19 =	smov.u32 s1  }
0x161: {  	v13 =	vadd.f32 v13, v14;
	[tilespmem:s21+$0xD0] =	vst v9;
	v9 =	vld [tilespmem:s21+$0xE0]  }
0x162: {  	v14 =	vld [tilespmem:s1+$0xE0];
	v15 =	vmax.f32 v2, $0.0e+00;
	v10 =	vadd.f32 v10, v1  }
0x163: {  	v2 =	vld [tilespmem:s21+$0xFFFFFF70];
	v1 =	vmax.f32 v13, $0.0e+00;
	v12 =	vadd.f32 v12, v7;
	[tilespmem:s14+$0xFFFFFF70] =	vst v15  }
0x164: {  	v8 =	vadd.f32 v11, v8;
	[tilespmem:s21+$0xFFFFFFD0] =	vst v1;
	v1 =	vld [tilespmem:s21+$0xFFFFFFF0];
	v10 =	vmax.f32 v10, $0.0e+00  }
.Ltmp1:
0x165: {  	v7 =	vld [tilespmem:s1+$0xFFFFFFE0];
	v11 =	vmax.f32 v12, $0.0e+00;
	[tilespmem:s14+$0xFFFFFFF0] =	vst v10;
	v6 =	vadd.f32 v6, v0;
	(pc) =	sbr.rel @p0 .LBB2_4-.Ltmp1, $4  }
0x166: {  	v8 =	vmax.f32 v8, $0.0e+00;
	[tilespmem:s21+$0x50] =	vst v11;
	v0 =	vld [tilespmem:s21+$0x70]  }
0x167: {  	[tilespmem:s21+$0xFFFFFF50] =	vst v8;
	v8 =	vld [tilespmem:s1+$0x60];
	v10 =	vadd.f32 v14, v9;
	v6 =	vmax.f32 v6, $0.0e+00  }
0x168: {  	v9 =	vld [tilespmem:s1+$0xFFFFFF60];
	[tilespmem:s14+$0x70] =	vst v6;
	s14 =	smov.u32 s21  }
0x169: {  	s21 =	sadd.s32 $0x200, s21;
	v10 =	vmax.f32 v10, $0.0e+00;
	v6 =	vld [tilespmem:s14+$0xF0]  }
0x16a: {  	_ = 	snop  }
0x16b: {  	v4 =	vadd.f32 v7, v4  }
0x16c: {  	v5 =	vadd.f32 v8, v5  }
0x16d: {  	[tilespmem:s14+$0xE0] =	vst v10;
	v4 =	vmax.f32 v4, $0.0e+00;
	v3 =	vadd.f32 v9, v3  }
0x16e: {  	v58 =	vld [tilespmem:s19+$0xF0];
	[tilespmem:s14+$0xFFFFFFE0] =	vst v4;
	v59 =	vmax.f32 v5, $0.0e+00  }
0x16f: {  	v61 =	vld [tilespmem:s19+$0xFFFFFFF0];
	v3 =	vmax.f32 v3, $0.0e+00;
	[tilespmem:s14+$0x60] =	vst v59  }
0x170: {  	[tilespmem:s14+$0xFFFFFF60] =	vst v3;
	v62 =	vld [tilespmem:s19+$0x70]  }
0x171: {  	v60 =	vld [tilespmem:s19+$0xFFFFFF70];
	_ =	sdelay $0x1  }
0x172: {  	v6 =	vadd.f32 v58, v6  }
0x173: {  	v1 =	vadd.f32 v61, v1  }
0x174: {  	v63 =	vmax.f32 v6, $0.0e+00;
	v0 =	vadd.f32 v62, v0  }
0x175: {  	[tilespmem:s14+$0xF0] =	vst v63;
	v1 =	vmax.f32 v1, $0.0e+00;
	v2 =	vadd.f32 v60, v2  }
0x176: {  	[tilespmem:s14+$0xFFFFFFF0] =	vst v1;
	v0 =	vmax.f32 v0, $0.0e+00  }
0x177: {  	v2 =	vmax.f32 v2, $0.0e+00;
	[tilespmem:s14+$0x70] =	vst v0  }
0x178: {  	[tilespmem:s14+$0xFFFFFF70] =	vst v2  }
0x179: {  	s14 =	simm.s32 $0x0;
	s1 =	rddreg [dreg:$0x10]  }
0x17a: {  	[hbm4b:s1+s14] =	stream.linear.scatter [tilespmem:s24], [sflag:$0x6], $0x6400, $0x38;
	[tilespmem:$0x1F800] =	vst v63  }
.LBB2_6:
0x17b: {  	_ =	swait.ge [sflag:s28], $0x4000  }
0x17c: {  	[sflag:s28] =	ssyncset.done $0x0  }
0x17d: {  	[sflag:s28] =	ssyncadd.s32 $0xFFFFC000  }
0x17e: {  	s19 =	smul.u32 $0x320, s14;
	_ =	swait.ge [sflag:s28], $0x2400  }
0x17f: {  	s1 =	rddreg [dreg:$0x11]  }
0x180: {  	s1 =	sadd.s32 s19, s1  }
0x181: {  	[sflag:s28] =	ssyncset.done $0x0;
	s1 =	sshrl.u32 s1, $0x3  }
0x182: {  	[sflag:s28] =	ssyncadd.s32 $0xFFFFDC00;
	s1 =	sadd.s32 s6, s1  }
0x183: {  	[tilespmem:s15], [sflag:$0xB] =	stream.linear.gather [hbm4b:s1+s5], $0xC8, $0x38;
	[tilespmem:$0x1F800] =	vst v63  }
0x184: {  	_ =	swait.ge [sflag:s26], $0x6400  }
0x185: {  	[sflag:s26] =	ssyncset.done $0x0  }
0x186: {  	[sflag:s26] =	ssyncadd.s32 $0xFFFF9C00  }
0x187: {  	_ =	swait.ge [sflag:s10], $0xC8  }
0x188: {  	[sflag:s10] =	ssyncset.done $0x0  }
0x189: {  	s21 =	simm.s32 $0x6400;
	[sflag:s10] =	ssyncadd.s32 $0xFFFFFF38  }
0x18a: {  	[tilespmem:s21], [sflag:$0x1] =	stream.indirect.gather [hbm4b:s2+s13], $0x80, s8, s13, $0xb8;
	[tilespmem:$0x1F800] =	vst v63  }
0x18b: {  	s22 =	simm.s32 $0x1F480;
	s3 =	simm.s32 $0xA400;
	s20 =	simm.s32 $0x12D00  }
0x18c: {  	[tilespmem:s3], [sflag:$0x1] =	stream.indirect.gather [hbm4b:s2+s16], $0x80, s22, s16, $0xb8;
	[tilespmem:$0x1F800] =	vst v63  }
0x18d: {  	s21 =	simm.s32 $0x100;
	v0 =	vld [tilespmem:s20+$0x80]  }
0x18e: {  	v1 =	vld [tilespmem:s21+$0x80]  }
0x18f: {  	v2 =	vld [tilespmem:s21+$0xFFFFFF00]  }
0x190: {  	v3 =	vld [tilespmem:s20+$0xFFFFFF80]  }
0x191: {  	v4 =	vld [tilespmem:s21+$0xFFFFFF80]  }
0x192: {  	v5 =	vld [tilespmem:s21+$0x0]  }
0x193: {  	v0 =	vadd.f32 v1, v0;
	v1 =	vld [tilespmem:s20+$0x0]  }
0x194: {  	v6 =	vld [tilespmem:s20+$0xFFFFFF00]  }
0x195: {  	v0 =	vmax.f32 v0, $0.0e+00  }
0x196: {  	v3 =	vadd.f32 v4, v3;
	[tilespmem:s20+$0x80] =	vst v0;
	v0 =	vld [tilespmem:s20+$0x90]  }
0x197: {  	v7 =	vld [tilespmem:s21+$0x90]  }
0x198: {  	v8 =	vld [tilespmem:s20+$0xFFFFFF90];
	v3 =	vmax.f32 v3, $0.0e+00;
	v1 =	vadd.f32 v5, v1  }
0x199: {  	v4 =	vld [tilespmem:s20+$0xFFFFFF10];
	v2 =	vadd.f32 v2, v6;
	[tilespmem:s20+$0xFFFFFF80] =	vst v3  }
0x19a: {  	v5 =	vld [tilespmem:s21+$0xFFFFFF90];
	v1 =	vmax.f32 v1, $0.0e+00  }
0x19b: {  	v2 =	vmax.f32 v2, $0.0e+00;
	v3 =	vld [tilespmem:s20+$0x10];
	[tilespmem:s20+$0x0] =	vst v1  }
0x19c: {  	[tilespmem:s20+$0xFFFFFF00] =	vst v2;
	v0 =	vadd.f32 v7, v0;
	v1 =	vld [tilespmem:s21+$0x10]  }
0x19d: {  	v2 =	vld [tilespmem:s21+$0xFFFFFF10]  }
0x19e: {  	v0 =	vmax.f32 v0, $0.0e+00  }
0x19f: {  	v5 =	vadd.f32 v5, v8;
	[tilespmem:s20+$0x90] =	vst v0;
	v0 =	vld [tilespmem:s20+$0xA0]  }
0x1a0: {  	v7 =	vld [tilespmem:s21+$0xA0]  }
0x1a1: {  	v6 =	vld [tilespmem:s20+$0xFFFFFF20];
	v5 =	vmax.f32 v5, $0.0e+00;
	v1 =	vadd.f32 v1, v3  }
0x1a2: {  	v2 =	vadd.f32 v2, v4;
	v8 =	vld [tilespmem:s20+$0xFFFFFFA0];
	[tilespmem:s20+$0xFFFFFF90] =	vst v5  }
0x1a3: {  	v4 =	vld [tilespmem:s21+$0xFFFFFFA0];
	v1 =	vmax.f32 v1, $0.0e+00  }
0x1a4: {  	v2 =	vmax.f32 v2, $0.0e+00;
	v3 =	vld [tilespmem:s20+$0x20];
	[tilespmem:s20+$0x10] =	vst v1  }
0x1a5: {  	[tilespmem:s20+$0xFFFFFF10] =	vst v2;
	v0 =	vadd.f32 v7, v0;
	v1 =	vld [tilespmem:s21+$0x20]  }
0x1a6: {  	v2 =	vld [tilespmem:s21+$0xFFFFFF20]  }
0x1a7: {  	v0 =	vmax.f32 v0, $0.0e+00  }
0x1a8: {  	v4 =	vadd.f32 v4, v8;
	[tilespmem:s20+$0xA0] =	vst v0;
	v0 =	vld [tilespmem:s20+$0xB0]  }
0x1a9: {  	v7 =	vld [tilespmem:s21+$0xB0]  }
0x1aa: {  	v9 =	vld [tilespmem:s20+$0x30];
	v4 =	vmax.f32 v4, $0.0e+00;
	v1 =	vadd.f32 v1, v3  }
0x1ab: {  	v2 =	vadd.f32 v2, v6;
	v8 =	vld [tilespmem:s20+$0xFFFFFFB0];
	[tilespmem:s20+$0xFFFFFFA0] =	vst v4  }
0x1ac: {  	v3 =	vld [tilespmem:s21+$0xFFFFFFB0];
	v1 =	vmax.f32 v1, $0.0e+00  }
0x1ad: {  	v5 =	vld [tilespmem:s20+$0xFFFFFF30];
	[tilespmem:s20+$0x20] =	vst v1;
	v1 =	vmax.f32 v2, $0.0e+00  }
0x1ae: {  	v0 =	vadd.f32 v7, v0;
	[tilespmem:s20+$0xFFFFFF20] =	vst v1;
	v1 =	vld [tilespmem:s21+$0x30]  }
0x1af: {  	v6 =	vld [tilespmem:s21+$0xFFFFFF30]  }
0x1b0: {  	v10 =	vld [tilespmem:s20+$0xFFFFFF40];
	v0 =	vmax.f32 v0, $0.0e+00  }
0x1b1: {  	v3 =	vadd.f32 v3, v8;
	[tilespmem:s20+$0xB0] =	vst v0;
	v0 =	vld [tilespmem:s20+$0xC0]  }
0x1b2: {  	v7 =	vld [tilespmem:s21+$0xC0]  }
0x1b3: {  	v11 =	vld [tilespmem:s20+$0xFFFFFFD0];
	v3 =	vmax.f32 v3, $0.0e+00;
	v1 =	vadd.f32 v1, v9  }
0x1b4: {  	v4 =	vld [tilespmem:s20+$0xFFFFFFC0];
	[tilespmem:s20+$0xFFFFFFB0] =	vst v3;
	v5 =	vadd.f32 v6, v5  }
0x1b5: {  	v6 =	vld [tilespmem:s21+$0xFFFFFFC0];
	v1 =	vmax.f32 v1, $0.0e+00  }
0x1b6: {  	v2 =	vld [tilespmem:s20+$0x40];
	[tilespmem:s20+$0x30] =	vst v1;
	v1 =	vmax.f32 v5, $0.0e+00  }
0x1b7: {  	v0 =	vadd.f32 v7, v0;
	v5 =	vld [tilespmem:s21+$0x40];
	[tilespmem:s20+$0xFFFFFF30] =	vst v1  }
0x1b8: {  	v1 =	vld [tilespmem:s21+$0xFFFFFF40]  }
0x1b9: {  	v8 =	vld [tilespmem:s20+$0xFFFFFF50];
	v0 =	vmax.f32 v0, $0.0e+00  }
0x1ba: {  	[tilespmem:s20+$0xC0] =	vst v0;
	v0 =	vadd.f32 v6, v4;
	v6 =	vld [tilespmem:s20+$0xD0]  }
0x1bb: {  	v7 =	vld [tilespmem:s21+$0xD0]  }
0x1bc: {  	v3 =	vld [tilespmem:s20+$0xFFFFFF60];
	v0 =	vmax.f32 v0, $0.0e+00;
	v2 =	vadd.f32 v5, v2  }
0x1bd: {  	v9 =	vld [tilespmem:s20+$0x50];
	[tilespmem:s20+$0xFFFFFFC0] =	vst v0;
	v0 =	vadd.f32 v1, v10  }
0x1be: {  	v1 =	vld [tilespmem:s21+$0xFFFFFFD0];
	v2 =	vmax.f32 v2, $0.0e+00  }
0x1bf: {  	v4 =	vld [tilespmem:s20+$0xFFFFFFE0];
	[tilespmem:s20+$0x40] =	vst v2;
	v0 =	vmax.f32 v0, $0.0e+00  }
0x1c0: {  	v2 =	vld [tilespmem:s21+$0x50];
	v6 =	vadd.f32 v7, v6;
	[tilespmem:s20+$0xFFFFFF40] =	vst v0  }
0x1c1: {  	v0 =	vld [tilespmem:s21+$0xFFFFFF50]  }
0x1c2: {  	v5 =	vld [tilespmem:s20+$0x60];
	v6 =	vmax.f32 v6, $0.0e+00  }
0x1c3: {  	v1 =	vadd.f32 v1, v11;
	[tilespmem:s20+$0xD0] =	vst v6;
	v6 =	vld [tilespmem:s20+$0xE0]  }
0x1c4: {  	v10 =	vld [tilespmem:s21+$0xE0]  }
0x1c5: {  	v1 =	vmax.f32 v1, $0.0e+00;
	v7 =	vadd.f32 v2, v9;
	v2 =	vld [tilespmem:s20+$0xFFFFFF70]  }
0x1c6: {  	[tilespmem:s20+$0xFFFFFFD0] =	vst v1;
	v0 =	vadd.f32 v0, v8;
	v1 =	vld [tilespmem:s20+$0xFFFFFFF0]  }
0x1c7: {  	v8 =	vmax.f32 v7, $0.0e+00;
	v7 =	vld [tilespmem:s21+$0xFFFFFFE0]  }
0x1c8: {  	[tilespmem:s20+$0x50] =	vst v8;
	v8 =	vmax.f32 v0, $0.0e+00;
	v0 =	vld [tilespmem:s20+$0x70]  }
0x1c9: {  	[tilespmem:s20+$0xFFFFFF50] =	vst v8;
	v8 =	vld [tilespmem:s21+$0x60];
	v6 =	vadd.f32 v10, v6  }
0x1ca: {  	v9 =	vld [tilespmem:s21+$0xFFFFFF60]  }
0x1cb: {  	s1 =	simm.s32 $0x12F00;
	s22 =	simm.s32 $0x0;
	s3 =	simm.s32 $0x100;
	v10 =	vmax.f32 v6, $0.0e+00;
	v6 =	vld [tilespmem:s20+$0xF0]  }
.LBB2_7:
0x1cc: {  	v11 =	vld [tilespmem:s1+$0x80];
	v4 =	vadd.f32 v7, v4;
	[tilespmem:s20+$0xE0] =	vst v10  }
0x1cd: {  	s3 =	sadd.s32 $0x200, s3;
	v7 =	vld [tilespmem:s21+$0xF0]  }
0x1ce: {  	s22 =	sadd.s32 $0x4, s22;
	v10 =	vld [tilespmem:s3+$0x80];
	v4 =	vmax.f32 v4, $0.0e+00;
	v5 =	vadd.f32 v8, v5  }
0x1cf: {  	p0 =	slt.u32 s22, $0xC4;
	v8 =	vld [tilespmem:s3+$0xFFFFFF00];
	v3 =	vadd.f32 v9, v3;
	[tilespmem:s20+$0xFFFFFFE0] =	vst v4  }
0x1d0: {  	v4 =	vld [tilespmem:s1+$0xFFFFFF80];
	v5 =	vmax.f32 v5, $0.0e+00  }
0x1d1: {  	v9 =	vld [tilespmem:s3+$0xFFFFFF80];
	v3 =	vmax.f32 v3, $0.0e+00;
	[tilespmem:s20+$0x60] =	vst v5  }
0x1d2: {  	v5 =	vld [tilespmem:s1+$0x0];
	[tilespmem:s20+$0xFFFFFF60] =	vst v3;
	v3 =	vadd.f32 v7, v6  }
0x1d3: {  	v6 =	vld [tilespmem:s3+$0x0];
	v7 =	vadd.f32 v10, v11  }
0x1d4: {  	v10 =	vld [tilespmem:s1+$0xFFFFFF00];
	v3 =	vmax.f32 v3, $0.0e+00  }
0x1d5: {  	v11 =	vld [tilespmem:s1+$0xFFFFFF10];
	v7 =	vmax.f32 v7, $0.0e+00;
	[tilespmem:s20+$0xF0] =	vst v3  }
0x1d6: {  	v3 =	vadd.f32 v9, v4;
	[tilespmem:s1+$0x80] =	vst v7;
	v4 =	vld [tilespmem:s1+$0x90]  }
0x1d7: {  	v7 =	vld [tilespmem:s3+$0x90]  }
0x1d8: {  	v3 =	vmax.f32 v3, $0.0e+00;
	v9 =	vld [tilespmem:s1+$0xFFFFFF90];
	v5 =	vadd.f32 v6, v5  }
0x1d9: {  	v6 =	vadd.f32 v8, v10;
	[tilespmem:s1+$0xFFFFFF80] =	vst v3;
	v3 =	vld [tilespmem:s1+$0x10]  }
0x1da: {  	v8 =	vld [tilespmem:s3+$0xFFFFFF90];
	v5 =	vmax.f32 v5, $0.0e+00  }
0x1db: {  	v6 =	vmax.f32 v6, $0.0e+00;
	v10 =	vld [tilespmem:s1+$0xFFFFFF20];
	[tilespmem:s1+$0x0] =	vst v5  }
0x1dc: {  	[tilespmem:s1+$0xFFFFFF00] =	vst v6;
	v5 =	vld [tilespmem:s3+$0x10];
	v4 =	vadd.f32 v7, v4  }
0x1dd: {  	v6 =	vld [tilespmem:s3+$0xFFFFFF10]  }
0x1de: {  	v7 =	vld [tilespmem:s1+$0xFFFFFFA0];
	v4 =	vmax.f32 v4, $0.0e+00  }
0x1df: {  	v8 =	vadd.f32 v8, v9;
	[tilespmem:s1+$0x90] =	vst v4;
	v4 =	vld [tilespmem:s1+$0xA0]  }
0x1e0: {  	v9 =	vld [tilespmem:s3+$0xA0]  }
0x1e1: {  	v8 =	vmax.f32 v8, $0.0e+00;
	v3 =	vadd.f32 v5, v3;
	v5 =	vld [tilespmem:s1+$0x20]  }
0x1e2: {  	v6 =	vadd.f32 v6, v11;
	v11 =	vld [tilespmem:s1+$0xFFFFFF30];
	[tilespmem:s1+$0xFFFFFF90] =	vst v8  }
0x1e3: {  	v8 =	vld [tilespmem:s3+$0xFFFFFFA0];
	v3 =	vmax.f32 v3, $0.0e+00  }
0x1e4: {  	v6 =	vmax.f32 v6, $0.0e+00;
	v12 =	vld [tilespmem:s1+$0xFFFFFFB0];
	[tilespmem:s1+$0x10] =	vst v3  }
0x1e5: {  	[tilespmem:s1+$0xFFFFFF10] =	vst v6;
	v3 =	vld [tilespmem:s3+$0x20];
	v4 =	vadd.f32 v9, v4  }
0x1e6: {  	v6 =	vld [tilespmem:s3+$0xFFFFFF20]  }
0x1e7: {  	v9 =	vld [tilespmem:s1+$0x30];
	v4 =	vmax.f32 v4, $0.0e+00  }
0x1e8: {  	v7 =	vadd.f32 v8, v7;
	[tilespmem:s1+$0xA0] =	vst v4;
	v4 =	vld [tilespmem:s1+$0xB0]  }
0x1e9: {  	v8 =	vld [tilespmem:s3+$0xB0]  }
0x1ea: {  	v13 =	vld [tilespmem:s1+$0xFFFFFF40];
	v7 =	vmax.f32 v7, $0.0e+00;
	v3 =	vadd.f32 v3, v5  }
0x1eb: {  	v5 =	vadd.f32 v6, v10;
	[tilespmem:s1+$0xFFFFFFA0] =	vst v7;
	v6 =	vld [tilespmem:s1+$0xFFFFFFC0]  }
0x1ec: {  	v7 =	vld [tilespmem:s3+$0xFFFFFFB0];
	v3 =	vmax.f32 v3, $0.0e+00  }
0x1ed: {  	v5 =	vmax.f32 v5, $0.0e+00;
	[tilespmem:s1+$0x20] =	vst v3;
	v10 =	vld [tilespmem:s1+$0x40]  }
0x1ee: {  	[tilespmem:s1+$0xFFFFFF20] =	vst v5;
	v3 =	vld [tilespmem:s3+$0x30];
	v4 =	vadd.f32 v8, v4  }
0x1ef: {  	v5 =	vld [tilespmem:s3+$0xFFFFFF30]  }
0x1f0: {  	v8 =	vld [tilespmem:s1+$0xFFFFFF50];
	v4 =	vmax.f32 v4, $0.0e+00  }
0x1f1: {  	v7 =	vadd.f32 v7, v12;
	[tilespmem:s1+$0xB0] =	vst v4;
	v4 =	vld [tilespmem:s1+$0xC0]  }
0x1f2: {  	v12 =	vld [tilespmem:s3+$0xC0]  }
0x1f3: {  	v7 =	vmax.f32 v7, $0.0e+00;
	v14 =	vld [tilespmem:s1+$0xFFFFFFD0];
	v3 =	vadd.f32 v3, v9  }
0x1f4: {  	v5 =	vadd.f32 v5, v11;
	[tilespmem:s1+$0xFFFFFFB0] =	vst v7;
	v7 =	vld [tilespmem:s1+$0x50]  }
0x1f5: {  	v9 =	vld [tilespmem:s3+$0xFFFFFFC0];
	v11 =	vmax.f32 v3, $0.0e+00  }
0x1f6: {  	v5 =	vmax.f32 v5, $0.0e+00;
	v3 =	vld [tilespmem:s1+$0xFFFFFF60];
	[tilespmem:s1+$0x30] =	vst v11  }
0x1f7: {  	[tilespmem:s1+$0xFFFFFF30] =	vst v5;
	v5 =	vld [tilespmem:s3+$0x40];
	v11 =	vadd.f32 v12, v4  }
0x1f8: {  	v12 =	vld [tilespmem:s3+$0xFFFFFF40]  }
0x1f9: {  	v4 =	vld [tilespmem:s1+$0xFFFFFFE0];
	v11 =	vmax.f32 v11, $0.0e+00  }
0x1fa: {  	v6 =	vadd.f32 v9, v6;
	[tilespmem:s1+$0xC0] =	vst v11;
	v9 =	vld [tilespmem:s1+$0xD0]  }
0x1fb: {  	v11 =	vld [tilespmem:s3+$0xD0]  }
0x1fc: {  	v6 =	vmax.f32 v6, $0.0e+00;
	v10 =	vadd.f32 v5, v10;
	v5 =	vld [tilespmem:s1+$0x60]  }
0x1fd: {  	v12 =	vadd.f32 v12, v13;
	[tilespmem:s1+$0xFFFFFFC0] =	vst v6;
	v6 =	vld [tilespmem:s21+$0xFFFFFF70]  }
0x1fe: {  	v13 =	vld [tilespmem:s3+$0xFFFFFFD0];
	v10 =	vmax.f32 v10, $0.0e+00  }
0x1ff: {  	v12 =	vmax.f32 v12, $0.0e+00;
	[tilespmem:s1+$0x40] =	vst v10;
	v10 =	vld [tilespmem:s21+$0xFFFFFFF0]  }
0x200: {  	[tilespmem:s1+$0xFFFFFF40] =	vst v12;
	v12 =	vld [tilespmem:s3+$0x50];
	v9 =	vadd.f32 v11, v9  }
0x201: {  	v11 =	vld [tilespmem:s3+$0xFFFFFF50]  }
0x202: {  	v9 =	vmax.f32 v9, $0.0e+00;
	v2 =	vadd.f32 v6, v2;
	v6 =	vld [tilespmem:s21+$0x70];
	s21 =	smov.u32 s3  }
0x203: {  	v13 =	vadd.f32 v13, v14;
	[tilespmem:s1+$0xD0] =	vst v9;
	v9 =	vld [tilespmem:s1+$0xE0]  }
0x204: {  	v14 =	vld [tilespmem:s3+$0xE0];
	v15 =	vmax.f32 v2, $0.0e+00;
	v10 =	vadd.f32 v10, v1  }
0x205: {  	v2 =	vld [tilespmem:s1+$0xFFFFFF70];
	v1 =	vmax.f32 v13, $0.0e+00;
	v12 =	vadd.f32 v12, v7;
	[tilespmem:s20+$0xFFFFFF70] =	vst v15  }
0x206: {  	v8 =	vadd.f32 v11, v8;
	[tilespmem:s1+$0xFFFFFFD0] =	vst v1;
	v1 =	vld [tilespmem:s1+$0xFFFFFFF0];
	v10 =	vmax.f32 v10, $0.0e+00  }
.Ltmp2:
0x207: {  	v7 =	vld [tilespmem:s3+$0xFFFFFFE0];
	v11 =	vmax.f32 v12, $0.0e+00;
	[tilespmem:s20+$0xFFFFFFF0] =	vst v10;
	v6 =	vadd.f32 v6, v0;
	(pc) =	sbr.rel @p0 .LBB2_7-.Ltmp2, $4  }
0x208: {  	v8 =	vmax.f32 v8, $0.0e+00;
	[tilespmem:s1+$0x50] =	vst v11;
	v0 =	vld [tilespmem:s1+$0x70]  }
0x209: {  	[tilespmem:s1+$0xFFFFFF50] =	vst v8;
	v8 =	vld [tilespmem:s3+$0x60];
	v10 =	vadd.f32 v14, v9;
	v6 =	vmax.f32 v6, $0.0e+00  }
0x20a: {  	v9 =	vld [tilespmem:s3+$0xFFFFFF60];
	[tilespmem:s20+$0x70] =	vst v6;
	s20 =	smov.u32 s1  }
0x20b: {  	s1 =	sadd.s32 $0x200, s1;
	v10 =	vmax.f32 v10, $0.0e+00;
	v6 =	vld [tilespmem:s20+$0xF0]  }
0x20c: {  	_ =	sdelay $0x2  }
0x20d: {  	v3 =	vadd.f32 v9, v3  }
0x20e: {  	v4 =	vadd.f32 v7, v4  }
0x20f: {  	[tilespmem:s20+$0xE0] =	vst v10;
	v3 =	vmax.f32 v3, $0.0e+00  }
0x210: {  	v7 =	vld [tilespmem:s21+$0xF0];
	v4 =	vmax.f32 v4, $0.0e+00;
	[tilespmem:s20+$0xFFFFFF60] =	vst v3  }
0x211: {  	v5 =	vadd.f32 v8, v5;
	[tilespmem:s20+$0xFFFFFFE0] =	vst v4;
	v4 =	vld [tilespmem:s21+$0xFFFFFF70];
	_ =	sdelay $0x1  }
0x212: {  	v3 =	vmax.f32 v5, $0.0e+00  }
0x213: {  	[tilespmem:s20+$0x60] =	vst v3;
	v3 =	vld [tilespmem:s21+$0xFFFFFFF0]  }
0x214: {  	v6 =	vadd.f32 v7, v6;
	v5 =	vld [tilespmem:s21+$0x70]  }
0x215: {  	v2 =	vadd.f32 v4, v2  }
0x216: {  	v4 =	vmax.f32 v6, $0.0e+00  }
0x217: {  	[tilespmem:s20+$0xF0] =	vst v4;
	v2 =	vmax.f32 v2, $0.0e+00  }
0x218: {  	v1 =	vadd.f32 v3, v1;
	[tilespmem:s20+$0xFFFFFF70] =	vst v2  }
0x219: {  	v0 =	vadd.f32 v5, v0;
	s1 =	rddreg [dreg:$0x5]  }
0x21a: {  	v1 =	vmax.f32 v1, $0.0e+00;
	s1 =	sadd.s32 s19, s1  }
0x21b: {  	v0 =	vmax.f32 v0, $0.0e+00;
	[tilespmem:s20+$0xFFFFFFF0] =	vst v1;
	s1 =	sshll.u32 s1, $0x4  }
0x21c: {  	[tilespmem:s20+$0x70] =	vst v0;
	s1 =	sadd.s32 s4, s1  }
0x21d: {  	[hbm4b:s1+s5] =	stream.linear.scatter [tilespmem:s31], [sflag:$0x7], $0x6400, $0x38;
	[tilespmem:$0x1F800] =	vst v63  }
0x21e: {  	_ =	swait.ge [sflag:s0], $0x4000  }
0x21f: {  	[sflag:s0] =	ssyncset.done $0x0  }
0x220: {  	[sflag:s0] =	ssyncadd.s32 $0xFFFFC000  }
0x221: {  	_ =	swait.ge [sflag:s0], $0x2400  }
0x222: {  	s20 =	rddreg [dreg:$0x12]  }
0x223: {  	s1 =	sadd.s32 s19, s20  }
0x224: {  	[sflag:s0] =	ssyncset.done $0x0;
	s1 =	sshrl.u32 s1, $0x3  }
0x225: {  	s3 =	simm.s32 $0x1F700;
	[sflag:s0] =	ssyncadd.s32 $0xFFFFDC00;
	s1 =	sadd.s32 s6, s1  }
0x226: {  	[tilespmem:s3], [sflag:$0xC] =	stream.linear.gather [hbm4b:s1+s5], $0xC8, $0x38;
	[tilespmem:$0x1F800] =	vst v63  }
0x227: {  	_ =	swait.ge [sflag:s7], $0x6400  }
0x228: {  	[sflag:s7] =	ssyncset.done $0x0  }
0x229: {  	[sflag:s7] =	ssyncadd.s32 $0xFFFF9C00  }
0x22a: {  	_ =	swait.ge [sflag:s23], $0xC8  }
0x22b: {  	[sflag:s23] =	ssyncset.done $0x0  }
0x22c: {  	[sflag:s23] =	ssyncadd.s32 $0xFFFFFF38  }
0x22d: {  	[tilespmem:s24], [sflag:$0x2] =	stream.indirect.gather [hbm4b:s2+s13], $0x80, s9, s13, $0xb8;
	[tilespmem:$0x1F800] =	vst v63  }
0x22e: {  	s22 =	simm.s32 $0x10800;
	s21 =	simm.s32 $0x1F580;
	s20 =	simm.s32 $0x19100  }
0x22f: {  	[tilespmem:s22], [sflag:$0x2] =	stream.indirect.gather [hbm4b:s2+s16], $0x80, s21, s16, $0xb8;
	[tilespmem:$0x1F800] =	vst v63  }
0x230: {  	s21 =	simm.s32 $0x100;
	v0 =	vld [tilespmem:s20+$0x80]  }
0x231: {  	v1 =	vld [tilespmem:s21+$0x80]  }
0x232: {  	v2 =	vld [tilespmem:s21+$0xFFFFFF00]  }
0x233: {  	v3 =	vld [tilespmem:s20+$0xFFFFFF80]  }
0x234: {  	v4 =	vld [tilespmem:s21+$0xFFFFFF80]  }
0x235: {  	v5 =	vld [tilespmem:s21+$0x0]  }
0x236: {  	v0 =	vadd.f32 v1, v0;
	v1 =	vld [tilespmem:s20+$0x0]  }
0x237: {  	v6 =	vld [tilespmem:s20+$0xFFFFFF00]  }
0x238: {  	v0 =	vmax.f32 v0, $0.0e+00  }
0x239: {  	v3 =	vadd.f32 v4, v3;
	[tilespmem:s20+$0x80] =	vst v0;
	v0 =	vld [tilespmem:s20+$0x90]  }
0x23a: {  	v7 =	vld [tilespmem:s21+$0x90]  }
0x23b: {  	v8 =	vld [tilespmem:s20+$0xFFFFFF90];
	v3 =	vmax.f32 v3, $0.0e+00;
	v1 =	vadd.f32 v5, v1  }
0x23c: {  	v4 =	vld [tilespmem:s20+$0xFFFFFF10];
	v2 =	vadd.f32 v2, v6;
	[tilespmem:s20+$0xFFFFFF80] =	vst v3  }
0x23d: {  	v5 =	vld [tilespmem:s21+$0xFFFFFF90];
	v1 =	vmax.f32 v1, $0.0e+00  }
0x23e: {  	v2 =	vmax.f32 v2, $0.0e+00;
	v3 =	vld [tilespmem:s20+$0x10];
	[tilespmem:s20+$0x0] =	vst v1  }
0x23f: {  	[tilespmem:s20+$0xFFFFFF00] =	vst v2;
	v0 =	vadd.f32 v7, v0;
	v1 =	vld [tilespmem:s21+$0x10]  }
0x240: {  	v2 =	vld [tilespmem:s21+$0xFFFFFF10]  }
0x241: {  	v0 =	vmax.f32 v0, $0.0e+00  }
0x242: {  	v5 =	vadd.f32 v5, v8;
	[tilespmem:s20+$0x90] =	vst v0;
	v0 =	vld [tilespmem:s20+$0xA0]  }
0x243: {  	v7 =	vld [tilespmem:s21+$0xA0]  }
0x244: {  	v6 =	vld [tilespmem:s20+$0xFFFFFF20];
	v5 =	vmax.f32 v5, $0.0e+00;
	v1 =	vadd.f32 v1, v3  }
0x245: {  	v2 =	vadd.f32 v2, v4;
	v8 =	vld [tilespmem:s20+$0xFFFFFFA0];
	[tilespmem:s20+$0xFFFFFF90] =	vst v5  }
0x246: {  	v4 =	vld [tilespmem:s21+$0xFFFFFFA0];
	v1 =	vmax.f32 v1, $0.0e+00  }
0x247: {  	v2 =	vmax.f32 v2, $0.0e+00;
	v3 =	vld [tilespmem:s20+$0x20];
	[tilespmem:s20+$0x10] =	vst v1  }
0x248: {  	[tilespmem:s20+$0xFFFFFF10] =	vst v2;
	v0 =	vadd.f32 v7, v0;
	v1 =	vld [tilespmem:s21+$0x20]  }
0x249: {  	v2 =	vld [tilespmem:s21+$0xFFFFFF20]  }
0x24a: {  	v0 =	vmax.f32 v0, $0.0e+00  }
0x24b: {  	v4 =	vadd.f32 v4, v8;
	[tilespmem:s20+$0xA0] =	vst v0;
	v0 =	vld [tilespmem:s20+$0xB0]  }
0x24c: {  	v7 =	vld [tilespmem:s21+$0xB0]  }
0x24d: {  	v9 =	vld [tilespmem:s20+$0x30];
	v4 =	vmax.f32 v4, $0.0e+00;
	v1 =	vadd.f32 v1, v3  }
0x24e: {  	v2 =	vadd.f32 v2, v6;
	v8 =	vld [tilespmem:s20+$0xFFFFFFB0];
	[tilespmem:s20+$0xFFFFFFA0] =	vst v4  }
0x24f: {  	v3 =	vld [tilespmem:s21+$0xFFFFFFB0];
	v1 =	vmax.f32 v1, $0.0e+00  }
0x250: {  	v5 =	vld [tilespmem:s20+$0xFFFFFF30];
	[tilespmem:s20+$0x20] =	vst v1;
	v1 =	vmax.f32 v2, $0.0e+00  }
0x251: {  	v0 =	vadd.f32 v7, v0;
	[tilespmem:s20+$0xFFFFFF20] =	vst v1;
	v1 =	vld [tilespmem:s21+$0x30]  }
0x252: {  	v6 =	vld [tilespmem:s21+$0xFFFFFF30]  }
0x253: {  	v10 =	vld [tilespmem:s20+$0xFFFFFF40];
	v0 =	vmax.f32 v0, $0.0e+00  }
0x254: {  	v3 =	vadd.f32 v3, v8;
	[tilespmem:s20+$0xB0] =	vst v0;
	v0 =	vld [tilespmem:s20+$0xC0]  }
0x255: {  	v7 =	vld [tilespmem:s21+$0xC0]  }
0x256: {  	v11 =	vld [tilespmem:s20+$0xFFFFFFD0];
	v3 =	vmax.f32 v3, $0.0e+00;
	v1 =	vadd.f32 v1, v9  }
0x257: {  	v4 =	vld [tilespmem:s20+$0xFFFFFFC0];
	[tilespmem:s20+$0xFFFFFFB0] =	vst v3;
	v5 =	vadd.f32 v6, v5  }
0x258: {  	v6 =	vld [tilespmem:s21+$0xFFFFFFC0];
	v1 =	vmax.f32 v1, $0.0e+00  }
0x259: {  	v2 =	vld [tilespmem:s20+$0x40];
	[tilespmem:s20+$0x30] =	vst v1;
	v1 =	vmax.f32 v5, $0.0e+00  }
0x25a: {  	v0 =	vadd.f32 v7, v0;
	v5 =	vld [tilespmem:s21+$0x40];
	[tilespmem:s20+$0xFFFFFF30] =	vst v1  }
0x25b: {  	v1 =	vld [tilespmem:s21+$0xFFFFFF40]  }
0x25c: {  	v8 =	vld [tilespmem:s20+$0xFFFFFF50];
	v0 =	vmax.f32 v0, $0.0e+00  }
0x25d: {  	[tilespmem:s20+$0xC0] =	vst v0;
	v0 =	vadd.f32 v6, v4;
	v6 =	vld [tilespmem:s20+$0xD0]  }
0x25e: {  	v7 =	vld [tilespmem:s21+$0xD0]  }
0x25f: {  	v3 =	vld [tilespmem:s20+$0xFFFFFF60];
	v0 =	vmax.f32 v0, $0.0e+00;
	v2 =	vadd.f32 v5, v2  }
0x260: {  	v9 =	vld [tilespmem:s20+$0x50];
	[tilespmem:s20+$0xFFFFFFC0] =	vst v0;
	v0 =	vadd.f32 v1, v10  }
0x261: {  	v1 =	vld [tilespmem:s21+$0xFFFFFFD0];
	v2 =	vmax.f32 v2, $0.0e+00  }
0x262: {  	v4 =	vld [tilespmem:s20+$0xFFFFFFE0];
	[tilespmem:s20+$0x40] =	vst v2;
	v0 =	vmax.f32 v0, $0.0e+00  }
0x263: {  	v2 =	vld [tilespmem:s21+$0x50];
	v6 =	vadd.f32 v7, v6;
	[tilespmem:s20+$0xFFFFFF40] =	vst v0  }
0x264: {  	v0 =	vld [tilespmem:s21+$0xFFFFFF50]  }
0x265: {  	v5 =	vld [tilespmem:s20+$0x60];
	v6 =	vmax.f32 v6, $0.0e+00  }
0x266: {  	v1 =	vadd.f32 v1, v11;
	[tilespmem:s20+$0xD0] =	vst v6;
	v6 =	vld [tilespmem:s20+$0xE0]  }
0x267: {  	v10 =	vld [tilespmem:s21+$0xE0]  }
0x268: {  	v1 =	vmax.f32 v1, $0.0e+00;
	v7 =	vadd.f32 v2, v9;
	v2 =	vld [tilespmem:s20+$0xFFFFFF70]  }
0x269: {  	[tilespmem:s20+$0xFFFFFFD0] =	vst v1;
	v0 =	vadd.f32 v0, v8;
	v1 =	vld [tilespmem:s20+$0xFFFFFFF0]  }
0x26a: {  	v8 =	vmax.f32 v7, $0.0e+00;
	v7 =	vld [tilespmem:s21+$0xFFFFFFE0]  }
0x26b: {  	[tilespmem:s20+$0x50] =	vst v8;
	v8 =	vmax.f32 v0, $0.0e+00;
	v0 =	vld [tilespmem:s20+$0x70]  }
0x26c: {  	[tilespmem:s20+$0xFFFFFF50] =	vst v8;
	v8 =	vld [tilespmem:s21+$0x60];
	v6 =	vadd.f32 v10, v6  }
0x26d: {  	v9 =	vld [tilespmem:s21+$0xFFFFFF60]  }
0x26e: {  	s1 =	simm.s32 $0x19300;
	s3 =	simm.s32 $0x100;
	s22 =	simm.s32 $0x0;
	v10 =	vmax.f32 v6, $0.0e+00;
	v6 =	vld [tilespmem:s20+$0xF0]  }
.LBB2_9:
0x26f: {  	v11 =	vld [tilespmem:s1+$0x80];
	v4 =	vadd.f32 v7, v4;
	[tilespmem:s20+$0xE0] =	vst v10  }
0x270: {  	s3 =	sadd.s32 $0x200, s3;
	v7 =	vld [tilespmem:s21+$0xF0]  }
0x271: {  	s22 =	sadd.s32 $0x4, s22;
	v10 =	vld [tilespmem:s3+$0x80];
	v4 =	vmax.f32 v4, $0.0e+00;
	v5 =	vadd.f32 v8, v5  }
0x272: {  	p0 =	slt.u32 s22, $0xC4;
	v8 =	vld [tilespmem:s3+$0xFFFFFF00];
	v3 =	vadd.f32 v9, v3;
	[tilespmem:s20+$0xFFFFFFE0] =	vst v4  }
0x273: {  	v4 =	vld [tilespmem:s1+$0xFFFFFF80];
	v5 =	vmax.f32 v5, $0.0e+00  }
0x274: {  	v9 =	vld [tilespmem:s3+$0xFFFFFF80];
	v3 =	vmax.f32 v3, $0.0e+00;
	[tilespmem:s20+$0x60] =	vst v5  }
0x275: {  	v5 =	vld [tilespmem:s1+$0x0];
	[tilespmem:s20+$0xFFFFFF60] =	vst v3;
	v3 =	vadd.f32 v7, v6  }
0x276: {  	v6 =	vld [tilespmem:s3+$0x0];
	v7 =	vadd.f32 v10, v11  }
0x277: {  	v10 =	vld [tilespmem:s1+$0xFFFFFF00];
	v3 =	vmax.f32 v3, $0.0e+00  }
0x278: {  	v11 =	vld [tilespmem:s1+$0xFFFFFF10];
	v7 =	vmax.f32 v7, $0.0e+00;
	[tilespmem:s20+$0xF0] =	vst v3  }
0x279: {  	v3 =	vadd.f32 v9, v4;
	[tilespmem:s1+$0x80] =	vst v7;
	v4 =	vld [tilespmem:s1+$0x90]  }
0x27a: {  	v7 =	vld [tilespmem:s3+$0x90]  }
0x27b: {  	v3 =	vmax.f32 v3, $0.0e+00;
	v9 =	vld [tilespmem:s1+$0xFFFFFF90];
	v5 =	vadd.f32 v6, v5  }
0x27c: {  	v6 =	vadd.f32 v8, v10;
	[tilespmem:s1+$0xFFFFFF80] =	vst v3;
	v3 =	vld [tilespmem:s1+$0x10]  }
0x27d: {  	v8 =	vld [tilespmem:s3+$0xFFFFFF90];
	v5 =	vmax.f32 v5, $0.0e+00  }
0x27e: {  	v6 =	vmax.f32 v6, $0.0e+00;
	v10 =	vld [tilespmem:s1+$0xFFFFFF20];
	[tilespmem:s1+$0x0] =	vst v5  }
0x27f: {  	[tilespmem:s1+$0xFFFFFF00] =	vst v6;
	v5 =	vld [tilespmem:s3+$0x10];
	v4 =	vadd.f32 v7, v4  }
0x280: {  	v6 =	vld [tilespmem:s3+$0xFFFFFF10]  }
0x281: {  	v7 =	vld [tilespmem:s1+$0xFFFFFFA0];
	v4 =	vmax.f32 v4, $0.0e+00  }
0x282: {  	v8 =	vadd.f32 v8, v9;
	[tilespmem:s1+$0x90] =	vst v4;
	v4 =	vld [tilespmem:s1+$0xA0]  }
0x283: {  	v9 =	vld [tilespmem:s3+$0xA0]  }
0x284: {  	v8 =	vmax.f32 v8, $0.0e+00;
	v3 =	vadd.f32 v5, v3;
	v5 =	vld [tilespmem:s1+$0x20]  }
0x285: {  	v6 =	vadd.f32 v6, v11;
	v11 =	vld [tilespmem:s1+$0xFFFFFF30];
	[tilespmem:s1+$0xFFFFFF90] =	vst v8  }
0x286: {  	v8 =	vld [tilespmem:s3+$0xFFFFFFA0];
	v3 =	vmax.f32 v3, $0.0e+00  }
0x287: {  	v6 =	vmax.f32 v6, $0.0e+00;
	v12 =	vld [tilespmem:s1+$0xFFFFFFB0];
	[tilespmem:s1+$0x10] =	vst v3  }
0x288: {  	[tilespmem:s1+$0xFFFFFF10] =	vst v6;
	v3 =	vld [tilespmem:s3+$0x20];
	v4 =	vadd.f32 v9, v4  }
0x289: {  	v6 =	vld [tilespmem:s3+$0xFFFFFF20]  }
0x28a: {  	v9 =	vld [tilespmem:s1+$0x30];
	v4 =	vmax.f32 v4, $0.0e+00  }
0x28b: {  	v7 =	vadd.f32 v8, v7;
	[tilespmem:s1+$0xA0] =	vst v4;
	v4 =	vld [tilespmem:s1+$0xB0]  }
0x28c: {  	v8 =	vld [tilespmem:s3+$0xB0]  }
0x28d: {  	v13 =	vld [tilespmem:s1+$0xFFFFFF40];
	v7 =	vmax.f32 v7, $0.0e+00;
	v3 =	vadd.f32 v3, v5  }
0x28e: {  	v5 =	vadd.f32 v6, v10;
	[tilespmem:s1+$0xFFFFFFA0] =	vst v7;
	v6 =	vld [tilespmem:s1+$0xFFFFFFC0]  }
0x28f: {  	v7 =	vld [tilespmem:s3+$0xFFFFFFB0];
	v3 =	vmax.f32 v3, $0.0e+00  }
0x290: {  	v5 =	vmax.f32 v5, $0.0e+00;
	[tilespmem:s1+$0x20] =	vst v3;
	v10 =	vld [tilespmem:s1+$0x40]  }
0x291: {  	[tilespmem:s1+$0xFFFFFF20] =	vst v5;
	v3 =	vld [tilespmem:s3+$0x30];
	v4 =	vadd.f32 v8, v4  }
0x292: {  	v5 =	vld [tilespmem:s3+$0xFFFFFF30]  }
0x293: {  	v8 =	vld [tilespmem:s1+$0xFFFFFF50];
	v4 =	vmax.f32 v4, $0.0e+00  }
0x294: {  	v7 =	vadd.f32 v7, v12;
	[tilespmem:s1+$0xB0] =	vst v4;
	v4 =	vld [tilespmem:s1+$0xC0]  }
0x295: {  	v12 =	vld [tilespmem:s3+$0xC0]  }
0x296: {  	v7 =	vmax.f32 v7, $0.0e+00;
	v14 =	vld [tilespmem:s1+$0xFFFFFFD0];
	v3 =	vadd.f32 v3, v9  }
0x297: {  	v5 =	vadd.f32 v5, v11;
	[tilespmem:s1+$0xFFFFFFB0] =	vst v7;
	v7 =	vld [tilespmem:s1+$0x50]  }
0x298: {  	v9 =	vld [tilespmem:s3+$0xFFFFFFC0];
	v11 =	vmax.f32 v3, $0.0e+00  }
0x299: {  	v5 =	vmax.f32 v5, $0.0e+00;
	v3 =	vld [tilespmem:s1+$0xFFFFFF60];
	[tilespmem:s1+$0x30] =	vst v11  }
0x29a: {  	[tilespmem:s1+$0xFFFFFF30] =	vst v5;
	v5 =	vld [tilespmem:s3+$0x40];
	v11 =	vadd.f32 v12, v4  }
0x29b: {  	v12 =	vld [tilespmem:s3+$0xFFFFFF40]  }
0x29c: {  	v4 =	vld [tilespmem:s1+$0xFFFFFFE0];
	v11 =	vmax.f32 v11, $0.0e+00  }
0x29d: {  	v6 =	vadd.f32 v9, v6;
	[tilespmem:s1+$0xC0] =	vst v11;
	v9 =	vld [tilespmem:s1+$0xD0]  }
0x29e: {  	v11 =	vld [tilespmem:s3+$0xD0]  }
0x29f: {  	v6 =	vmax.f32 v6, $0.0e+00;
	v10 =	vadd.f32 v5, v10;
	v5 =	vld [tilespmem:s1+$0x60]  }
0x2a0: {  	v12 =	vadd.f32 v12, v13;
	[tilespmem:s1+$0xFFFFFFC0] =	vst v6;
	v6 =	vld [tilespmem:s21+$0xFFFFFF70]  }
0x2a1: {  	v13 =	vld [tilespmem:s3+$0xFFFFFFD0];
	v10 =	vmax.f32 v10, $0.0e+00  }
0x2a2: {  	v12 =	vmax.f32 v12, $0.0e+00;
	[tilespmem:s1+$0x40] =	vst v10;
	v10 =	vld [tilespmem:s21+$0xFFFFFFF0]  }
0x2a3: {  	[tilespmem:s1+$0xFFFFFF40] =	vst v12;
	v12 =	vld [tilespmem:s3+$0x50];
	v9 =	vadd.f32 v11, v9  }
0x2a4: {  	v11 =	vld [tilespmem:s3+$0xFFFFFF50]  }
0x2a5: {  	v9 =	vmax.f32 v9, $0.0e+00;
	v2 =	vadd.f32 v6, v2;
	v6 =	vld [tilespmem:s21+$0x70];
	s21 =	smov.u32 s3  }
0x2a6: {  	v13 =	vadd.f32 v13, v14;
	[tilespmem:s1+$0xD0] =	vst v9;
	v9 =	vld [tilespmem:s1+$0xE0]  }
0x2a7: {  	v14 =	vld [tilespmem:s3+$0xE0];
	v15 =	vmax.f32 v2, $0.0e+00;
	v10 =	vadd.f32 v10, v1  }
0x2a8: {  	v2 =	vld [tilespmem:s1+$0xFFFFFF70];
	v1 =	vmax.f32 v13, $0.0e+00;
	v12 =	vadd.f32 v12, v7;
	[tilespmem:s20+$0xFFFFFF70] =	vst v15  }
0x2a9: {  	v8 =	vadd.f32 v11, v8;
	[tilespmem:s1+$0xFFFFFFD0] =	vst v1;
	v1 =	vld [tilespmem:s1+$0xFFFFFFF0];
	v10 =	vmax.f32 v10, $0.0e+00  }
.Ltmp3:
0x2aa: {  	v7 =	vld [tilespmem:s3+$0xFFFFFFE0];
	v11 =	vmax.f32 v12, $0.0e+00;
	[tilespmem:s20+$0xFFFFFFF0] =	vst v10;
	v6 =	vadd.f32 v6, v0;
	(pc) =	sbr.rel @p0 .LBB2_9-.Ltmp3, $4  }
0x2ab: {  	v8 =	vmax.f32 v8, $0.0e+00;
	[tilespmem:s1+$0x50] =	vst v11;
	v0 =	vld [tilespmem:s1+$0x70]  }
0x2ac: {  	[tilespmem:s1+$0xFFFFFF50] =	vst v8;
	v8 =	vld [tilespmem:s3+$0x60];
	v10 =	vadd.f32 v14, v9;
	v6 =	vmax.f32 v6, $0.0e+00  }
0x2ad: {  	v9 =	vld [tilespmem:s3+$0xFFFFFF60];
	[tilespmem:s20+$0x70] =	vst v6;
	s20 =	smov.u32 s1  }
0x2ae: {  	s1 =	sadd.s32 $0x200, s1;
	v10 =	vmax.f32 v10, $0.0e+00;
	v6 =	vld [tilespmem:s20+$0xF0]  }
0x2af: {  	_ =	sdelay $0x2  }
0x2b0: {  	v3 =	vadd.f32 v9, v3  }
0x2b1: {  	v4 =	vadd.f32 v7, v4  }
0x2b2: {  	[tilespmem:s20+$0xE0] =	vst v10;
	v3 =	vmax.f32 v3, $0.0e+00  }
0x2b3: {  	v7 =	vld [tilespmem:s21+$0xF0];
	v4 =	vmax.f32 v4, $0.0e+00;
	[tilespmem:s20+$0xFFFFFF60] =	vst v3  }
0x2b4: {  	v5 =	vadd.f32 v8, v5;
	[tilespmem:s20+$0xFFFFFFE0] =	vst v4;
	v4 =	vld [tilespmem:s21+$0xFFFFFF70];
	_ =	sdelay $0x1  }
0x2b5: {  	v3 =	vmax.f32 v5, $0.0e+00  }
0x2b6: {  	[tilespmem:s20+$0x60] =	vst v3;
	v3 =	vld [tilespmem:s21+$0xFFFFFFF0]  }
0x2b7: {  	v6 =	vadd.f32 v7, v6;
	v5 =	vld [tilespmem:s21+$0x70]  }
0x2b8: {  	v2 =	vadd.f32 v4, v2  }
0x2b9: {  	v4 =	vmax.f32 v6, $0.0e+00  }
0x2ba: {  	[tilespmem:s20+$0xF0] =	vst v4;
	v2 =	vmax.f32 v2, $0.0e+00  }
0x2bb: {  	v1 =	vadd.f32 v3, v1;
	[tilespmem:s20+$0xFFFFFF70] =	vst v2  }
0x2bc: {  	v0 =	vadd.f32 v5, v0;
	s1 =	rddreg [dreg:$0x9]  }
0x2bd: {  	v1 =	vmax.f32 v1, $0.0e+00;
	s1 =	sadd.s32 s19, s1  }
0x2be: {  	v0 =	vmax.f32 v0, $0.0e+00;
	[tilespmem:s20+$0xFFFFFFF0] =	vst v1;
	s1 =	sshll.u32 s1, $0x4  }
0x2bf: {  	[tilespmem:s20+$0x70] =	vst v0;
	s1 =	sadd.s32 s4, s1  }
0x2c0: {  	[hbm4b:s1+s5] =	stream.linear.scatter [tilespmem:s25], [sflag:$0x8], $0x6400, $0x38;
	[tilespmem:$0x1F800] =	vst v63  }
0x2c1: {  	_ =	swait.ge [sflag:s29], $0x4000  }
0x2c2: {  	[sflag:s29] =	ssyncset.done $0x0  }
0x2c3: {  	[sflag:s29] =	ssyncadd.s32 $0xFFFFC000  }
0x2c4: {  	_ =	swait.ge [sflag:s29], $0x2400  }
0x2c5: {  	s21 =	rddreg [dreg:$0x13]  }
0x2c6: {  	s1 =	sadd.s32 s19, s21  }
0x2c7: {  	[sflag:s29] =	ssyncset.done $0x0;
	s1 =	sshrl.u32 s1, $0x3  }
0x2c8: {  	[sflag:s29] =	ssyncadd.s32 $0xFFFFDC00;
	s1 =	sadd.s32 s6, s1  }
0x2c9: {  	[tilespmem:s8], [sflag:$0x9] =	stream.linear.gather [hbm4b:s1+s5], $0xC8, $0x38;
	[tilespmem:$0x1F800] =	vst v63  }
0x2ca: {  	_ =	swait.ge [sflag:s11], $0x6400  }
0x2cb: {  	[sflag:s11] =	ssyncset.done $0x0  }
0x2cc: {  	[sflag:s11] =	ssyncadd.s32 $0xFFFF9C00  }
0x2cd: {  	_ =	swait.ge [sflag:s30], $0xC8  }
0x2ce: {  	[sflag:s30] =	ssyncset.done $0x0  }
0x2cf: {  	[sflag:s30] =	ssyncadd.s32 $0xFFFFFF38  }
0x2d0: {  	[tilespmem:s31], [sflag:$0x3] =	stream.indirect.gather [hbm4b:s2+s13], $0x80, s15, s13, $0xb8;
	[tilespmem:$0x1F800] =	vst v63  }
0x2d1: {  	s22 =	simm.s32 $0x1F680;
	s3 =	simm.s32 $0x16C00;
	s20 =	simm.s32 $0x6500  }
0x2d2: {  	[tilespmem:s3], [sflag:$0x3] =	stream.indirect.gather [hbm4b:s2+s16], $0x80, s22, s16, $0xb8;
	[tilespmem:$0x1F800] =	vst v63  }
0x2d3: {  	s21 =	simm.s32 $0x100;
	v0 =	vld [tilespmem:s20+$0x80]  }
0x2d4: {  	v1 =	vld [tilespmem:s21+$0x80]  }
0x2d5: {  	v2 =	vld [tilespmem:s21+$0xFFFFFF00]  }
0x2d6: {  	v3 =	vld [tilespmem:s20+$0xFFFFFF80]  }
0x2d7: {  	v4 =	vld [tilespmem:s21+$0xFFFFFF80]  }
0x2d8: {  	v5 =	vld [tilespmem:s21+$0x0]  }
0x2d9: {  	v0 =	vadd.f32 v1, v0;
	v1 =	vld [tilespmem:s20+$0x0]  }
0x2da: {  	v6 =	vld [tilespmem:s20+$0xFFFFFF00]  }
0x2db: {  	v0 =	vmax.f32 v0, $0.0e+00  }
0x2dc: {  	v3 =	vadd.f32 v4, v3;
	[tilespmem:s20+$0x80] =	vst v0;
	v0 =	vld [tilespmem:s20+$0x90]  }
0x2dd: {  	v7 =	vld [tilespmem:s21+$0x90]  }
0x2de: {  	v8 =	vld [tilespmem:s20+$0xFFFFFF90];
	v3 =	vmax.f32 v3, $0.0e+00;
	v1 =	vadd.f32 v5, v1  }
0x2df: {  	v4 =	vld [tilespmem:s20+$0xFFFFFF10];
	v2 =	vadd.f32 v2, v6;
	[tilespmem:s20+$0xFFFFFF80] =	vst v3  }
0x2e0: {  	v5 =	vld [tilespmem:s21+$0xFFFFFF90];
	v1 =	vmax.f32 v1, $0.0e+00  }
0x2e1: {  	v2 =	vmax.f32 v2, $0.0e+00;
	v3 =	vld [tilespmem:s20+$0x10];
	[tilespmem:s20+$0x0] =	vst v1  }
0x2e2: {  	[tilespmem:s20+$0xFFFFFF00] =	vst v2;
	v0 =	vadd.f32 v7, v0;
	v1 =	vld [tilespmem:s21+$0x10]  }
0x2e3: {  	v2 =	vld [tilespmem:s21+$0xFFFFFF10]  }
0x2e4: {  	v0 =	vmax.f32 v0, $0.0e+00  }
0x2e5: {  	v5 =	vadd.f32 v5, v8;
	[tilespmem:s20+$0x90] =	vst v0;
	v0 =	vld [tilespmem:s20+$0xA0]  }
0x2e6: {  	v7 =	vld [tilespmem:s21+$0xA0]  }
0x2e7: {  	v6 =	vld [tilespmem:s20+$0xFFFFFF20];
	v5 =	vmax.f32 v5, $0.0e+00;
	v1 =	vadd.f32 v1, v3  }
0x2e8: {  	v2 =	vadd.f32 v2, v4;
	v8 =	vld [tilespmem:s20+$0xFFFFFFA0];
	[tilespmem:s20+$0xFFFFFF90] =	vst v5  }
0x2e9: {  	v4 =	vld [tilespmem:s21+$0xFFFFFFA0];
	v1 =	vmax.f32 v1, $0.0e+00  }
0x2ea: {  	v2 =	vmax.f32 v2, $0.0e+00;
	v3 =	vld [tilespmem:s20+$0x20];
	[tilespmem:s20+$0x10] =	vst v1  }
0x2eb: {  	[tilespmem:s20+$0xFFFFFF10] =	vst v2;
	v0 =	vadd.f32 v7, v0;
	v1 =	vld [tilespmem:s21+$0x20]  }
0x2ec: {  	v2 =	vld [tilespmem:s21+$0xFFFFFF20]  }
0x2ed: {  	v0 =	vmax.f32 v0, $0.0e+00  }
0x2ee: {  	v4 =	vadd.f32 v4, v8;
	[tilespmem:s20+$0xA0] =	vst v0;
	v0 =	vld [tilespmem:s20+$0xB0]  }
0x2ef: {  	v7 =	vld [tilespmem:s21+$0xB0]  }
0x2f0: {  	v9 =	vld [tilespmem:s20+$0x30];
	v4 =	vmax.f32 v4, $0.0e+00;
	v1 =	vadd.f32 v1, v3  }
0x2f1: {  	v2 =	vadd.f32 v2, v6;
	v8 =	vld [tilespmem:s20+$0xFFFFFFB0];
	[tilespmem:s20+$0xFFFFFFA0] =	vst v4  }
0x2f2: {  	v3 =	vld [tilespmem:s21+$0xFFFFFFB0];
	v1 =	vmax.f32 v1, $0.0e+00  }
0x2f3: {  	v5 =	vld [tilespmem:s20+$0xFFFFFF30];
	[tilespmem:s20+$0x20] =	vst v1;
	v1 =	vmax.f32 v2, $0.0e+00  }
0x2f4: {  	v0 =	vadd.f32 v7, v0;
	[tilespmem:s20+$0xFFFFFF20] =	vst v1;
	v1 =	vld [tilespmem:s21+$0x30]  }
0x2f5: {  	v6 =	vld [tilespmem:s21+$0xFFFFFF30]  }
0x2f6: {  	v10 =	vld [tilespmem:s20+$0xFFFFFF40];
	v0 =	vmax.f32 v0, $0.0e+00  }
0x2f7: {  	v3 =	vadd.f32 v3, v8;
	[tilespmem:s20+$0xB0] =	vst v0;
	v0 =	vld [tilespmem:s20+$0xC0]  }
0x2f8: {  	v7 =	vld [tilespmem:s21+$0xC0]  }
0x2f9: {  	v11 =	vld [tilespmem:s20+$0xFFFFFFD0];
	v3 =	vmax.f32 v3, $0.0e+00;
	v1 =	vadd.f32 v1, v9  }
0x2fa: {  	v4 =	vld [tilespmem:s20+$0xFFFFFFC0];
	[tilespmem:s20+$0xFFFFFFB0] =	vst v3;
	v5 =	vadd.f32 v6, v5  }
0x2fb: {  	v6 =	vld [tilespmem:s21+$0xFFFFFFC0];
	v1 =	vmax.f32 v1, $0.0e+00  }
0x2fc: {  	v2 =	vld [tilespmem:s20+$0x40];
	[tilespmem:s20+$0x30] =	vst v1;
	v1 =	vmax.f32 v5, $0.0e+00  }
0x2fd: {  	v0 =	vadd.f32 v7, v0;
	v5 =	vld [tilespmem:s21+$0x40];
	[tilespmem:s20+$0xFFFFFF30] =	vst v1  }
0x2fe: {  	v1 =	vld [tilespmem:s21+$0xFFFFFF40]  }
0x2ff: {  	v8 =	vld [tilespmem:s20+$0xFFFFFF50];
	v0 =	vmax.f32 v0, $0.0e+00  }
0x300: {  	[tilespmem:s20+$0xC0] =	vst v0;
	v0 =	vadd.f32 v6, v4;
	v6 =	vld [tilespmem:s20+$0xD0]  }
0x301: {  	v7 =	vld [tilespmem:s21+$0xD0]  }
0x302: {  	v3 =	vld [tilespmem:s20+$0xFFFFFF60];
	v0 =	vmax.f32 v0, $0.0e+00;
	v2 =	vadd.f32 v5, v2  }
0x303: {  	v9 =	vld [tilespmem:s20+$0x50];
	[tilespmem:s20+$0xFFFFFFC0] =	vst v0;
	v0 =	vadd.f32 v1, v10  }
0x304: {  	v1 =	vld [tilespmem:s21+$0xFFFFFFD0];
	v2 =	vmax.f32 v2, $0.0e+00  }
0x305: {  	v4 =	vld [tilespmem:s20+$0xFFFFFFE0];
	[tilespmem:s20+$0x40] =	vst v2;
	v0 =	vmax.f32 v0, $0.0e+00  }
0x306: {  	v2 =	vld [tilespmem:s21+$0x50];
	v6 =	vadd.f32 v7, v6;
	[tilespmem:s20+$0xFFFFFF40] =	vst v0  }
0x307: {  	v0 =	vld [tilespmem:s21+$0xFFFFFF50]  }
0x308: {  	v5 =	vld [tilespmem:s20+$0x60];
	v6 =	vmax.f32 v6, $0.0e+00  }
0x309: {  	v1 =	vadd.f32 v1, v11;
	[tilespmem:s20+$0xD0] =	vst v6;
	v6 =	vld [tilespmem:s20+$0xE0]  }
0x30a: {  	v10 =	vld [tilespmem:s21+$0xE0]  }
0x30b: {  	v1 =	vmax.f32 v1, $0.0e+00;
	v7 =	vadd.f32 v2, v9;
	v2 =	vld [tilespmem:s20+$0xFFFFFF70]  }
0x30c: {  	[tilespmem:s20+$0xFFFFFFD0] =	vst v1;
	v0 =	vadd.f32 v0, v8;
	v1 =	vld [tilespmem:s20+$0xFFFFFFF0]  }
0x30d: {  	v8 =	vmax.f32 v7, $0.0e+00;
	v7 =	vld [tilespmem:s21+$0xFFFFFFE0]  }
0x30e: {  	[tilespmem:s20+$0x50] =	vst v8;
	v8 =	vmax.f32 v0, $0.0e+00;
	v0 =	vld [tilespmem:s20+$0x70]  }
0x30f: {  	[tilespmem:s20+$0xFFFFFF50] =	vst v8;
	v8 =	vld [tilespmem:s21+$0x60];
	v6 =	vadd.f32 v10, v6  }
0x310: {  	v9 =	vld [tilespmem:s21+$0xFFFFFF60]  }
0x311: {  	s1 =	simm.s32 $0x6700;
	s22 =	simm.s32 $0x0;
	s3 =	simm.s32 $0x100;
	v10 =	vmax.f32 v6, $0.0e+00;
	v6 =	vld [tilespmem:s20+$0xF0]  }
.LBB2_11:
0x312: {  	v11 =	vld [tilespmem:s1+$0x80];
	v4 =	vadd.f32 v7, v4;
	[tilespmem:s20+$0xE0] =	vst v10  }
0x313: {  	s3 =	sadd.s32 $0x200, s3;
	v7 =	vld [tilespmem:s21+$0xF0]  }
0x314: {  	s22 =	sadd.s32 $0x4, s22;
	v10 =	vld [tilespmem:s3+$0x80];
	v4 =	vmax.f32 v4, $0.0e+00;
	v5 =	vadd.f32 v8, v5  }
0x315: {  	p0 =	slt.u32 s22, $0xC4;
	v8 =	vld [tilespmem:s3+$0xFFFFFF00];
	v3 =	vadd.f32 v9, v3;
	[tilespmem:s20+$0xFFFFFFE0] =	vst v4  }
0x316: {  	v4 =	vld [tilespmem:s1+$0xFFFFFF80];
	v5 =	vmax.f32 v5, $0.0e+00  }
0x317: {  	v9 =	vld [tilespmem:s3+$0xFFFFFF80];
	v3 =	vmax.f32 v3, $0.0e+00;
	[tilespmem:s20+$0x60] =	vst v5  }
0x318: {  	v5 =	vld [tilespmem:s1+$0x0];
	[tilespmem:s20+$0xFFFFFF60] =	vst v3;
	v3 =	vadd.f32 v7, v6  }
0x319: {  	v6 =	vld [tilespmem:s3+$0x0];
	v7 =	vadd.f32 v10, v11  }
0x31a: {  	v10 =	vld [tilespmem:s1+$0xFFFFFF00];
	v3 =	vmax.f32 v3, $0.0e+00  }
0x31b: {  	v11 =	vld [tilespmem:s1+$0xFFFFFF10];
	v7 =	vmax.f32 v7, $0.0e+00;
	[tilespmem:s20+$0xF0] =	vst v3  }
0x31c: {  	v3 =	vadd.f32 v9, v4;
	[tilespmem:s1+$0x80] =	vst v7;
	v4 =	vld [tilespmem:s1+$0x90]  }
0x31d: {  	v7 =	vld [tilespmem:s3+$0x90]  }
0x31e: {  	v3 =	vmax.f32 v3, $0.0e+00;
	v9 =	vld [tilespmem:s1+$0xFFFFFF90];
	v5 =	vadd.f32 v6, v5  }
0x31f: {  	v6 =	vadd.f32 v8, v10;
	[tilespmem:s1+$0xFFFFFF80] =	vst v3;
	v3 =	vld [tilespmem:s1+$0x10]  }
0x320: {  	v8 =	vld [tilespmem:s3+$0xFFFFFF90];
	v5 =	vmax.f32 v5, $0.0e+00  }
0x321: {  	v6 =	vmax.f32 v6, $0.0e+00;
	v10 =	vld [tilespmem:s1+$0xFFFFFF20];
	[tilespmem:s1+$0x0] =	vst v5  }
0x322: {  	[tilespmem:s1+$0xFFFFFF00] =	vst v6;
	v5 =	vld [tilespmem:s3+$0x10];
	v4 =	vadd.f32 v7, v4  }
0x323: {  	v6 =	vld [tilespmem:s3+$0xFFFFFF10]  }
0x324: {  	v7 =	vld [tilespmem:s1+$0xFFFFFFA0];
	v4 =	vmax.f32 v4, $0.0e+00  }
0x325: {  	v8 =	vadd.f32 v8, v9;
	[tilespmem:s1+$0x90] =	vst v4;
	v4 =	vld [tilespmem:s1+$0xA0]  }
0x326: {  	v9 =	vld [tilespmem:s3+$0xA0]  }
0x327: {  	v8 =	vmax.f32 v8, $0.0e+00;
	v3 =	vadd.f32 v5, v3;
	v5 =	vld [tilespmem:s1+$0x20]  }
0x328: {  	v6 =	vadd.f32 v6, v11;
	v11 =	vld [tilespmem:s1+$0xFFFFFF30];
	[tilespmem:s1+$0xFFFFFF90] =	vst v8  }
0x329: {  	v8 =	vld [tilespmem:s3+$0xFFFFFFA0];
	v3 =	vmax.f32 v3, $0.0e+00  }
0x32a: {  	v6 =	vmax.f32 v6, $0.0e+00;
	v12 =	vld [tilespmem:s1+$0xFFFFFFB0];
	[tilespmem:s1+$0x10] =	vst v3  }
0x32b: {  	[tilespmem:s1+$0xFFFFFF10] =	vst v6;
	v3 =	vld [tilespmem:s3+$0x20];
	v4 =	vadd.f32 v9, v4  }
0x32c: {  	v6 =	vld [tilespmem:s3+$0xFFFFFF20]  }
0x32d: {  	v9 =	vld [tilespmem:s1+$0x30];
	v4 =	vmax.f32 v4, $0.0e+00  }
0x32e: {  	v7 =	vadd.f32 v8, v7;
	[tilespmem:s1+$0xA0] =	vst v4;
	v4 =	vld [tilespmem:s1+$0xB0]  }
0x32f: {  	v8 =	vld [tilespmem:s3+$0xB0]  }
0x330: {  	v13 =	vld [tilespmem:s1+$0xFFFFFF40];
	v7 =	vmax.f32 v7, $0.0e+00;
	v3 =	vadd.f32 v3, v5  }
0x331: {  	v5 =	vadd.f32 v6, v10;
	[tilespmem:s1+$0xFFFFFFA0] =	vst v7;
	v6 =	vld [tilespmem:s1+$0xFFFFFFC0]  }
0x332: {  	v7 =	vld [tilespmem:s3+$0xFFFFFFB0];
	v3 =	vmax.f32 v3, $0.0e+00  }
0x333: {  	v5 =	vmax.f32 v5, $0.0e+00;
	[tilespmem:s1+$0x20] =	vst v3;
	v10 =	vld [tilespmem:s1+$0x40]  }
0x334: {  	[tilespmem:s1+$0xFFFFFF20] =	vst v5;
	v3 =	vld [tilespmem:s3+$0x30];
	v4 =	vadd.f32 v8, v4  }
0x335: {  	v5 =	vld [tilespmem:s3+$0xFFFFFF30]  }
0x336: {  	v8 =	vld [tilespmem:s1+$0xFFFFFF50];
	v4 =	vmax.f32 v4, $0.0e+00  }
0x337: {  	v7 =	vadd.f32 v7, v12;
	[tilespmem:s1+$0xB0] =	vst v4;
	v4 =	vld [tilespmem:s1+$0xC0]  }
0x338: {  	v12 =	vld [tilespmem:s3+$0xC0]  }
0x339: {  	v7 =	vmax.f32 v7, $0.0e+00;
	v14 =	vld [tilespmem:s1+$0xFFFFFFD0];
	v3 =	vadd.f32 v3, v9  }
0x33a: {  	v5 =	vadd.f32 v5, v11;
	[tilespmem:s1+$0xFFFFFFB0] =	vst v7;
	v7 =	vld [tilespmem:s1+$0x50]  }
0x33b: {  	v9 =	vld [tilespmem:s3+$0xFFFFFFC0];
	v11 =	vmax.f32 v3, $0.0e+00  }
0x33c: {  	v5 =	vmax.f32 v5, $0.0e+00;
	v3 =	vld [tilespmem:s1+$0xFFFFFF60];
	[tilespmem:s1+$0x30] =	vst v11  }
0x33d: {  	[tilespmem:s1+$0xFFFFFF30] =	vst v5;
	v5 =	vld [tilespmem:s3+$0x40];
	v11 =	vadd.f32 v12, v4  }
0x33e: {  	v12 =	vld [tilespmem:s3+$0xFFFFFF40]  }
0x33f: {  	v4 =	vld [tilespmem:s1+$0xFFFFFFE0];
	v11 =	vmax.f32 v11, $0.0e+00  }
0x340: {  	v6 =	vadd.f32 v9, v6;
	[tilespmem:s1+$0xC0] =	vst v11;
	v9 =	vld [tilespmem:s1+$0xD0]  }
0x341: {  	v11 =	vld [tilespmem:s3+$0xD0]  }
0x342: {  	v6 =	vmax.f32 v6, $0.0e+00;
	v10 =	vadd.f32 v5, v10;
	v5 =	vld [tilespmem:s1+$0x60]  }
0x343: {  	v12 =	vadd.f32 v12, v13;
	[tilespmem:s1+$0xFFFFFFC0] =	vst v6;
	v6 =	vld [tilespmem:s21+$0xFFFFFF70]  }
0x344: {  	v13 =	vld [tilespmem:s3+$0xFFFFFFD0];
	v10 =	vmax.f32 v10, $0.0e+00  }
0x345: {  	v12 =	vmax.f32 v12, $0.0e+00;
	[tilespmem:s1+$0x40] =	vst v10;
	v10 =	vld [tilespmem:s21+$0xFFFFFFF0]  }
0x346: {  	[tilespmem:s1+$0xFFFFFF40] =	vst v12;
	v12 =	vld [tilespmem:s3+$0x50];
	v9 =	vadd.f32 v11, v9  }
0x347: {  	v11 =	vld [tilespmem:s3+$0xFFFFFF50]  }
0x348: {  	v9 =	vmax.f32 v9, $0.0e+00;
	v2 =	vadd.f32 v6, v2;
	v6 =	vld [tilespmem:s21+$0x70];
	s21 =	smov.u32 s3  }
0x349: {  	v13 =	vadd.f32 v13, v14;
	[tilespmem:s1+$0xD0] =	vst v9;
	v9 =	vld [tilespmem:s1+$0xE0]  }
0x34a: {  	v14 =	vld [tilespmem:s3+$0xE0];
	v15 =	vmax.f32 v2, $0.0e+00;
	v10 =	vadd.f32 v10, v1  }
0x34b: {  	v2 =	vld [tilespmem:s1+$0xFFFFFF70];
	v1 =	vmax.f32 v13, $0.0e+00;
	v12 =	vadd.f32 v12, v7;
	[tilespmem:s20+$0xFFFFFF70] =	vst v15  }
0x34c: {  	v8 =	vadd.f32 v11, v8;
	[tilespmem:s1+$0xFFFFFFD0] =	vst v1;
	v1 =	vld [tilespmem:s1+$0xFFFFFFF0];
	v10 =	vmax.f32 v10, $0.0e+00  }
.Ltmp4:
0x34d: {  	v7 =	vld [tilespmem:s3+$0xFFFFFFE0];
	v11 =	vmax.f32 v12, $0.0e+00;
	[tilespmem:s20+$0xFFFFFFF0] =	vst v10;
	v6 =	vadd.f32 v6, v0;
	(pc) =	sbr.rel @p0 .LBB2_11-.Ltmp4, $4  }
0x34e: {  	v8 =	vmax.f32 v8, $0.0e+00;
	[tilespmem:s1+$0x50] =	vst v11;
	v0 =	vld [tilespmem:s1+$0x70]  }
0x34f: {  	[tilespmem:s1+$0xFFFFFF50] =	vst v8;
	v8 =	vld [tilespmem:s3+$0x60];
	v10 =	vadd.f32 v14, v9;
	v6 =	vmax.f32 v6, $0.0e+00  }
0x350: {  	v9 =	vld [tilespmem:s3+$0xFFFFFF60];
	[tilespmem:s20+$0x70] =	vst v6;
	s20 =	smov.u32 s1  }
0x351: {  	s1 =	sadd.s32 $0x200, s1;
	v10 =	vmax.f32 v10, $0.0e+00;
	v6 =	vld [tilespmem:s20+$0xF0]  }
0x352: {  	_ =	sdelay $0x2  }
0x353: {  	v3 =	vadd.f32 v9, v3  }
0x354: {  	v4 =	vadd.f32 v7, v4  }
0x355: {  	[tilespmem:s20+$0xE0] =	vst v10;
	v3 =	vmax.f32 v3, $0.0e+00  }
0x356: {  	v7 =	vld [tilespmem:s21+$0xF0];
	v4 =	vmax.f32 v4, $0.0e+00;
	[tilespmem:s20+$0xFFFFFF60] =	vst v3  }
0x357: {  	v5 =	vadd.f32 v8, v5;
	[tilespmem:s20+$0xFFFFFFE0] =	vst v4;
	v4 =	vld [tilespmem:s21+$0xFFFFFF70];
	_ =	sdelay $0x1  }
0x358: {  	v3 =	vmax.f32 v5, $0.0e+00  }
0x359: {  	[tilespmem:s20+$0x60] =	vst v3;
	v3 =	vld [tilespmem:s21+$0xFFFFFFF0]  }
0x35a: {  	v6 =	vadd.f32 v7, v6;
	v5 =	vld [tilespmem:s21+$0x70]  }
0x35b: {  	v2 =	vadd.f32 v4, v2  }
0x35c: {  	v4 =	vmax.f32 v6, $0.0e+00  }
0x35d: {  	[tilespmem:s20+$0xF0] =	vst v4;
	v2 =	vmax.f32 v2, $0.0e+00  }
0x35e: {  	v1 =	vadd.f32 v3, v1;
	[tilespmem:s20+$0xFFFFFF70] =	vst v2  }
0x35f: {  	v0 =	vadd.f32 v5, v0;
	s1 =	rddreg [dreg:$0xa]  }
0x360: {  	v1 =	vmax.f32 v1, $0.0e+00;
	s1 =	sadd.s32 s19, s1  }
0x361: {  	v0 =	vmax.f32 v0, $0.0e+00;
	[tilespmem:s20+$0xFFFFFFF0] =	vst v1;
	s1 =	sshll.u32 s1, $0x4  }
0x362: {  	s3 =	simm.s32 $0x6400;
	[tilespmem:s20+$0x70] =	vst v0;
	s1 =	sadd.s32 s4, s1  }
0x363: {  	[hbm4b:s1+s5] =	stream.linear.scatter [tilespmem:s3], [sflag:$0x5], $0x6400, $0x38;
	[tilespmem:$0x1F800] =	vst v63  }
0x364: {  	_ =	swait.ge [sflag:s17], $0x4000  }
0x365: {  	[sflag:s17] =	ssyncset.done $0x0  }
0x366: {  	[sflag:s17] =	ssyncadd.s32 $0xFFFFC000  }
0x367: {  	_ =	swait.ge [sflag:s17], $0x2400  }
0x368: {  	s3 =	rddreg [dreg:$0x14]  }
0x369: {  	s1 =	sadd.s32 s19, s3  }
0x36a: {  	[sflag:s17] =	ssyncset.done $0x0;
	s1 =	sshrl.u32 s1, $0x3  }
0x36b: {  	[sflag:s17] =	ssyncadd.s32 $0xFFFFDC00;
	s1 =	sadd.s32 s6, s1  }
0x36c: {  	[tilespmem:s9], [sflag:$0xA] =	stream.linear.gather [hbm4b:s1+s5], $0xC8, $0x38;
	[tilespmem:$0x1F800] =	vst v63  }
0x36d: {  	_ =	swait.ge [sflag:s12], $0x6400  }
0x36e: {  	[sflag:s12] =	ssyncset.done $0x0  }
0x36f: {  	[sflag:s12] =	ssyncadd.s32 $0xFFFF9C00  }
0x370: {  	_ =	swait.ge [sflag:s18], $0xC8  }
0x371: {  	[sflag:s18] =	ssyncset.done $0x0  }
0x372: {  	s20 =	simm.s32 $0x1F700;
	[sflag:s18] =	ssyncadd.s32 $0xFFFFFF38  }
0x373: {  	[tilespmem:s25], [sflag:$0x4] =	stream.indirect.gather [hbm4b:s2+s13], $0x80, s20, s13, $0xb8;
	[tilespmem:$0x1F800] =	vst v63  }
0x374: {  	s22 =	simm.s32 $0x1D000;
	s21 =	simm.s32 $0x1F780;
	s20 =	simm.s32 $0xC900  }
0x375: {  	[tilespmem:s22], [sflag:$0x4] =	stream.indirect.gather [hbm4b:s2+s16], $0x80, s21, s16, $0xb8;
	[tilespmem:$0x1F800] =	vst v63  }
0x376: {  	s21 =	simm.s32 $0x100;
	v0 =	vld [tilespmem:s20+$0x80]  }
0x377: {  	v1 =	vld [tilespmem:s21+$0x80]  }
0x378: {  	v2 =	vld [tilespmem:s21+$0xFFFFFF00]  }
0x379: {  	v3 =	vld [tilespmem:s20+$0xFFFFFF80]  }
0x37a: {  	v4 =	vld [tilespmem:s21+$0xFFFFFF80]  }
0x37b: {  	v5 =	vld [tilespmem:s21+$0x0]  }
0x37c: {  	v0 =	vadd.f32 v1, v0;
	v1 =	vld [tilespmem:s20+$0x0]  }
0x37d: {  	v6 =	vld [tilespmem:s20+$0xFFFFFF00]  }
0x37e: {  	v0 =	vmax.f32 v0, $0.0e+00  }
0x37f: {  	v3 =	vadd.f32 v4, v3;
	[tilespmem:s20+$0x80] =	vst v0;
	v0 =	vld [tilespmem:s20+$0x90]  }
0x380: {  	v7 =	vld [tilespmem:s21+$0x90]  }
0x381: {  	v8 =	vld [tilespmem:s20+$0xFFFFFF90];
	v3 =	vmax.f32 v3, $0.0e+00;
	v1 =	vadd.f32 v5, v1  }
0x382: {  	v4 =	vld [tilespmem:s20+$0xFFFFFF10];
	v2 =	vadd.f32 v2, v6;
	[tilespmem:s20+$0xFFFFFF80] =	vst v3  }
0x383: {  	v5 =	vld [tilespmem:s21+$0xFFFFFF90];
	v1 =	vmax.f32 v1, $0.0e+00  }
0x384: {  	v2 =	vmax.f32 v2, $0.0e+00;
	v3 =	vld [tilespmem:s20+$0x10];
	[tilespmem:s20+$0x0] =	vst v1  }
0x385: {  	[tilespmem:s20+$0xFFFFFF00] =	vst v2;
	v0 =	vadd.f32 v7, v0;
	v1 =	vld [tilespmem:s21+$0x10]  }
0x386: {  	v2 =	vld [tilespmem:s21+$0xFFFFFF10]  }
0x387: {  	v0 =	vmax.f32 v0, $0.0e+00  }
0x388: {  	v5 =	vadd.f32 v5, v8;
	[tilespmem:s20+$0x90] =	vst v0;
	v0 =	vld [tilespmem:s20+$0xA0]  }
0x389: {  	v7 =	vld [tilespmem:s21+$0xA0]  }
0x38a: {  	v6 =	vld [tilespmem:s20+$0xFFFFFF20];
	v5 =	vmax.f32 v5, $0.0e+00;
	v1 =	vadd.f32 v1, v3  }
0x38b: {  	v2 =	vadd.f32 v2, v4;
	v8 =	vld [tilespmem:s20+$0xFFFFFFA0];
	[tilespmem:s20+$0xFFFFFF90] =	vst v5  }
0x38c: {  	v4 =	vld [tilespmem:s21+$0xFFFFFFA0];
	v1 =	vmax.f32 v1, $0.0e+00  }
0x38d: {  	v2 =	vmax.f32 v2, $0.0e+00;
	v3 =	vld [tilespmem:s20+$0x20];
	[tilespmem:s20+$0x10] =	vst v1  }
0x38e: {  	[tilespmem:s20+$0xFFFFFF10] =	vst v2;
	v0 =	vadd.f32 v7, v0;
	v1 =	vld [tilespmem:s21+$0x20]  }
0x38f: {  	v2 =	vld [tilespmem:s21+$0xFFFFFF20]  }
0x390: {  	v0 =	vmax.f32 v0, $0.0e+00  }
0x391: {  	v4 =	vadd.f32 v4, v8;
	[tilespmem:s20+$0xA0] =	vst v0;
	v0 =	vld [tilespmem:s20+$0xB0]  }
0x392: {  	v7 =	vld [tilespmem:s21+$0xB0]  }
0x393: {  	v9 =	vld [tilespmem:s20+$0x30];
	v4 =	vmax.f32 v4, $0.0e+00;
	v1 =	vadd.f32 v1, v3  }
0x394: {  	v2 =	vadd.f32 v2, v6;
	v8 =	vld [tilespmem:s20+$0xFFFFFFB0];
	[tilespmem:s20+$0xFFFFFFA0] =	vst v4  }
0x395: {  	v3 =	vld [tilespmem:s21+$0xFFFFFFB0];
	v1 =	vmax.f32 v1, $0.0e+00  }
0x396: {  	v5 =	vld [tilespmem:s20+$0xFFFFFF30];
	[tilespmem:s20+$0x20] =	vst v1;
	v1 =	vmax.f32 v2, $0.0e+00  }
0x397: {  	v0 =	vadd.f32 v7, v0;
	[tilespmem:s20+$0xFFFFFF20] =	vst v1;
	v1 =	vld [tilespmem:s21+$0x30]  }
0x398: {  	v6 =	vld [tilespmem:s21+$0xFFFFFF30]  }
0x399: {  	v10 =	vld [tilespmem:s20+$0xFFFFFF40];
	v0 =	vmax.f32 v0, $0.0e+00  }
0x39a: {  	v3 =	vadd.f32 v3, v8;
	[tilespmem:s20+$0xB0] =	vst v0;
	v0 =	vld [tilespmem:s20+$0xC0]  }
0x39b: {  	v7 =	vld [tilespmem:s21+$0xC0]  }
0x39c: {  	v11 =	vld [tilespmem:s20+$0xFFFFFFD0];
	v3 =	vmax.f32 v3, $0.0e+00;
	v1 =	vadd.f32 v1, v9  }
0x39d: {  	v4 =	vld [tilespmem:s20+$0xFFFFFFC0];
	[tilespmem:s20+$0xFFFFFFB0] =	vst v3;
	v5 =	vadd.f32 v6, v5  }
0x39e: {  	v6 =	vld [tilespmem:s21+$0xFFFFFFC0];
	v1 =	vmax.f32 v1, $0.0e+00  }
0x39f: {  	v2 =	vld [tilespmem:s20+$0x40];
	[tilespmem:s20+$0x30] =	vst v1;
	v1 =	vmax.f32 v5, $0.0e+00  }
0x3a0: {  	v0 =	vadd.f32 v7, v0;
	v5 =	vld [tilespmem:s21+$0x40];
	[tilespmem:s20+$0xFFFFFF30] =	vst v1  }
0x3a1: {  	v1 =	vld [tilespmem:s21+$0xFFFFFF40]  }
0x3a2: {  	v8 =	vld [tilespmem:s20+$0xFFFFFF50];
	v0 =	vmax.f32 v0, $0.0e+00  }
0x3a3: {  	[tilespmem:s20+$0xC0] =	vst v0;
	v0 =	vadd.f32 v6, v4;
	v6 =	vld [tilespmem:s20+$0xD0]  }
0x3a4: {  	v7 =	vld [tilespmem:s21+$0xD0]  }
0x3a5: {  	v3 =	vld [tilespmem:s20+$0xFFFFFF60];
	v0 =	vmax.f32 v0, $0.0e+00;
	v2 =	vadd.f32 v5, v2  }
0x3a6: {  	v9 =	vld [tilespmem:s20+$0x50];
	[tilespmem:s20+$0xFFFFFFC0] =	vst v0;
	v0 =	vadd.f32 v1, v10  }
0x3a7: {  	v1 =	vld [tilespmem:s21+$0xFFFFFFD0];
	v2 =	vmax.f32 v2, $0.0e+00  }
0x3a8: {  	v4 =	vld [tilespmem:s20+$0xFFFFFFE0];
	[tilespmem:s20+$0x40] =	vst v2;
	v0 =	vmax.f32 v0, $0.0e+00  }
0x3a9: {  	v2 =	vld [tilespmem:s21+$0x50];
	v6 =	vadd.f32 v7, v6;
	[tilespmem:s20+$0xFFFFFF40] =	vst v0  }
0x3aa: {  	v0 =	vld [tilespmem:s21+$0xFFFFFF50]  }
0x3ab: {  	v5 =	vld [tilespmem:s20+$0x60];
	v6 =	vmax.f32 v6, $0.0e+00  }
0x3ac: {  	v1 =	vadd.f32 v1, v11;
	[tilespmem:s20+$0xD0] =	vst v6;
	v6 =	vld [tilespmem:s20+$0xE0]  }
0x3ad: {  	v10 =	vld [tilespmem:s21+$0xE0]  }
0x3ae: {  	v1 =	vmax.f32 v1, $0.0e+00;
	v7 =	vadd.f32 v2, v9;
	v2 =	vld [tilespmem:s20+$0xFFFFFF70]  }
0x3af: {  	[tilespmem:s20+$0xFFFFFFD0] =	vst v1;
	v0 =	vadd.f32 v0, v8;
	v1 =	vld [tilespmem:s20+$0xFFFFFFF0]  }
0x3b0: {  	v8 =	vmax.f32 v7, $0.0e+00;
	v7 =	vld [tilespmem:s21+$0xFFFFFFE0]  }
0x3b1: {  	[tilespmem:s20+$0x50] =	vst v8;
	v8 =	vmax.f32 v0, $0.0e+00;
	v0 =	vld [tilespmem:s20+$0x70]  }
0x3b2: {  	[tilespmem:s20+$0xFFFFFF50] =	vst v8;
	v8 =	vld [tilespmem:s21+$0x60];
	v6 =	vadd.f32 v10, v6  }
0x3b3: {  	v9 =	vld [tilespmem:s21+$0xFFFFFF60]  }
0x3b4: {  	s3 =	simm.s32 $0x100;
	s1 =	simm.s32 $0xCB00;
	s22 =	simm.s32 $0x0;
	v10 =	vmax.f32 v6, $0.0e+00;
	v6 =	vld [tilespmem:s20+$0xF0]  }
.LBB2_13:
0x3b5: {  	v11 =	vld [tilespmem:s1+$0x80];
	v4 =	vadd.f32 v7, v4;
	[tilespmem:s20+$0xE0] =	vst v10  }
0x3b6: {  	s3 =	sadd.s32 $0x200, s3;
	v7 =	vld [tilespmem:s21+$0xF0]  }
0x3b7: {  	s22 =	sadd.s32 $0x4, s22;
	v10 =	vld [tilespmem:s3+$0x80];
	v4 =	vmax.f32 v4, $0.0e+00;
	v5 =	vadd.f32 v8, v5  }
0x3b8: {  	p0 =	slt.u32 s22, $0xC4;
	v8 =	vld [tilespmem:s3+$0xFFFFFF00];
	v3 =	vadd.f32 v9, v3;
	[tilespmem:s20+$0xFFFFFFE0] =	vst v4  }
0x3b9: {  	v4 =	vld [tilespmem:s1+$0xFFFFFF80];
	v5 =	vmax.f32 v5, $0.0e+00  }
0x3ba: {  	v9 =	vld [tilespmem:s3+$0xFFFFFF80];
	v3 =	vmax.f32 v3, $0.0e+00;
	[tilespmem:s20+$0x60] =	vst v5  }
0x3bb: {  	v5 =	vld [tilespmem:s1+$0x0];
	[tilespmem:s20+$0xFFFFFF60] =	vst v3;
	v3 =	vadd.f32 v7, v6  }
0x3bc: {  	v6 =	vld [tilespmem:s3+$0x0];
	v7 =	vadd.f32 v10, v11  }
0x3bd: {  	v10 =	vld [tilespmem:s1+$0xFFFFFF00];
	v3 =	vmax.f32 v3, $0.0e+00  }
0x3be: {  	v11 =	vld [tilespmem:s1+$0xFFFFFF10];
	v7 =	vmax.f32 v7, $0.0e+00;
	[tilespmem:s20+$0xF0] =	vst v3  }
0x3bf: {  	v3 =	vadd.f32 v9, v4;
	[tilespmem:s1+$0x80] =	vst v7;
	v4 =	vld [tilespmem:s1+$0x90]  }
0x3c0: {  	v7 =	vld [tilespmem:s3+$0x90]  }
0x3c1: {  	v3 =	vmax.f32 v3, $0.0e+00;
	v9 =	vld [tilespmem:s1+$0xFFFFFF90];
	v5 =	vadd.f32 v6, v5  }
0x3c2: {  	v6 =	vadd.f32 v8, v10;
	[tilespmem:s1+$0xFFFFFF80] =	vst v3;
	v3 =	vld [tilespmem:s1+$0x10]  }
0x3c3: {  	v8 =	vld [tilespmem:s3+$0xFFFFFF90];
	v5 =	vmax.f32 v5, $0.0e+00  }
0x3c4: {  	v6 =	vmax.f32 v6, $0.0e+00;
	v10 =	vld [tilespmem:s1+$0xFFFFFF20];
	[tilespmem:s1+$0x0] =	vst v5  }
0x3c5: {  	[tilespmem:s1+$0xFFFFFF00] =	vst v6;
	v5 =	vld [tilespmem:s3+$0x10];
	v4 =	vadd.f32 v7, v4  }
0x3c6: {  	v6 =	vld [tilespmem:s3+$0xFFFFFF10]  }
0x3c7: {  	v7 =	vld [tilespmem:s1+$0xFFFFFFA0];
	v4 =	vmax.f32 v4, $0.0e+00  }
0x3c8: {  	v8 =	vadd.f32 v8, v9;
	[tilespmem:s1+$0x90] =	vst v4;
	v4 =	vld [tilespmem:s1+$0xA0]  }
0x3c9: {  	v9 =	vld [tilespmem:s3+$0xA0]  }
0x3ca: {  	v8 =	vmax.f32 v8, $0.0e+00;
	v3 =	vadd.f32 v5, v3;
	v5 =	vld [tilespmem:s1+$0x20]  }
0x3cb: {  	v6 =	vadd.f32 v6, v11;
	v11 =	vld [tilespmem:s1+$0xFFFFFF30];
	[tilespmem:s1+$0xFFFFFF90] =	vst v8  }
0x3cc: {  	v8 =	vld [tilespmem:s3+$0xFFFFFFA0];
	v3 =	vmax.f32 v3, $0.0e+00  }
0x3cd: {  	v6 =	vmax.f32 v6, $0.0e+00;
	v12 =	vld [tilespmem:s1+$0xFFFFFFB0];
	[tilespmem:s1+$0x10] =	vst v3  }
0x3ce: {  	[tilespmem:s1+$0xFFFFFF10] =	vst v6;
	v3 =	vld [tilespmem:s3+$0x20];
	v4 =	vadd.f32 v9, v4  }
0x3cf: {  	v6 =	vld [tilespmem:s3+$0xFFFFFF20]  }
0x3d0: {  	v9 =	vld [tilespmem:s1+$0x30];
	v4 =	vmax.f32 v4, $0.0e+00  }
0x3d1: {  	v7 =	vadd.f32 v8, v7;
	[tilespmem:s1+$0xA0] =	vst v4;
	v4 =	vld [tilespmem:s1+$0xB0]  }
0x3d2: {  	v8 =	vld [tilespmem:s3+$0xB0]  }
0x3d3: {  	v13 =	vld [tilespmem:s1+$0xFFFFFF40];
	v7 =	vmax.f32 v7, $0.0e+00;
	v3 =	vadd.f32 v3, v5  }
0x3d4: {  	v5 =	vadd.f32 v6, v10;
	[tilespmem:s1+$0xFFFFFFA0] =	vst v7;
	v6 =	vld [tilespmem:s1+$0xFFFFFFC0]  }
0x3d5: {  	v7 =	vld [tilespmem:s3+$0xFFFFFFB0];
	v3 =	vmax.f32 v3, $0.0e+00  }
0x3d6: {  	v5 =	vmax.f32 v5, $0.0e+00;
	[tilespmem:s1+$0x20] =	vst v3;
	v10 =	vld [tilespmem:s1+$0x40]  }
0x3d7: {  	[tilespmem:s1+$0xFFFFFF20] =	vst v5;
	v3 =	vld [tilespmem:s3+$0x30];
	v4 =	vadd.f32 v8, v4  }
0x3d8: {  	v5 =	vld [tilespmem:s3+$0xFFFFFF30]  }
0x3d9: {  	v8 =	vld [tilespmem:s1+$0xFFFFFF50];
	v4 =	vmax.f32 v4, $0.0e+00  }
0x3da: {  	v7 =	vadd.f32 v7, v12;
	[tilespmem:s1+$0xB0] =	vst v4;
	v4 =	vld [tilespmem:s1+$0xC0]  }
0x3db: {  	v12 =	vld [tilespmem:s3+$0xC0]  }
0x3dc: {  	v7 =	vmax.f32 v7, $0.0e+00;
	v14 =	vld [tilespmem:s1+$0xFFFFFFD0];
	v3 =	vadd.f32 v3, v9  }
0x3dd: {  	v5 =	vadd.f32 v5, v11;
	[tilespmem:s1+$0xFFFFFFB0] =	vst v7;
	v7 =	vld [tilespmem:s1+$0x50]  }
0x3de: {  	v9 =	vld [tilespmem:s3+$0xFFFFFFC0];
	v11 =	vmax.f32 v3, $0.0e+00  }
0x3df: {  	v5 =	vmax.f32 v5, $0.0e+00;
	v3 =	vld [tilespmem:s1+$0xFFFFFF60];
	[tilespmem:s1+$0x30] =	vst v11  }
0x3e0: {  	[tilespmem:s1+$0xFFFFFF30] =	vst v5;
	v5 =	vld [tilespmem:s3+$0x40];
	v11 =	vadd.f32 v12, v4  }
0x3e1: {  	v12 =	vld [tilespmem:s3+$0xFFFFFF40]  }
0x3e2: {  	v4 =	vld [tilespmem:s1+$0xFFFFFFE0];
	v11 =	vmax.f32 v11, $0.0e+00  }
0x3e3: {  	v6 =	vadd.f32 v9, v6;
	[tilespmem:s1+$0xC0] =	vst v11;
	v9 =	vld [tilespmem:s1+$0xD0]  }
0x3e4: {  	v11 =	vld [tilespmem:s3+$0xD0]  }
0x3e5: {  	v6 =	vmax.f32 v6, $0.0e+00;
	v10 =	vadd.f32 v5, v10;
	v5 =	vld [tilespmem:s1+$0x60]  }
0x3e6: {  	v12 =	vadd.f32 v12, v13;
	[tilespmem:s1+$0xFFFFFFC0] =	vst v6;
	v6 =	vld [tilespmem:s21+$0xFFFFFF70]  }
0x3e7: {  	v13 =	vld [tilespmem:s3+$0xFFFFFFD0];
	v10 =	vmax.f32 v10, $0.0e+00  }
0x3e8: {  	v12 =	vmax.f32 v12, $0.0e+00;
	[tilespmem:s1+$0x40] =	vst v10;
	v10 =	vld [tilespmem:s21+$0xFFFFFFF0]  }
0x3e9: {  	[tilespmem:s1+$0xFFFFFF40] =	vst v12;
	v12 =	vld [tilespmem:s3+$0x50];
	v9 =	vadd.f32 v11, v9  }
0x3ea: {  	v11 =	vld [tilespmem:s3+$0xFFFFFF50]  }
0x3eb: {  	v9 =	vmax.f32 v9, $0.0e+00;
	v2 =	vadd.f32 v6, v2;
	v6 =	vld [tilespmem:s21+$0x70];
	s21 =	smov.u32 s3  }
0x3ec: {  	v13 =	vadd.f32 v13, v14;
	[tilespmem:s1+$0xD0] =	vst v9;
	v9 =	vld [tilespmem:s1+$0xE0]  }
0x3ed: {  	v14 =	vld [tilespmem:s3+$0xE0];
	v15 =	vmax.f32 v2, $0.0e+00;
	v10 =	vadd.f32 v10, v1  }
0x3ee: {  	v2 =	vld [tilespmem:s1+$0xFFFFFF70];
	v1 =	vmax.f32 v13, $0.0e+00;
	v12 =	vadd.f32 v12, v7;
	[tilespmem:s20+$0xFFFFFF70] =	vst v15  }
0x3ef: {  	v8 =	vadd.f32 v11, v8;
	[tilespmem:s1+$0xFFFFFFD0] =	vst v1;
	v1 =	vld [tilespmem:s1+$0xFFFFFFF0];
	v10 =	vmax.f32 v10, $0.0e+00  }
.Ltmp5:
0x3f0: {  	v7 =	vld [tilespmem:s3+$0xFFFFFFE0];
	v11 =	vmax.f32 v12, $0.0e+00;
	[tilespmem:s20+$0xFFFFFFF0] =	vst v10;
	v6 =	vadd.f32 v6, v0;
	(pc) =	sbr.rel @p0 .LBB2_13-.Ltmp5, $4  }
0x3f1: {  	v8 =	vmax.f32 v8, $0.0e+00;
	[tilespmem:s1+$0x50] =	vst v11;
	v0 =	vld [tilespmem:s1+$0x70]  }
0x3f2: {  	[tilespmem:s1+$0xFFFFFF50] =	vst v8;
	v8 =	vld [tilespmem:s3+$0x60];
	v10 =	vadd.f32 v14, v9;
	v6 =	vmax.f32 v6, $0.0e+00  }
0x3f3: {  	v9 =	vld [tilespmem:s3+$0xFFFFFF60];
	[tilespmem:s20+$0x70] =	vst v6;
	s20 =	smov.u32 s1  }
0x3f4: {  	s1 =	sadd.s32 $0x200, s1;
	v10 =	vmax.f32 v10, $0.0e+00;
	v6 =	vld [tilespmem:s20+$0xF0]  }
0x3f5: {  	_ =	sdelay $0x2  }
0x3f6: {  	v3 =	vadd.f32 v9, v3;
	_ =	sdelay $0x1  }
0x3f7: {  	[tilespmem:s20+$0xE0] =	vst v10;
	v3 =	vmax.f32 v3, $0.0e+00  }
0x3f8: {  	v4 =	vadd.f32 v7, v4;
	v58 =	vld [tilespmem:s21+$0xF0];
	[tilespmem:s20+$0xFFFFFF60] =	vst v3  }
0x3f9: {  	v5 =	vadd.f32 v8, v5;
	v60 =	vld [tilespmem:s21+$0xFFFFFF70]  }
0x3fa: {  	v4 =	vmax.f32 v4, $0.0e+00  }
0x3fb: {  	[tilespmem:s20+$0xFFFFFFE0] =	vst v4;
	v59 =	vmax.f32 v5, $0.0e+00  }
0x3fc: {  	v61 =	vld [tilespmem:s21+$0xFFFFFFF0];
	[tilespmem:s20+$0x60] =	vst v59  }
0x3fd: {  	v62 =	vld [tilespmem:s21+$0x70];
	v6 =	vadd.f32 v58, v6  }
0x3fe: {  	v2 =	vadd.f32 v60, v2  }
0x3ff: {  	v63 =	vmax.f32 v6, $0.0e+00  }
0x400: {  	s14 =	sadd.s32 $0x1, s14;
	[tilespmem:s20+$0xF0] =	vst v63;
	v2 =	vmax.f32 v2, $0.0e+00  }
0x401: {  	p0 =	sne.s32 s14, $0x6;
	v1 =	vadd.f32 v61, v1;
	[tilespmem:s20+$0xFFFFFF70] =	vst v2  }
.Ltmp6:
0x402: {  	v0 =	vadd.f32 v62, v0;
	s1 =	rddreg [dreg:$0xc];
	(pc) =	sbr.rel @p0 .LBB2_6-.Ltmp6, $4  }
0x403: {  	v1 =	vmax.f32 v1, $0.0e+00;
	s1 =	sadd.s32 s19, s1  }
0x404: {  	v0 =	vmax.f32 v0, $0.0e+00;
	[tilespmem:s20+$0xFFFFFFF0] =	vst v1;
	s1 =	sshll.u32 s1, $0x4  }
0x405: {  	[tilespmem:s20+$0x70] =	vst v0;
	s1 =	sadd.s32 s4, s1  }
0x406: {  	[hbm4b:s1+s5] =	stream.linear.scatter [tilespmem:s24], [sflag:$0x6], $0x6400, $0x38;
	[tilespmem:$0x1F800] =	vst v63  }
0x407: {  	_ =	swait.ge [sflag:s28], $0x4000  }
0x408: {  	[sflag:s28] =	ssyncset.done $0x0  }
0x409: {  	[sflag:s28] =	ssyncadd.s32 $0xFFFFC000  }
0x40a: {  	_ =	swait.ge [sflag:s28], $0x2400  }
0x40b: {  	[sflag:s28] =	ssyncset.done $0x0  }
0x40c: {  	s1 =	rddreg [dreg:$0x15];
	[sflag:s28] =	ssyncadd.s32 $0xFFFFDC00  }
0x40d: {  	[tilespmem:s15], [sflag:$0xB] =	stream.linear.gather [hbm4b:s1+s5], $0xC8, $0x38;
	[tilespmem:$0x1F800] =	vst v63  }
0x40e: {  	_ =	swait.ge [sflag:s26], $0x6400  }
0x40f: {  	[sflag:s26] =	ssyncset.done $0x0  }
0x410: {  	[sflag:s26] =	ssyncadd.s32 $0xFFFF9C00  }
0x411: {  	_ =	swait.ge [sflag:s10], $0xC8  }
0x412: {  	[sflag:s10] =	ssyncset.done $0x0  }
0x413: {  	s21 =	simm.s32 $0x6400;
	[sflag:s10] =	ssyncadd.s32 $0xFFFFFF38  }
0x414: {  	[tilespmem:s21], [sflag:$0x1] =	stream.indirect.gather [hbm4b:s2+s13], $0x80, s8, s13, $0xb8;
	[tilespmem:$0x1F800] =	vst v63  }
0x415: {  	s22 =	simm.s32 $0x1F480;
	s3 =	simm.s32 $0xA400;
	s14 =	simm.s32 $0x12D00  }
0x416: {  	[tilespmem:s3], [sflag:$0x1] =	stream.indirect.gather [hbm4b:s2+s16], $0x80, s22, s16, $0xb8;
	[tilespmem:$0x1F800] =	vst v63  }
0x417: {  	s19 =	simm.s32 $0x100;
	v0 =	vld [tilespmem:s14+$0x80]  }
0x418: {  	v1 =	vld [tilespmem:s19+$0x80]  }
0x419: {  	v2 =	vld [tilespmem:s19+$0xFFFFFF00]  }
0x41a: {  	v3 =	vld [tilespmem:s14+$0xFFFFFF80]  }
0x41b: {  	v4 =	vld [tilespmem:s19+$0xFFFFFF80]  }
0x41c: {  	v5 =	vld [tilespmem:s19+$0x0]  }
0x41d: {  	v0 =	vadd.f32 v1, v0;
	v1 =	vld [tilespmem:s14+$0x0]  }
0x41e: {  	v6 =	vld [tilespmem:s14+$0xFFFFFF00]  }
0x41f: {  	v0 =	vmax.f32 v0, $0.0e+00  }
0x420: {  	v3 =	vadd.f32 v4, v3;
	[tilespmem:s14+$0x80] =	vst v0;
	v0 =	vld [tilespmem:s14+$0x90]  }
0x421: {  	v7 =	vld [tilespmem:s19+$0x90]  }
0x422: {  	v8 =	vld [tilespmem:s14+$0xFFFFFF90];
	v3 =	vmax.f32 v3, $0.0e+00;
	v1 =	vadd.f32 v5, v1  }
0x423: {  	v4 =	vld [tilespmem:s14+$0xFFFFFF10];
	v2 =	vadd.f32 v2, v6;
	[tilespmem:s14+$0xFFFFFF80] =	vst v3  }
0x424: {  	v5 =	vld [tilespmem:s19+$0xFFFFFF90];
	v1 =	vmax.f32 v1, $0.0e+00  }
0x425: {  	v2 =	vmax.f32 v2, $0.0e+00;
	v3 =	vld [tilespmem:s14+$0x10];
	[tilespmem:s14+$0x0] =	vst v1  }
0x426: {  	[tilespmem:s14+$0xFFFFFF00] =	vst v2;
	v0 =	vadd.f32 v7, v0;
	v1 =	vld [tilespmem:s19+$0x10]  }
0x427: {  	v2 =	vld [tilespmem:s19+$0xFFFFFF10]  }
0x428: {  	v0 =	vmax.f32 v0, $0.0e+00  }
0x429: {  	v5 =	vadd.f32 v5, v8;
	[tilespmem:s14+$0x90] =	vst v0;
	v0 =	vld [tilespmem:s14+$0xA0]  }
0x42a: {  	v7 =	vld [tilespmem:s19+$0xA0]  }
0x42b: {  	v6 =	vld [tilespmem:s14+$0xFFFFFF20];
	v5 =	vmax.f32 v5, $0.0e+00;
	v1 =	vadd.f32 v1, v3  }
0x42c: {  	v2 =	vadd.f32 v2, v4;
	v8 =	vld [tilespmem:s14+$0xFFFFFFA0];
	[tilespmem:s14+$0xFFFFFF90] =	vst v5  }
0x42d: {  	v4 =	vld [tilespmem:s19+$0xFFFFFFA0];
	v1 =	vmax.f32 v1, $0.0e+00  }
0x42e: {  	v2 =	vmax.f32 v2, $0.0e+00;
	v3 =	vld [tilespmem:s14+$0x20];
	[tilespmem:s14+$0x10] =	vst v1  }
0x42f: {  	[tilespmem:s14+$0xFFFFFF10] =	vst v2;
	v0 =	vadd.f32 v7, v0;
	v1 =	vld [tilespmem:s19+$0x20]  }
0x430: {  	v2 =	vld [tilespmem:s19+$0xFFFFFF20]  }
0x431: {  	v0 =	vmax.f32 v0, $0.0e+00  }
0x432: {  	v4 =	vadd.f32 v4, v8;
	[tilespmem:s14+$0xA0] =	vst v0;
	v0 =	vld [tilespmem:s14+$0xB0]  }
0x433: {  	v7 =	vld [tilespmem:s19+$0xB0]  }
0x434: {  	v9 =	vld [tilespmem:s14+$0x30];
	v4 =	vmax.f32 v4, $0.0e+00;
	v1 =	vadd.f32 v1, v3  }
0x435: {  	v2 =	vadd.f32 v2, v6;
	v8 =	vld [tilespmem:s14+$0xFFFFFFB0];
	[tilespmem:s14+$0xFFFFFFA0] =	vst v4  }
0x436: {  	v3 =	vld [tilespmem:s19+$0xFFFFFFB0];
	v1 =	vmax.f32 v1, $0.0e+00  }
0x437: {  	v5 =	vld [tilespmem:s14+$0xFFFFFF30];
	[tilespmem:s14+$0x20] =	vst v1;
	v1 =	vmax.f32 v2, $0.0e+00  }
0x438: {  	v0 =	vadd.f32 v7, v0;
	[tilespmem:s14+$0xFFFFFF20] =	vst v1;
	v1 =	vld [tilespmem:s19+$0x30]  }
0x439: {  	v6 =	vld [tilespmem:s19+$0xFFFFFF30]  }
0x43a: {  	v10 =	vld [tilespmem:s14+$0xFFFFFF40];
	v0 =	vmax.f32 v0, $0.0e+00  }
0x43b: {  	v3 =	vadd.f32 v3, v8;
	[tilespmem:s14+$0xB0] =	vst v0;
	v0 =	vld [tilespmem:s14+$0xC0]  }
0x43c: {  	v7 =	vld [tilespmem:s19+$0xC0]  }
0x43d: {  	v11 =	vld [tilespmem:s14+$0xFFFFFFD0];
	v3 =	vmax.f32 v3, $0.0e+00;
	v1 =	vadd.f32 v1, v9  }
0x43e: {  	v4 =	vld [tilespmem:s14+$0xFFFFFFC0];
	[tilespmem:s14+$0xFFFFFFB0] =	vst v3;
	v5 =	vadd.f32 v6, v5  }
0x43f: {  	v6 =	vld [tilespmem:s19+$0xFFFFFFC0];
	v1 =	vmax.f32 v1, $0.0e+00  }
0x440: {  	v2 =	vld [tilespmem:s14+$0x40];
	[tilespmem:s14+$0x30] =	vst v1;
	v1 =	vmax.f32 v5, $0.0e+00  }
0x441: {  	v0 =	vadd.f32 v7, v0;
	v5 =	vld [tilespmem:s19+$0x40];
	[tilespmem:s14+$0xFFFFFF30] =	vst v1  }
0x442: {  	v1 =	vld [tilespmem:s19+$0xFFFFFF40]  }
0x443: {  	v8 =	vld [tilespmem:s14+$0xFFFFFF50];
	v0 =	vmax.f32 v0, $0.0e+00  }
0x444: {  	[tilespmem:s14+$0xC0] =	vst v0;
	v0 =	vadd.f32 v6, v4;
	v6 =	vld [tilespmem:s14+$0xD0]  }
0x445: {  	v7 =	vld [tilespmem:s19+$0xD0]  }
0x446: {  	v3 =	vld [tilespmem:s14+$0xFFFFFF60];
	v0 =	vmax.f32 v0, $0.0e+00;
	v2 =	vadd.f32 v5, v2  }
0x447: {  	v9 =	vld [tilespmem:s14+$0x50];
	[tilespmem:s14+$0xFFFFFFC0] =	vst v0;
	v0 =	vadd.f32 v1, v10  }
0x448: {  	v1 =	vld [tilespmem:s19+$0xFFFFFFD0];
	v2 =	vmax.f32 v2, $0.0e+00  }
0x449: {  	v4 =	vld [tilespmem:s14+$0xFFFFFFE0];
	[tilespmem:s14+$0x40] =	vst v2;
	v0 =	vmax.f32 v0, $0.0e+00  }
0x44a: {  	v2 =	vld [tilespmem:s19+$0x50];
	v6 =	vadd.f32 v7, v6;
	[tilespmem:s14+$0xFFFFFF40] =	vst v0  }
0x44b: {  	v0 =	vld [tilespmem:s19+$0xFFFFFF50]  }
0x44c: {  	v5 =	vld [tilespmem:s14+$0x60];
	v6 =	vmax.f32 v6, $0.0e+00  }
0x44d: {  	v1 =	vadd.f32 v1, v11;
	[tilespmem:s14+$0xD0] =	vst v6;
	v6 =	vld [tilespmem:s14+$0xE0]  }
0x44e: {  	v10 =	vld [tilespmem:s19+$0xE0]  }
0x44f: {  	v1 =	vmax.f32 v1, $0.0e+00;
	v7 =	vadd.f32 v2, v9;
	v2 =	vld [tilespmem:s14+$0xFFFFFF70]  }
0x450: {  	[tilespmem:s14+$0xFFFFFFD0] =	vst v1;
	v0 =	vadd.f32 v0, v8;
	v1 =	vld [tilespmem:s14+$0xFFFFFFF0]  }
0x451: {  	v8 =	vmax.f32 v7, $0.0e+00;
	v7 =	vld [tilespmem:s19+$0xFFFFFFE0]  }
0x452: {  	[tilespmem:s14+$0x50] =	vst v8;
	v8 =	vmax.f32 v0, $0.0e+00;
	v0 =	vld [tilespmem:s14+$0x70]  }
0x453: {  	[tilespmem:s14+$0xFFFFFF50] =	vst v8;
	v8 =	vld [tilespmem:s19+$0x60];
	v6 =	vadd.f32 v10, v6  }
0x454: {  	v9 =	vld [tilespmem:s19+$0xFFFFFF60]  }
0x455: {  	s20 =	simm.s32 $0x0;
	s1 =	simm.s32 $0x12F00;
	s3 =	simm.s32 $0x100;
	v10 =	vmax.f32 v6, $0.0e+00;
	v6 =	vld [tilespmem:s14+$0xF0]  }
.LBB2_16:
0x456: {  	v11 =	vld [tilespmem:s1+$0x80];
	v4 =	vadd.f32 v7, v4;
	[tilespmem:s14+$0xE0] =	vst v10  }
0x457: {  	s3 =	sadd.s32 $0x200, s3;
	v7 =	vld [tilespmem:s19+$0xF0]  }
0x458: {  	s20 =	sadd.s32 $0x4, s20;
	v10 =	vld [tilespmem:s3+$0x80];
	v4 =	vmax.f32 v4, $0.0e+00;
	v5 =	vadd.f32 v8, v5  }
0x459: {  	p0 =	slt.u32 s20, $0xC4;
	v8 =	vld [tilespmem:s3+$0xFFFFFF00];
	v3 =	vadd.f32 v9, v3;
	[tilespmem:s14+$0xFFFFFFE0] =	vst v4  }
0x45a: {  	v4 =	vld [tilespmem:s1+$0xFFFFFF80];
	v5 =	vmax.f32 v5, $0.0e+00  }
0x45b: {  	v9 =	vld [tilespmem:s3+$0xFFFFFF80];
	v3 =	vmax.f32 v3, $0.0e+00;
	[tilespmem:s14+$0x60] =	vst v5  }
0x45c: {  	v5 =	vld [tilespmem:s1+$0x0];
	[tilespmem:s14+$0xFFFFFF60] =	vst v3;
	v3 =	vadd.f32 v7, v6  }
0x45d: {  	v6 =	vld [tilespmem:s3+$0x0];
	v7 =	vadd.f32 v10, v11  }
0x45e: {  	v10 =	vld [tilespmem:s1+$0xFFFFFF00];
	v3 =	vmax.f32 v3, $0.0e+00  }
0x45f: {  	v11 =	vld [tilespmem:s1+$0xFFFFFF10];
	v7 =	vmax.f32 v7, $0.0e+00;
	[tilespmem:s14+$0xF0] =	vst v3  }
0x460: {  	v3 =	vadd.f32 v9, v4;
	[tilespmem:s1+$0x80] =	vst v7;
	v4 =	vld [tilespmem:s1+$0x90]  }
0x461: {  	v7 =	vld [tilespmem:s3+$0x90]  }
0x462: {  	v3 =	vmax.f32 v3, $0.0e+00;
	v9 =	vld [tilespmem:s1+$0xFFFFFF90];
	v5 =	vadd.f32 v6, v5  }
0x463: {  	v6 =	vadd.f32 v8, v10;
	[tilespmem:s1+$0xFFFFFF80] =	vst v3;
	v3 =	vld [tilespmem:s1+$0x10]  }
0x464: {  	v8 =	vld [tilespmem:s3+$0xFFFFFF90];
	v5 =	vmax.f32 v5, $0.0e+00  }
0x465: {  	v6 =	vmax.f32 v6, $0.0e+00;
	v10 =	vld [tilespmem:s1+$0xFFFFFF20];
	[tilespmem:s1+$0x0] =	vst v5  }
0x466: {  	[tilespmem:s1+$0xFFFFFF00] =	vst v6;
	v5 =	vld [tilespmem:s3+$0x10];
	v4 =	vadd.f32 v7, v4  }
0x467: {  	v6 =	vld [tilespmem:s3+$0xFFFFFF10]  }
0x468: {  	v7 =	vld [tilespmem:s1+$0xFFFFFFA0];
	v4 =	vmax.f32 v4, $0.0e+00  }
0x469: {  	v8 =	vadd.f32 v8, v9;
	[tilespmem:s1+$0x90] =	vst v4;
	v4 =	vld [tilespmem:s1+$0xA0]  }
0x46a: {  	v9 =	vld [tilespmem:s3+$0xA0]  }
0x46b: {  	v8 =	vmax.f32 v8, $0.0e+00;
	v3 =	vadd.f32 v5, v3;
	v5 =	vld [tilespmem:s1+$0x20]  }
0x46c: {  	v6 =	vadd.f32 v6, v11;
	v11 =	vld [tilespmem:s1+$0xFFFFFF30];
	[tilespmem:s1+$0xFFFFFF90] =	vst v8  }
0x46d: {  	v8 =	vld [tilespmem:s3+$0xFFFFFFA0];
	v3 =	vmax.f32 v3, $0.0e+00  }
0x46e: {  	v6 =	vmax.f32 v6, $0.0e+00;
	v12 =	vld [tilespmem:s1+$0xFFFFFFB0];
	[tilespmem:s1+$0x10] =	vst v3  }
0x46f: {  	[tilespmem:s1+$0xFFFFFF10] =	vst v6;
	v3 =	vld [tilespmem:s3+$0x20];
	v4 =	vadd.f32 v9, v4  }
0x470: {  	v6 =	vld [tilespmem:s3+$0xFFFFFF20]  }
0x471: {  	v9 =	vld [tilespmem:s1+$0x30];
	v4 =	vmax.f32 v4, $0.0e+00  }
0x472: {  	v7 =	vadd.f32 v8, v7;
	[tilespmem:s1+$0xA0] =	vst v4;
	v4 =	vld [tilespmem:s1+$0xB0]  }
0x473: {  	v8 =	vld [tilespmem:s3+$0xB0]  }
0x474: {  	v13 =	vld [tilespmem:s1+$0xFFFFFF40];
	v7 =	vmax.f32 v7, $0.0e+00;
	v3 =	vadd.f32 v3, v5  }
0x475: {  	v5 =	vadd.f32 v6, v10;
	[tilespmem:s1+$0xFFFFFFA0] =	vst v7;
	v6 =	vld [tilespmem:s1+$0xFFFFFFC0]  }
0x476: {  	v7 =	vld [tilespmem:s3+$0xFFFFFFB0];
	v3 =	vmax.f32 v3, $0.0e+00  }
0x477: {  	v5 =	vmax.f32 v5, $0.0e+00;
	[tilespmem:s1+$0x20] =	vst v3;
	v10 =	vld [tilespmem:s1+$0x40]  }
0x478: {  	[tilespmem:s1+$0xFFFFFF20] =	vst v5;
	v3 =	vld [tilespmem:s3+$0x30];
	v4 =	vadd.f32 v8, v4  }
0x479: {  	v5 =	vld [tilespmem:s3+$0xFFFFFF30]  }
0x47a: {  	v8 =	vld [tilespmem:s1+$0xFFFFFF50];
	v4 =	vmax.f32 v4, $0.0e+00  }
0x47b: {  	v7 =	vadd.f32 v7, v12;
	[tilespmem:s1+$0xB0] =	vst v4;
	v4 =	vld [tilespmem:s1+$0xC0]  }
0x47c: {  	v12 =	vld [tilespmem:s3+$0xC0]  }
0x47d: {  	v7 =	vmax.f32 v7, $0.0e+00;
	v14 =	vld [tilespmem:s1+$0xFFFFFFD0];
	v3 =	vadd.f32 v3, v9  }
0x47e: {  	v5 =	vadd.f32 v5, v11;
	[tilespmem:s1+$0xFFFFFFB0] =	vst v7;
	v7 =	vld [tilespmem:s1+$0x50]  }
0x47f: {  	v9 =	vld [tilespmem:s3+$0xFFFFFFC0];
	v11 =	vmax.f32 v3, $0.0e+00  }
0x480: {  	v5 =	vmax.f32 v5, $0.0e+00;
	v3 =	vld [tilespmem:s1+$0xFFFFFF60];
	[tilespmem:s1+$0x30] =	vst v11  }
0x481: {  	[tilespmem:s1+$0xFFFFFF30] =	vst v5;
	v5 =	vld [tilespmem:s3+$0x40];
	v11 =	vadd.f32 v12, v4  }
0x482: {  	v12 =	vld [tilespmem:s3+$0xFFFFFF40]  }
0x483: {  	v4 =	vld [tilespmem:s1+$0xFFFFFFE0];
	v11 =	vmax.f32 v11, $0.0e+00  }
0x484: {  	v6 =	vadd.f32 v9, v6;
	[tilespmem:s1+$0xC0] =	vst v11;
	v9 =	vld [tilespmem:s1+$0xD0]  }
0x485: {  	v11 =	vld [tilespmem:s3+$0xD0]  }
0x486: {  	v6 =	vmax.f32 v6, $0.0e+00;
	v10 =	vadd.f32 v5, v10;
	v5 =	vld [tilespmem:s1+$0x60]  }
0x487: {  	v12 =	vadd.f32 v12, v13;
	[tilespmem:s1+$0xFFFFFFC0] =	vst v6;
	v6 =	vld [tilespmem:s19+$0xFFFFFF70]  }
0x488: {  	v13 =	vld [tilespmem:s3+$0xFFFFFFD0];
	v10 =	vmax.f32 v10, $0.0e+00  }
0x489: {  	v12 =	vmax.f32 v12, $0.0e+00;
	[tilespmem:s1+$0x40] =	vst v10;
	v10 =	vld [tilespmem:s19+$0xFFFFFFF0]  }
0x48a: {  	[tilespmem:s1+$0xFFFFFF40] =	vst v12;
	v12 =	vld [tilespmem:s3+$0x50];
	v9 =	vadd.f32 v11, v9  }
0x48b: {  	v11 =	vld [tilespmem:s3+$0xFFFFFF50]  }
0x48c: {  	v9 =	vmax.f32 v9, $0.0e+00;
	v2 =	vadd.f32 v6, v2;
	v6 =	vld [tilespmem:s19+$0x70];
	s19 =	smov.u32 s3  }
0x48d: {  	v13 =	vadd.f32 v13, v14;
	[tilespmem:s1+$0xD0] =	vst v9;
	v9 =	vld [tilespmem:s1+$0xE0]  }
0x48e: {  	v14 =	vld [tilespmem:s3+$0xE0];
	v15 =	vmax.f32 v2, $0.0e+00;
	v10 =	vadd.f32 v10, v1  }
0x48f: {  	v2 =	vld [tilespmem:s1+$0xFFFFFF70];
	v1 =	vmax.f32 v13, $0.0e+00;
	v12 =	vadd.f32 v12, v7;
	[tilespmem:s14+$0xFFFFFF70] =	vst v15  }
0x490: {  	v8 =	vadd.f32 v11, v8;
	[tilespmem:s1+$0xFFFFFFD0] =	vst v1;
	v1 =	vld [tilespmem:s1+$0xFFFFFFF0];
	v10 =	vmax.f32 v10, $0.0e+00  }
.Ltmp7:
0x491: {  	v7 =	vld [tilespmem:s3+$0xFFFFFFE0];
	v11 =	vmax.f32 v12, $0.0e+00;
	[tilespmem:s14+$0xFFFFFFF0] =	vst v10;
	v6 =	vadd.f32 v6, v0;
	(pc) =	sbr.rel @p0 .LBB2_16-.Ltmp7, $4  }
0x492: {  	v8 =	vmax.f32 v8, $0.0e+00;
	[tilespmem:s1+$0x50] =	vst v11;
	v0 =	vld [tilespmem:s1+$0x70]  }
0x493: {  	[tilespmem:s1+$0xFFFFFF50] =	vst v8;
	v8 =	vld [tilespmem:s3+$0x60];
	v10 =	vadd.f32 v14, v9;
	v6 =	vmax.f32 v6, $0.0e+00  }
0x494: {  	v9 =	vld [tilespmem:s3+$0xFFFFFF60];
	[tilespmem:s14+$0x70] =	vst v6;
	s14 =	smov.u32 s1  }
0x495: {  	s1 =	sadd.s32 $0x200, s1;
	v10 =	vmax.f32 v10, $0.0e+00;
	v6 =	vld [tilespmem:s14+$0xF0]  }
0x496: {  	_ =	sdelay $0x2  }
0x497: {  	v3 =	vadd.f32 v9, v3  }
0x498: {  	v4 =	vadd.f32 v7, v4  }
0x499: {  	[tilespmem:s14+$0xE0] =	vst v10;
	v5 =	vadd.f32 v8, v5;
	v3 =	vmax.f32 v3, $0.0e+00  }
0x49a: {  	v7 =	vld [tilespmem:s19+$0xF0];
	v4 =	vmax.f32 v4, $0.0e+00;
	[tilespmem:s14+$0xFFFFFF60] =	vst v3  }
0x49b: {  	[tilespmem:s14+$0xFFFFFFE0] =	vst v4;
	v3 =	vmax.f32 v5, $0.0e+00;
	v4 =	vld [tilespmem:s19+$0xFFFFFF70]  }
0x49c: {  	[tilespmem:s14+$0x60] =	vst v3;
	v3 =	vld [tilespmem:s19+$0xFFFFFFF0]  }
0x49d: {  	v5 =	vld [tilespmem:s19+$0x70];
	_ =	sdelay $0x1  }
0x49e: {  	v6 =	vadd.f32 v7, v6  }
0x49f: {  	v2 =	vadd.f32 v4, v2  }
0x4a0: {  	v4 =	vmax.f32 v6, $0.0e+00;
	v1 =	vadd.f32 v3, v1  }
0x4a1: {  	[tilespmem:s14+$0xF0] =	vst v4;
	v0 =	vadd.f32 v5, v0;
	v2 =	vmax.f32 v2, $0.0e+00  }
0x4a2: {  	v1 =	vmax.f32 v1, $0.0e+00;
	[tilespmem:s14+$0xFFFFFF70] =	vst v2  }
0x4a3: {  	[tilespmem:s14+$0xFFFFFFF0] =	vst v1;
	v0 =	vmax.f32 v0, $0.0e+00  }
0x4a4: {  	[tilespmem:s14+$0x70] =	vst v0  }
0x4a5: {  	s1 =	rddreg [dreg:$0x17]  }
0x4a6: {  	[hbm4b:s1+s5] =	stream.linear.scatter [tilespmem:s31], [sflag:$0x7], $0x6400, $0x38;
	[tilespmem:$0x1F800] =	vst v63  }
0x4a7: {  	_ =	swait.ge [sflag:s0], $0x4000  }
0x4a8: {  	[sflag:s0] =	ssyncset.done $0x0  }
0x4a9: {  	[sflag:s0] =	ssyncadd.s32 $0xFFFFC000  }
0x4aa: {  	_ =	swait.ge [sflag:s0], $0x2400  }
0x4ab: {  	[sflag:s0] =	ssyncset.done $0x0  }
0x4ac: {  	s3 =	simm.s32 $0x1F700;
	s20 =	rddreg [dreg:$0x16];
	[sflag:s0] =	ssyncadd.s32 $0xFFFFDC00  }
0x4ad: {  	[tilespmem:s3], [sflag:$0xC] =	stream.linear.gather [hbm4b:s20+s5], $0xC8, $0x38;
	[tilespmem:$0x1F800] =	vst v63  }
0x4ae: {  	_ =	swait.ge [sflag:s7], $0x6400  }
0x4af: {  	[sflag:s7] =	ssyncset.done $0x0  }
0x4b0: {  	[sflag:s7] =	ssyncadd.s32 $0xFFFF9C00  }
0x4b1: {  	_ =	swait.ge [sflag:s23], $0xC8  }
0x4b2: {  	[sflag:s23] =	ssyncset.done $0x0  }
0x4b3: {  	[sflag:s23] =	ssyncadd.s32 $0xFFFFFF38  }
0x4b4: {  	[tilespmem:s24], [sflag:$0x2] =	stream.indirect.gather [hbm4b:s2+s13], $0x80, s9, s13, $0xb8;
	[tilespmem:$0x1F800] =	vst v63  }
0x4b5: {  	s21 =	simm.s32 $0x1F580;
	s22 =	simm.s32 $0x10800;
	s14 =	simm.s32 $0x19100  }
0x4b6: {  	[tilespmem:s22], [sflag:$0x2] =	stream.indirect.gather [hbm4b:s2+s16], $0x80, s21, s16, $0xb8;
	[tilespmem:$0x1F800] =	vst v63  }
0x4b7: {  	s19 =	simm.s32 $0x100;
	v0 =	vld [tilespmem:s14+$0x80]  }
0x4b8: {  	v1 =	vld [tilespmem:s19+$0x80]  }
0x4b9: {  	v2 =	vld [tilespmem:s19+$0xFFFFFF00]  }
0x4ba: {  	v3 =	vld [tilespmem:s14+$0xFFFFFF80]  }
0x4bb: {  	v4 =	vld [tilespmem:s19+$0xFFFFFF80]  }
0x4bc: {  	v5 =	vld [tilespmem:s19+$0x0]  }
0x4bd: {  	v0 =	vadd.f32 v1, v0;
	v1 =	vld [tilespmem:s14+$0x0]  }
0x4be: {  	v6 =	vld [tilespmem:s14+$0xFFFFFF00]  }
0x4bf: {  	v0 =	vmax.f32 v0, $0.0e+00  }
0x4c0: {  	v3 =	vadd.f32 v4, v3;
	[tilespmem:s14+$0x80] =	vst v0;
	v0 =	vld [tilespmem:s14+$0x90]  }
0x4c1: {  	v7 =	vld [tilespmem:s19+$0x90]  }
0x4c2: {  	v8 =	vld [tilespmem:s14+$0xFFFFFF90];
	v3 =	vmax.f32 v3, $0.0e+00;
	v1 =	vadd.f32 v5, v1  }
0x4c3: {  	v4 =	vld [tilespmem:s14+$0xFFFFFF10];
	v2 =	vadd.f32 v2, v6;
	[tilespmem:s14+$0xFFFFFF80] =	vst v3  }
0x4c4: {  	v5 =	vld [tilespmem:s19+$0xFFFFFF90];
	v1 =	vmax.f32 v1, $0.0e+00  }
0x4c5: {  	v2 =	vmax.f32 v2, $0.0e+00;
	v3 =	vld [tilespmem:s14+$0x10];
	[tilespmem:s14+$0x0] =	vst v1  }
0x4c6: {  	[tilespmem:s14+$0xFFFFFF00] =	vst v2;
	v0 =	vadd.f32 v7, v0;
	v1 =	vld [tilespmem:s19+$0x10]  }
0x4c7: {  	v2 =	vld [tilespmem:s19+$0xFFFFFF10]  }
0x4c8: {  	v0 =	vmax.f32 v0, $0.0e+00  }
0x4c9: {  	v5 =	vadd.f32 v5, v8;
	[tilespmem:s14+$0x90] =	vst v0;
	v0 =	vld [tilespmem:s14+$0xA0]  }
0x4ca: {  	v7 =	vld [tilespmem:s19+$0xA0]  }
0x4cb: {  	v6 =	vld [tilespmem:s14+$0xFFFFFF20];
	v5 =	vmax.f32 v5, $0.0e+00;
	v1 =	vadd.f32 v1, v3  }
0x4cc: {  	v2 =	vadd.f32 v2, v4;
	v8 =	vld [tilespmem:s14+$0xFFFFFFA0];
	[tilespmem:s14+$0xFFFFFF90] =	vst v5  }
0x4cd: {  	v4 =	vld [tilespmem:s19+$0xFFFFFFA0];
	v1 =	vmax.f32 v1, $0.0e+00  }
0x4ce: {  	v2 =	vmax.f32 v2, $0.0e+00;
	v3 =	vld [tilespmem:s14+$0x20];
	[tilespmem:s14+$0x10] =	vst v1  }
0x4cf: {  	[tilespmem:s14+$0xFFFFFF10] =	vst v2;
	v0 =	vadd.f32 v7, v0;
	v1 =	vld [tilespmem:s19+$0x20]  }
0x4d0: {  	v2 =	vld [tilespmem:s19+$0xFFFFFF20]  }
0x4d1: {  	v0 =	vmax.f32 v0, $0.0e+00  }
0x4d2: {  	v4 =	vadd.f32 v4, v8;
	[tilespmem:s14+$0xA0] =	vst v0;
	v0 =	vld [tilespmem:s14+$0xB0]  }
0x4d3: {  	v7 =	vld [tilespmem:s19+$0xB0]  }
0x4d4: {  	v9 =	vld [tilespmem:s14+$0x30];
	v4 =	vmax.f32 v4, $0.0e+00;
	v1 =	vadd.f32 v1, v3  }
0x4d5: {  	v2 =	vadd.f32 v2, v6;
	v8 =	vld [tilespmem:s14+$0xFFFFFFB0];
	[tilespmem:s14+$0xFFFFFFA0] =	vst v4  }
0x4d6: {  	v3 =	vld [tilespmem:s19+$0xFFFFFFB0];
	v1 =	vmax.f32 v1, $0.0e+00  }
0x4d7: {  	v5 =	vld [tilespmem:s14+$0xFFFFFF30];
	[tilespmem:s14+$0x20] =	vst v1;
	v1 =	vmax.f32 v2, $0.0e+00  }
0x4d8: {  	v0 =	vadd.f32 v7, v0;
	[tilespmem:s14+$0xFFFFFF20] =	vst v1;
	v1 =	vld [tilespmem:s19+$0x30]  }
0x4d9: {  	v6 =	vld [tilespmem:s19+$0xFFFFFF30]  }
0x4da: {  	v10 =	vld [tilespmem:s14+$0xFFFFFF40];
	v0 =	vmax.f32 v0, $0.0e+00  }
0x4db: {  	v3 =	vadd.f32 v3, v8;
	[tilespmem:s14+$0xB0] =	vst v0;
	v0 =	vld [tilespmem:s14+$0xC0]  }
0x4dc: {  	v7 =	vld [tilespmem:s19+$0xC0]  }
0x4dd: {  	v11 =	vld [tilespmem:s14+$0xFFFFFFD0];
	v3 =	vmax.f32 v3, $0.0e+00;
	v1 =	vadd.f32 v1, v9  }
0x4de: {  	v4 =	vld [tilespmem:s14+$0xFFFFFFC0];
	[tilespmem:s14+$0xFFFFFFB0] =	vst v3;
	v5 =	vadd.f32 v6, v5  }
0x4df: {  	v6 =	vld [tilespmem:s19+$0xFFFFFFC0];
	v1 =	vmax.f32 v1, $0.0e+00  }
0x4e0: {  	v2 =	vld [tilespmem:s14+$0x40];
	[tilespmem:s14+$0x30] =	vst v1;
	v1 =	vmax.f32 v5, $0.0e+00  }
0x4e1: {  	v0 =	vadd.f32 v7, v0;
	v5 =	vld [tilespmem:s19+$0x40];
	[tilespmem:s14+$0xFFFFFF30] =	vst v1  }
0x4e2: {  	v1 =	vld [tilespmem:s19+$0xFFFFFF40]  }
0x4e3: {  	v8 =	vld [tilespmem:s14+$0xFFFFFF50];
	v0 =	vmax.f32 v0, $0.0e+00  }
0x4e4: {  	[tilespmem:s14+$0xC0] =	vst v0;
	v0 =	vadd.f32 v6, v4;
	v6 =	vld [tilespmem:s14+$0xD0]  }
0x4e5: {  	v7 =	vld [tilespmem:s19+$0xD0]  }
0x4e6: {  	v3 =	vld [tilespmem:s14+$0xFFFFFF60];
	v0 =	vmax.f32 v0, $0.0e+00;
	v2 =	vadd.f32 v5, v2  }
0x4e7: {  	v9 =	vld [tilespmem:s14+$0x50];
	[tilespmem:s14+$0xFFFFFFC0] =	vst v0;
	v0 =	vadd.f32 v1, v10  }
0x4e8: {  	v1 =	vld [tilespmem:s19+$0xFFFFFFD0];
	v2 =	vmax.f32 v2, $0.0e+00  }
0x4e9: {  	v4 =	vld [tilespmem:s14+$0xFFFFFFE0];
	[tilespmem:s14+$0x40] =	vst v2;
	v0 =	vmax.f32 v0, $0.0e+00  }
0x4ea: {  	v2 =	vld [tilespmem:s19+$0x50];
	v6 =	vadd.f32 v7, v6;
	[tilespmem:s14+$0xFFFFFF40] =	vst v0  }
0x4eb: {  	v0 =	vld [tilespmem:s19+$0xFFFFFF50]  }
0x4ec: {  	v5 =	vld [tilespmem:s14+$0x60];
	v6 =	vmax.f32 v6, $0.0e+00  }
0x4ed: {  	v1 =	vadd.f32 v1, v11;
	[tilespmem:s14+$0xD0] =	vst v6;
	v6 =	vld [tilespmem:s14+$0xE0]  }
0x4ee: {  	v10 =	vld [tilespmem:s19+$0xE0]  }
0x4ef: {  	v1 =	vmax.f32 v1, $0.0e+00;
	v7 =	vadd.f32 v2, v9;
	v2 =	vld [tilespmem:s14+$0xFFFFFF70]  }
0x4f0: {  	[tilespmem:s14+$0xFFFFFFD0] =	vst v1;
	v0 =	vadd.f32 v0, v8;
	v1 =	vld [tilespmem:s14+$0xFFFFFFF0]  }
0x4f1: {  	v8 =	vmax.f32 v7, $0.0e+00;
	v7 =	vld [tilespmem:s19+$0xFFFFFFE0]  }
0x4f2: {  	[tilespmem:s14+$0x50] =	vst v8;
	v8 =	vmax.f32 v0, $0.0e+00;
	v0 =	vld [tilespmem:s14+$0x70]  }
0x4f3: {  	[tilespmem:s14+$0xFFFFFF50] =	vst v8;
	v8 =	vld [tilespmem:s19+$0x60];
	v6 =	vadd.f32 v10, v6  }
0x4f4: {  	v9 =	vld [tilespmem:s19+$0xFFFFFF60]  }
0x4f5: {  	s1 =	simm.s32 $0x19300;
	s20 =	simm.s32 $0x0;
	s3 =	simm.s32 $0x100;
	v10 =	vmax.f32 v6, $0.0e+00;
	v6 =	vld [tilespmem:s14+$0xF0]  }
.LBB2_18:
0x4f6: {  	v11 =	vld [tilespmem:s1+$0x80];
	v4 =	vadd.f32 v7, v4;
	[tilespmem:s14+$0xE0] =	vst v10  }
0x4f7: {  	s3 =	sadd.s32 $0x200, s3;
	v7 =	vld [tilespmem:s19+$0xF0]  }
0x4f8: {  	s20 =	sadd.s32 $0x4, s20;
	v10 =	vld [tilespmem:s3+$0x80];
	v4 =	vmax.f32 v4, $0.0e+00;
	v5 =	vadd.f32 v8, v5  }
0x4f9: {  	p0 =	slt.u32 s20, $0xC4;
	v8 =	vld [tilespmem:s3+$0xFFFFFF00];
	v3 =	vadd.f32 v9, v3;
	[tilespmem:s14+$0xFFFFFFE0] =	vst v4  }
0x4fa: {  	v4 =	vld [tilespmem:s1+$0xFFFFFF80];
	v5 =	vmax.f32 v5, $0.0e+00  }
0x4fb: {  	v9 =	vld [tilespmem:s3+$0xFFFFFF80];
	v3 =	vmax.f32 v3, $0.0e+00;
	[tilespmem:s14+$0x60] =	vst v5  }
0x4fc: {  	v5 =	vld [tilespmem:s1+$0x0];
	[tilespmem:s14+$0xFFFFFF60] =	vst v3;
	v3 =	vadd.f32 v7, v6  }
0x4fd: {  	v6 =	vld [tilespmem:s3+$0x0];
	v7 =	vadd.f32 v10, v11  }
0x4fe: {  	v10 =	vld [tilespmem:s1+$0xFFFFFF00];
	v3 =	vmax.f32 v3, $0.0e+00  }
0x4ff: {  	v11 =	vld [tilespmem:s1+$0xFFFFFF10];
	v7 =	vmax.f32 v7, $0.0e+00;
	[tilespmem:s14+$0xF0] =	vst v3  }
0x500: {  	v3 =	vadd.f32 v9, v4;
	[tilespmem:s1+$0x80] =	vst v7;
	v4 =	vld [tilespmem:s1+$0x90]  }
0x501: {  	v7 =	vld [tilespmem:s3+$0x90]  }
0x502: {  	v3 =	vmax.f32 v3, $0.0e+00;
	v9 =	vld [tilespmem:s1+$0xFFFFFF90];
	v5 =	vadd.f32 v6, v5  }
0x503: {  	v6 =	vadd.f32 v8, v10;
	[tilespmem:s1+$0xFFFFFF80] =	vst v3;
	v3 =	vld [tilespmem:s1+$0x10]  }
0x504: {  	v8 =	vld [tilespmem:s3+$0xFFFFFF90];
	v5 =	vmax.f32 v5, $0.0e+00  }
0x505: {  	v6 =	vmax.f32 v6, $0.0e+00;
	v10 =	vld [tilespmem:s1+$0xFFFFFF20];
	[tilespmem:s1+$0x0] =	vst v5  }
0x506: {  	[tilespmem:s1+$0xFFFFFF00] =	vst v6;
	v5 =	vld [tilespmem:s3+$0x10];
	v4 =	vadd.f32 v7, v4  }
0x507: {  	v6 =	vld [tilespmem:s3+$0xFFFFFF10]  }
0x508: {  	v7 =	vld [tilespmem:s1+$0xFFFFFFA0];
	v4 =	vmax.f32 v4, $0.0e+00  }
0x509: {  	v8 =	vadd.f32 v8, v9;
	[tilespmem:s1+$0x90] =	vst v4;
	v4 =	vld [tilespmem:s1+$0xA0]  }
0x50a: {  	v9 =	vld [tilespmem:s3+$0xA0]  }
0x50b: {  	v8 =	vmax.f32 v8, $0.0e+00;
	v3 =	vadd.f32 v5, v3;
	v5 =	vld [tilespmem:s1+$0x20]  }
0x50c: {  	v6 =	vadd.f32 v6, v11;
	v11 =	vld [tilespmem:s1+$0xFFFFFF30];
	[tilespmem:s1+$0xFFFFFF90] =	vst v8  }
0x50d: {  	v8 =	vld [tilespmem:s3+$0xFFFFFFA0];
	v3 =	vmax.f32 v3, $0.0e+00  }
0x50e: {  	v6 =	vmax.f32 v6, $0.0e+00;
	v12 =	vld [tilespmem:s1+$0xFFFFFFB0];
	[tilespmem:s1+$0x10] =	vst v3  }
0x50f: {  	[tilespmem:s1+$0xFFFFFF10] =	vst v6;
	v3 =	vld [tilespmem:s3+$0x20];
	v4 =	vadd.f32 v9, v4  }
0x510: {  	v6 =	vld [tilespmem:s3+$0xFFFFFF20]  }
0x511: {  	v9 =	vld [tilespmem:s1+$0x30];
	v4 =	vmax.f32 v4, $0.0e+00  }
0x512: {  	v7 =	vadd.f32 v8, v7;
	[tilespmem:s1+$0xA0] =	vst v4;
	v4 =	vld [tilespmem:s1+$0xB0]  }
0x513: {  	v8 =	vld [tilespmem:s3+$0xB0]  }
0x514: {  	v13 =	vld [tilespmem:s1+$0xFFFFFF40];
	v7 =	vmax.f32 v7, $0.0e+00;
	v3 =	vadd.f32 v3, v5  }
0x515: {  	v5 =	vadd.f32 v6, v10;
	[tilespmem:s1+$0xFFFFFFA0] =	vst v7;
	v6 =	vld [tilespmem:s1+$0xFFFFFFC0]  }
0x516: {  	v7 =	vld [tilespmem:s3+$0xFFFFFFB0];
	v3 =	vmax.f32 v3, $0.0e+00  }
0x517: {  	v5 =	vmax.f32 v5, $0.0e+00;
	[tilespmem:s1+$0x20] =	vst v3;
	v10 =	vld [tilespmem:s1+$0x40]  }
0x518: {  	[tilespmem:s1+$0xFFFFFF20] =	vst v5;
	v3 =	vld [tilespmem:s3+$0x30];
	v4 =	vadd.f32 v8, v4  }
0x519: {  	v5 =	vld [tilespmem:s3+$0xFFFFFF30]  }
0x51a: {  	v8 =	vld [tilespmem:s1+$0xFFFFFF50];
	v4 =	vmax.f32 v4, $0.0e+00  }
0x51b: {  	v7 =	vadd.f32 v7, v12;
	[tilespmem:s1+$0xB0] =	vst v4;
	v4 =	vld [tilespmem:s1+$0xC0]  }
0x51c: {  	v12 =	vld [tilespmem:s3+$0xC0]  }
0x51d: {  	v7 =	vmax.f32 v7, $0.0e+00;
	v14 =	vld [tilespmem:s1+$0xFFFFFFD0];
	v3 =	vadd.f32 v3, v9  }
0x51e: {  	v5 =	vadd.f32 v5, v11;
	[tilespmem:s1+$0xFFFFFFB0] =	vst v7;
	v7 =	vld [tilespmem:s1+$0x50]  }
0x51f: {  	v9 =	vld [tilespmem:s3+$0xFFFFFFC0];
	v11 =	vmax.f32 v3, $0.0e+00  }
0x520: {  	v5 =	vmax.f32 v5, $0.0e+00;
	v3 =	vld [tilespmem:s1+$0xFFFFFF60];
	[tilespmem:s1+$0x30] =	vst v11  }
0x521: {  	[tilespmem:s1+$0xFFFFFF30] =	vst v5;
	v5 =	vld [tilespmem:s3+$0x40];
	v11 =	vadd.f32 v12, v4  }
0x522: {  	v12 =	vld [tilespmem:s3+$0xFFFFFF40]  }
0x523: {  	v4 =	vld [tilespmem:s1+$0xFFFFFFE0];
	v11 =	vmax.f32 v11, $0.0e+00  }
0x524: {  	v6 =	vadd.f32 v9, v6;
	[tilespmem:s1+$0xC0] =	vst v11;
	v9 =	vld [tilespmem:s1+$0xD0]  }
0x525: {  	v11 =	vld [tilespmem:s3+$0xD0]  }
0x526: {  	v6 =	vmax.f32 v6, $0.0e+00;
	v10 =	vadd.f32 v5, v10;
	v5 =	vld [tilespmem:s1+$0x60]  }
0x527: {  	v12 =	vadd.f32 v12, v13;
	[tilespmem:s1+$0xFFFFFFC0] =	vst v6;
	v6 =	vld [tilespmem:s19+$0xFFFFFF70]  }
0x528: {  	v13 =	vld [tilespmem:s3+$0xFFFFFFD0];
	v10 =	vmax.f32 v10, $0.0e+00  }
0x529: {  	v12 =	vmax.f32 v12, $0.0e+00;
	[tilespmem:s1+$0x40] =	vst v10;
	v10 =	vld [tilespmem:s19+$0xFFFFFFF0]  }
0x52a: {  	[tilespmem:s1+$0xFFFFFF40] =	vst v12;
	v12 =	vld [tilespmem:s3+$0x50];
	v9 =	vadd.f32 v11, v9  }
0x52b: {  	v11 =	vld [tilespmem:s3+$0xFFFFFF50]  }
0x52c: {  	v9 =	vmax.f32 v9, $0.0e+00;
	v2 =	vadd.f32 v6, v2;
	v6 =	vld [tilespmem:s19+$0x70];
	s19 =	smov.u32 s3  }
0x52d: {  	v13 =	vadd.f32 v13, v14;
	[tilespmem:s1+$0xD0] =	vst v9;
	v9 =	vld [tilespmem:s1+$0xE0]  }
0x52e: {  	v14 =	vld [tilespmem:s3+$0xE0];
	v15 =	vmax.f32 v2, $0.0e+00;
	v10 =	vadd.f32 v10, v1  }
0x52f: {  	v2 =	vld [tilespmem:s1+$0xFFFFFF70];
	v1 =	vmax.f32 v13, $0.0e+00;
	v12 =	vadd.f32 v12, v7;
	[tilespmem:s14+$0xFFFFFF70] =	vst v15  }
0x530: {  	v8 =	vadd.f32 v11, v8;
	[tilespmem:s1+$0xFFFFFFD0] =	vst v1;
	v1 =	vld [tilespmem:s1+$0xFFFFFFF0];
	v10 =	vmax.f32 v10, $0.0e+00  }
.Ltmp8:
0x531: {  	v7 =	vld [tilespmem:s3+$0xFFFFFFE0];
	v11 =	vmax.f32 v12, $0.0e+00;
	[tilespmem:s14+$0xFFFFFFF0] =	vst v10;
	v6 =	vadd.f32 v6, v0;
	(pc) =	sbr.rel @p0 .LBB2_18-.Ltmp8, $4  }
0x532: {  	v8 =	vmax.f32 v8, $0.0e+00;
	[tilespmem:s1+$0x50] =	vst v11;
	v0 =	vld [tilespmem:s1+$0x70]  }
0x533: {  	[tilespmem:s1+$0xFFFFFF50] =	vst v8;
	v8 =	vld [tilespmem:s3+$0x60];
	v10 =	vadd.f32 v14, v9;
	v6 =	vmax.f32 v6, $0.0e+00  }
0x534: {  	v9 =	vld [tilespmem:s3+$0xFFFFFF60];
	[tilespmem:s14+$0x70] =	vst v6;
	s14 =	smov.u32 s1  }
0x535: {  	s1 =	sadd.s32 $0x200, s1;
	v10 =	vmax.f32 v10, $0.0e+00;
	v6 =	vld [tilespmem:s14+$0xF0]  }
0x536: {  	_ =	sdelay $0x2  }
0x537: {  	v3 =	vadd.f32 v9, v3  }
0x538: {  	v4 =	vadd.f32 v7, v4  }
0x539: {  	[tilespmem:s14+$0xE0] =	vst v10;
	v5 =	vadd.f32 v8, v5;
	v3 =	vmax.f32 v3, $0.0e+00  }
0x53a: {  	v7 =	vld [tilespmem:s19+$0xF0];
	v4 =	vmax.f32 v4, $0.0e+00;
	[tilespmem:s14+$0xFFFFFF60] =	vst v3  }
0x53b: {  	[tilespmem:s14+$0xFFFFFFE0] =	vst v4;
	v3 =	vmax.f32 v5, $0.0e+00;
	v4 =	vld [tilespmem:s19+$0xFFFFFF70]  }
0x53c: {  	[tilespmem:s14+$0x60] =	vst v3;
	v3 =	vld [tilespmem:s19+$0xFFFFFFF0]  }
0x53d: {  	v5 =	vld [tilespmem:s19+$0x70];
	_ =	sdelay $0x1  }
0x53e: {  	v6 =	vadd.f32 v7, v6  }
0x53f: {  	v2 =	vadd.f32 v4, v2  }
0x540: {  	v4 =	vmax.f32 v6, $0.0e+00;
	v1 =	vadd.f32 v3, v1  }
0x541: {  	[tilespmem:s14+$0xF0] =	vst v4;
	v0 =	vadd.f32 v5, v0;
	v2 =	vmax.f32 v2, $0.0e+00  }
0x542: {  	v1 =	vmax.f32 v1, $0.0e+00;
	[tilespmem:s14+$0xFFFFFF70] =	vst v2  }
0x543: {  	[tilespmem:s14+$0xFFFFFFF0] =	vst v1;
	v0 =	vmax.f32 v0, $0.0e+00  }
0x544: {  	[tilespmem:s14+$0x70] =	vst v0  }
0x545: {  	s1 =	rddreg [dreg:$0x18]  }
0x546: {  	[hbm4b:s1+s5] =	stream.linear.scatter [tilespmem:s25], [sflag:$0x8], $0x6400, $0x38;
	[tilespmem:$0x1F800] =	vst v63  }
0x547: {  	_ =	swait.ge [sflag:s29], $0x4000  }
0x548: {  	[sflag:s29] =	ssyncset.done $0x0  }
0x549: {  	[sflag:s29] =	ssyncadd.s32 $0xFFFFC000  }
0x54a: {  	_ =	swait.ge [sflag:s29], $0x2400  }
0x54b: {  	[sflag:s29] =	ssyncset.done $0x0  }
0x54c: {  	[sflag:s29] =	ssyncadd.s32 $0xFFFFDC00  }
0x54d: {  	_ =	swait.ge [sflag:s11], $0x6400  }
0x54e: {  	[sflag:s11] =	ssyncset.done $0x0  }
0x54f: {  	[sflag:s11] =	ssyncadd.s32 $0xFFFF9C00  }
0x550: {  	_ =	swait.ge [sflag:s30], $0xC8  }
0x551: {  	[sflag:s30] =	ssyncset.done $0x0  }
0x552: {  	[sflag:s30] =	ssyncadd.s32 $0xFFFFFF38  }
0x553: {  	[tilespmem:s31], [sflag:$0x3] =	stream.indirect.gather [hbm4b:s2+s13], $0x80, s15, s13, $0xb8;
	[tilespmem:$0x1F800] =	vst v63  }
0x554: {  	s22 =	simm.s32 $0x1F680;
	s3 =	simm.s32 $0x16C00;
	s14 =	simm.s32 $0x6500  }
0x555: {  	[tilespmem:s3], [sflag:$0x3] =	stream.indirect.gather [hbm4b:s2+s16], $0x80, s22, s16, $0xb8;
	[tilespmem:$0x1F800] =	vst v63  }
0x556: {  	s19 =	simm.s32 $0x100;
	v0 =	vld [tilespmem:s14+$0x80]  }
0x557: {  	v1 =	vld [tilespmem:s19+$0x80]  }
0x558: {  	v2 =	vld [tilespmem:s19+$0xFFFFFF00]  }
0x559: {  	v3 =	vld [tilespmem:s14+$0xFFFFFF80]  }
0x55a: {  	v4 =	vld [tilespmem:s19+$0xFFFFFF80]  }
0x55b: {  	v5 =	vld [tilespmem:s19+$0x0]  }
0x55c: {  	v0 =	vadd.f32 v1, v0;
	v1 =	vld [tilespmem:s14+$0x0]  }
0x55d: {  	v6 =	vld [tilespmem:s14+$0xFFFFFF00]  }
0x55e: {  	v0 =	vmax.f32 v0, $0.0e+00  }
0x55f: {  	v3 =	vadd.f32 v4, v3;
	[tilespmem:s14+$0x80] =	vst v0;
	v0 =	vld [tilespmem:s14+$0x90]  }
0x560: {  	v7 =	vld [tilespmem:s19+$0x90]  }
0x561: {  	v8 =	vld [tilespmem:s14+$0xFFFFFF90];
	v3 =	vmax.f32 v3, $0.0e+00;
	v1 =	vadd.f32 v5, v1  }
0x562: {  	v4 =	vld [tilespmem:s14+$0xFFFFFF10];
	v2 =	vadd.f32 v2, v6;
	[tilespmem:s14+$0xFFFFFF80] =	vst v3  }
0x563: {  	v5 =	vld [tilespmem:s19+$0xFFFFFF90];
	v1 =	vmax.f32 v1, $0.0e+00  }
0x564: {  	v2 =	vmax.f32 v2, $0.0e+00;
	v3 =	vld [tilespmem:s14+$0x10];
	[tilespmem:s14+$0x0] =	vst v1  }
0x565: {  	[tilespmem:s14+$0xFFFFFF00] =	vst v2;
	v0 =	vadd.f32 v7, v0;
	v1 =	vld [tilespmem:s19+$0x10]  }
0x566: {  	v2 =	vld [tilespmem:s19+$0xFFFFFF10]  }
0x567: {  	v0 =	vmax.f32 v0, $0.0e+00  }
0x568: {  	v5 =	vadd.f32 v5, v8;
	[tilespmem:s14+$0x90] =	vst v0;
	v0 =	vld [tilespmem:s14+$0xA0]  }
0x569: {  	v7 =	vld [tilespmem:s19+$0xA0]  }
0x56a: {  	v6 =	vld [tilespmem:s14+$0xFFFFFF20];
	v5 =	vmax.f32 v5, $0.0e+00;
	v1 =	vadd.f32 v1, v3  }
0x56b: {  	v2 =	vadd.f32 v2, v4;
	v8 =	vld [tilespmem:s14+$0xFFFFFFA0];
	[tilespmem:s14+$0xFFFFFF90] =	vst v5  }
0x56c: {  	v4 =	vld [tilespmem:s19+$0xFFFFFFA0];
	v1 =	vmax.f32 v1, $0.0e+00  }
0x56d: {  	v2 =	vmax.f32 v2, $0.0e+00;
	v3 =	vld [tilespmem:s14+$0x20];
	[tilespmem:s14+$0x10] =	vst v1  }
0x56e: {  	[tilespmem:s14+$0xFFFFFF10] =	vst v2;
	v0 =	vadd.f32 v7, v0;
	v1 =	vld [tilespmem:s19+$0x20]  }
0x56f: {  	v2 =	vld [tilespmem:s19+$0xFFFFFF20]  }
0x570: {  	v0 =	vmax.f32 v0, $0.0e+00  }
0x571: {  	v4 =	vadd.f32 v4, v8;
	[tilespmem:s14+$0xA0] =	vst v0;
	v0 =	vld [tilespmem:s14+$0xB0]  }
0x572: {  	v7 =	vld [tilespmem:s19+$0xB0]  }
0x573: {  	v9 =	vld [tilespmem:s14+$0x30];
	v4 =	vmax.f32 v4, $0.0e+00;
	v1 =	vadd.f32 v1, v3  }
0x574: {  	v2 =	vadd.f32 v2, v6;
	v8 =	vld [tilespmem:s14+$0xFFFFFFB0];
	[tilespmem:s14+$0xFFFFFFA0] =	vst v4  }
0x575: {  	v3 =	vld [tilespmem:s19+$0xFFFFFFB0];
	v1 =	vmax.f32 v1, $0.0e+00  }
0x576: {  	v5 =	vld [tilespmem:s14+$0xFFFFFF30];
	[tilespmem:s14+$0x20] =	vst v1;
	v1 =	vmax.f32 v2, $0.0e+00  }
0x577: {  	v0 =	vadd.f32 v7, v0;
	[tilespmem:s14+$0xFFFFFF20] =	vst v1;
	v1 =	vld [tilespmem:s19+$0x30]  }
0x578: {  	v6 =	vld [tilespmem:s19+$0xFFFFFF30]  }
0x579: {  	v10 =	vld [tilespmem:s14+$0xFFFFFF40];
	v0 =	vmax.f32 v0, $0.0e+00  }
0x57a: {  	v3 =	vadd.f32 v3, v8;
	[tilespmem:s14+$0xB0] =	vst v0;
	v0 =	vld [tilespmem:s14+$0xC0]  }
0x57b: {  	v7 =	vld [tilespmem:s19+$0xC0]  }
0x57c: {  	v11 =	vld [tilespmem:s14+$0xFFFFFFD0];
	v3 =	vmax.f32 v3, $0.0e+00;
	v1 =	vadd.f32 v1, v9  }
0x57d: {  	v4 =	vld [tilespmem:s14+$0xFFFFFFC0];
	[tilespmem:s14+$0xFFFFFFB0] =	vst v3;
	v5 =	vadd.f32 v6, v5  }
0x57e: {  	v6 =	vld [tilespmem:s19+$0xFFFFFFC0];
	v1 =	vmax.f32 v1, $0.0e+00  }
0x57f: {  	v2 =	vld [tilespmem:s14+$0x40];
	[tilespmem:s14+$0x30] =	vst v1;
	v1 =	vmax.f32 v5, $0.0e+00  }
0x580: {  	v0 =	vadd.f32 v7, v0;
	v5 =	vld [tilespmem:s19+$0x40];
	[tilespmem:s14+$0xFFFFFF30] =	vst v1  }
0x581: {  	v1 =	vld [tilespmem:s19+$0xFFFFFF40]  }
0x582: {  	v8 =	vld [tilespmem:s14+$0xFFFFFF50];
	v0 =	vmax.f32 v0, $0.0e+00  }
0x583: {  	[tilespmem:s14+$0xC0] =	vst v0;
	v0 =	vadd.f32 v6, v4;
	v6 =	vld [tilespmem:s14+$0xD0]  }
0x584: {  	v7 =	vld [tilespmem:s19+$0xD0]  }
0x585: {  	v3 =	vld [tilespmem:s14+$0xFFFFFF60];
	v0 =	vmax.f32 v0, $0.0e+00;
	v2 =	vadd.f32 v5, v2  }
0x586: {  	v9 =	vld [tilespmem:s14+$0x50];
	[tilespmem:s14+$0xFFFFFFC0] =	vst v0;
	v0 =	vadd.f32 v1, v10  }
0x587: {  	v1 =	vld [tilespmem:s19+$0xFFFFFFD0];
	v2 =	vmax.f32 v2, $0.0e+00  }
0x588: {  	v4 =	vld [tilespmem:s14+$0xFFFFFFE0];
	[tilespmem:s14+$0x40] =	vst v2;
	v0 =	vmax.f32 v0, $0.0e+00  }
0x589: {  	v2 =	vld [tilespmem:s19+$0x50];
	v6 =	vadd.f32 v7, v6;
	[tilespmem:s14+$0xFFFFFF40] =	vst v0  }
0x58a: {  	v0 =	vld [tilespmem:s19+$0xFFFFFF50]  }
0x58b: {  	v5 =	vld [tilespmem:s14+$0x60];
	v6 =	vmax.f32 v6, $0.0e+00  }
0x58c: {  	v1 =	vadd.f32 v1, v11;
	[tilespmem:s14+$0xD0] =	vst v6;
	v6 =	vld [tilespmem:s14+$0xE0]  }
0x58d: {  	v10 =	vld [tilespmem:s19+$0xE0]  }
0x58e: {  	v1 =	vmax.f32 v1, $0.0e+00;
	v7 =	vadd.f32 v2, v9;
	v2 =	vld [tilespmem:s14+$0xFFFFFF70]  }
0x58f: {  	[tilespmem:s14+$0xFFFFFFD0] =	vst v1;
	v0 =	vadd.f32 v0, v8;
	v1 =	vld [tilespmem:s14+$0xFFFFFFF0]  }
0x590: {  	v8 =	vmax.f32 v7, $0.0e+00;
	v7 =	vld [tilespmem:s19+$0xFFFFFFE0]  }
0x591: {  	[tilespmem:s14+$0x50] =	vst v8;
	v8 =	vmax.f32 v0, $0.0e+00;
	v0 =	vld [tilespmem:s14+$0x70]  }
0x592: {  	[tilespmem:s14+$0xFFFFFF50] =	vst v8;
	v8 =	vld [tilespmem:s19+$0x60];
	v6 =	vadd.f32 v10, v6  }
0x593: {  	v9 =	vld [tilespmem:s19+$0xFFFFFF60]  }
0x594: {  	s20 =	simm.s32 $0x0;
	s1 =	simm.s32 $0x6700;
	s3 =	simm.s32 $0x100;
	v10 =	vmax.f32 v6, $0.0e+00;
	v6 =	vld [tilespmem:s14+$0xF0]  }
.LBB2_20:
0x595: {  	v11 =	vld [tilespmem:s1+$0x80];
	v4 =	vadd.f32 v7, v4;
	[tilespmem:s14+$0xE0] =	vst v10  }
0x596: {  	s3 =	sadd.s32 $0x200, s3;
	v7 =	vld [tilespmem:s19+$0xF0]  }
0x597: {  	s20 =	sadd.s32 $0x4, s20;
	v10 =	vld [tilespmem:s3+$0x80];
	v4 =	vmax.f32 v4, $0.0e+00;
	v5 =	vadd.f32 v8, v5  }
0x598: {  	p0 =	slt.u32 s20, $0xC4;
	v8 =	vld [tilespmem:s3+$0xFFFFFF00];
	v3 =	vadd.f32 v9, v3;
	[tilespmem:s14+$0xFFFFFFE0] =	vst v4  }
0x599: {  	v4 =	vld [tilespmem:s1+$0xFFFFFF80];
	v5 =	vmax.f32 v5, $0.0e+00  }
0x59a: {  	v9 =	vld [tilespmem:s3+$0xFFFFFF80];
	v3 =	vmax.f32 v3, $0.0e+00;
	[tilespmem:s14+$0x60] =	vst v5  }
0x59b: {  	v5 =	vld [tilespmem:s1+$0x0];
	[tilespmem:s14+$0xFFFFFF60] =	vst v3;
	v3 =	vadd.f32 v7, v6  }
0x59c: {  	v6 =	vld [tilespmem:s3+$0x0];
	v7 =	vadd.f32 v10, v11  }
0x59d: {  	v10 =	vld [tilespmem:s1+$0xFFFFFF00];
	v3 =	vmax.f32 v3, $0.0e+00  }
0x59e: {  	v11 =	vld [tilespmem:s1+$0xFFFFFF10];
	v7 =	vmax.f32 v7, $0.0e+00;
	[tilespmem:s14+$0xF0] =	vst v3  }
0x59f: {  	v3 =	vadd.f32 v9, v4;
	[tilespmem:s1+$0x80] =	vst v7;
	v4 =	vld [tilespmem:s1+$0x90]  }
0x5a0: {  	v7 =	vld [tilespmem:s3+$0x90]  }
0x5a1: {  	v3 =	vmax.f32 v3, $0.0e+00;
	v9 =	vld [tilespmem:s1+$0xFFFFFF90];
	v5 =	vadd.f32 v6, v5  }
0x5a2: {  	v6 =	vadd.f32 v8, v10;
	[tilespmem:s1+$0xFFFFFF80] =	vst v3;
	v3 =	vld [tilespmem:s1+$0x10]  }
0x5a3: {  	v8 =	vld [tilespmem:s3+$0xFFFFFF90];
	v5 =	vmax.f32 v5, $0.0e+00  }
0x5a4: {  	v6 =	vmax.f32 v6, $0.0e+00;
	v10 =	vld [tilespmem:s1+$0xFFFFFF20];
	[tilespmem:s1+$0x0] =	vst v5  }
0x5a5: {  	[tilespmem:s1+$0xFFFFFF00] =	vst v6;
	v5 =	vld [tilespmem:s3+$0x10];
	v4 =	vadd.f32 v7, v4  }
0x5a6: {  	v6 =	vld [tilespmem:s3+$0xFFFFFF10]  }
0x5a7: {  	v7 =	vld [tilespmem:s1+$0xFFFFFFA0];
	v4 =	vmax.f32 v4, $0.0e+00  }
0x5a8: {  	v8 =	vadd.f32 v8, v9;
	[tilespmem:s1+$0x90] =	vst v4;
	v4 =	vld [tilespmem:s1+$0xA0]  }
0x5a9: {  	v9 =	vld [tilespmem:s3+$0xA0]  }
0x5aa: {  	v8 =	vmax.f32 v8, $0.0e+00;
	v3 =	vadd.f32 v5, v3;
	v5 =	vld [tilespmem:s1+$0x20]  }
0x5ab: {  	v6 =	vadd.f32 v6, v11;
	v11 =	vld [tilespmem:s1+$0xFFFFFF30];
	[tilespmem:s1+$0xFFFFFF90] =	vst v8  }
0x5ac: {  	v8 =	vld [tilespmem:s3+$0xFFFFFFA0];
	v3 =	vmax.f32 v3, $0.0e+00  }
0x5ad: {  	v6 =	vmax.f32 v6, $0.0e+00;
	v12 =	vld [tilespmem:s1+$0xFFFFFFB0];
	[tilespmem:s1+$0x10] =	vst v3  }
0x5ae: {  	[tilespmem:s1+$0xFFFFFF10] =	vst v6;
	v3 =	vld [tilespmem:s3+$0x20];
	v4 =	vadd.f32 v9, v4  }
0x5af: {  	v6 =	vld [tilespmem:s3+$0xFFFFFF20]  }
0x5b0: {  	v9 =	vld [tilespmem:s1+$0x30];
	v4 =	vmax.f32 v4, $0.0e+00  }
0x5b1: {  	v7 =	vadd.f32 v8, v7;
	[tilespmem:s1+$0xA0] =	vst v4;
	v4 =	vld [tilespmem:s1+$0xB0]  }
0x5b2: {  	v8 =	vld [tilespmem:s3+$0xB0]  }
0x5b3: {  	v13 =	vld [tilespmem:s1+$0xFFFFFF40];
	v7 =	vmax.f32 v7, $0.0e+00;
	v3 =	vadd.f32 v3, v5  }
0x5b4: {  	v5 =	vadd.f32 v6, v10;
	[tilespmem:s1+$0xFFFFFFA0] =	vst v7;
	v6 =	vld [tilespmem:s1+$0xFFFFFFC0]  }
0x5b5: {  	v7 =	vld [tilespmem:s3+$0xFFFFFFB0];
	v3 =	vmax.f32 v3, $0.0e+00  }
0x5b6: {  	v5 =	vmax.f32 v5, $0.0e+00;
	[tilespmem:s1+$0x20] =	vst v3;
	v10 =	vld [tilespmem:s1+$0x40]  }
0x5b7: {  	[tilespmem:s1+$0xFFFFFF20] =	vst v5;
	v3 =	vld [tilespmem:s3+$0x30];
	v4 =	vadd.f32 v8, v4  }
0x5b8: {  	v5 =	vld [tilespmem:s3+$0xFFFFFF30]  }
0x5b9: {  	v8 =	vld [tilespmem:s1+$0xFFFFFF50];
	v4 =	vmax.f32 v4, $0.0e+00  }
0x5ba: {  	v7 =	vadd.f32 v7, v12;
	[tilespmem:s1+$0xB0] =	vst v4;
	v4 =	vld [tilespmem:s1+$0xC0]  }
0x5bb: {  	v12 =	vld [tilespmem:s3+$0xC0]  }
0x5bc: {  	v7 =	vmax.f32 v7, $0.0e+00;
	v14 =	vld [tilespmem:s1+$0xFFFFFFD0];
	v3 =	vadd.f32 v3, v9  }
0x5bd: {  	v5 =	vadd.f32 v5, v11;
	[tilespmem:s1+$0xFFFFFFB0] =	vst v7;
	v7 =	vld [tilespmem:s1+$0x50]  }
0x5be: {  	v9 =	vld [tilespmem:s3+$0xFFFFFFC0];
	v11 =	vmax.f32 v3, $0.0e+00  }
0x5bf: {  	v5 =	vmax.f32 v5, $0.0e+00;
	v3 =	vld [tilespmem:s1+$0xFFFFFF60];
	[tilespmem:s1+$0x30] =	vst v11  }
0x5c0: {  	[tilespmem:s1+$0xFFFFFF30] =	vst v5;
	v5 =	vld [tilespmem:s3+$0x40];
	v11 =	vadd.f32 v12, v4  }
0x5c1: {  	v12 =	vld [tilespmem:s3+$0xFFFFFF40]  }
0x5c2: {  	v4 =	vld [tilespmem:s1+$0xFFFFFFE0];
	v11 =	vmax.f32 v11, $0.0e+00  }
0x5c3: {  	v6 =	vadd.f32 v9, v6;
	[tilespmem:s1+$0xC0] =	vst v11;
	v9 =	vld [tilespmem:s1+$0xD0]  }
0x5c4: {  	v11 =	vld [tilespmem:s3+$0xD0]  }
0x5c5: {  	v6 =	vmax.f32 v6, $0.0e+00;
	v10 =	vadd.f32 v5, v10;
	v5 =	vld [tilespmem:s1+$0x60]  }
0x5c6: {  	v12 =	vadd.f32 v12, v13;
	[tilespmem:s1+$0xFFFFFFC0] =	vst v6;
	v6 =	vld [tilespmem:s19+$0xFFFFFF70]  }
0x5c7: {  	v13 =	vld [tilespmem:s3+$0xFFFFFFD0];
	v10 =	vmax.f32 v10, $0.0e+00  }
0x5c8: {  	v12 =	vmax.f32 v12, $0.0e+00;
	[tilespmem:s1+$0x40] =	vst v10;
	v10 =	vld [tilespmem:s19+$0xFFFFFFF0]  }
0x5c9: {  	[tilespmem:s1+$0xFFFFFF40] =	vst v12;
	v12 =	vld [tilespmem:s3+$0x50];
	v9 =	vadd.f32 v11, v9  }
0x5ca: {  	v11 =	vld [tilespmem:s3+$0xFFFFFF50]  }
0x5cb: {  	v9 =	vmax.f32 v9, $0.0e+00;
	v2 =	vadd.f32 v6, v2;
	v6 =	vld [tilespmem:s19+$0x70];
	s19 =	smov.u32 s3  }
0x5cc: {  	v13 =	vadd.f32 v13, v14;
	[tilespmem:s1+$0xD0] =	vst v9;
	v9 =	vld [tilespmem:s1+$0xE0]  }
0x5cd: {  	v14 =	vld [tilespmem:s3+$0xE0];
	v15 =	vmax.f32 v2, $0.0e+00;
	v10 =	vadd.f32 v10, v1  }
0x5ce: {  	v2 =	vld [tilespmem:s1+$0xFFFFFF70];
	v1 =	vmax.f32 v13, $0.0e+00;
	v12 =	vadd.f32 v12, v7;
	[tilespmem:s14+$0xFFFFFF70] =	vst v15  }
0x5cf: {  	v8 =	vadd.f32 v11, v8;
	[tilespmem:s1+$0xFFFFFFD0] =	vst v1;
	v1 =	vld [tilespmem:s1+$0xFFFFFFF0];
	v10 =	vmax.f32 v10, $0.0e+00  }
.Ltmp9:
0x5d0: {  	v7 =	vld [tilespmem:s3+$0xFFFFFFE0];
	v11 =	vmax.f32 v12, $0.0e+00;
	[tilespmem:s14+$0xFFFFFFF0] =	vst v10;
	v6 =	vadd.f32 v6, v0;
	(pc) =	sbr.rel @p0 .LBB2_20-.Ltmp9, $4  }
0x5d1: {  	v8 =	vmax.f32 v8, $0.0e+00;
	[tilespmem:s1+$0x50] =	vst v11;
	v0 =	vld [tilespmem:s1+$0x70]  }
0x5d2: {  	[tilespmem:s1+$0xFFFFFF50] =	vst v8;
	v8 =	vld [tilespmem:s3+$0x60];
	v10 =	vadd.f32 v14, v9;
	v6 =	vmax.f32 v6, $0.0e+00  }
0x5d3: {  	v9 =	vld [tilespmem:s3+$0xFFFFFF60];
	[tilespmem:s14+$0x70] =	vst v6;
	s14 =	smov.u32 s1  }
0x5d4: {  	s1 =	sadd.s32 $0x200, s1;
	v10 =	vmax.f32 v10, $0.0e+00;
	v6 =	vld [tilespmem:s14+$0xF0]  }
0x5d5: {  	_ =	sdelay $0x2  }
0x5d6: {  	v3 =	vadd.f32 v9, v3  }
0x5d7: {  	v4 =	vadd.f32 v7, v4  }
0x5d8: {  	[tilespmem:s14+$0xE0] =	vst v10;
	v5 =	vadd.f32 v8, v5;
	v3 =	vmax.f32 v3, $0.0e+00  }
0x5d9: {  	v7 =	vld [tilespmem:s19+$0xF0];
	v4 =	vmax.f32 v4, $0.0e+00;
	[tilespmem:s14+$0xFFFFFF60] =	vst v3  }
0x5da: {  	[tilespmem:s14+$0xFFFFFFE0] =	vst v4;
	v3 =	vmax.f32 v5, $0.0e+00;
	v4 =	vld [tilespmem:s19+$0xFFFFFF70]  }
0x5db: {  	[tilespmem:s14+$0x60] =	vst v3;
	v3 =	vld [tilespmem:s19+$0xFFFFFFF0]  }
0x5dc: {  	v5 =	vld [tilespmem:s19+$0x70];
	_ =	sdelay $0x1  }
0x5dd: {  	v6 =	vadd.f32 v7, v6  }
0x5de: {  	v2 =	vadd.f32 v4, v2  }
0x5df: {  	v4 =	vmax.f32 v6, $0.0e+00;
	v1 =	vadd.f32 v3, v1  }
0x5e0: {  	[tilespmem:s14+$0xF0] =	vst v4;
	v0 =	vadd.f32 v5, v0;
	v2 =	vmax.f32 v2, $0.0e+00  }
0x5e1: {  	v1 =	vmax.f32 v1, $0.0e+00;
	[tilespmem:s14+$0xFFFFFF70] =	vst v2  }
0x5e2: {  	[tilespmem:s14+$0xFFFFFFF0] =	vst v1;
	v0 =	vmax.f32 v0, $0.0e+00  }
0x5e3: {  	[tilespmem:s14+$0x70] =	vst v0  }
0x5e4: {  	s3 =	simm.s32 $0x6400;
	s1 =	rddreg [dreg:$0x19]  }
0x5e5: {  	[hbm4b:s1+s5] =	stream.linear.scatter [tilespmem:s3], [sflag:$0x5], $0x6400, $0x38;
	[tilespmem:$0x1F800] =	vst v63  }
0x5e6: {  	_ =	swait.ge [sflag:s17], $0x4000  }
0x5e7: {  	[sflag:s17] =	ssyncset.done $0x0  }
0x5e8: {  	[sflag:s17] =	ssyncadd.s32 $0xFFFFC000  }
0x5e9: {  	_ =	swait.ge [sflag:s17], $0x2400  }
0x5ea: {  	[sflag:s17] =	ssyncset.done $0x0  }
0x5eb: {  	[sflag:s17] =	ssyncadd.s32 $0xFFFFDC00  }
0x5ec: {  	_ =	swait.ge [sflag:s12], $0x6400  }
0x5ed: {  	[sflag:s12] =	ssyncset.done $0x0  }
0x5ee: {  	[sflag:s12] =	ssyncadd.s32 $0xFFFF9C00  }
0x5ef: {  	_ =	swait.ge [sflag:s18], $0xC8  }
0x5f0: {  	[sflag:s18] =	ssyncset.done $0x0  }
0x5f1: {  	s20 =	simm.s32 $0x1F700;
	[sflag:s18] =	ssyncadd.s32 $0xFFFFFF38  }
0x5f2: {  	[tilespmem:s25], [sflag:$0x4] =	stream.indirect.gather [hbm4b:s2+s13], $0x80, s20, s13, $0xb8;
	[tilespmem:$0x1F800] =	vst v63  }
0x5f3: {  	s21 =	simm.s32 $0x1F780;
	s22 =	simm.s32 $0x1D000;
	s14 =	simm.s32 $0xC900  }
0x5f4: {  	[tilespmem:s22], [sflag:$0x4] =	stream.indirect.gather [hbm4b:s2+s16], $0x80, s21, s16, $0xb8;
	[tilespmem:$0x1F800] =	vst v63  }
0x5f5: {  	s19 =	simm.s32 $0x100;
	v0 =	vld [tilespmem:s14+$0x80]  }
0x5f6: {  	v1 =	vld [tilespmem:s19+$0x80]  }
0x5f7: {  	v2 =	vld [tilespmem:s19+$0xFFFFFF00]  }
0x5f8: {  	v3 =	vld [tilespmem:s14+$0xFFFFFF80]  }
0x5f9: {  	v4 =	vld [tilespmem:s19+$0xFFFFFF80]  }
0x5fa: {  	v5 =	vld [tilespmem:s19+$0x0]  }
0x5fb: {  	v0 =	vadd.f32 v1, v0;
	v1 =	vld [tilespmem:s14+$0x0]  }
0x5fc: {  	v6 =	vld [tilespmem:s14+$0xFFFFFF00]  }
0x5fd: {  	v0 =	vmax.f32 v0, $0.0e+00  }
0x5fe: {  	v3 =	vadd.f32 v4, v3;
	[tilespmem:s14+$0x80] =	vst v0;
	v0 =	vld [tilespmem:s14+$0x90]  }
0x5ff: {  	v7 =	vld [tilespmem:s19+$0x90]  }
0x600: {  	v8 =	vld [tilespmem:s14+$0xFFFFFF90];
	v3 =	vmax.f32 v3, $0.0e+00;
	v1 =	vadd.f32 v5, v1  }
0x601: {  	v4 =	vld [tilespmem:s14+$0xFFFFFF10];
	v2 =	vadd.f32 v2, v6;
	[tilespmem:s14+$0xFFFFFF80] =	vst v3  }
0x602: {  	v5 =	vld [tilespmem:s19+$0xFFFFFF90];
	v1 =	vmax.f32 v1, $0.0e+00  }
0x603: {  	v2 =	vmax.f32 v2, $0.0e+00;
	v3 =	vld [tilespmem:s14+$0x10];
	[tilespmem:s14+$0x0] =	vst v1  }
0x604: {  	[tilespmem:s14+$0xFFFFFF00] =	vst v2;
	v0 =	vadd.f32 v7, v0;
	v1 =	vld [tilespmem:s19+$0x10]  }
0x605: {  	v2 =	vld [tilespmem:s19+$0xFFFFFF10]  }
0x606: {  	v0 =	vmax.f32 v0, $0.0e+00  }
0x607: {  	v5 =	vadd.f32 v5, v8;
	[tilespmem:s14+$0x90] =	vst v0;
	v0 =	vld [tilespmem:s14+$0xA0]  }
0x608: {  	v7 =	vld [tilespmem:s19+$0xA0]  }
0x609: {  	v6 =	vld [tilespmem:s14+$0xFFFFFF20];
	v5 =	vmax.f32 v5, $0.0e+00;
	v1 =	vadd.f32 v1, v3  }
0x60a: {  	v2 =	vadd.f32 v2, v4;
	v8 =	vld [tilespmem:s14+$0xFFFFFFA0];
	[tilespmem:s14+$0xFFFFFF90] =	vst v5  }
0x60b: {  	v4 =	vld [tilespmem:s19+$0xFFFFFFA0];
	v1 =	vmax.f32 v1, $0.0e+00  }
0x60c: {  	v2 =	vmax.f32 v2, $0.0e+00;
	v3 =	vld [tilespmem:s14+$0x20];
	[tilespmem:s14+$0x10] =	vst v1  }
0x60d: {  	[tilespmem:s14+$0xFFFFFF10] =	vst v2;
	v0 =	vadd.f32 v7, v0;
	v1 =	vld [tilespmem:s19+$0x20]  }
0x60e: {  	v2 =	vld [tilespmem:s19+$0xFFFFFF20]  }
0x60f: {  	v0 =	vmax.f32 v0, $0.0e+00  }
0x610: {  	v4 =	vadd.f32 v4, v8;
	[tilespmem:s14+$0xA0] =	vst v0;
	v0 =	vld [tilespmem:s14+$0xB0]  }
0x611: {  	v7 =	vld [tilespmem:s19+$0xB0]  }
0x612: {  	v9 =	vld [tilespmem:s14+$0x30];
	v4 =	vmax.f32 v4, $0.0e+00;
	v1 =	vadd.f32 v1, v3  }
0x613: {  	v2 =	vadd.f32 v2, v6;
	v8 =	vld [tilespmem:s14+$0xFFFFFFB0];
	[tilespmem:s14+$0xFFFFFFA0] =	vst v4  }
0x614: {  	v3 =	vld [tilespmem:s19+$0xFFFFFFB0];
	v1 =	vmax.f32 v1, $0.0e+00  }
0x615: {  	v5 =	vld [tilespmem:s14+$0xFFFFFF30];
	[tilespmem:s14+$0x20] =	vst v1;
	v1 =	vmax.f32 v2, $0.0e+00  }
0x616: {  	v0 =	vadd.f32 v7, v0;
	[tilespmem:s14+$0xFFFFFF20] =	vst v1;
	v1 =	vld [tilespmem:s19+$0x30]  }
0x617: {  	v6 =	vld [tilespmem:s19+$0xFFFFFF30]  }
0x618: {  	v10 =	vld [tilespmem:s14+$0xFFFFFF40];
	v0 =	vmax.f32 v0, $0.0e+00  }
0x619: {  	v3 =	vadd.f32 v3, v8;
	[tilespmem:s14+$0xB0] =	vst v0;
	v0 =	vld [tilespmem:s14+$0xC0]  }
0x61a: {  	v7 =	vld [tilespmem:s19+$0xC0]  }
0x61b: {  	v11 =	vld [tilespmem:s14+$0xFFFFFFD0];
	v3 =	vmax.f32 v3, $0.0e+00;
	v1 =	vadd.f32 v1, v9  }
0x61c: {  	v4 =	vld [tilespmem:s14+$0xFFFFFFC0];
	[tilespmem:s14+$0xFFFFFFB0] =	vst v3;
	v5 =	vadd.f32 v6, v5  }
0x61d: {  	v6 =	vld [tilespmem:s19+$0xFFFFFFC0];
	v1 =	vmax.f32 v1, $0.0e+00  }
0x61e: {  	v2 =	vld [tilespmem:s14+$0x40];
	[tilespmem:s14+$0x30] =	vst v1;
	v1 =	vmax.f32 v5, $0.0e+00  }
0x61f: {  	v0 =	vadd.f32 v7, v0;
	v5 =	vld [tilespmem:s19+$0x40];
	[tilespmem:s14+$0xFFFFFF30] =	vst v1  }
0x620: {  	v1 =	vld [tilespmem:s19+$0xFFFFFF40]  }
0x621: {  	v8 =	vld [tilespmem:s14+$0xFFFFFF50];
	v0 =	vmax.f32 v0, $0.0e+00  }
0x622: {  	[tilespmem:s14+$0xC0] =	vst v0;
	v0 =	vadd.f32 v6, v4;
	v6 =	vld [tilespmem:s14+$0xD0]  }
0x623: {  	v7 =	vld [tilespmem:s19+$0xD0]  }
0x624: {  	v3 =	vld [tilespmem:s14+$0xFFFFFF60];
	v0 =	vmax.f32 v0, $0.0e+00;
	v2 =	vadd.f32 v5, v2  }
0x625: {  	v9 =	vld [tilespmem:s14+$0x50];
	[tilespmem:s14+$0xFFFFFFC0] =	vst v0;
	v0 =	vadd.f32 v1, v10  }
0x626: {  	v1 =	vld [tilespmem:s19+$0xFFFFFFD0];
	v2 =	vmax.f32 v2, $0.0e+00  }
0x627: {  	v4 =	vld [tilespmem:s14+$0xFFFFFFE0];
	[tilespmem:s14+$0x40] =	vst v2;
	v0 =	vmax.f32 v0, $0.0e+00  }
0x628: {  	v2 =	vld [tilespmem:s19+$0x50];
	v6 =	vadd.f32 v7, v6;
	[tilespmem:s14+$0xFFFFFF40] =	vst v0  }
0x629: {  	v0 =	vld [tilespmem:s19+$0xFFFFFF50]  }
0x62a: {  	v5 =	vld [tilespmem:s14+$0x60];
	v6 =	vmax.f32 v6, $0.0e+00  }
0x62b: {  	v1 =	vadd.f32 v1, v11;
	[tilespmem:s14+$0xD0] =	vst v6;
	v6 =	vld [tilespmem:s14+$0xE0]  }
0x62c: {  	v10 =	vld [tilespmem:s19+$0xE0]  }
0x62d: {  	v1 =	vmax.f32 v1, $0.0e+00;
	v7 =	vadd.f32 v2, v9;
	v2 =	vld [tilespmem:s14+$0xFFFFFF70]  }
0x62e: {  	[tilespmem:s14+$0xFFFFFFD0] =	vst v1;
	v0 =	vadd.f32 v0, v8;
	v1 =	vld [tilespmem:s14+$0xFFFFFFF0]  }
0x62f: {  	v8 =	vmax.f32 v7, $0.0e+00;
	v7 =	vld [tilespmem:s19+$0xFFFFFFE0]  }
0x630: {  	[tilespmem:s14+$0x50] =	vst v8;
	v8 =	vmax.f32 v0, $0.0e+00;
	v0 =	vld [tilespmem:s14+$0x70]  }
0x631: {  	[tilespmem:s14+$0xFFFFFF50] =	vst v8;
	v8 =	vld [tilespmem:s19+$0x60];
	v6 =	vadd.f32 v10, v6  }
0x632: {  	v9 =	vld [tilespmem:s19+$0xFFFFFF60]  }
0x633: {  	s1 =	simm.s32 $0xCB00;
	s3 =	simm.s32 $0x100;
	s20 =	simm.s32 $0x0;
	v10 =	vmax.f32 v6, $0.0e+00;
	v6 =	vld [tilespmem:s14+$0xF0]  }
.LBB2_22:
0x634: {  	v11 =	vld [tilespmem:s1+$0x80];
	v4 =	vadd.f32 v7, v4;
	[tilespmem:s14+$0xE0] =	vst v10  }
0x635: {  	s3 =	sadd.s32 $0x200, s3;
	v7 =	vld [tilespmem:s19+$0xF0]  }
0x636: {  	s20 =	sadd.s32 $0x4, s20;
	v10 =	vld [tilespmem:s3+$0x80];
	v4 =	vmax.f32 v4, $0.0e+00;
	v5 =	vadd.f32 v8, v5  }
0x637: {  	p0 =	slt.u32 s20, $0xC4;
	v8 =	vld [tilespmem:s3+$0xFFFFFF00];
	v3 =	vadd.f32 v9, v3;
	[tilespmem:s14+$0xFFFFFFE0] =	vst v4  }
0x638: {  	v4 =	vld [tilespmem:s1+$0xFFFFFF80];
	v5 =	vmax.f32 v5, $0.0e+00  }
0x639: {  	v9 =	vld [tilespmem:s3+$0xFFFFFF80];
	v3 =	vmax.f32 v3, $0.0e+00;
	[tilespmem:s14+$0x60] =	vst v5  }
0x63a: {  	v5 =	vld [tilespmem:s1+$0x0];
	[tilespmem:s14+$0xFFFFFF60] =	vst v3;
	v3 =	vadd.f32 v7, v6  }
0x63b: {  	v6 =	vld [tilespmem:s3+$0x0];
	v7 =	vadd.f32 v10, v11  }
0x63c: {  	v10 =	vld [tilespmem:s1+$0xFFFFFF00];
	v3 =	vmax.f32 v3, $0.0e+00  }
0x63d: {  	v11 =	vld [tilespmem:s1+$0xFFFFFF10];
	v7 =	vmax.f32 v7, $0.0e+00;
	[tilespmem:s14+$0xF0] =	vst v3  }
0x63e: {  	v3 =	vadd.f32 v9, v4;
	[tilespmem:s1+$0x80] =	vst v7;
	v4 =	vld [tilespmem:s1+$0x90]  }
0x63f: {  	v7 =	vld [tilespmem:s3+$0x90]  }
0x640: {  	v3 =	vmax.f32 v3, $0.0e+00;
	v9 =	vld [tilespmem:s1+$0xFFFFFF90];
	v5 =	vadd.f32 v6, v5  }
0x641: {  	v6 =	vadd.f32 v8, v10;
	[tilespmem:s1+$0xFFFFFF80] =	vst v3;
	v3 =	vld [tilespmem:s1+$0x10]  }
0x642: {  	v8 =	vld [tilespmem:s3+$0xFFFFFF90];
	v5 =	vmax.f32 v5, $0.0e+00  }
0x643: {  	v6 =	vmax.f32 v6, $0.0e+00;
	v10 =	vld [tilespmem:s1+$0xFFFFFF20];
	[tilespmem:s1+$0x0] =	vst v5  }
0x644: {  	[tilespmem:s1+$0xFFFFFF00] =	vst v6;
	v5 =	vld [tilespmem:s3+$0x10];
	v4 =	vadd.f32 v7, v4  }
0x645: {  	v6 =	vld [tilespmem:s3+$0xFFFFFF10]  }
0x646: {  	v7 =	vld [tilespmem:s1+$0xFFFFFFA0];
	v4 =	vmax.f32 v4, $0.0e+00  }
0x647: {  	v8 =	vadd.f32 v8, v9;
	[tilespmem:s1+$0x90] =	vst v4;
	v4 =	vld [tilespmem:s1+$0xA0]  }
0x648: {  	v9 =	vld [tilespmem:s3+$0xA0]  }
0x649: {  	v8 =	vmax.f32 v8, $0.0e+00;
	v3 =	vadd.f32 v5, v3;
	v5 =	vld [tilespmem:s1+$0x20]  }
0x64a: {  	v6 =	vadd.f32 v6, v11;
	v11 =	vld [tilespmem:s1+$0xFFFFFF30];
	[tilespmem:s1+$0xFFFFFF90] =	vst v8  }
0x64b: {  	v8 =	vld [tilespmem:s3+$0xFFFFFFA0];
	v3 =	vmax.f32 v3, $0.0e+00  }
0x64c: {  	v6 =	vmax.f32 v6, $0.0e+00;
	v12 =	vld [tilespmem:s1+$0xFFFFFFB0];
	[tilespmem:s1+$0x10] =	vst v3  }
0x64d: {  	[tilespmem:s1+$0xFFFFFF10] =	vst v6;
	v3 =	vld [tilespmem:s3+$0x20];
	v4 =	vadd.f32 v9, v4  }
0x64e: {  	v6 =	vld [tilespmem:s3+$0xFFFFFF20]  }
0x64f: {  	v9 =	vld [tilespmem:s1+$0x30];
	v4 =	vmax.f32 v4, $0.0e+00  }
0x650: {  	v7 =	vadd.f32 v8, v7;
	[tilespmem:s1+$0xA0] =	vst v4;
	v4 =	vld [tilespmem:s1+$0xB0]  }
0x651: {  	v8 =	vld [tilespmem:s3+$0xB0]  }
0x652: {  	v13 =	vld [tilespmem:s1+$0xFFFFFF40];
	v7 =	vmax.f32 v7, $0.0e+00;
	v3 =	vadd.f32 v3, v5  }
0x653: {  	v5 =	vadd.f32 v6, v10;
	[tilespmem:s1+$0xFFFFFFA0] =	vst v7;
	v6 =	vld [tilespmem:s1+$0xFFFFFFC0]  }
0x654: {  	v7 =	vld [tilespmem:s3+$0xFFFFFFB0];
	v3 =	vmax.f32 v3, $0.0e+00  }
0x655: {  	v5 =	vmax.f32 v5, $0.0e+00;
	[tilespmem:s1+$0x20] =	vst v3;
	v10 =	vld [tilespmem:s1+$0x40]  }
0x656: {  	[tilespmem:s1+$0xFFFFFF20] =	vst v5;
	v3 =	vld [tilespmem:s3+$0x30];
	v4 =	vadd.f32 v8, v4  }
0x657: {  	v5 =	vld [tilespmem:s3+$0xFFFFFF30]  }
0x658: {  	v8 =	vld [tilespmem:s1+$0xFFFFFF50];
	v4 =	vmax.f32 v4, $0.0e+00  }
0x659: {  	v7 =	vadd.f32 v7, v12;
	[tilespmem:s1+$0xB0] =	vst v4;
	v4 =	vld [tilespmem:s1+$0xC0]  }
0x65a: {  	v12 =	vld [tilespmem:s3+$0xC0]  }
0x65b: {  	v7 =	vmax.f32 v7, $0.0e+00;
	v14 =	vld [tilespmem:s1+$0xFFFFFFD0];
	v3 =	vadd.f32 v3, v9  }
0x65c: {  	v5 =	vadd.f32 v5, v11;
	[tilespmem:s1+$0xFFFFFFB0] =	vst v7;
	v7 =	vld [tilespmem:s1+$0x50]  }
0x65d: {  	v9 =	vld [tilespmem:s3+$0xFFFFFFC0];
	v11 =	vmax.f32 v3, $0.0e+00  }
0x65e: {  	v5 =	vmax.f32 v5, $0.0e+00;
	v3 =	vld [tilespmem:s1+$0xFFFFFF60];
	[tilespmem:s1+$0x30] =	vst v11  }
0x65f: {  	[tilespmem:s1+$0xFFFFFF30] =	vst v5;
	v5 =	vld [tilespmem:s3+$0x40];
	v11 =	vadd.f32 v12, v4  }
0x660: {  	v12 =	vld [tilespmem:s3+$0xFFFFFF40]  }
0x661: {  	v4 =	vld [tilespmem:s1+$0xFFFFFFE0];
	v11 =	vmax.f32 v11, $0.0e+00  }
0x662: {  	v6 =	vadd.f32 v9, v6;
	[tilespmem:s1+$0xC0] =	vst v11;
	v9 =	vld [tilespmem:s1+$0xD0]  }
0x663: {  	v11 =	vld [tilespmem:s3+$0xD0]  }
0x664: {  	v6 =	vmax.f32 v6, $0.0e+00;
	v10 =	vadd.f32 v5, v10;
	v5 =	vld [tilespmem:s1+$0x60]  }
0x665: {  	v12 =	vadd.f32 v12, v13;
	[tilespmem:s1+$0xFFFFFFC0] =	vst v6;
	v6 =	vld [tilespmem:s19+$0xFFFFFF70]  }
0x666: {  	v13 =	vld [tilespmem:s3+$0xFFFFFFD0];
	v10 =	vmax.f32 v10, $0.0e+00  }
0x667: {  	v12 =	vmax.f32 v12, $0.0e+00;
	[tilespmem:s1+$0x40] =	vst v10;
	v10 =	vld [tilespmem:s19+$0xFFFFFFF0]  }
0x668: {  	[tilespmem:s1+$0xFFFFFF40] =	vst v12;
	v12 =	vld [tilespmem:s3+$0x50];
	v9 =	vadd.f32 v11, v9  }
0x669: {  	v11 =	vld [tilespmem:s3+$0xFFFFFF50]  }
0x66a: {  	v9 =	vmax.f32 v9, $0.0e+00;
	v2 =	vadd.f32 v6, v2;
	v6 =	vld [tilespmem:s19+$0x70];
	s19 =	smov.u32 s3  }
0x66b: {  	v13 =	vadd.f32 v13, v14;
	[tilespmem:s1+$0xD0] =	vst v9;
	v9 =	vld [tilespmem:s1+$0xE0]  }
0x66c: {  	v14 =	vld [tilespmem:s3+$0xE0];
	v15 =	vmax.f32 v2, $0.0e+00;
	v10 =	vadd.f32 v10, v1  }
0x66d: {  	v2 =	vld [tilespmem:s1+$0xFFFFFF70];
	v1 =	vmax.f32 v13, $0.0e+00;
	v12 =	vadd.f32 v12, v7;
	[tilespmem:s14+$0xFFFFFF70] =	vst v15  }
0x66e: {  	v8 =	vadd.f32 v11, v8;
	[tilespmem:s1+$0xFFFFFFD0] =	vst v1;
	v1 =	vld [tilespmem:s1+$0xFFFFFFF0];
	v10 =	vmax.f32 v10, $0.0e+00  }
.Ltmp10:
0x66f: {  	v7 =	vld [tilespmem:s3+$0xFFFFFFE0];
	v11 =	vmax.f32 v12, $0.0e+00;
	[tilespmem:s14+$0xFFFFFFF0] =	vst v10;
	v6 =	vadd.f32 v6, v0;
	(pc) =	sbr.rel @p0 .LBB2_22-.Ltmp10, $4  }
0x670: {  	v8 =	vmax.f32 v8, $0.0e+00;
	[tilespmem:s1+$0x50] =	vst v11;
	v0 =	vld [tilespmem:s1+$0x70]  }
0x671: {  	[tilespmem:s1+$0xFFFFFF50] =	vst v8;
	v8 =	vld [tilespmem:s3+$0x60];
	v10 =	vadd.f32 v14, v9;
	v6 =	vmax.f32 v6, $0.0e+00  }
0x672: {  	v9 =	vld [tilespmem:s3+$0xFFFFFF60];
	[tilespmem:s14+$0x70] =	vst v6;
	s14 =	smov.u32 s1  }
0x673: {  	s1 =	sadd.s32 $0x200, s1;
	v10 =	vmax.f32 v10, $0.0e+00;
	v6 =	vld [tilespmem:s14+$0xF0]  }
0x674: {  	_ =	sdelay $0x2  }
0x675: {  	v3 =	vadd.f32 v9, v3  }
0x676: {  	v4 =	vadd.f32 v7, v4  }
0x677: {  	[tilespmem:s14+$0xE0] =	vst v10;
	v5 =	vadd.f32 v8, v5;
	v3 =	vmax.f32 v3, $0.0e+00  }
0x678: {  	v7 =	vld [tilespmem:s19+$0xF0];
	v4 =	vmax.f32 v4, $0.0e+00;
	[tilespmem:s14+$0xFFFFFF60] =	vst v3  }
0x679: {  	[tilespmem:s14+$0xFFFFFFE0] =	vst v4;
	v3 =	vmax.f32 v5, $0.0e+00;
	v4 =	vld [tilespmem:s19+$0xFFFFFF70]  }
0x67a: {  	[tilespmem:s14+$0x60] =	vst v3;
	v3 =	vld [tilespmem:s19+$0xFFFFFFF0]  }
0x67b: {  	v5 =	vld [tilespmem:s19+$0x70];
	_ =	sdelay $0x1  }
0x67c: {  	v6 =	vadd.f32 v7, v6  }
0x67d: {  	v2 =	vadd.f32 v4, v2  }
0x67e: {  	v4 =	vmax.f32 v6, $0.0e+00;
	v1 =	vadd.f32 v3, v1  }
0x67f: {  	[tilespmem:s14+$0xF0] =	vst v4;
	v0 =	vadd.f32 v5, v0;
	v2 =	vmax.f32 v2, $0.0e+00  }
0x680: {  	v1 =	vmax.f32 v1, $0.0e+00;
	[tilespmem:s14+$0xFFFFFF70] =	vst v2  }
0x681: {  	[tilespmem:s14+$0xFFFFFFF0] =	vst v1;
	v0 =	vmax.f32 v0, $0.0e+00  }
0x682: {  	[tilespmem:s14+$0x70] =	vst v0  }
0x683: {  	s1 =	rddreg [dreg:$0x1a]  }
0x684: {  	[hbm4b:s1+s5] =	stream.linear.scatter [tilespmem:s24], [sflag:$0x6], $0x6400, $0x38;
	[tilespmem:$0x1F800] =	vst v63  }
0x685: {  	_ =	swait.ge [sflag:s28], $0x4000  }
0x686: {  	[sflag:s28] =	ssyncset.done $0x0  }
0x687: {  	[sflag:s28] =	ssyncadd.s32 $0xFFFFC000  }
0x688: {  	_ =	swait.ge [sflag:s28], $0x2400  }
0x689: {  	[sflag:s28] =	ssyncset.done $0x0  }
0x68a: {  	s14 =	simm.s32 $0x12D00;
	[sflag:s28] =	ssyncadd.s32 $0xFFFFDC00  }
0x68b: {  	s19 =	simm.s32 $0x100;
	v0 =	vld [tilespmem:s14+$0x80]  }
0x68c: {  	v1 =	vld [tilespmem:s19+$0x80]  }
0x68d: {  	v2 =	vld [tilespmem:s19+$0xFFFFFF00]  }
0x68e: {  	v3 =	vld [tilespmem:s14+$0xFFFFFF80]  }
0x68f: {  	v4 =	vld [tilespmem:s19+$0xFFFFFF80]  }
0x690: {  	v5 =	vld [tilespmem:s19+$0x0]  }
0x691: {  	v0 =	vadd.f32 v1, v0;
	v1 =	vld [tilespmem:s14+$0x0]  }
0x692: {  	v6 =	vld [tilespmem:s14+$0xFFFFFF00]  }
0x693: {  	v0 =	vmax.f32 v0, $0.0e+00  }
0x694: {  	v3 =	vadd.f32 v4, v3;
	[tilespmem:s14+$0x80] =	vst v0;
	v0 =	vld [tilespmem:s14+$0x90]  }
0x695: {  	v7 =	vld [tilespmem:s19+$0x90]  }
0x696: {  	v8 =	vld [tilespmem:s14+$0xFFFFFF90];
	v3 =	vmax.f32 v3, $0.0e+00;
	v1 =	vadd.f32 v5, v1  }
0x697: {  	v4 =	vld [tilespmem:s14+$0xFFFFFF10];
	v2 =	vadd.f32 v2, v6;
	[tilespmem:s14+$0xFFFFFF80] =	vst v3  }
0x698: {  	v5 =	vld [tilespmem:s19+$0xFFFFFF90];
	v1 =	vmax.f32 v1, $0.0e+00  }
0x699: {  	v2 =	vmax.f32 v2, $0.0e+00;
	v3 =	vld [tilespmem:s14+$0x10];
	[tilespmem:s14+$0x0] =	vst v1  }
0x69a: {  	[tilespmem:s14+$0xFFFFFF00] =	vst v2;
	v0 =	vadd.f32 v7, v0;
	v1 =	vld [tilespmem:s19+$0x10]  }
0x69b: {  	v2 =	vld [tilespmem:s19+$0xFFFFFF10]  }
0x69c: {  	v0 =	vmax.f32 v0, $0.0e+00  }
0x69d: {  	v5 =	vadd.f32 v5, v8;
	[tilespmem:s14+$0x90] =	vst v0;
	v0 =	vld [tilespmem:s14+$0xA0]  }
0x69e: {  	v7 =	vld [tilespmem:s19+$0xA0]  }
0x69f: {  	v6 =	vld [tilespmem:s14+$0xFFFFFF20];
	v5 =	vmax.f32 v5, $0.0e+00;
	v1 =	vadd.f32 v1, v3  }
0x6a0: {  	v2 =	vadd.f32 v2, v4;
	v8 =	vld [tilespmem:s14+$0xFFFFFFA0];
	[tilespmem:s14+$0xFFFFFF90] =	vst v5  }
0x6a1: {  	v4 =	vld [tilespmem:s19+$0xFFFFFFA0];
	v1 =	vmax.f32 v1, $0.0e+00  }
0x6a2: {  	v2 =	vmax.f32 v2, $0.0e+00;
	v3 =	vld [tilespmem:s14+$0x20];
	[tilespmem:s14+$0x10] =	vst v1  }
0x6a3: {  	[tilespmem:s14+$0xFFFFFF10] =	vst v2;
	v0 =	vadd.f32 v7, v0;
	v1 =	vld [tilespmem:s19+$0x20]  }
0x6a4: {  	v2 =	vld [tilespmem:s19+$0xFFFFFF20]  }
0x6a5: {  	v0 =	vmax.f32 v0, $0.0e+00  }
0x6a6: {  	v4 =	vadd.f32 v4, v8;
	[tilespmem:s14+$0xA0] =	vst v0;
	v0 =	vld [tilespmem:s14+$0xB0]  }
0x6a7: {  	v7 =	vld [tilespmem:s19+$0xB0]  }
0x6a8: {  	v9 =	vld [tilespmem:s14+$0x30];
	v4 =	vmax.f32 v4, $0.0e+00;
	v1 =	vadd.f32 v1, v3  }
0x6a9: {  	v2 =	vadd.f32 v2, v6;
	v8 =	vld [tilespmem:s14+$0xFFFFFFB0];
	[tilespmem:s14+$0xFFFFFFA0] =	vst v4  }
0x6aa: {  	v3 =	vld [tilespmem:s19+$0xFFFFFFB0];
	v1 =	vmax.f32 v1, $0.0e+00  }
0x6ab: {  	v5 =	vld [tilespmem:s14+$0xFFFFFF30];
	[tilespmem:s14+$0x20] =	vst v1;
	v1 =	vmax.f32 v2, $0.0e+00  }
0x6ac: {  	v0 =	vadd.f32 v7, v0;
	[tilespmem:s14+$0xFFFFFF20] =	vst v1;
	v1 =	vld [tilespmem:s19+$0x30]  }
0x6ad: {  	v6 =	vld [tilespmem:s19+$0xFFFFFF30]  }
0x6ae: {  	v10 =	vld [tilespmem:s14+$0xFFFFFF40];
	v0 =	vmax.f32 v0, $0.0e+00  }
0x6af: {  	v3 =	vadd.f32 v3, v8;
	[tilespmem:s14+$0xB0] =	vst v0;
	v0 =	vld [tilespmem:s14+$0xC0]  }
0x6b0: {  	v7 =	vld [tilespmem:s19+$0xC0]  }
0x6b1: {  	v11 =	vld [tilespmem:s14+$0xFFFFFFD0];
	v3 =	vmax.f32 v3, $0.0e+00;
	v1 =	vadd.f32 v1, v9  }
0x6b2: {  	v4 =	vld [tilespmem:s14+$0xFFFFFFC0];
	[tilespmem:s14+$0xFFFFFFB0] =	vst v3;
	v5 =	vadd.f32 v6, v5  }
0x6b3: {  	v6 =	vld [tilespmem:s19+$0xFFFFFFC0];
	v1 =	vmax.f32 v1, $0.0e+00  }
0x6b4: {  	v2 =	vld [tilespmem:s14+$0x40];
	[tilespmem:s14+$0x30] =	vst v1;
	v1 =	vmax.f32 v5, $0.0e+00  }
0x6b5: {  	v0 =	vadd.f32 v7, v0;
	v5 =	vld [tilespmem:s19+$0x40];
	[tilespmem:s14+$0xFFFFFF30] =	vst v1  }
0x6b6: {  	v1 =	vld [tilespmem:s19+$0xFFFFFF40]  }
0x6b7: {  	v8 =	vld [tilespmem:s14+$0xFFFFFF50];
	v0 =	vmax.f32 v0, $0.0e+00  }
0x6b8: {  	[tilespmem:s14+$0xC0] =	vst v0;
	v0 =	vadd.f32 v6, v4;
	v6 =	vld [tilespmem:s14+$0xD0]  }
0x6b9: {  	v7 =	vld [tilespmem:s19+$0xD0]  }
0x6ba: {  	v3 =	vld [tilespmem:s14+$0xFFFFFF60];
	v0 =	vmax.f32 v0, $0.0e+00;
	v2 =	vadd.f32 v5, v2  }
0x6bb: {  	v9 =	vld [tilespmem:s14+$0x50];
	[tilespmem:s14+$0xFFFFFFC0] =	vst v0;
	v0 =	vadd.f32 v1, v10  }
0x6bc: {  	v1 =	vld [tilespmem:s19+$0xFFFFFFD0];
	v2 =	vmax.f32 v2, $0.0e+00  }
0x6bd: {  	v4 =	vld [tilespmem:s14+$0xFFFFFFE0];
	[tilespmem:s14+$0x40] =	vst v2;
	v0 =	vmax.f32 v0, $0.0e+00  }
0x6be: {  	v2 =	vld [tilespmem:s19+$0x50];
	v6 =	vadd.f32 v7, v6;
	[tilespmem:s14+$0xFFFFFF40] =	vst v0  }
0x6bf: {  	v0 =	vld [tilespmem:s19+$0xFFFFFF50]  }
0x6c0: {  	v5 =	vld [tilespmem:s14+$0x60];
	v6 =	vmax.f32 v6, $0.0e+00  }
0x6c1: {  	v1 =	vadd.f32 v1, v11;
	[tilespmem:s14+$0xD0] =	vst v6;
	v6 =	vld [tilespmem:s14+$0xE0]  }
0x6c2: {  	v10 =	vld [tilespmem:s19+$0xE0]  }
0x6c3: {  	v1 =	vmax.f32 v1, $0.0e+00;
	v7 =	vadd.f32 v2, v9;
	v2 =	vld [tilespmem:s14+$0xFFFFFF70]  }
0x6c4: {  	[tilespmem:s14+$0xFFFFFFD0] =	vst v1;
	v0 =	vadd.f32 v0, v8;
	v1 =	vld [tilespmem:s14+$0xFFFFFFF0]  }
0x6c5: {  	v8 =	vmax.f32 v7, $0.0e+00;
	v7 =	vld [tilespmem:s19+$0xFFFFFFE0]  }
0x6c6: {  	[tilespmem:s14+$0x50] =	vst v8;
	v8 =	vmax.f32 v0, $0.0e+00;
	v0 =	vld [tilespmem:s14+$0x70]  }
0x6c7: {  	[tilespmem:s14+$0xFFFFFF50] =	vst v8;
	v8 =	vld [tilespmem:s19+$0x60];
	v6 =	vadd.f32 v10, v6  }
0x6c8: {  	v9 =	vld [tilespmem:s19+$0xFFFFFF60]  }
0x6c9: {  	s20 =	simm.s32 $0x0;
	s3 =	simm.s32 $0x100;
	s1 =	simm.s32 $0x12F00;
	v10 =	vmax.f32 v6, $0.0e+00;
	v6 =	vld [tilespmem:s14+$0xF0]  }
.LBB2_24:
0x6ca: {  	v11 =	vld [tilespmem:s1+$0x80];
	v4 =	vadd.f32 v7, v4;
	[tilespmem:s14+$0xE0] =	vst v10  }
0x6cb: {  	s3 =	sadd.s32 $0x200, s3;
	v7 =	vld [tilespmem:s19+$0xF0]  }
0x6cc: {  	s20 =	sadd.s32 $0x4, s20;
	v10 =	vld [tilespmem:s3+$0x80];
	v4 =	vmax.f32 v4, $0.0e+00;
	v5 =	vadd.f32 v8, v5  }
0x6cd: {  	p0 =	slt.u32 s20, $0xC4;
	v8 =	vld [tilespmem:s3+$0xFFFFFF00];
	v3 =	vadd.f32 v9, v3;
	[tilespmem:s14+$0xFFFFFFE0] =	vst v4  }
0x6ce: {  	v4 =	vld [tilespmem:s1+$0xFFFFFF80];
	v5 =	vmax.f32 v5, $0.0e+00  }
0x6cf: {  	v9 =	vld [tilespmem:s3+$0xFFFFFF80];
	v3 =	vmax.f32 v3, $0.0e+00;
	[tilespmem:s14+$0x60] =	vst v5  }
0x6d0: {  	v5 =	vld [tilespmem:s1+$0x0];
	[tilespmem:s14+$0xFFFFFF60] =	vst v3;
	v3 =	vadd.f32 v7, v6  }
0x6d1: {  	v6 =	vld [tilespmem:s3+$0x0];
	v7 =	vadd.f32 v10, v11  }
0x6d2: {  	v10 =	vld [tilespmem:s1+$0xFFFFFF00];
	v3 =	vmax.f32 v3, $0.0e+00  }
0x6d3: {  	v11 =	vld [tilespmem:s1+$0xFFFFFF10];
	v7 =	vmax.f32 v7, $0.0e+00;
	[tilespmem:s14+$0xF0] =	vst v3  }
0x6d4: {  	v3 =	vadd.f32 v9, v4;
	[tilespmem:s1+$0x80] =	vst v7;
	v4 =	vld [tilespmem:s1+$0x90]  }
0x6d5: {  	v7 =	vld [tilespmem:s3+$0x90]  }
0x6d6: {  	v3 =	vmax.f32 v3, $0.0e+00;
	v9 =	vld [tilespmem:s1+$0xFFFFFF90];
	v5 =	vadd.f32 v6, v5  }
0x6d7: {  	v6 =	vadd.f32 v8, v10;
	[tilespmem:s1+$0xFFFFFF80] =	vst v3;
	v3 =	vld [tilespmem:s1+$0x10]  }
0x6d8: {  	v8 =	vld [tilespmem:s3+$0xFFFFFF90];
	v5 =	vmax.f32 v5, $0.0e+00  }
0x6d9: {  	v6 =	vmax.f32 v6, $0.0e+00;
	v10 =	vld [tilespmem:s1+$0xFFFFFF20];
	[tilespmem:s1+$0x0] =	vst v5  }
0x6da: {  	[tilespmem:s1+$0xFFFFFF00] =	vst v6;
	v5 =	vld [tilespmem:s3+$0x10];
	v4 =	vadd.f32 v7, v4  }
0x6db: {  	v6 =	vld [tilespmem:s3+$0xFFFFFF10]  }
0x6dc: {  	v7 =	vld [tilespmem:s1+$0xFFFFFFA0];
	v4 =	vmax.f32 v4, $0.0e+00  }
0x6dd: {  	v8 =	vadd.f32 v8, v9;
	[tilespmem:s1+$0x90] =	vst v4;
	v4 =	vld [tilespmem:s1+$0xA0]  }
0x6de: {  	v9 =	vld [tilespmem:s3+$0xA0]  }
0x6df: {  	v8 =	vmax.f32 v8, $0.0e+00;
	v3 =	vadd.f32 v5, v3;
	v5 =	vld [tilespmem:s1+$0x20]  }
0x6e0: {  	v6 =	vadd.f32 v6, v11;
	v11 =	vld [tilespmem:s1+$0xFFFFFF30];
	[tilespmem:s1+$0xFFFFFF90] =	vst v8  }
0x6e1: {  	v8 =	vld [tilespmem:s3+$0xFFFFFFA0];
	v3 =	vmax.f32 v3, $0.0e+00  }
0x6e2: {  	v6 =	vmax.f32 v6, $0.0e+00;
	v12 =	vld [tilespmem:s1+$0xFFFFFFB0];
	[tilespmem:s1+$0x10] =	vst v3  }
0x6e3: {  	[tilespmem:s1+$0xFFFFFF10] =	vst v6;
	v3 =	vld [tilespmem:s3+$0x20];
	v4 =	vadd.f32 v9, v4  }
0x6e4: {  	v6 =	vld [tilespmem:s3+$0xFFFFFF20]  }
0x6e5: {  	v9 =	vld [tilespmem:s1+$0x30];
	v4 =	vmax.f32 v4, $0.0e+00  }
0x6e6: {  	v7 =	vadd.f32 v8, v7;
	[tilespmem:s1+$0xA0] =	vst v4;
	v4 =	vld [tilespmem:s1+$0xB0]  }
0x6e7: {  	v8 =	vld [tilespmem:s3+$0xB0]  }
0x6e8: {  	v13 =	vld [tilespmem:s1+$0xFFFFFF40];
	v7 =	vmax.f32 v7, $0.0e+00;
	v3 =	vadd.f32 v3, v5  }
0x6e9: {  	v5 =	vadd.f32 v6, v10;
	[tilespmem:s1+$0xFFFFFFA0] =	vst v7;
	v6 =	vld [tilespmem:s1+$0xFFFFFFC0]  }
0x6ea: {  	v7 =	vld [tilespmem:s3+$0xFFFFFFB0];
	v3 =	vmax.f32 v3, $0.0e+00  }
0x6eb: {  	v5 =	vmax.f32 v5, $0.0e+00;
	[tilespmem:s1+$0x20] =	vst v3;
	v10 =	vld [tilespmem:s1+$0x40]  }
0x6ec: {  	[tilespmem:s1+$0xFFFFFF20] =	vst v5;
	v3 =	vld [tilespmem:s3+$0x30];
	v4 =	vadd.f32 v8, v4  }
0x6ed: {  	v5 =	vld [tilespmem:s3+$0xFFFFFF30]  }
0x6ee: {  	v8 =	vld [tilespmem:s1+$0xFFFFFF50];
	v4 =	vmax.f32 v4, $0.0e+00  }
0x6ef: {  	v7 =	vadd.f32 v7, v12;
	[tilespmem:s1+$0xB0] =	vst v4;
	v4 =	vld [tilespmem:s1+$0xC0]  }
0x6f0: {  	v12 =	vld [tilespmem:s3+$0xC0]  }
0x6f1: {  	v7 =	vmax.f32 v7, $0.0e+00;
	v14 =	vld [tilespmem:s1+$0xFFFFFFD0];
	v3 =	vadd.f32 v3, v9  }
0x6f2: {  	v5 =	vadd.f32 v5, v11;
	[tilespmem:s1+$0xFFFFFFB0] =	vst v7;
	v7 =	vld [tilespmem:s1+$0x50]  }
0x6f3: {  	v9 =	vld [tilespmem:s3+$0xFFFFFFC0];
	v11 =	vmax.f32 v3, $0.0e+00  }
0x6f4: {  	v5 =	vmax.f32 v5, $0.0e+00;
	v3 =	vld [tilespmem:s1+$0xFFFFFF60];
	[tilespmem:s1+$0x30] =	vst v11  }
0x6f5: {  	[tilespmem:s1+$0xFFFFFF30] =	vst v5;
	v5 =	vld [tilespmem:s3+$0x40];
	v11 =	vadd.f32 v12, v4  }
0x6f6: {  	v12 =	vld [tilespmem:s3+$0xFFFFFF40]  }
0x6f7: {  	v4 =	vld [tilespmem:s1+$0xFFFFFFE0];
	v11 =	vmax.f32 v11, $0.0e+00  }
0x6f8: {  	v6 =	vadd.f32 v9, v6;
	[tilespmem:s1+$0xC0] =	vst v11;
	v9 =	vld [tilespmem:s1+$0xD0]  }
0x6f9: {  	v11 =	vld [tilespmem:s3+$0xD0]  }
0x6fa: {  	v6 =	vmax.f32 v6, $0.0e+00;
	v10 =	vadd.f32 v5, v10;
	v5 =	vld [tilespmem:s1+$0x60]  }
0x6fb: {  	v12 =	vadd.f32 v12, v13;
	[tilespmem:s1+$0xFFFFFFC0] =	vst v6;
	v6 =	vld [tilespmem:s19+$0xFFFFFF70]  }
0x6fc: {  	v13 =	vld [tilespmem:s3+$0xFFFFFFD0];
	v10 =	vmax.f32 v10, $0.0e+00  }
0x6fd: {  	v12 =	vmax.f32 v12, $0.0e+00;
	[tilespmem:s1+$0x40] =	vst v10;
	v10 =	vld [tilespmem:s19+$0xFFFFFFF0]  }
0x6fe: {  	[tilespmem:s1+$0xFFFFFF40] =	vst v12;
	v12 =	vld [tilespmem:s3+$0x50];
	v9 =	vadd.f32 v11, v9  }
0x6ff: {  	v11 =	vld [tilespmem:s3+$0xFFFFFF50]  }
0x700: {  	v9 =	vmax.f32 v9, $0.0e+00;
	v2 =	vadd.f32 v6, v2;
	v6 =	vld [tilespmem:s19+$0x70];
	s19 =	smov.u32 s3  }
0x701: {  	v13 =	vadd.f32 v13, v14;
	[tilespmem:s1+$0xD0] =	vst v9;
	v9 =	vld [tilespmem:s1+$0xE0]  }
0x702: {  	v14 =	vld [tilespmem:s3+$0xE0];
	v15 =	vmax.f32 v2, $0.0e+00;
	v10 =	vadd.f32 v10, v1  }
0x703: {  	v2 =	vld [tilespmem:s1+$0xFFFFFF70];
	v1 =	vmax.f32 v13, $0.0e+00;
	v12 =	vadd.f32 v12, v7;
	[tilespmem:s14+$0xFFFFFF70] =	vst v15  }
0x704: {  	v8 =	vadd.f32 v11, v8;
	[tilespmem:s1+$0xFFFFFFD0] =	vst v1;
	v1 =	vld [tilespmem:s1+$0xFFFFFFF0];
	v10 =	vmax.f32 v10, $0.0e+00  }
.Ltmp11:
0x705: {  	v7 =	vld [tilespmem:s3+$0xFFFFFFE0];
	v11 =	vmax.f32 v12, $0.0e+00;
	[tilespmem:s14+$0xFFFFFFF0] =	vst v10;
	v6 =	vadd.f32 v6, v0;
	(pc) =	sbr.rel @p0 .LBB2_24-.Ltmp11, $4  }
0x706: {  	v8 =	vmax.f32 v8, $0.0e+00;
	[tilespmem:s1+$0x50] =	vst v11;
	v0 =	vld [tilespmem:s1+$0x70]  }
0x707: {  	[tilespmem:s1+$0xFFFFFF50] =	vst v8;
	v8 =	vld [tilespmem:s3+$0x60];
	v10 =	vadd.f32 v14, v9;
	v6 =	vmax.f32 v6, $0.0e+00  }
0x708: {  	v9 =	vld [tilespmem:s3+$0xFFFFFF60];
	[tilespmem:s14+$0x70] =	vst v6;
	s14 =	smov.u32 s1  }
0x709: {  	s1 =	sadd.s32 $0x200, s1;
	v10 =	vmax.f32 v10, $0.0e+00;
	v6 =	vld [tilespmem:s14+$0xF0]  }
0x70a: {  	_ =	sdelay $0x2  }
0x70b: {  	v3 =	vadd.f32 v9, v3  }
0x70c: {  	v4 =	vadd.f32 v7, v4  }
0x70d: {  	[tilespmem:s14+$0xE0] =	vst v10;
	v5 =	vadd.f32 v8, v5;
	v3 =	vmax.f32 v3, $0.0e+00  }
0x70e: {  	v7 =	vld [tilespmem:s19+$0xF0];
	v4 =	vmax.f32 v4, $0.0e+00;
	[tilespmem:s14+$0xFFFFFF60] =	vst v3  }
0x70f: {  	[tilespmem:s14+$0xFFFFFFE0] =	vst v4;
	v3 =	vmax.f32 v5, $0.0e+00;
	v4 =	vld [tilespmem:s19+$0xFFFFFF70]  }
0x710: {  	[tilespmem:s14+$0x60] =	vst v3;
	v3 =	vld [tilespmem:s19+$0xFFFFFFF0]  }
0x711: {  	v5 =	vld [tilespmem:s19+$0x70];
	_ =	sdelay $0x1  }
0x712: {  	v6 =	vadd.f32 v7, v6  }
0x713: {  	v2 =	vadd.f32 v4, v2  }
0x714: {  	v4 =	vmax.f32 v6, $0.0e+00;
	v1 =	vadd.f32 v3, v1  }
0x715: {  	[tilespmem:s14+$0xF0] =	vst v4;
	v0 =	vadd.f32 v5, v0;
	v2 =	vmax.f32 v2, $0.0e+00  }
0x716: {  	v1 =	vmax.f32 v1, $0.0e+00;
	[tilespmem:s14+$0xFFFFFF70] =	vst v2  }
0x717: {  	[tilespmem:s14+$0xFFFFFFF0] =	vst v1;
	v0 =	vmax.f32 v0, $0.0e+00  }
0x718: {  	[tilespmem:s14+$0x70] =	vst v0  }
0x719: {  	s1 =	rddreg [dreg:$0x1b]  }
0x71a: {  	[hbm4b:s1+s5] =	stream.linear.scatter [tilespmem:s31], [sflag:$0x7], $0x6400, $0x38;
	[tilespmem:$0x1F800] =	vst v63  }
0x71b: {  	_ =	swait.ge [sflag:s0], $0x4000  }
0x71c: {  	[sflag:s0] =	ssyncset.done $0x0  }
0x71d: {  	[sflag:s0] =	ssyncadd.s32 $0xFFFFC000  }
0x71e: {  	_ =	swait.ge [sflag:s0], $0x2400  }
0x71f: {  	[sflag:s0] =	ssyncset.done $0x0  }
0x720: {  	s14 =	simm.s32 $0x19100;
	[sflag:s0] =	ssyncadd.s32 $0xFFFFDC00  }
0x721: {  	s19 =	simm.s32 $0x100;
	v0 =	vld [tilespmem:s14+$0x80]  }
0x722: {  	v1 =	vld [tilespmem:s19+$0x80]  }
0x723: {  	v2 =	vld [tilespmem:s19+$0xFFFFFF00]  }
0x724: {  	v3 =	vld [tilespmem:s14+$0xFFFFFF80]  }
0x725: {  	v4 =	vld [tilespmem:s19+$0xFFFFFF80]  }
0x726: {  	v5 =	vld [tilespmem:s19+$0x0]  }
0x727: {  	v0 =	vadd.f32 v1, v0;
	v1 =	vld [tilespmem:s14+$0x0]  }
0x728: {  	v6 =	vld [tilespmem:s14+$0xFFFFFF00]  }
0x729: {  	v0 =	vmax.f32 v0, $0.0e+00  }
0x72a: {  	v3 =	vadd.f32 v4, v3;
	[tilespmem:s14+$0x80] =	vst v0;
	v0 =	vld [tilespmem:s14+$0x90]  }
0x72b: {  	v7 =	vld [tilespmem:s19+$0x90]  }
0x72c: {  	v8 =	vld [tilespmem:s14+$0xFFFFFF90];
	v3 =	vmax.f32 v3, $0.0e+00;
	v1 =	vadd.f32 v5, v1  }
0x72d: {  	v4 =	vld [tilespmem:s14+$0xFFFFFF10];
	v2 =	vadd.f32 v2, v6;
	[tilespmem:s14+$0xFFFFFF80] =	vst v3  }
0x72e: {  	v5 =	vld [tilespmem:s19+$0xFFFFFF90];
	v1 =	vmax.f32 v1, $0.0e+00  }
0x72f: {  	v2 =	vmax.f32 v2, $0.0e+00;
	v3 =	vld [tilespmem:s14+$0x10];
	[tilespmem:s14+$0x0] =	vst v1  }
0x730: {  	[tilespmem:s14+$0xFFFFFF00] =	vst v2;
	v0 =	vadd.f32 v7, v0;
	v1 =	vld [tilespmem:s19+$0x10]  }
0x731: {  	v2 =	vld [tilespmem:s19+$0xFFFFFF10]  }
0x732: {  	v0 =	vmax.f32 v0, $0.0e+00  }
0x733: {  	v5 =	vadd.f32 v5, v8;
	[tilespmem:s14+$0x90] =	vst v0;
	v0 =	vld [tilespmem:s14+$0xA0]  }
0x734: {  	v7 =	vld [tilespmem:s19+$0xA0]  }
0x735: {  	v6 =	vld [tilespmem:s14+$0xFFFFFF20];
	v5 =	vmax.f32 v5, $0.0e+00;
	v1 =	vadd.f32 v1, v3  }
0x736: {  	v2 =	vadd.f32 v2, v4;
	v8 =	vld [tilespmem:s14+$0xFFFFFFA0];
	[tilespmem:s14+$0xFFFFFF90] =	vst v5  }
0x737: {  	v4 =	vld [tilespmem:s19+$0xFFFFFFA0];
	v1 =	vmax.f32 v1, $0.0e+00  }
0x738: {  	v2 =	vmax.f32 v2, $0.0e+00;
	v3 =	vld [tilespmem:s14+$0x20];
	[tilespmem:s14+$0x10] =	vst v1  }
0x739: {  	[tilespmem:s14+$0xFFFFFF10] =	vst v2;
	v0 =	vadd.f32 v7, v0;
	v1 =	vld [tilespmem:s19+$0x20]  }
0x73a: {  	v2 =	vld [tilespmem:s19+$0xFFFFFF20]  }
0x73b: {  	v0 =	vmax.f32 v0, $0.0e+00  }
0x73c: {  	v4 =	vadd.f32 v4, v8;
	[tilespmem:s14+$0xA0] =	vst v0;
	v0 =	vld [tilespmem:s14+$0xB0]  }
0x73d: {  	v7 =	vld [tilespmem:s19+$0xB0]  }
0x73e: {  	v9 =	vld [tilespmem:s14+$0x30];
	v4 =	vmax.f32 v4, $0.0e+00;
	v1 =	vadd.f32 v1, v3  }
0x73f: {  	v2 =	vadd.f32 v2, v6;
	v8 =	vld [tilespmem:s14+$0xFFFFFFB0];
	[tilespmem:s14+$0xFFFFFFA0] =	vst v4  }
0x740: {  	v3 =	vld [tilespmem:s19+$0xFFFFFFB0];
	v1 =	vmax.f32 v1, $0.0e+00  }
0x741: {  	v5 =	vld [tilespmem:s14+$0xFFFFFF30];
	[tilespmem:s14+$0x20] =	vst v1;
	v1 =	vmax.f32 v2, $0.0e+00  }
0x742: {  	v0 =	vadd.f32 v7, v0;
	[tilespmem:s14+$0xFFFFFF20] =	vst v1;
	v1 =	vld [tilespmem:s19+$0x30]  }
0x743: {  	v6 =	vld [tilespmem:s19+$0xFFFFFF30]  }
0x744: {  	v10 =	vld [tilespmem:s14+$0xFFFFFF40];
	v0 =	vmax.f32 v0, $0.0e+00  }
0x745: {  	v3 =	vadd.f32 v3, v8;
	[tilespmem:s14+$0xB0] =	vst v0;
	v0 =	vld [tilespmem:s14+$0xC0]  }
0x746: {  	v7 =	vld [tilespmem:s19+$0xC0]  }
0x747: {  	v11 =	vld [tilespmem:s14+$0xFFFFFFD0];
	v3 =	vmax.f32 v3, $0.0e+00;
	v1 =	vadd.f32 v1, v9  }
0x748: {  	v4 =	vld [tilespmem:s14+$0xFFFFFFC0];
	[tilespmem:s14+$0xFFFFFFB0] =	vst v3;
	v5 =	vadd.f32 v6, v5  }
0x749: {  	v6 =	vld [tilespmem:s19+$0xFFFFFFC0];
	v1 =	vmax.f32 v1, $0.0e+00  }
0x74a: {  	v2 =	vld [tilespmem:s14+$0x40];
	[tilespmem:s14+$0x30] =	vst v1;
	v1 =	vmax.f32 v5, $0.0e+00  }
0x74b: {  	v0 =	vadd.f32 v7, v0;
	v5 =	vld [tilespmem:s19+$0x40];
	[tilespmem:s14+$0xFFFFFF30] =	vst v1  }
0x74c: {  	v1 =	vld [tilespmem:s19+$0xFFFFFF40]  }
0x74d: {  	v8 =	vld [tilespmem:s14+$0xFFFFFF50];
	v0 =	vmax.f32 v0, $0.0e+00  }
0x74e: {  	[tilespmem:s14+$0xC0] =	vst v0;
	v0 =	vadd.f32 v6, v4;
	v6 =	vld [tilespmem:s14+$0xD0]  }
0x74f: {  	v7 =	vld [tilespmem:s19+$0xD0]  }
0x750: {  	v3 =	vld [tilespmem:s14+$0xFFFFFF60];
	v0 =	vmax.f32 v0, $0.0e+00;
	v2 =	vadd.f32 v5, v2  }
0x751: {  	v9 =	vld [tilespmem:s14+$0x50];
	[tilespmem:s14+$0xFFFFFFC0] =	vst v0;
	v0 =	vadd.f32 v1, v10  }
0x752: {  	v1 =	vld [tilespmem:s19+$0xFFFFFFD0];
	v2 =	vmax.f32 v2, $0.0e+00  }
0x753: {  	v4 =	vld [tilespmem:s14+$0xFFFFFFE0];
	[tilespmem:s14+$0x40] =	vst v2;
	v0 =	vmax.f32 v0, $0.0e+00  }
0x754: {  	v2 =	vld [tilespmem:s19+$0x50];
	v6 =	vadd.f32 v7, v6;
	[tilespmem:s14+$0xFFFFFF40] =	vst v0  }
0x755: {  	v0 =	vld [tilespmem:s19+$0xFFFFFF50]  }
0x756: {  	v5 =	vld [tilespmem:s14+$0x60];
	v6 =	vmax.f32 v6, $0.0e+00  }
0x757: {  	v1 =	vadd.f32 v1, v11;
	[tilespmem:s14+$0xD0] =	vst v6;
	v6 =	vld [tilespmem:s14+$0xE0]  }
0x758: {  	v10 =	vld [tilespmem:s19+$0xE0]  }
0x759: {  	v1 =	vmax.f32 v1, $0.0e+00;
	v7 =	vadd.f32 v2, v9;
	v2 =	vld [tilespmem:s14+$0xFFFFFF70]  }
0x75a: {  	[tilespmem:s14+$0xFFFFFFD0] =	vst v1;
	v0 =	vadd.f32 v0, v8;
	v1 =	vld [tilespmem:s14+$0xFFFFFFF0]  }
0x75b: {  	v8 =	vmax.f32 v7, $0.0e+00;
	v7 =	vld [tilespmem:s19+$0xFFFFFFE0]  }
0x75c: {  	[tilespmem:s14+$0x50] =	vst v8;
	v8 =	vmax.f32 v0, $0.0e+00;
	v0 =	vld [tilespmem:s14+$0x70]  }
0x75d: {  	[tilespmem:s14+$0xFFFFFF50] =	vst v8;
	v8 =	vld [tilespmem:s19+$0x60];
	v6 =	vadd.f32 v10, v6  }
0x75e: {  	v9 =	vld [tilespmem:s19+$0xFFFFFF60]  }
0x75f: {  	s20 =	simm.s32 $0x0;
	s3 =	simm.s32 $0x100;
	s1 =	simm.s32 $0x19300;
	v10 =	vmax.f32 v6, $0.0e+00;
	v6 =	vld [tilespmem:s14+$0xF0]  }
.LBB2_26:
0x760: {  	v11 =	vld [tilespmem:s1+$0x80];
	v4 =	vadd.f32 v7, v4;
	[tilespmem:s14+$0xE0] =	vst v10  }
0x761: {  	s3 =	sadd.s32 $0x200, s3;
	v7 =	vld [tilespmem:s19+$0xF0]  }
0x762: {  	s20 =	sadd.s32 $0x4, s20;
	v10 =	vld [tilespmem:s3+$0x80];
	v4 =	vmax.f32 v4, $0.0e+00;
	v5 =	vadd.f32 v8, v5  }
0x763: {  	p0 =	slt.u32 s20, $0xC4;
	v8 =	vld [tilespmem:s3+$0xFFFFFF00];
	v3 =	vadd.f32 v9, v3;
	[tilespmem:s14+$0xFFFFFFE0] =	vst v4  }
0x764: {  	v4 =	vld [tilespmem:s1+$0xFFFFFF80];
	v5 =	vmax.f32 v5, $0.0e+00  }
0x765: {  	v9 =	vld [tilespmem:s3+$0xFFFFFF80];
	v3 =	vmax.f32 v3, $0.0e+00;
	[tilespmem:s14+$0x60] =	vst v5  }
0x766: {  	v5 =	vld [tilespmem:s1+$0x0];
	[tilespmem:s14+$0xFFFFFF60] =	vst v3;
	v3 =	vadd.f32 v7, v6  }
0x767: {  	v6 =	vld [tilespmem:s3+$0x0];
	v7 =	vadd.f32 v10, v11  }
0x768: {  	v10 =	vld [tilespmem:s1+$0xFFFFFF00];
	v3 =	vmax.f32 v3, $0.0e+00  }
0x769: {  	v11 =	vld [tilespmem:s1+$0xFFFFFF10];
	v7 =	vmax.f32 v7, $0.0e+00;
	[tilespmem:s14+$0xF0] =	vst v3  }
0x76a: {  	v3 =	vadd.f32 v9, v4;
	[tilespmem:s1+$0x80] =	vst v7;
	v4 =	vld [tilespmem:s1+$0x90]  }
0x76b: {  	v7 =	vld [tilespmem:s3+$0x90]  }
0x76c: {  	v3 =	vmax.f32 v3, $0.0e+00;
	v9 =	vld [tilespmem:s1+$0xFFFFFF90];
	v5 =	vadd.f32 v6, v5  }
0x76d: {  	v6 =	vadd.f32 v8, v10;
	[tilespmem:s1+$0xFFFFFF80] =	vst v3;
	v3 =	vld [tilespmem:s1+$0x10]  }
0x76e: {  	v8 =	vld [tilespmem:s3+$0xFFFFFF90];
	v5 =	vmax.f32 v5, $0.0e+00  }
0x76f: {  	v6 =	vmax.f32 v6, $0.0e+00;
	v10 =	vld [tilespmem:s1+$0xFFFFFF20];
	[tilespmem:s1+$0x0] =	vst v5  }
0x770: {  	[tilespmem:s1+$0xFFFFFF00] =	vst v6;
	v5 =	vld [tilespmem:s3+$0x10];
	v4 =	vadd.f32 v7, v4  }
0x771: {  	v6 =	vld [tilespmem:s3+$0xFFFFFF10]  }
0x772: {  	v7 =	vld [tilespmem:s1+$0xFFFFFFA0];
	v4 =	vmax.f32 v4, $0.0e+00  }
0x773: {  	v8 =	vadd.f32 v8, v9;
	[tilespmem:s1+$0x90] =	vst v4;
	v4 =	vld [tilespmem:s1+$0xA0]  }
0x774: {  	v9 =	vld [tilespmem:s3+$0xA0]  }
0x775: {  	v8 =	vmax.f32 v8, $0.0e+00;
	v3 =	vadd.f32 v5, v3;
	v5 =	vld [tilespmem:s1+$0x20]  }
0x776: {  	v6 =	vadd.f32 v6, v11;
	v11 =	vld [tilespmem:s1+$0xFFFFFF30];
	[tilespmem:s1+$0xFFFFFF90] =	vst v8  }
0x777: {  	v8 =	vld [tilespmem:s3+$0xFFFFFFA0];
	v3 =	vmax.f32 v3, $0.0e+00  }
0x778: {  	v6 =	vmax.f32 v6, $0.0e+00;
	v12 =	vld [tilespmem:s1+$0xFFFFFFB0];
	[tilespmem:s1+$0x10] =	vst v3  }
0x779: {  	[tilespmem:s1+$0xFFFFFF10] =	vst v6;
	v3 =	vld [tilespmem:s3+$0x20];
	v4 =	vadd.f32 v9, v4  }
0x77a: {  	v6 =	vld [tilespmem:s3+$0xFFFFFF20]  }
0x77b: {  	v9 =	vld [tilespmem:s1+$0x30];
	v4 =	vmax.f32 v4, $0.0e+00  }
0x77c: {  	v7 =	vadd.f32 v8, v7;
	[tilespmem:s1+$0xA0] =	vst v4;
	v4 =	vld [tilespmem:s1+$0xB0]  }
0x77d: {  	v8 =	vld [tilespmem:s3+$0xB0]  }
0x77e: {  	v13 =	vld [tilespmem:s1+$0xFFFFFF40];
	v7 =	vmax.f32 v7, $0.0e+00;
	v3 =	vadd.f32 v3, v5  }
0x77f: {  	v5 =	vadd.f32 v6, v10;
	[tilespmem:s1+$0xFFFFFFA0] =	vst v7;
	v6 =	vld [tilespmem:s1+$0xFFFFFFC0]  }
0x780: {  	v7 =	vld [tilespmem:s3+$0xFFFFFFB0];
	v3 =	vmax.f32 v3, $0.0e+00  }
0x781: {  	v5 =	vmax.f32 v5, $0.0e+00;
	[tilespmem:s1+$0x20] =	vst v3;
	v10 =	vld [tilespmem:s1+$0x40]  }
0x782: {  	[tilespmem:s1+$0xFFFFFF20] =	vst v5;
	v3 =	vld [tilespmem:s3+$0x30];
	v4 =	vadd.f32 v8, v4  }
0x783: {  	v5 =	vld [tilespmem:s3+$0xFFFFFF30]  }
0x784: {  	v8 =	vld [tilespmem:s1+$0xFFFFFF50];
	v4 =	vmax.f32 v4, $0.0e+00  }
0x785: {  	v7 =	vadd.f32 v7, v12;
	[tilespmem:s1+$0xB0] =	vst v4;
	v4 =	vld [tilespmem:s1+$0xC0]  }
0x786: {  	v12 =	vld [tilespmem:s3+$0xC0]  }
0x787: {  	v7 =	vmax.f32 v7, $0.0e+00;
	v14 =	vld [tilespmem:s1+$0xFFFFFFD0];
	v3 =	vadd.f32 v3, v9  }
0x788: {  	v5 =	vadd.f32 v5, v11;
	[tilespmem:s1+$0xFFFFFFB0] =	vst v7;
	v7 =	vld [tilespmem:s1+$0x50]  }
0x789: {  	v9 =	vld [tilespmem:s3+$0xFFFFFFC0];
	v11 =	vmax.f32 v3, $0.0e+00  }
0x78a: {  	v5 =	vmax.f32 v5, $0.0e+00;
	v3 =	vld [tilespmem:s1+$0xFFFFFF60];
	[tilespmem:s1+$0x30] =	vst v11  }
0x78b: {  	[tilespmem:s1+$0xFFFFFF30] =	vst v5;
	v5 =	vld [tilespmem:s3+$0x40];
	v11 =	vadd.f32 v12, v4  }
0x78c: {  	v12 =	vld [tilespmem:s3+$0xFFFFFF40]  }
0x78d: {  	v4 =	vld [tilespmem:s1+$0xFFFFFFE0];
	v11 =	vmax.f32 v11, $0.0e+00  }
0x78e: {  	v6 =	vadd.f32 v9, v6;
	[tilespmem:s1+$0xC0] =	vst v11;
	v9 =	vld [tilespmem:s1+$0xD0]  }
0x78f: {  	v11 =	vld [tilespmem:s3+$0xD0]  }
0x790: {  	v6 =	vmax.f32 v6, $0.0e+00;
	v10 =	vadd.f32 v5, v10;
	v5 =	vld [tilespmem:s1+$0x60]  }
0x791: {  	v12 =	vadd.f32 v12, v13;
	[tilespmem:s1+$0xFFFFFFC0] =	vst v6;
	v6 =	vld [tilespmem:s19+$0xFFFFFF70]  }
0x792: {  	v13 =	vld [tilespmem:s3+$0xFFFFFFD0];
	v10 =	vmax.f32 v10, $0.0e+00  }
0x793: {  	v12 =	vmax.f32 v12, $0.0e+00;
	[tilespmem:s1+$0x40] =	vst v10;
	v10 =	vld [tilespmem:s19+$0xFFFFFFF0]  }
0x794: {  	[tilespmem:s1+$0xFFFFFF40] =	vst v12;
	v12 =	vld [tilespmem:s3+$0x50];
	v9 =	vadd.f32 v11, v9  }
0x795: {  	v11 =	vld [tilespmem:s3+$0xFFFFFF50]  }
0x796: {  	v9 =	vmax.f32 v9, $0.0e+00;
	v2 =	vadd.f32 v6, v2;
	v6 =	vld [tilespmem:s19+$0x70];
	s19 =	smov.u32 s3  }
0x797: {  	v13 =	vadd.f32 v13, v14;
	[tilespmem:s1+$0xD0] =	vst v9;
	v9 =	vld [tilespmem:s1+$0xE0]  }
0x798: {  	v14 =	vld [tilespmem:s3+$0xE0];
	v15 =	vmax.f32 v2, $0.0e+00;
	v10 =	vadd.f32 v10, v1  }
0x799: {  	v2 =	vld [tilespmem:s1+$0xFFFFFF70];
	v1 =	vmax.f32 v13, $0.0e+00;
	v12 =	vadd.f32 v12, v7;
	[tilespmem:s14+$0xFFFFFF70] =	vst v15  }
0x79a: {  	v8 =	vadd.f32 v11, v8;
	[tilespmem:s1+$0xFFFFFFD0] =	vst v1;
	v1 =	vld [tilespmem:s1+$0xFFFFFFF0];
	v10 =	vmax.f32 v10, $0.0e+00  }
.Ltmp12:
0x79b: {  	v7 =	vld [tilespmem:s3+$0xFFFFFFE0];
	v11 =	vmax.f32 v12, $0.0e+00;
	[tilespmem:s14+$0xFFFFFFF0] =	vst v10;
	v6 =	vadd.f32 v6, v0;
	(pc) =	sbr.rel @p0 .LBB2_26-.Ltmp12, $4  }
0x79c: {  	v8 =	vmax.f32 v8, $0.0e+00;
	[tilespmem:s1+$0x50] =	vst v11;
	v0 =	vld [tilespmem:s1+$0x70]  }
0x79d: {  	[tilespmem:s1+$0xFFFFFF50] =	vst v8;
	v8 =	vld [tilespmem:s3+$0x60];
	v10 =	vadd.f32 v14, v9;
	v6 =	vmax.f32 v6, $0.0e+00  }
0x79e: {  	v9 =	vld [tilespmem:s3+$0xFFFFFF60];
	[tilespmem:s14+$0x70] =	vst v6;
	s14 =	smov.u32 s1  }
0x79f: {  	s1 =	sadd.s32 $0x200, s1;
	v10 =	vmax.f32 v10, $0.0e+00;
	v6 =	vld [tilespmem:s14+$0xF0]  }
0x7a0: {  	_ = 	snop  }
0x7a1: {  	v4 =	vadd.f32 v7, v4  }
0x7a2: {  	v5 =	vadd.f32 v8, v5  }
0x7a3: {  	[tilespmem:s14+$0xE0] =	vst v10;
	v4 =	vmax.f32 v4, $0.0e+00;
	v3 =	vadd.f32 v9, v3  }
0x7a4: {  	v58 =	vld [tilespmem:s19+$0xF0];
	[tilespmem:s14+$0xFFFFFFE0] =	vst v4;
	v59 =	vmax.f32 v5, $0.0e+00  }
0x7a5: {  	v61 =	vld [tilespmem:s19+$0xFFFFFFF0];
	v3 =	vmax.f32 v3, $0.0e+00;
	[tilespmem:s14+$0x60] =	vst v59  }
0x7a6: {  	[tilespmem:s14+$0xFFFFFF60] =	vst v3;
	v62 =	vld [tilespmem:s19+$0x70]  }
0x7a7: {  	v60 =	vld [tilespmem:s19+$0xFFFFFF70];
	_ =	sdelay $0x1  }
0x7a8: {  	v6 =	vadd.f32 v58, v6  }
0x7a9: {  	v1 =	vadd.f32 v61, v1  }
0x7aa: {  	v63 =	vmax.f32 v6, $0.0e+00;
	v0 =	vadd.f32 v62, v0  }
0x7ab: {  	[tilespmem:s14+$0xF0] =	vst v63;
	v1 =	vmax.f32 v1, $0.0e+00;
	v2 =	vadd.f32 v60, v2  }
0x7ac: {  	[tilespmem:s14+$0xFFFFFFF0] =	vst v1;
	v0 =	vmax.f32 v0, $0.0e+00  }
0x7ad: {  	v2 =	vmax.f32 v2, $0.0e+00;
	[tilespmem:s14+$0x70] =	vst v0  }
0x7ae: {  	[tilespmem:s14+$0xFFFFFF70] =	vst v2  }
0x7af: {  	s1 =	rddreg [dreg:$0x1c]  }
0x7b0: {  	[hbm4b:s1+s5] =	stream.linear.scatter [tilespmem:s25], [sflag:$0x8], $0x6400, $0x38;
	[tilespmem:$0x1F800] =	vst v63  }
0x7b1: {  	_ =	swait.ge [sflag:s26], $0x6400  }
0x7b2: {  	[sflag:s26] =	ssyncset.done $0x0  }
0x7b3: {  	[sflag:s26] =	ssyncadd.s32 $0xFFFF9C00  }
0x7b4: {  	_ =	swait.ge [sflag:s7], $0x6400  }
0x7b5: {  	[sflag:s7] =	ssyncset.done $0x0  }
0x7b6: {  	[sflag:s7] =	ssyncadd.s32 $0xFFFF9C00  }
0x7b7: {  	_ =	swait.ge [sflag:s11], $0x6400  }
0x7b8: {  	[sflag:s11] =	ssyncset.done $0x0  }
0x7b9: {  	[sflag:s11] =	ssyncadd.s32 $0xFFFF9C00  }
0x7ba: {  	_ =	swait.ge [sflag:s12], $0x6400  }
0x7bb: {  	s3 =	rddreg [dreg:$0x1e]  }
0x7bc: {  	s22 =	rddreg [dreg:$0x1d];
	s3 =	sadd.s32 $0x1, s3  }
0x7bd: {  	p0 =	sne.s32 s3, s22  }
.Ltmp13:
0x7be: {  	_ = 	snop;
	(pc) =	sbr.rel @p0 .LBB2_1-.Ltmp13, $3  }
0x7bf: {  	_ =	sdelay $0x1  }
0x7c0: {  	[sflag:s12] =	ssyncset.done $0x0  }
0x7c1: {  	[sflag:s12] =	ssyncadd.s32 $0xFFFF9C00  }
0x7c2: {  	_ =	sfence.sel $0x180000  }
0x7c3: {  	[bflag:$0x0] =	sbarrier.arrive $0xFFFF  }
0x7c4: {  	_ =	strace $0x90000047  }
0x7c5: {  	s0 =	stileid.u32;
	[bflag:$0x2] =	sbarrier.arrive $0xFFFF  }
0x7c6: {  	p0 =	sne.s32 s0, $0x0;
	s0 =	rddreg [dreg:$0x4]  }
0x7c7: {  	s0 =	sadd.s32 @!p0 $0x100000, s0  }
0x7c8: {  	[sflag:s0] =	ssyncadd.tile.s32 @!p0 $0x1;
	_ =	shalt  }
.Lfunc_end2:
_tile_overlayer_lowered:
.L_overlay_start_2:
0x7c9: {  	(tag) =	ssettag $0x2  }
0x7ca: {  	s0 =	rddreg [dreg:$0x0];
	s2 =	stileid.u32  }
0x7cb: {  	s1 =	rddreg [dreg:$0x1];
	p0 =	sne.s32 s2, $0x0  }
0x7cc: {  	s3 =	rddreg [dreg:$0x2];
	[bflag:$0x3] =	sbarrier.arrive $0xFFFF;
	s2 =	simm.s32 @!p0 $0x1C0E  }
0x7cd: {  	[timem:s3], [sflag:s2] =	dma.local @!p0 [hbm:s0], s1  }
0x7ce: {  	s0 =	simm.s32 @!p0 $0xE  }
0x7cf: {  	_ =	swait.ge @!p0 [sflag:s0], s1  }
0x7d0: {  	s1 =	ssub.s32 @!p0 $0x0, s1;
	[sflag:s0] =	ssyncset.done @!p0 $0x0  }
0x7d1: {  	[sflag:s0] =	ssyncadd.s32 @!p0 s1  }
0x7d2: {  	[bflag:$0x3] =	sbarrier.arrive $0xFFFF  }
0x7d3: {  	_ =	shalt  }

</sc_bundles>
